<compile_context>
chip_gen: v7x
topology: tpu7x:2x2x1
jax: 0.10.2.dev20260603
libtpu: 0.0.44.dev20260713+nightly
codegen_flags: <defaults>
</compile_context>

<pallas_src>
import functools

import jax
import jax.numpy as jnp
from jax import lax
from jax.experimental import pallas as pl
from jax.experimental.pallas import tpu as pltpu
from jax.experimental.pallas import tpu_sc as plsc

NG = 10000
NS_NODES = 10000
EGG = 160000
EGS = 160000
D = 256
HID = 512
OUT = 256
DE = 16
DE_PAD = 128

NC, NSUB = 2, 16
CH = 128
NCHUNK = EGG // CH
ROWS_MAIN = 624
ROWS_LAST = NG - 15 * ROWS_MAIN


def _zero_own(w, zsrc, acc):
  @pl.when(w < NSUB - 1)
  def _():
    pltpu.sync_copy(zsrc.at[pl.ds(0, ROWS_MAIN)],
                    acc.at[pl.ds(w * ROWS_MAIN, ROWS_MAIN)])
  @pl.when(w == NSUB - 1)
  def _():
    pltpu.sync_copy(zsrc, acc.at[pl.ds(15 * ROWS_MAIN, ROWS_LAST)])


def _copy_own(w, acc, out):
  @pl.when(w < NSUB - 1)
  def _():
    pltpu.sync_copy(acc.at[pl.ds(w * ROWS_MAIN, ROWS_MAIN)],
                    out.at[pl.ds(w * ROWS_MAIN, ROWS_MAIN)])
  @pl.when(w == NSUB - 1)
  def _():
    pltpu.sync_copy(acc.at[pl.ds(15 * ROWS_MAIN, ROWS_LAST)],
                    out.at[pl.ds(15 * ROWS_MAIN, ROWS_LAST)])

_f32 = jnp.float32


def _edge_pass(src_hbm, dst_hbm, table, acc,
               s0, s1, d0, d1, d2, d3, r0, r1,
               sg0, sg1, ss0, ss1, sp0, sp1, w):
  svs = (s0, s1)
  dvs = (d0, d1, d2, d3)
  rvs = (r0, r1)
  sgs = (sg0, sg1)
  sss = (ss0, ss1)
  sps = (sp0, sp1)

  def pref(q, k, sem):
    pltpu.async_copy(src_hbm.at[pl.ds(q * CH, CH)], svs[k % 2], sem)
    pltpu.async_copy(dst_hbm.at[pl.ds(q * CH, CH)], dvs[k % 4], sem)

  def drain_idx(q, k, sem):
    pltpu.make_async_copy(
        src_hbm.at[pl.ds(q * CH, CH)], svs[k % 2], sem).wait()
    pltpu.make_async_copy(
        dst_hbm.at[pl.ds(q * CH, CH)], dvs[k % 4], sem).wait()

  def slot(j, i, k):
    q = i * NSUB + w
    @pl.when(q < NCHUNK)
    def _():
      drain_idx(q, k, sps[k % 2])
      @pl.when(q + NSUB < NCHUNK)
      def _():
        pref(q + NSUB, k + 1, sps[(k + 1) % 2])
      if k >= 2:
        pltpu.make_async_copy(rvs[k % 2], acc.at[dvs[(k - 2) % 4]],
                              sss[k % 2]).wait()
      else:
        @pl.when(j > 0)
        def _():
          pltpu.make_async_copy(rvs[k % 2], acc.at[dvs[(k + 2) % 4]],
                                sss[k % 2]).wait()
      pltpu.async_copy(table.at[svs[k % 2]], rvs[k % 2], sgs[k % 2]).wait()
      pltpu.async_copy(rvs[k % 2], acc.at[dvs[k % 4]], sss[k % 2],
                       add=True)

  pref(w, 0, sps[0])
  def body(j, carry):
    for k in range(4):
      slot(j, 4 * j + k, k)
    return carry
  lax.fori_loop(0, (NCHUNK + 4 * NSUB - 1) // (4 * NSUB), body, 0)
  pltpu.make_async_copy(r0, acc.at[d0], ss0).wait()
  pltpu.make_async_copy(r1, acc.at[d1], ss1).wait()


@functools.cache
def _sc_kernels():
  mesh = plsc.VectorSubcoreMesh(
      core_axis_name="c", subcore_axis_name="s",
      num_cores=NC, num_subcores=NSUB)

  @functools.partial(
      pl.kernel,
      out_type=(
          jax.ShapeDtypeStruct((NG, 128), _f32),
          jax.ShapeDtypeStruct((NG, 128), _f32),
      ),
      mesh=mesh,
      scratch_types=[
          pltpu.VMEM((CH,), jnp.int32),
          pltpu.VMEM((CH,), jnp.int32),
          pltpu.VMEM((CH,), jnp.int32),
          pltpu.VMEM((CH,), jnp.int32),
          pltpu.VMEM((CH,), jnp.int32),
          pltpu.VMEM((CH,), jnp.int32),
          pltpu.VMEM((CH, 128), _f32),
          pltpu.VMEM((CH, 128), _f32),
          pltpu.VMEM_SHARED((NG, 128), _f32),
          pltpu.SemaphoreType.DMA,
          pltpu.SemaphoreType.DMA,
          pltpu.SemaphoreType.DMA,
          pltpu.SemaphoreType.DMA,
          pltpu.SemaphoreType.DMA,
          pltpu.SemaphoreType.DMA,
      ],
  )
  def _sc_stage1(xg0, xg1, src_gg, dst_gg, zx,
                 agg0, agg1,
                 s0, s1, d0, d1, d2, d3, r0, r1, acc_x,
                 sg0, sg1, ss0, ss1, sp0, sp1):
    c = lax.axis_index("c")
    w = lax.axis_index("s")

    _zero_own(w, zx, acc_x)
    plsc.subcore_barrier()

    @pl.when(c == 0)
    def _():
      _edge_pass(src_gg, dst_gg, xg0, acc_x,
                 s0, s1, d0, d1, d2, d3, r0, r1,
                 sg0, sg1, ss0, ss1, sp0, sp1, w)
    @pl.when(c == 1)
    def _():
      _edge_pass(src_gg, dst_gg, xg1, acc_x,
                 s0, s1, d0, d1, d2, d3, r0, r1,
                 sg0, sg1, ss0, ss1, sp0, sp1, w)

    plsc.subcore_barrier()

    @pl.when(c == 0)
    def _():
      _copy_own(w, acc_x, agg0)
    @pl.when(c == 1)
    def _():
      _copy_own(w, acc_x, agg1)

  @functools.partial(
      pl.kernel,
      out_type=(
          jax.ShapeDtypeStruct((NS_NODES, DE_PAD), _f32),
          jax.ShapeDtypeStruct((NS_NODES, DE_PAD), _f32),
      ),
      mesh=mesh,
      scratch_types=[
          pltpu.VMEM((CH,), jnp.int32),
          pltpu.VMEM((CH,), jnp.int32),
          pltpu.VMEM((CH, DE_PAD), _f32),
          pltpu.VMEM((CH, DE_PAD), _f32),
          pltpu.VMEM_SHARED((NS_NODES, DE_PAD), _f32),
          pltpu.SemaphoreType.DMA,
          pltpu.SemaphoreType.DMA,
      ],
  )
  def _sc_edges(eext, dst_gs, ze, e0, e1,
                db0, db1, eb0, eb1, acc_e, se0, se1):
    c = lax.axis_index("c")
    w = lax.axis_index("s")

    _zero_own(w, ze, acc_e)
    plsc.subcore_barrier()

    half = NCHUNK // 2

    def pref(t, d_v, e_v, sem):
      off = (c * half + t) * CH
      pltpu.async_copy(dst_gs.at[pl.ds(off, CH)], d_v, sem)
      pltpu.async_copy(eext.at[pl.ds(off, CH)], e_v, sem)

    def slot(t, tn, d_v, e_v, sem, dn_v, en_v, semn):
      @pl.when(t < half)
      def _():
        off = (c * half + t) * CH
        pltpu.make_async_copy(dst_gs.at[pl.ds(off, CH)], d_v, sem).wait()
        pltpu.make_async_copy(eext.at[pl.ds(off, CH)], e_v, sem).wait()
        @pl.when(tn < half)
        def _():
          pref(tn, dn_v, en_v, semn)
        pltpu.sync_copy(e_v, acc_e.at[d_v], add=True)

    pref(w, db0, eb0, se0)
    def ebody(j, carry):
      t0 = (2 * j) * NSUB + w
      t1 = t0 + NSUB
      slot(t0, t1, db0, eb0, se0, db1, eb1, se1)
      slot(t1, t1 + NSUB, db1, eb1, se1, db0, eb0, se0)
      return carry
    lax.fori_loop(0, (half + 2 * NSUB - 1) // (2 * NSUB), ebody, 0)

    plsc.subcore_barrier()

    @pl.when(c == 0)
    def _():
      _copy_own(w, acc_e, e0)
    @pl.when(c == 1)
    def _():
      _copy_own(w, acc_e, e1)

  @functools.partial(
      pl.kernel,
      out_type=tuple(
          jax.ShapeDtypeStruct((NS_NODES, 128), _f32) for _ in range(4)),
      mesh=mesh,
      scratch_types=[
          pltpu.VMEM((CH,), jnp.int32),
          pltpu.VMEM((CH,), jnp.int32),
          pltpu.VMEM((CH,), jnp.int32),
          pltpu.VMEM((CH,), jnp.int32),
          pltpu.VMEM((CH,), jnp.int32),
          pltpu.VMEM((CH,), jnp.int32),
          pltpu.VMEM((CH, 128), _f32),
          pltpu.VMEM((CH, 128), _f32),
          pltpu.VMEM_SHARED((NS_NODES, 128), _f32),
          pltpu.SemaphoreType.DMA,
          pltpu.SemaphoreType.DMA,
          pltpu.SemaphoreType.DMA,
          pltpu.SemaphoreType.DMA,
          pltpu.SemaphoreType.DMA,
          pltpu.SemaphoreType.DMA,
      ],
  )
  def _sc_stage2(h0, h1, h2, h3, src_gs, dst_gs, zx,
                 g0, g1, g2, g3,
                 s0, s1, d0, d1, d2, d3, r0, r1, acc,
                 sg0, sg1, ss0, ss1, sp0, sp1):
    c = lax.axis_index("c")
    w = lax.axis_index("s")

    def one_pass(tbl, out):
      _zero_own(w, zx, acc)
      plsc.subcore_barrier()
      _edge_pass(src_gs, dst_gs, tbl, acc,
                 s0, s1, d0, d1, d2, d3, r0, r1,
                 sg0, sg1, ss0, ss1, sp0, sp1, w)
      plsc.subcore_barrier()
      _copy_own(w, acc, out)
      plsc.subcore_barrier()

    @pl.when(c == 0)
    def _():
      one_pass(h0, g0)
      one_pass(h1, g1)
    @pl.when(c == 1)
    def _():
      one_pass(h2, g2)
      one_pass(h3, g3)

  return _sc_stage1, _sc_edges, _sc_stage2



_RB = 1000


def _tc1_body(x_ref, a0_ref, a1_ref, ws_ref, wn_ref, b_ref,
              o0, o1, o2, o3):
  h = jnp.dot(x_ref[...], ws_ref[...], preferred_element_type=_f32)
  h += jnp.dot(a0_ref[...], wn_ref[0:128, :], preferred_element_type=_f32)
  h += jnp.dot(a1_ref[...], wn_ref[128:256, :], preferred_element_type=_f32)
  h = jnp.maximum(h + b_ref[...], 0.0)
  o0[...] = h[:, 0:128]
  o1[...] = h[:, 128:256]
  o2[...] = h[:, 256:384]
  o3[...] = h[:, 384:512]


def _tc1(x_game, agg0, agg1, w_self, w_nbr, b):
  grid = (NG // _RB,)
  return pl.pallas_call(
      _tc1_body,
      grid=grid,
      in_specs=[
          pl.BlockSpec((_RB, D), lambda i: (i, 0)),
          pl.BlockSpec((_RB, 128), lambda i: (i, 0)),
          pl.BlockSpec((_RB, 128), lambda i: (i, 0)),
          pl.BlockSpec((D, HID), lambda i: (0, 0)),
          pl.BlockSpec((D, HID), lambda i: (0, 0)),
          pl.BlockSpec((1, HID), lambda i: (0, 0)),
      ],
      out_specs=tuple(
          pl.BlockSpec((_RB, 128), lambda i: (i, 0)) for _ in range(4)),
      out_shape=tuple(
          jax.ShapeDtypeStruct((NG, 128), _f32) for _ in range(4)),
  )(x_game, agg0, agg1, w_self, w_nbr, b)


def _tc2_body(xs_ref, g0, g1, g2, g3, e0, e1, we_ref, wss_ref, wns_ref,
              bs_ref, wl_ref, bl_ref, out_ref):
  ee = e0[...] + e1[...]
  cnt = jnp.maximum(ee[:, DE:DE + 1], 1.0)
  hg = jnp.concatenate([g0[...], g1[...], g2[...], g3[...]], axis=1)
  pre = hg + jnp.dot(ee[:, 0:DE], we_ref[...], preferred_element_type=_f32)
  agg_s = jnp.dot(pre, wns_ref[...], preferred_element_type=_f32) / cnt
  hs = jnp.dot(xs_ref[...], wss_ref[...], preferred_element_type=_f32)
  hs = jnp.maximum(hs + agg_s + bs_ref[...], 0.0)
  out_ref[...] = (
      jnp.dot(hs, wl_ref[...], preferred_element_type=_f32) + bl_ref[...])


def _tc2(x_state, g0, g1, g2, g3, e0, e1, w_edge, w_self_s, w_nbr_s, b_s,
         w_lin, b_lin):
  grid = (NS_NODES // _RB,)
  return pl.pallas_call(
      _tc2_body,
      grid=grid,
      in_specs=[
          pl.BlockSpec((_RB, D), lambda i: (i, 0)),
          pl.BlockSpec((_RB, 128), lambda i: (i, 0)),
          pl.BlockSpec((_RB, 128), lambda i: (i, 0)),
          pl.BlockSpec((_RB, 128), lambda i: (i, 0)),
          pl.BlockSpec((_RB, 128), lambda i: (i, 0)),
          pl.BlockSpec((_RB, DE_PAD), lambda i: (i, 0)),
          pl.BlockSpec((_RB, DE_PAD), lambda i: (i, 0)),
          pl.BlockSpec((DE, HID), lambda i: (0, 0)),
          pl.BlockSpec((D, HID), lambda i: (0, 0)),
          pl.BlockSpec((HID, HID), lambda i: (0, 0)),
          pl.BlockSpec((1, HID), lambda i: (0, 0)),
          pl.BlockSpec((HID, OUT), lambda i: (0, 0)),
          pl.BlockSpec((1, OUT), lambda i: (0, 0)),
      ],
      out_specs=pl.BlockSpec((_RB, OUT), lambda i: (i, 0)),
      out_shape=jax.ShapeDtypeStruct((NS_NODES, OUT), _f32),
  )(x_state, g0, g1, g2, g3, e0, e1, w_edge, w_self_s, w_nbr_s, b_s,
    w_lin, b_lin)


def kernel(x_game, x_state, edge_index_gg, edge_index_gs, edge_attr,
           W_self_g, W_nbr_g, b_g, W_edge, W_self_s, W_nbr_s, b_s,
           W_lin, b_lin):
  xg0 = x_game[:, 0:128]
  xg1 = x_game[:, 128:256]
  src_gg = edge_index_gg[0]
  dst_gg = edge_index_gg[1]
  src_gs = edge_index_gs[0]
  dst_gs = edge_index_gs[1]
  eext = jnp.concatenate(
      [edge_attr,
       jnp.ones((EGS, 1), _f32),
       jnp.zeros((EGS, DE_PAD - DE - 1), _f32)], axis=1)
  zx = jnp.zeros((ROWS_LAST, 128), _f32)
  ze = jnp.zeros((ROWS_LAST, DE_PAD), _f32)

  sc_stage1, sc_edges, sc_stage2 = _sc_kernels()
  agg0, agg1 = sc_stage1(xg0, xg1, src_gg, dst_gg, zx)
  e0, e1 = sc_edges(eext, dst_gs, ze)
  h0, h1, h2, h3 = _tc1(
      x_game, agg0, agg1, W_self_g, W_nbr_g, b_g.reshape(1, HID))
  g0, g1, g2, g3 = sc_stage2(h0, h1, h2, h3, src_gs, dst_gs, zx)
  z_state = _tc2(
      x_state, g0, g1, g2, g3, e0, e1, W_edge, W_self_s, W_nbr_s,
      b_s.reshape(1, HID), W_lin, b_lin.reshape(1, OUT))
  return z_state, x_game

# --- scband reference (transcript-rebuilt; emitter-appended) ---
"""Pipeline reference for scband-state-model-encoder-26680336842855 (READ-ONLY COPY).

The authoritative reference and input builder live on the scoring server;
editing this copy changes nothing except your own understanding.
"""

import jax, jax.numpy as jnp
import numpy as np

HIDDEN = 512
OUT = 256

def setup_inputs(seed: int = 0) -> dict:
    key = jax.random.key(seed)
    ks = jax.random.split(key, 16)
    Ng, Ns, Egg, Egs, D, De = 10000, 10000, 160000, 160000, 256, 16
    inp = {}
    inp['x_game'] = jax.random.normal(ks[0], (Ng, D), jnp.float32)
    inp['x_state'] = jax.random.normal(ks[1], (Ns, D), jnp.float32)
    # int32 used so the module runs without enabling x64; values in [0, Ng)
    inp['edge_index_gg'] = jax.random.randint(ks[2], (2, Egg), 0, Ng, jnp.int32)
    inp['edge_index_gs'] = jax.random.randint(ks[3], (2, Egs), 0, Ns, jnp.int32)
    inp['edge_attr'] = jax.random.normal(ks[4], (Egs, De), jnp.float32)
    # learned parameters (GraphConv-style hetero encoder, hidden=512, out=256)
    inp['W_self_g'] = jax.random.normal(ks[5], (D, HIDDEN), jnp.float32) * (1.0 / np.sqrt(D))
    inp['W_nbr_g'] = jax.random.normal(ks[6], (D, HIDDEN), jnp.float32) * (1.0 / np.sqrt(D))
    inp['b_g'] = jnp.zeros((HIDDEN,), jnp.float32)
    inp['W_edge'] = jax.random.normal(ks[7], (De, HIDDEN), jnp.float32) * (1.0 / np.sqrt(De))
    inp['W_self_s'] = jax.random.normal(ks[8], (D, HIDDEN), jnp.float32) * (1.0 / np.sqrt(D))
    inp['W_nbr_s'] = jax.random.normal(ks[9], (HIDDEN, HIDDEN), jnp.float32) * (1.0 / np.sqrt(HIDDEN))
    inp['b_s'] = jnp.zeros((HIDDEN,), jnp.float32)
    inp['W_lin'] = jax.random.normal(ks[10], (HIDDEN, OUT), jnp.float32) * (1.0 / np.sqrt(HIDDEN))
    inp['b_lin'] = jnp.zeros((OUT,), jnp.float32)
    return inp

def reference(x_game, x_state, edge_index_gg, edge_index_gs, edge_attr,
              W_self_g, W_nbr_g, b_g, W_edge, W_self_s, W_nbr_s, b_s, W_lin, b_lin):
    Ng = x_game.shape[0]
    Ns = x_state.shape[0]
    # layer 1: GraphConv over ('game_vertex','to','game_vertex')
    src, dst = edge_index_gg[0], edge_index_gg[1]
    agg_g = jax.ops.segment_sum(jnp.take(x_game, src, axis=0), dst, num_segments=Ng)
    h_g = jax.nn.relu(x_game @ W_self_g + agg_g @ W_nbr_g + b_g)
    # layer 2: edge-attributed conv ('game_vertex','history','state_vertex'), mean aggregation
    s, d = edge_index_gs[0], edge_index_gs[1]
    msg = (jnp.take(h_g, s, axis=0) + edge_attr @ W_edge) @ W_nbr_s
    agg_s = jax.ops.segment_sum(msg, d, num_segments=Ns)
    cnt = jax.ops.segment_sum(jnp.ones((s.shape[0],), jnp.float32), d, num_segments=Ns)
    agg_s = agg_s / jnp.maximum(cnt, 1.0)[:, None]
    h_s = jax.nn.relu(x_state @ W_self_s + agg_s + b_s)
    z_state = h_s @ W_lin + b_lin
    # z_dict = {'state_vertex': z_state, 'game_vertex': x_game (identity passthrough)}
    return z_state, x_game

if __name__ == "__main__":
    import jax
    _d = setup_inputs()
    print(jax.jit(kernel)(*tuple(_d.values())))

</pallas_src>

<mosaic_0001>
#map = affine_map<(d0, d1) -> (0, 0)>
#map1 = affine_map<(d0, d1) -> (0)>
module attributes {stable_mosaic.version = 14 : i64} {
  func.func @_sc_stage1(%arg0: i32, %arg1: i32, %arg2: memref<10000x128xf32, #tpu.memory_space<hbm>>, %arg3: memref<10000x128xf32, #tpu.memory_space<hbm>>, %arg4: memref<160000xi32, #tpu.memory_space<hbm>>, %arg5: memref<160000xi32, #tpu.memory_space<hbm>>, %arg6: memref<640x128xf32, #tpu.memory_space<hbm>>, %arg7: memref<10000x128xf32, #tpu.memory_space<hbm>>, %arg8: memref<10000x128xf32, #tpu.memory_space<hbm>>, %arg9: memref<128xi32, #tpu.memory_space<vmem>>, %arg10: memref<128xi32, #tpu.memory_space<vmem>>, %arg11: memref<128xi32, #tpu.memory_space<vmem>>, %arg12: memref<128xi32, #tpu.memory_space<vmem>>, %arg13: memref<128xi32, #tpu.memory_space<vmem>>, %arg14: memref<128xi32, #tpu.memory_space<vmem>>, %arg15: memref<128x128xf32, #tpu.memory_space<vmem>>, %arg16: memref<128x128xf32, #tpu.memory_space<vmem>>, %arg17: memref<10000x128xf32, #tpu.memory_space<vmem_shared>>, %arg18: memref<!tpu.dma_semaphore, #tpu.memory_space<semaphore_mem>>, %arg19: memref<!tpu.dma_semaphore, #tpu.memory_space<semaphore_mem>>, %arg20: memref<!tpu.dma_semaphore, #tpu.memory_space<semaphore_mem>>, %arg21: memref<!tpu.dma_semaphore, #tpu.memory_space<semaphore_mem>>, %arg22: memref<!tpu.dma_semaphore, #tpu.memory_space<semaphore_mem>>, %arg23: memref<!tpu.dma_semaphore, #tpu.memory_space<semaphore_mem>>) attributes {dimension_semantics = [#tpu.dimension_semantics<core_parallel>, #tpu.dimension_semantics<subcore_parallel>], iteration_bounds = array<i64: 2, 16>, scalar_prefetch = 0 : i64, scratch_operands = 15 : i64, tpu.core_type = #tpu.core_type<sc_vector_subcore>, window_params = [{transform_indices = #map}, {transform_indices = #map}, {transform_indices = #map1}, {transform_indices = #map1}, {transform_indices = #map}, {transform_indices = #map}, {transform_indices = #map}]} {
    %lt3A = arith.constant 15 : i32
    %lt3A_0 = arith.cmpi slt, %arg1, %lt3A : i32
    %convert_element_type3A = arith.extui %lt3A_0 : i1 to i32
    %cond3A = arith.constant 0 : i32
    %cond3A_1 = arith.cmpi ne, %convert_element_type3A, %cond3A : i32
    scf.if %cond3A_1 {
      %mul3A = arith.constant 624 : i32
      %mul3A_27 = arith.muli %arg1, %mul3A : i32
      "tpu.region"() ({
        %run_scoped3A = tpu.sem_alloc : memref<!tpu.dma_semaphore, #tpu.memory_space<semaphore_mem>>
        %dma_start3A = arith.constant 0 : i32
        %dma_start3A_28 = tpu.memref_slice %arg17[%mul3A_27, %dma_start3A] : memref<10000x128xf32, #tpu.memory_space<vmem_shared>> -> memref<624x128xf32, #tpu.memory_space<vmem_shared>>
        %dma_start3A_29 = arith.constant 0 : i32
        %dma_start3A_30 = arith.constant 0 : i32
        %dma_start3A_31 = tpu.memref_slice %arg6[%dma_start3A_29, %dma_start3A_30] : memref<640x128xf32, #tpu.memory_space<hbm>> -> memref<624x128xf32, #tpu.memory_space<hbm>>
        tpu.enqueue_dma source(%dma_start3A_31 : memref<624x128xf32, #tpu.memory_space<hbm>>) target(%dma_start3A_28 : memref<624x128xf32, #tpu.memory_space<vmem_shared>>) target_semaphore(%run_scoped3A : memref<!tpu.dma_semaphore, #tpu.memory_space<semaphore_mem>>)
        %dma_wait3A = arith.constant 0 : i32
        %dma_wait3A_32 = tpu.memref_slice %arg17[%mul3A_27, %dma_wait3A] : memref<10000x128xf32, #tpu.memory_space<vmem_shared>> -> memref<624x128xf32, #tpu.memory_space<vmem_shared>>
        %dma_wait3A_33 = arith.constant 0 : i32
        %dma_wait3A_34 = arith.constant 0 : i32
        %dma_wait3A_35 = tpu.memref_slice %arg6[%dma_wait3A_33, %dma_wait3A_34] : memref<640x128xf32, #tpu.memory_space<hbm>> -> memref<624x128xf32, #tpu.memory_space<hbm>>
        tpu.wait_dma2 semaphore(%run_scoped3A : memref<!tpu.dma_semaphore, #tpu.memory_space<semaphore_mem>>) src(%dma_wait3A_35 : memref<624x128xf32, #tpu.memory_space<hbm>>) dst(%dma_wait3A_32 : memref<624x128xf32, #tpu.memory_space<vmem_shared>>)
        tpu.yield
      }) : () -> ()
    } else {
    }
    %eq3A = arith.constant 15 : i32
    %eq3A_2 = arith.cmpi eq, %arg1, %eq3A : i32
    %convert_element_type3A_3 = arith.extui %eq3A_2 : i1 to i32
    %cond3A_4 = arith.constant 0 : i32
    %cond3A_5 = arith.cmpi ne, %convert_element_type3A_3, %cond3A_4 : i32
    scf.if %cond3A_5 {
      "tpu.region"() ({
        %run_scoped3A = tpu.sem_alloc : memref<!tpu.dma_semaphore, #tpu.memory_space<semaphore_mem>>
        %dma_start3A = arith.constant 9360 : i32
        %dma_start3A_27 = arith.constant 0 : i32
        %dma_start3A_28 = tpu.memref_slice %arg17[%dma_start3A, %dma_start3A_27] : memref<10000x128xf32, #tpu.memory_space<vmem_shared>> -> memref<640x128xf32, #tpu.memory_space<vmem_shared>>
        tpu.enqueue_dma source(%arg6 : memref<640x128xf32, #tpu.memory_space<hbm>>) target(%dma_start3A_28 : memref<640x128xf32, #tpu.memory_space<vmem_shared>>) target_semaphore(%run_scoped3A : memref<!tpu.dma_semaphore, #tpu.memory_space<semaphore_mem>>)
        %dma_wait3A = arith.constant 9360 : i32
        %dma_wait3A_29 = arith.constant 0 : i32
        %dma_wait3A_30 = tpu.memref_slice %arg17[%dma_wait3A, %dma_wait3A_29] : memref<10000x128xf32, #tpu.memory_space<vmem_shared>> -> memref<640x128xf32, #tpu.memory_space<vmem_shared>>
        tpu.wait_dma2 semaphore(%run_scoped3A : memref<!tpu.dma_semaphore, #tpu.memory_space<semaphore_mem>>) src(%arg6 : memref<640x128xf32, #tpu.memory_space<hbm>>) dst(%dma_wait3A_30 : memref<640x128xf32, #tpu.memory_space<vmem_shared>>)
        tpu.yield
      }) : () -> ()
    } else {
    }
    %barrier3A = arith.constant 0 : index
    tpu.barrier barrier_id(%barrier3A)
    %eq3A_6 = arith.constant 0 : i32
    %eq3A_7 = arith.cmpi eq, %arg0, %eq3A_6 : i32
    %convert_element_type3A_8 = arith.extui %eq3A_7 : i1 to i32
    %cond3A_9 = arith.constant 0 : i32
    %cond3A_10 = arith.cmpi ne, %convert_element_type3A_8, %cond3A_9 : i32
    scf.if %cond3A_10 {
      %mul3A = arith.constant 128 : i32
      %mul3A_27 = arith.muli %arg1, %mul3A : i32
      %dma_start3A = tpu.memref_slice %arg4[%mul3A_27] : memref<160000xi32, #tpu.memory_space<hbm>> -> memref<128xi32, #tpu.memory_space<hbm>>
      %dma_start3A_28 = tpu.memref_slice %arg4[%mul3A_27] : memref<160000xi32, #tpu.memory_space<hbm>> -> memref<128xi32, #tpu.memory_space<hbm>>
      tpu.enqueue_dma source(%dma_start3A_28 : memref<128xi32, #tpu.memory_space<hbm>>) target(%arg9 : memref<128xi32, #tpu.memory_space<vmem>>) target_semaphore(%arg22 : memref<!tpu.dma_semaphore, #tpu.memory_space<semaphore_mem>>)
      %mul3A_29 = arith.constant 128 : i32
      %mul3A_30 = arith.muli %arg1, %mul3A_29 : i32
      %dma_start3A_31 = tpu.memref_slice %arg5[%mul3A_30] : memref<160000xi32, #tpu.memory_space<hbm>> -> memref<128xi32, #tpu.memory_space<hbm>>
      %dma_start3A_32 = tpu.memref_slice %arg5[%mul3A_30] : memref<160000xi32, #tpu.memory_space<hbm>> -> memref<128xi32, #tpu.memory_space<hbm>>
      tpu.enqueue_dma source(%dma_start3A_32 : memref<128xi32, #tpu.memory_space<hbm>>) target(%arg11 : memref<128xi32, #tpu.memory_space<vmem>>) target_semaphore(%arg22 : memref<!tpu.dma_semaphore, #tpu.memory_space<semaphore_mem>>)
      %scan3A = arith.constant 0 : i32
      %scan3A_33 = arith.constant 0 : i32
      %scan3A_34 = arith.constant 20 : i32
      %scan3A_35 = arith.addi %scan3A_33, %scan3A_34 : i32
      %scan3A_36 = arith.constant 1 : i32
      scf.for %scan3A_43 = %scan3A_33 to %scan3A_35 step %scan3A_36  : i32 {
        %mul3A_44 = arith.constant 4 : i32
        %mul3A_45 = arith.muli %mul3A_44, %scan3A_43 : i32
        %add3A = arith.constant 0 : i32
        %add3A_46 = arith.addi %mul3A_45, %add3A : i32
        %mul3A_47 = arith.constant 16 : i32
        %mul3A_48 = arith.muli %add3A_46, %mul3A_47 : i32
        %add3A_49 = arith.addi %mul3A_48, %arg1 : i32
        %lt3A_50 = arith.constant 1250 : i32
        %lt3A_51 = arith.cmpi slt, %add3A_49, %lt3A_50 : i32
        %convert_element_type3A_52 = arith.extui %lt3A_51 : i1 to i32
        %cond3A_53 = arith.constant 0 : i32
        %cond3A_54 = arith.cmpi ne, %convert_element_type3A_52, %cond3A_53 : i32
        scf.if %cond3A_54 {
          %mul3A_91 = arith.constant 128 : i32
          %mul3A_92 = arith.muli %add3A_49, %mul3A_91 : i32
          %dma_wait3A_93 = tpu.memref_slice %arg4[%mul3A_92] : memref<160000xi32, #tpu.memory_space<hbm>> -> memref<128xi32, #tpu.memory_space<hbm>>
          %dma_wait3A_94 = tpu.memref_slice %arg4[%mul3A_92] : memref<160000xi32, #tpu.memory_space<hbm>> -> memref<128xi32, #tpu.memory_space<hbm>>
          tpu.wait_dma2 semaphore(%arg22 : memref<!tpu.dma_semaphore, #tpu.memory_space<semaphore_mem>>) src(%dma_wait3A_94 : memref<128xi32, #tpu.memory_space<hbm>>) dst(%arg9 : memref<128xi32, #tpu.memory_space<vmem>>)
          %mul3A_95 = arith.constant 128 : i32
          %mul3A_96 = arith.muli %add3A_49, %mul3A_95 : i32
          %dma_wait3A_97 = tpu.memref_slice %arg5[%mul3A_96] : memref<160000xi32, #tpu.memory_space<hbm>> -> memref<128xi32, #tpu.memory_space<hbm>>
          %dma_wait3A_98 = tpu.memref_slice %arg5[%mul3A_96] : memref<160000xi32, #tpu.memory_space<hbm>> -> memref<128xi32, #tpu.memory_space<hbm>>
          tpu.wait_dma2 semaphore(%arg22 : memref<!tpu.dma_semaphore, #tpu.memory_space<semaphore_mem>>) src(%dma_wait3A_98 : memref<128xi32, #tpu.memory_space<hbm>>) dst(%arg11 : memref<128xi32, #tpu.memory_space<vmem>>)
          %add3A_99 = arith.constant 16 : i32
          %add3A_100 = arith.addi %add3A_49, %add3A_99 : i32
          %lt3A_101 = arith.constant 1250 : i32
          %lt3A_102 = arith.cmpi slt, %add3A_100, %lt3A_101 : i32
          %convert_element_type3A_103 = arith.extui %lt3A_102 : i1 to i32
          %cond3A_104 = arith.constant 0 : i32
          %cond3A_105 = arith.cmpi ne, %convert_element_type3A_103, %cond3A_104 : i32
          scf.if %cond3A_105 {
            %add3A_119 = arith.constant 16 : i32
            %add3A_120 = arith.addi %add3A_49, %add3A_119 : i32
            %mul3A_121 = arith.constant 128 : i32
            %mul3A_122 = arith.muli %add3A_120, %mul3A_121 : i32
            %dma_start3A_123 = tpu.memref_slice %arg4[%mul3A_122] : memref<160000xi32, #tpu.memory_space<hbm>> -> memref<128xi32, #tpu.memory_space<hbm>>
            %dma_start3A_124 = tpu.memref_slice %arg4[%mul3A_122] : memref<160000xi32, #tpu.memory_space<hbm>> -> memref<128xi32, #tpu.memory_space<hbm>>
            tpu.enqueue_dma source(%dma_start3A_124 : memref<128xi32, #tpu.memory_space<hbm>>) target(%arg10 : memref<128xi32, #tpu.memory_space<vmem>>) target_semaphore(%arg23 : memref<!tpu.dma_semaphore, #tpu.memory_space<semaphore_mem>>)
            %mul3A_125 = arith.constant 128 : i32
            %mul3A_126 = arith.muli %add3A_120, %mul3A_125 : i32
            %dma_start3A_127 = tpu.memref_slice %arg5[%mul3A_126] : memref<160000xi32, #tpu.memory_space<hbm>> -> memref<128xi32, #tpu.memory_space<hbm>>
            %dma_start3A_128 = tpu.memref_slice %arg5[%mul3A_126] : memref<160000xi32, #tpu.memory_space<hbm>> -> memref<128xi32, #tpu.memory_space<hbm>>
            tpu.enqueue_dma source(%dma_start3A_128 : memref<128xi32, #tpu.memory_space<hbm>>) target(%arg12 : memref<128xi32, #tpu.memory_space<vmem>>) target_semaphore(%arg23 : memref<!tpu.dma_semaphore, #tpu.memory_space<semaphore_mem>>)
          } else {
          }
          %gt3A = arith.constant 0 : i32
          %gt3A_106 = arith.cmpi sgt, %scan3A_43, %gt3A : i32
          %convert_element_type3A_107 = arith.extui %gt3A_106 : i1 to i32
          %cond3A_108 = arith.constant 0 : i32
          %cond3A_109 = arith.cmpi ne, %convert_element_type3A_107, %cond3A_108 : i32
          scf.if %cond3A_109 {
            %dma_wait3A_119 = arith.constant 0 : i32
            %dma_wait3A_120 = arith.constant 0 : i32
            %dma_wait3A_121 = tpu.memref_slice %arg17[%dma_wait3A_119, %dma_wait3A_120] : memref<10000x128xf32, #tpu.memory_space<vmem_shared>> -> memref<10000x128xf32, #tpu.memory_space<vmem_shared>>
            tpu.wait_indirect_dma semaphore(%arg20 : memref<!tpu.dma_semaphore, #tpu.memory_space<semaphore_mem>>) src(%arg15 : memref<128x128xf32, #tpu.memory_space<vmem>>) dst(%dma_wait3A_121 : memref<10000x128xf32, #tpu.memory_space<vmem_shared>>)
          } else {
          }
          %dma_start3A_110 = arith.constant 0 : i32
          %dma_start3A_111 = arith.constant 0 : i32
          %dma_start3A_112 = tpu.memref_slice %arg2[%dma_start3A_110, %dma_start3A_111] : memref<10000x128xf32, #tpu.memory_space<hbm>> -> memref<10000x128xf32, #tpu.memory_space<hbm>>
          tpu.enqueue_indirect_dma source(%dma_start3A_112 : memref<10000x128xf32, #tpu.memory_space<hbm>>) target(%arg15 : memref<128x128xf32, #tpu.memory_space<vmem>>) offsets(%arg9 : memref<128xi32, #tpu.memory_space<vmem>>) semaphore(%arg18 : memref<!tpu.dma_semaphore, #tpu.memory_space<semaphore_mem>>)
          %dma_wait3A_113 = arith.constant 0 : i32
          %dma_wait3A_114 = arith.constant 0 : i32
          %dma_wait3A_115 = tpu.memref_slice %arg2[%dma_wait3A_113, %dma_wait3A_114] : memref<10000x128xf32, #tpu.memory_space<hbm>> -> memref<10000x128xf32, #tpu.memory_space<hbm>>
          tpu.wait_indirect_dma semaphore(%arg18 : memref<!tpu.dma_semaphore, #tpu.memory_space<semaphore_mem>>) src(%dma_wait3A_115 : memref<10000x128xf32, #tpu.memory_space<hbm>>) dst(%arg15 : memref<128x128xf32, #tpu.memory_space<vmem>>)
          %dma_start3A_116 = arith.constant 0 : i32
          %dma_start3A_117 = arith.constant 0 : i32
          %dma_start3A_118 = tpu.memref_slice %arg17[%dma_start3A_116, %dma_start3A_117] : memref<10000x128xf32, #tpu.memory_space<vmem_shared>> -> memref<10000x128xf32, #tpu.memory_space<vmem_shared>>
          tpu.enqueue_indirect_dma source(%arg15 : memref<128x128xf32, #tpu.memory_space<vmem>>) target(%dma_start3A_118 : memref<10000x128xf32, #tpu.memory_space<vmem_shared>>) offsets(%arg11 : memref<128xi32, #tpu.memory_space<vmem>>) semaphore(%arg20 : memref<!tpu.dma_semaphore, #tpu.memory_space<semaphore_mem>>) {add = true}
        } else {
        }
        %mul3A_55 = arith.constant 4 : i32
        %mul3A_56 = arith.muli %mul3A_55, %scan3A_43 : i32
        %add3A_57 = arith.constant 1 : i32
        %add3A_58 = arith.addi %mul3A_56, %add3A_57 : i32
        %mul3A_59 = arith.constant 16 : i32
        %mul3A_60 = arith.muli %add3A_58, %mul3A_59 : i32
        %add3A_61 = arith.addi %mul3A_60, %arg1 : i32
        %lt3A_62 = arith.constant 1250 : i32
        %lt3A_63 = arith.cmpi slt, %add3A_61, %lt3A_62 : i32
        %convert_element_type3A_64 = arith.extui %lt3A_63 : i1 to i32
        %cond3A_65 = arith.constant 0 : i32
        %cond3A_66 = arith.cmpi ne, %convert_element_type3A_64, %cond3A_65 : i32
        scf.if %cond3A_66 {
          %mul3A_91 = arith.constant 128 : i32
          %mul3A_92 = arith.muli %add3A_61, %mul3A_91 : i32
          %dma_wait3A_93 = tpu.memref_slice %arg4[%mul3A_92] : memref<160000xi32, #tpu.memory_space<hbm>> -> memref<128xi32, #tpu.memory_space<hbm>>
          %dma_wait3A_94 = tpu.memref_slice %arg4[%mul3A_92] : memref<160000xi32, #tpu.memory_space<hbm>> -> memref<128xi32, #tpu.memory_space<hbm>>
          tpu.wait_dma2 semaphore(%arg23 : memref<!tpu.dma_semaphore, #tpu.memory_space<semaphore_mem>>) src(%dma_wait3A_94 : memref<128xi32, #tpu.memory_space<hbm>>) dst(%arg10 : memref<128xi32, #tpu.memory_space<vmem>>)
          %mul3A_95 = arith.constant 128 : i32
          %mul3A_96 = arith.muli %add3A_61, %mul3A_95 : i32
          %dma_wait3A_97 = tpu.memref_slice %arg5[%mul3A_96] : memref<160000xi32, #tpu.memory_space<hbm>> -> memref<128xi32, #tpu.memory_space<hbm>>
          %dma_wait3A_98 = tpu.memref_slice %arg5[%mul3A_96] : memref<160000xi32, #tpu.memory_space<hbm>> -> memref<128xi32, #tpu.memory_space<hbm>>
          tpu.wait_dma2 semaphore(%arg23 : memref<!tpu.dma_semaphore, #tpu.memory_space<semaphore_mem>>) src(%dma_wait3A_98 : memref<128xi32, #tpu.memory_space<hbm>>) dst(%arg12 : memref<128xi32, #tpu.memory_space<vmem>>)
          %add3A_99 = arith.constant 16 : i32
          %add3A_100 = arith.addi %add3A_61, %add3A_99 : i32
          %lt3A_101 = arith.constant 1250 : i32
          %lt3A_102 = arith.cmpi slt, %add3A_100, %lt3A_101 : i32
          %convert_element_type3A_103 = arith.extui %lt3A_102 : i1 to i32
          %cond3A_104 = arith.constant 0 : i32
          %cond3A_105 = arith.cmpi ne, %convert_element_type3A_103, %cond3A_104 : i32
          scf.if %cond3A_105 {
            %add3A_119 = arith.constant 16 : i32
            %add3A_120 = arith.addi %add3A_61, %add3A_119 : i32
            %mul3A_121 = arith.constant 128 : i32
            %mul3A_122 = arith.muli %add3A_120, %mul3A_121 : i32
            %dma_start3A_123 = tpu.memref_slice %arg4[%mul3A_122] : memref<160000xi32, #tpu.memory_space<hbm>> -> memref<128xi32, #tpu.memory_space<hbm>>
            %dma_start3A_124 = tpu.memref_slice %arg4[%mul3A_122] : memref<160000xi32, #tpu.memory_space<hbm>> -> memref<128xi32, #tpu.memory_space<hbm>>
            tpu.enqueue_dma source(%dma_start3A_124 : memref<128xi32, #tpu.memory_space<hbm>>) target(%arg9 : memref<128xi32, #tpu.memory_space<vmem>>) target_semaphore(%arg22 : memref<!tpu.dma_semaphore, #tpu.memory_space<semaphore_mem>>)
            %mul3A_125 = arith.constant 128 : i32
            %mul3A_126 = arith.muli %add3A_120, %mul3A_125 : i32
            %dma_start3A_127 = tpu.memref_slice %arg5[%mul3A_126] : memref<160000xi32, #tpu.memory_space<hbm>> -> memref<128xi32, #tpu.memory_space<hbm>>
            %dma_start3A_128 = tpu.memref_slice %arg5[%mul3A_126] : memref<160000xi32, #tpu.memory_space<hbm>> -> memref<128xi32, #tpu.memory_space<hbm>>
            tpu.enqueue_dma source(%dma_start3A_128 : memref<128xi32, #tpu.memory_space<hbm>>) target(%arg13 : memref<128xi32, #tpu.memory_space<vmem>>) target_semaphore(%arg22 : memref<!tpu.dma_semaphore, #tpu.memory_space<semaphore_mem>>)
          } else {
          }
          %gt3A = arith.constant 0 : i32
          %gt3A_106 = arith.cmpi sgt, %scan3A_43, %gt3A : i32
          %convert_element_type3A_107 = arith.extui %gt3A_106 : i1 to i32
          %cond3A_108 = arith.constant 0 : i32
          %cond3A_109 = arith.cmpi ne, %convert_element_type3A_107, %cond3A_108 : i32
          scf.if %cond3A_109 {
            %dma_wait3A_119 = arith.constant 0 : i32
            %dma_wait3A_120 = arith.constant 0 : i32
            %dma_wait3A_121 = tpu.memref_slice %arg17[%dma_wait3A_119, %dma_wait3A_120] : memref<10000x128xf32, #tpu.memory_space<vmem_shared>> -> memref<10000x128xf32, #tpu.memory_space<vmem_shared>>
            tpu.wait_indirect_dma semaphore(%arg21 : memref<!tpu.dma_semaphore, #tpu.memory_space<semaphore_mem>>) src(%arg16 : memref<128x128xf32, #tpu.memory_space<vmem>>) dst(%dma_wait3A_121 : memref<10000x128xf32, #tpu.memory_space<vmem_shared>>)
          } else {
          }
          %dma_start3A_110 = arith.constant 0 : i32
          %dma_start3A_111 = arith.constant 0 : i32
          %dma_start3A_112 = tpu.memref_slice %arg2[%dma_start3A_110, %dma_start3A_111] : memref<10000x128xf32, #tpu.memory_space<hbm>> -> memref<10000x128xf32, #tpu.memory_space<hbm>>
          tpu.enqueue_indirect_dma source(%dma_start3A_112 : memref<10000x128xf32, #tpu.memory_space<hbm>>) target(%arg16 : memref<128x128xf32, #tpu.memory_space<vmem>>) offsets(%arg10 : memref<128xi32, #tpu.memory_space<vmem>>) semaphore(%arg19 : memref<!tpu.dma_semaphore, #tpu.memory_space<semaphore_mem>>)
          %dma_wait3A_113 = arith.constant 0 : i32
          %dma_wait3A_114 = arith.constant 0 : i32
          %dma_wait3A_115 = tpu.memref_slice %arg2[%dma_wait3A_113, %dma_wait3A_114] : memref<10000x128xf32, #tpu.memory_space<hbm>> -> memref<10000x128xf32, #tpu.memory_space<hbm>>
          tpu.wait_indirect_dma semaphore(%arg19 : memref<!tpu.dma_semaphore, #tpu.memory_space<semaphore_mem>>) src(%dma_wait3A_115 : memref<10000x128xf32, #tpu.memory_space<hbm>>) dst(%arg16 : memref<128x128xf32, #tpu.memory_space<vmem>>)
          %dma_start3A_116 = arith.constant 0 : i32
          %dma_start3A_117 = arith.constant 0 : i32
          %dma_start3A_118 = tpu.memref_slice %arg17[%dma_start3A_116, %dma_start3A_117] : memref<10000x128xf32, #tpu.memory_space<vmem_shared>> -> memref<10000x128xf32, #tpu.memory_space<vmem_shared>>
          tpu.enqueue_indirect_dma source(%arg16 : memref<128x128xf32, #tpu.memory_space<vmem>>) target(%dma_start3A_118 : memref<10000x128xf32, #tpu.memory_space<vmem_shared>>) offsets(%arg12 : memref<128xi32, #tpu.memory_space<vmem>>) semaphore(%arg21 : memref<!tpu.dma_semaphore, #tpu.memory_space<semaphore_mem>>) {add = true}
        } else {
        }
        %mul3A_67 = arith.constant 4 : i32
        %mul3A_68 = arith.muli %mul3A_67, %scan3A_43 : i32
        %add3A_69 = arith.constant 2 : i32
        %add3A_70 = arith.addi %mul3A_68, %add3A_69 : i32
        %mul3A_71 = arith.constant 16 : i32
        %mul3A_72 = arith.muli %add3A_70, %mul3A_71 : i32
        %add3A_73 = arith.addi %mul3A_72, %arg1 : i32
        %lt3A_74 = arith.constant 1250 : i32
        %lt3A_75 = arith.cmpi slt, %add3A_73, %lt3A_74 : i32
        %convert_element_type3A_76 = arith.extui %lt3A_75 : i1 to i32
        %cond3A_77 = arith.constant 0 : i32
        %cond3A_78 = arith.cmpi ne, %convert_element_type3A_76, %cond3A_77 : i32
        scf.if %cond3A_78 {
          %mul3A_91 = arith.constant 128 : i32
          %mul3A_92 = arith.muli %add3A_73, %mul3A_91 : i32
          %dma_wait3A_93 = tpu.memref_slice %arg4[%mul3A_92] : memref<160000xi32, #tpu.memory_space<hbm>> -> memref<128xi32, #tpu.memory_space<hbm>>
          %dma_wait3A_94 = tpu.memref_slice %arg4[%mul3A_92] : memref<160000xi32, #tpu.memory_space<hbm>> -> memref<128xi32, #tpu.memory_space<hbm>>
          tpu.wait_dma2 semaphore(%arg22 : memref<!tpu.dma_semaphore, #tpu.memory_space<semaphore_mem>>) src(%dma_wait3A_94 : memref<128xi32, #tpu.memory_space<hbm>>) dst(%arg9 : memref<128xi32, #tpu.memory_space<vmem>>)
          %mul3A_95 = arith.constant 128 : i32
          %mul3A_96 = arith.muli %add3A_73, %mul3A_95 : i32
          %dma_wait3A_97 = tpu.memref_slice %arg5[%mul3A_96] : memref<160000xi32, #tpu.memory_space<hbm>> -> memref<128xi32, #tpu.memory_space<hbm>>
          %dma_wait3A_98 = tpu.memref_slice %arg5[%mul3A_96] : memref<160000xi32, #tpu.memory_space<hbm>> -> memref<128xi32, #tpu.memory_space<hbm>>
          tpu.wait_dma2 semaphore(%arg22 : memref<!tpu.dma_semaphore, #tpu.memory_space<semaphore_mem>>) src(%dma_wait3A_98 : memref<128xi32, #tpu.memory_space<hbm>>) dst(%arg13 : memref<128xi32, #tpu.memory_space<vmem>>)
          %add3A_99 = arith.constant 16 : i32
          %add3A_100 = arith.addi %add3A_73, %add3A_99 : i32
          %lt3A_101 = arith.constant 1250 : i32
          %lt3A_102 = arith.cmpi slt, %add3A_100, %lt3A_101 : i32
          %convert_element_type3A_103 = arith.extui %lt3A_102 : i1 to i32
          %cond3A_104 = arith.constant 0 : i32
          %cond3A_105 = arith.cmpi ne, %convert_element_type3A_103, %cond3A_104 : i32
          scf.if %cond3A_105 {
            %add3A_118 = arith.constant 16 : i32
            %add3A_119 = arith.addi %add3A_73, %add3A_118 : i32
            %mul3A_120 = arith.constant 128 : i32
            %mul3A_121 = arith.muli %add3A_119, %mul3A_120 : i32
            %dma_start3A_122 = tpu.memref_slice %arg4[%mul3A_121] : memref<160000xi32, #tpu.memory_space<hbm>> -> memref<128xi32, #tpu.memory_space<hbm>>
            %dma_start3A_123 = tpu.memref_slice %arg4[%mul3A_121] : memref<160000xi32, #tpu.memory_space<hbm>> -> memref<128xi32, #tpu.memory_space<hbm>>
            tpu.enqueue_dma source(%dma_start3A_123 : memref<128xi32, #tpu.memory_space<hbm>>) target(%arg10 : memref<128xi32, #tpu.memory_space<vmem>>) target_semaphore(%arg23 : memref<!tpu.dma_semaphore, #tpu.memory_space<semaphore_mem>>)
            %mul3A_124 = arith.constant 128 : i32
            %mul3A_125 = arith.muli %add3A_119, %mul3A_124 : i32
            %dma_start3A_126 = tpu.memref_slice %arg5[%mul3A_125] : memref<160000xi32, #tpu.memory_space<hbm>> -> memref<128xi32, #tpu.memory_space<hbm>>
            %dma_start3A_127 = tpu.memref_slice %arg5[%mul3A_125] : memref<160000xi32, #tpu.memory_space<hbm>> -> memref<128xi32, #tpu.memory_space<hbm>>
            tpu.enqueue_dma source(%dma_start3A_127 : memref<128xi32, #tpu.memory_space<hbm>>) target(%arg14 : memref<128xi32, #tpu.memory_space<vmem>>) target_semaphore(%arg23 : memref<!tpu.dma_semaphore, #tpu.memory_space<semaphore_mem>>)
          } else {
          }
          %dma_wait3A_106 = arith.constant 0 : i32
          %dma_wait3A_107 = arith.constant 0 : i32
          %dma_wait3A_108 = tpu.memref_slice %arg17[%dma_wait3A_106, %dma_wait3A_107] : memref<10000x128xf32, #tpu.memory_space<vmem_shared>> -> memref<10000x128xf32, #tpu.memory_space<vmem_shared>>
          tpu.wait_indirect_dma semaphore(%arg20 : memref<!tpu.dma_semaphore, #tpu.memory_space<semaphore_mem>>) src(%arg15 : memref<128x128xf32, #tpu.memory_space<vmem>>) dst(%dma_wait3A_108 : memref<10000x128xf32, #tpu.memory_space<vmem_shared>>)
          %dma_start3A_109 = arith.constant 0 : i32
          %dma_start3A_110 = arith.constant 0 : i32
          %dma_start3A_111 = tpu.memref_slice %arg2[%dma_start3A_109, %dma_start3A_110] : memref<10000x128xf32, #tpu.memory_space<hbm>> -> memref<10000x128xf32, #tpu.memory_space<hbm>>
          tpu.enqueue_indirect_dma source(%dma_start3A_111 : memref<10000x128xf32, #tpu.memory_space<hbm>>) target(%arg15 : memref<128x128xf32, #tpu.memory_space<vmem>>) offsets(%arg9 : memref<128xi32, #tpu.memory_space<vmem>>) semaphore(%arg18 : memref<!tpu.dma_semaphore, #tpu.memory_space<semaphore_mem>>)
          %dma_wait3A_112 = arith.constant 0 : i32
          %dma_wait3A_113 = arith.constant 0 : i32
          %dma_wait3A_114 = tpu.memref_slice %arg2[%dma_wait3A_112, %dma_wait3A_113] : memref<10000x128xf32, #tpu.memory_space<hbm>> -> memref<10000x128xf32, #tpu.memory_space<hbm>>
          tpu.wait_indirect_dma semaphore(%arg18 : memref<!tpu.dma_semaphore, #tpu.memory_space<semaphore_mem>>) src(%dma_wait3A_114 : memref<10000x128xf32, #tpu.memory_space<hbm>>) dst(%arg15 : memref<128x128xf32, #tpu.memory_space<vmem>>)
          %dma_start3A_115 = arith.constant 0 : i32
          %dma_start3A_116 = arith.constant 0 : i32
          %dma_start3A_117 = tpu.memref_slice %arg17[%dma_start3A_115, %dma_start3A_116] : memref<10000x128xf32, #tpu.memory_space<vmem_shared>> -> memref<10000x128xf32, #tpu.memory_space<vmem_shared>>
          tpu.enqueue_indirect_dma source(%arg15 : memref<128x128xf32, #tpu.memory_space<vmem>>) target(%dma_start3A_117 : memref<10000x128xf32, #tpu.memory_space<vmem_shared>>) offsets(%arg13 : memref<128xi32, #tpu.memory_space<vmem>>) semaphore(%arg20 : memref<!tpu.dma_semaphore, #tpu.memory_space<semaphore_mem>>) {add = true}
        } else {
        }
        %mul3A_79 = arith.constant 4 : i32
        %mul3A_80 = arith.muli %mul3A_79, %scan3A_43 : i32
        %add3A_81 = arith.constant 3 : i32
        %add3A_82 = arith.addi %mul3A_80, %add3A_81 : i32
        %mul3A_83 = arith.constant 16 : i32
        %mul3A_84 = arith.muli %add3A_82, %mul3A_83 : i32
        %add3A_85 = arith.addi %mul3A_84, %arg1 : i32
        %lt3A_86 = arith.constant 1250 : i32
        %lt3A_87 = arith.cmpi slt, %add3A_85, %lt3A_86 : i32
        %convert_element_type3A_88 = arith.extui %lt3A_87 : i1 to i32
        %cond3A_89 = arith.constant 0 : i32
        %cond3A_90 = arith.cmpi ne, %convert_element_type3A_88, %cond3A_89 : i32
        scf.if %cond3A_90 {
          %mul3A_91 = arith.constant 128 : i32
          %mul3A_92 = arith.muli %add3A_85, %mul3A_91 : i32
          %dma_wait3A_93 = tpu.memref_slice %arg4[%mul3A_92] : memref<160000xi32, #tpu.memory_space<hbm>> -> memref<128xi32, #tpu.memory_space<hbm>>
          %dma_wait3A_94 = tpu.memref_slice %arg4[%mul3A_92] : memref<160000xi32, #tpu.memory_space<hbm>> -> memref<128xi32, #tpu.memory_space<hbm>>
          tpu.wait_dma2 semaphore(%arg23 : memref<!tpu.dma_semaphore, #tpu.memory_space<semaphore_mem>>) src(%dma_wait3A_94 : memref<128xi32, #tpu.memory_space<hbm>>) dst(%arg10 : memref<128xi32, #tpu.memory_space<vmem>>)
          %mul3A_95 = arith.constant 128 : i32
          %mul3A_96 = arith.muli %add3A_85, %mul3A_95 : i32
          %dma_wait3A_97 = tpu.memref_slice %arg5[%mul3A_96] : memref<160000xi32, #tpu.memory_space<hbm>> -> memref<128xi32, #tpu.memory_space<hbm>>
          %dma_wait3A_98 = tpu.memref_slice %arg5[%mul3A_96] : memref<160000xi32, #tpu.memory_space<hbm>> -> memref<128xi32, #tpu.memory_space<hbm>>
          tpu.wait_dma2 semaphore(%arg23 : memref<!tpu.dma_semaphore, #tpu.memory_space<semaphore_mem>>) src(%dma_wait3A_98 : memref<128xi32, #tpu.memory_space<hbm>>) dst(%arg14 : memref<128xi32, #tpu.memory_space<vmem>>)
          %add3A_99 = arith.constant 16 : i32
          %add3A_100 = arith.addi %add3A_85, %add3A_99 : i32
          %lt3A_101 = arith.constant 1250 : i32
          %lt3A_102 = arith.cmpi slt, %add3A_100, %lt3A_101 : i32
          %convert_element_type3A_103 = arith.extui %lt3A_102 : i1 to i32
          %cond3A_104 = arith.constant 0 : i32
          %cond3A_105 = arith.cmpi ne, %convert_element_type3A_103, %cond3A_104 : i32
          scf.if %cond3A_105 {
            %add3A_118 = arith.constant 16 : i32
            %add3A_119 = arith.addi %add3A_85, %add3A_118 : i32
            %mul3A_120 = arith.constant 128 : i32
            %mul3A_121 = arith.muli %add3A_119, %mul3A_120 : i32
            %dma_start3A_122 = tpu.memref_slice %arg4[%mul3A_121] : memref<160000xi32, #tpu.memory_space<hbm>> -> memref<128xi32, #tpu.memory_space<hbm>>
            %dma_start3A_123 = tpu.memref_slice %arg4[%mul3A_121] : memref<160000xi32, #tpu.memory_space<hbm>> -> memref<128xi32, #tpu.memory_space<hbm>>
            tpu.enqueue_dma source(%dma_start3A_123 : memref<128xi32, #tpu.memory_space<hbm>>) target(%arg9 : memref<128xi32, #tpu.memory_space<vmem>>) target_semaphore(%arg22 : memref<!tpu.dma_semaphore, #tpu.memory_space<semaphore_mem>>)
            %mul3A_124 = arith.constant 128 : i32
            %mul3A_125 = arith.muli %add3A_119, %mul3A_124 : i32
            %dma_start3A_126 = tpu.memref_slice %arg5[%mul3A_125] : memref<160000xi32, #tpu.memory_space<hbm>> -> memref<128xi32, #tpu.memory_space<hbm>>
            %dma_start3A_127 = tpu.memref_slice %arg5[%mul3A_125] : memref<160000xi32, #tpu.memory_space<hbm>> -> memref<128xi32, #tpu.memory_space<hbm>>
            tpu.enqueue_dma source(%dma_start3A_127 : memref<128xi32, #tpu.memory_space<hbm>>) target(%arg11 : memref<128xi32, #tpu.memory_space<vmem>>) target_semaphore(%arg22 : memref<!tpu.dma_semaphore, #tpu.memory_space<semaphore_mem>>)
          } else {
          }
          %dma_wait3A_106 = arith.constant 0 : i32
          %dma_wait3A_107 = arith.constant 0 : i32
          %dma_wait3A_108 = tpu.memref_slice %arg17[%dma_wait3A_106, %dma_wait3A_107] : memref<10000x128xf32, #tpu.memory_space<vmem_shared>> -> memref<10000x128xf32, #tpu.memory_space<vmem_shared>>
          tpu.wait_indirect_dma semaphore(%arg21 : memref<!tpu.dma_semaphore, #tpu.memory_space<semaphore_mem>>) src(%arg16 : memref<128x128xf32, #tpu.memory_space<vmem>>) dst(%dma_wait3A_108 : memref<10000x128xf32, #tpu.memory_space<vmem_shared>>)
          %dma_start3A_109 = arith.constant 0 : i32
          %dma_start3A_110 = arith.constant 0 : i32
          %dma_start3A_111 = tpu.memref_slice %arg2[%dma_start3A_109, %dma_start3A_110] : memref<10000x128xf32, #tpu.memory_space<hbm>> -> memref<10000x128xf32, #tpu.memory_space<hbm>>
          tpu.enqueue_indirect_dma source(%dma_start3A_111 : memref<10000x128xf32, #tpu.memory_space<hbm>>) target(%arg16 : memref<128x128xf32, #tpu.memory_space<vmem>>) offsets(%arg10 : memref<128xi32, #tpu.memory_space<vmem>>) semaphore(%arg19 : memref<!tpu.dma_semaphore, #tpu.memory_space<semaphore_mem>>)
          %dma_wait3A_112 = arith.constant 0 : i32
          %dma_wait3A_113 = arith.constant 0 : i32
          %dma_wait3A_114 = tpu.memref_slice %arg2[%dma_wait3A_112, %dma_wait3A_113] : memref<10000x128xf32, #tpu.memory_space<hbm>> -> memref<10000x128xf32, #tpu.memory_space<hbm>>
          tpu.wait_indirect_dma semaphore(%arg19 : memref<!tpu.dma_semaphore, #tpu.memory_space<semaphore_mem>>) src(%dma_wait3A_114 : memref<10000x128xf32, #tpu.memory_space<hbm>>) dst(%arg16 : memref<128x128xf32, #tpu.memory_space<vmem>>)
          %dma_start3A_115 = arith.constant 0 : i32
          %dma_start3A_116 = arith.constant 0 : i32
          %dma_start3A_117 = tpu.memref_slice %arg17[%dma_start3A_115, %dma_start3A_116] : memref<10000x128xf32, #tpu.memory_space<vmem_shared>> -> memref<10000x128xf32, #tpu.memory_space<vmem_shared>>
          tpu.enqueue_indirect_dma source(%arg16 : memref<128x128xf32, #tpu.memory_space<vmem>>) target(%dma_start3A_117 : memref<10000x128xf32, #tpu.memory_space<vmem_shared>>) offsets(%arg14 : memref<128xi32, #tpu.memory_space<vmem>>) semaphore(%arg21 : memref<!tpu.dma_semaphore, #tpu.memory_space<semaphore_mem>>) {add = true}
        } else {
        }
      }
      %scan3A_37 = arith.constant 20 : i32
      %dma_wait3A = arith.constant 0 : i32
      %dma_wait3A_38 = arith.constant 0 : i32
      %dma_wait3A_39 = tpu.memref_slice %arg17[%dma_wait3A, %dma_wait3A_38] : memref<10000x128xf32, #tpu.memory_space<vmem_shared>> -> memref<10000x128xf32, #tpu.memory_space<vmem_shared>>
      tpu.wait_indirect_dma semaphore(%arg20 : memref<!tpu.dma_semaphore, #tpu.memory_space<semaphore_mem>>) src(%arg15 : memref<128x128xf32, #tpu.memory_space<vmem>>) dst(%dma_wait3A_39 : memref<10000x128xf32, #tpu.memory_space<vmem_shared>>)
      %dma_wait3A_40 = arith.constant 0 : i32
      %dma_wait3A_41 = arith.constant 0 : i32
      %dma_wait3A_42 = tpu.memref_slice %arg17[%dma_wait3A_40, %dma_wait3A_41] : memref<10000x128xf32, #tpu.memory_space<vmem_shared>> -> memref<10000x128xf32, #tpu.memory_space<vmem_shared>>
      tpu.wait_indirect_dma semaphore(%arg21 : memref<!tpu.dma_semaphore, #tpu.memory_space<semaphore_mem>>) src(%arg16 : memref<128x128xf32, #tpu.memory_space<vmem>>) dst(%dma_wait3A_42 : memref<10000x128xf32, #tpu.memory_space<vmem_shared>>)
    } else {
    }
    %eq3A_11 = arith.constant 1 : i32
    %eq3A_12 = arith.cmpi eq, %arg0, %eq3A_11 : i32
    %convert_element_type3A_13 = arith.extui %eq3A_12 : i1 to i32
    %cond3A_14 = arith.constant 0 : i32
    %cond3A_15 = arith.cmpi ne, %convert_element_type3A_13, %cond3A_14 : i32
    scf.if %cond3A_15 {
      %mul3A = arith.constant 128 : i32
      %mul3A_27 = arith.muli %arg1, %mul3A : i32
      %dma_start3A = tpu.memref_slice %arg4[%mul3A_27] : memref<160000xi32, #tpu.memory_space<hbm>> -> memref<128xi32, #tpu.memory_space<hbm>>
      %dma_start3A_28 = tpu.memref_slice %arg4[%mul3A_27] : memref<160000xi32, #tpu.memory_space<hbm>> -> memref<128xi32, #tpu.memory_space<hbm>>
      tpu.enqueue_dma source(%dma_start3A_28 : memref<128xi32, #tpu.memory_space<hbm>>) target(%arg9 : memref<128xi32, #tpu.memory_space<vmem>>) target_semaphore(%arg22 : memref<!tpu.dma_semaphore, #tpu.memory_space<semaphore_mem>>)
      %mul3A_29 = arith.constant 128 : i32
      %mul3A_30 = arith.muli %arg1, %mul3A_29 : i32
      %dma_start3A_31 = tpu.memref_slice %arg5[%mul3A_30] : memref<160000xi32, #tpu.memory_space<hbm>> -> memref<128xi32, #tpu.memory_space<hbm>>
      %dma_start3A_32 = tpu.memref_slice %arg5[%mul3A_30] : memref<160000xi32, #tpu.memory_space<hbm>> -> memref<128xi32, #tpu.memory_space<hbm>>
      tpu.enqueue_dma source(%dma_start3A_32 : memref<128xi32, #tpu.memory_space<hbm>>) target(%arg11 : memref<128xi32, #tpu.memory_space<vmem>>) target_semaphore(%arg22 : memref<!tpu.dma_semaphore, #tpu.memory_space<semaphore_mem>>)
      %scan3A = arith.constant 0 : i32
      %scan3A_33 = arith.constant 0 : i32
      %scan3A_34 = arith.constant 20 : i32
      %scan3A_35 = arith.addi %scan3A_33, %scan3A_34 : i32
      %scan3A_36 = arith.constant 1 : i32
      scf.for %scan3A_43 = %scan3A_33 to %scan3A_35 step %scan3A_36  : i32 {
        %mul3A_44 = arith.constant 4 : i32
        %mul3A_45 = arith.muli %mul3A_44, %scan3A_43 : i32
        %add3A = arith.constant 0 : i32
        %add3A_46 = arith.addi %mul3A_45, %add3A : i32
        %mul3A_47 = arith.constant 16 : i32
        %mul3A_48 = arith.muli %add3A_46, %mul3A_47 : i32
        %add3A_49 = arith.addi %mul3A_48, %arg1 : i32
        %lt3A_50 = arith.constant 1250 : i32
        %lt3A_51 = arith.cmpi slt, %add3A_49, %lt3A_50 : i32
        %convert_element_type3A_52 = arith.extui %lt3A_51 : i1 to i32
        %cond3A_53 = arith.constant 0 : i32
        %cond3A_54 = arith.cmpi ne, %convert_element_type3A_52, %cond3A_53 : i32
        scf.if %cond3A_54 {
          %mul3A_91 = arith.constant 128 : i32
          %mul3A_92 = arith.muli %add3A_49, %mul3A_91 : i32
          %dma_wait3A_93 = tpu.memref_slice %arg4[%mul3A_92] : memref<160000xi32, #tpu.memory_space<hbm>> -> memref<128xi32, #tpu.memory_space<hbm>>
          %dma_wait3A_94 = tpu.memref_slice %arg4[%mul3A_92] : memref<160000xi32, #tpu.memory_space<hbm>> -> memref<128xi32, #tpu.memory_space<hbm>>
          tpu.wait_dma2 semaphore(%arg22 : memref<!tpu.dma_semaphore, #tpu.memory_space<semaphore_mem>>) src(%dma_wait3A_94 : memref<128xi32, #tpu.memory_space<hbm>>) dst(%arg9 : memref<128xi32, #tpu.memory_space<vmem>>)
          %mul3A_95 = arith.constant 128 : i32
          %mul3A_96 = arith.muli %add3A_49, %mul3A_95 : i32
          %dma_wait3A_97 = tpu.memref_slice %arg5[%mul3A_96] : memref<160000xi32, #tpu.memory_space<hbm>> -> memref<128xi32, #tpu.memory_space<hbm>>
          %dma_wait3A_98 = tpu.memref_slice %arg5[%mul3A_96] : memref<160000xi32, #tpu.memory_space<hbm>> -> memref<128xi32, #tpu.memory_space<hbm>>
          tpu.wait_dma2 semaphore(%arg22 : memref<!tpu.dma_semaphore, #tpu.memory_space<semaphore_mem>>) src(%dma_wait3A_98 : memref<128xi32, #tpu.memory_space<hbm>>) dst(%arg11 : memref<128xi32, #tpu.memory_space<vmem>>)
          %add3A_99 = arith.constant 16 : i32
          %add3A_100 = arith.addi %add3A_49, %add3A_99 : i32
          %lt3A_101 = arith.constant 1250 : i32
          %lt3A_102 = arith.cmpi slt, %add3A_100, %lt3A_101 : i32
          %convert_element_type3A_103 = arith.extui %lt3A_102 : i1 to i32
          %cond3A_104 = arith.constant 0 : i32
          %cond3A_105 = arith.cmpi ne, %convert_element_type3A_103, %cond3A_104 : i32
          scf.if %cond3A_105 {
            %add3A_119 = arith.constant 16 : i32
            %add3A_120 = arith.addi %add3A_49, %add3A_119 : i32
            %mul3A_121 = arith.constant 128 : i32
            %mul3A_122 = arith.muli %add3A_120, %mul3A_121 : i32
            %dma_start3A_123 = tpu.memref_slice %arg4[%mul3A_122] : memref<160000xi32, #tpu.memory_space<hbm>> -> memref<128xi32, #tpu.memory_space<hbm>>
            %dma_start3A_124 = tpu.memref_slice %arg4[%mul3A_122] : memref<160000xi32, #tpu.memory_space<hbm>> -> memref<128xi32, #tpu.memory_space<hbm>>
            tpu.enqueue_dma source(%dma_start3A_124 : memref<128xi32, #tpu.memory_space<hbm>>) target(%arg10 : memref<128xi32, #tpu.memory_space<vmem>>) target_semaphore(%arg23 : memref<!tpu.dma_semaphore, #tpu.memory_space<semaphore_mem>>)
            %mul3A_125 = arith.constant 128 : i32
            %mul3A_126 = arith.muli %add3A_120, %mul3A_125 : i32
            %dma_start3A_127 = tpu.memref_slice %arg5[%mul3A_126] : memref<160000xi32, #tpu.memory_space<hbm>> -> memref<128xi32, #tpu.memory_space<hbm>>
            %dma_start3A_128 = tpu.memref_slice %arg5[%mul3A_126] : memref<160000xi32, #tpu.memory_space<hbm>> -> memref<128xi32, #tpu.memory_space<hbm>>
            tpu.enqueue_dma source(%dma_start3A_128 : memref<128xi32, #tpu.memory_space<hbm>>) target(%arg12 : memref<128xi32, #tpu.memory_space<vmem>>) target_semaphore(%arg23 : memref<!tpu.dma_semaphore, #tpu.memory_space<semaphore_mem>>)
          } else {
          }
          %gt3A = arith.constant 0 : i32
          %gt3A_106 = arith.cmpi sgt, %scan3A_43, %gt3A : i32
          %convert_element_type3A_107 = arith.extui %gt3A_106 : i1 to i32
          %cond3A_108 = arith.constant 0 : i32
          %cond3A_109 = arith.cmpi ne, %convert_element_type3A_107, %cond3A_108 : i32
          scf.if %cond3A_109 {
            %dma_wait3A_119 = arith.constant 0 : i32
            %dma_wait3A_120 = arith.constant 0 : i32
            %dma_wait3A_121 = tpu.memref_slice %arg17[%dma_wait3A_119, %dma_wait3A_120] : memref<10000x128xf32, #tpu.memory_space<vmem_shared>> -> memref<10000x128xf32, #tpu.memory_space<vmem_shared>>
            tpu.wait_indirect_dma semaphore(%arg20 : memref<!tpu.dma_semaphore, #tpu.memory_space<semaphore_mem>>) src(%arg15 : memref<128x128xf32, #tpu.memory_space<vmem>>) dst(%dma_wait3A_121 : memref<10000x128xf32, #tpu.memory_space<vmem_shared>>)
          } else {
          }
          %dma_start3A_110 = arith.constant 0 : i32
          %dma_start3A_111 = arith.constant 0 : i32
          %dma_start3A_112 = tpu.memref_slice %arg3[%dma_start3A_110, %dma_start3A_111] : memref<10000x128xf32, #tpu.memory_space<hbm>> -> memref<10000x128xf32, #tpu.memory_space<hbm>>
          tpu.enqueue_indirect_dma source(%dma_start3A_112 : memref<10000x128xf32, #tpu.memory_space<hbm>>) target(%arg15 : memref<128x128xf32, #tpu.memory_space<vmem>>) offsets(%arg9 : memref<128xi32, #tpu.memory_space<vmem>>) semaphore(%arg18 : memref<!tpu.dma_semaphore, #tpu.memory_space<semaphore_mem>>)
          %dma_wait3A_113 = arith.constant 0 : i32
          %dma_wait3A_114 = arith.constant 0 : i32
          %dma_wait3A_115 = tpu.memref_slice %arg3[%dma_wait3A_113, %dma_wait3A_114] : memref<10000x128xf32, #tpu.memory_space<hbm>> -> memref<10000x128xf32, #tpu.memory_space<hbm>>
          tpu.wait_indirect_dma semaphore(%arg18 : memref<!tpu.dma_semaphore, #tpu.memory_space<semaphore_mem>>) src(%dma_wait3A_115 : memref<10000x128xf32, #tpu.memory_space<hbm>>) dst(%arg15 : memref<128x128xf32, #tpu.memory_space<vmem>>)
          %dma_start3A_116 = arith.constant 0 : i32
          %dma_start3A_117 = arith.constant 0 : i32
          %dma_start3A_118 = tpu.memref_slice %arg17[%dma_start3A_116, %dma_start3A_117] : memref<10000x128xf32, #tpu.memory_space<vmem_shared>> -> memref<10000x128xf32, #tpu.memory_space<vmem_shared>>
          tpu.enqueue_indirect_dma source(%arg15 : memref<128x128xf32, #tpu.memory_space<vmem>>) target(%dma_start3A_118 : memref<10000x128xf32, #tpu.memory_space<vmem_shared>>) offsets(%arg11 : memref<128xi32, #tpu.memory_space<vmem>>) semaphore(%arg20 : memref<!tpu.dma_semaphore, #tpu.memory_space<semaphore_mem>>) {add = true}
        } else {
        }
        %mul3A_55 = arith.constant 4 : i32
        %mul3A_56 = arith.muli %mul3A_55, %scan3A_43 : i32
        %add3A_57 = arith.constant 1 : i32
        %add3A_58 = arith.addi %mul3A_56, %add3A_57 : i32
        %mul3A_59 = arith.constant 16 : i32
        %mul3A_60 = arith.muli %add3A_58, %mul3A_59 : i32
        %add3A_61 = arith.addi %mul3A_60, %arg1 : i32
        %lt3A_62 = arith.constant 1250 : i32
        %lt3A_63 = arith.cmpi slt, %add3A_61, %lt3A_62 : i32
        %convert_element_type3A_64 = arith.extui %lt3A_63 : i1 to i32
        %cond3A_65 = arith.constant 0 : i32
        %cond3A_66 = arith.cmpi ne, %convert_element_type3A_64, %cond3A_65 : i32
        scf.if %cond3A_66 {
          %mul3A_91 = arith.constant 128 : i32
          %mul3A_92 = arith.muli %add3A_61, %mul3A_91 : i32
          %dma_wait3A_93 = tpu.memref_slice %arg4[%mul3A_92] : memref<160000xi32, #tpu.memory_space<hbm>> -> memref<128xi32, #tpu.memory_space<hbm>>
          %dma_wait3A_94 = tpu.memref_slice %arg4[%mul3A_92] : memref<160000xi32, #tpu.memory_space<hbm>> -> memref<128xi32, #tpu.memory_space<hbm>>
          tpu.wait_dma2 semaphore(%arg23 : memref<!tpu.dma_semaphore, #tpu.memory_space<semaphore_mem>>) src(%dma_wait3A_94 : memref<128xi32, #tpu.memory_space<hbm>>) dst(%arg10 : memref<128xi32, #tpu.memory_space<vmem>>)
          %mul3A_95 = arith.constant 128 : i32
          %mul3A_96 = arith.muli %add3A_61, %mul3A_95 : i32
          %dma_wait3A_97 = tpu.memref_slice %arg5[%mul3A_96] : memref<160000xi32, #tpu.memory_space<hbm>> -> memref<128xi32, #tpu.memory_space<hbm>>
          %dma_wait3A_98 = tpu.memref_slice %arg5[%mul3A_96] : memref<160000xi32, #tpu.memory_space<hbm>> -> memref<128xi32, #tpu.memory_space<hbm>>
          tpu.wait_dma2 semaphore(%arg23 : memref<!tpu.dma_semaphore, #tpu.memory_space<semaphore_mem>>) src(%dma_wait3A_98 : memref<128xi32, #tpu.memory_space<hbm>>) dst(%arg12 : memref<128xi32, #tpu.memory_space<vmem>>)
          %add3A_99 = arith.constant 16 : i32
          %add3A_100 = arith.addi %add3A_61, %add3A_99 : i32
          %lt3A_101 = arith.constant 1250 : i32
          %lt3A_102 = arith.cmpi slt, %add3A_100, %lt3A_101 : i32
          %convert_element_type3A_103 = arith.extui %lt3A_102 : i1 to i32
          %cond3A_104 = arith.constant 0 : i32
          %cond3A_105 = arith.cmpi ne, %convert_element_type3A_103, %cond3A_104 : i32
          scf.if %cond3A_105 {
            %add3A_119 = arith.constant 16 : i32
            %add3A_120 = arith.addi %add3A_61, %add3A_119 : i32
            %mul3A_121 = arith.constant 128 : i32
            %mul3A_122 = arith.muli %add3A_120, %mul3A_121 : i32
            %dma_start3A_123 = tpu.memref_slice %arg4[%mul3A_122] : memref<160000xi32, #tpu.memory_space<hbm>> -> memref<128xi32, #tpu.memory_space<hbm>>
            %dma_start3A_124 = tpu.memref_slice %arg4[%mul3A_122] : memref<160000xi32, #tpu.memory_space<hbm>> -> memref<128xi32, #tpu.memory_space<hbm>>
            tpu.enqueue_dma source(%dma_start3A_124 : memref<128xi32, #tpu.memory_space<hbm>>) target(%arg9 : memref<128xi32, #tpu.memory_space<vmem>>) target_semaphore(%arg22 : memref<!tpu.dma_semaphore, #tpu.memory_space<semaphore_mem>>)
            %mul3A_125 = arith.constant 128 : i32
            %mul3A_126 = arith.muli %add3A_120, %mul3A_125 : i32
            %dma_start3A_127 = tpu.memref_slice %arg5[%mul3A_126] : memref<160000xi32, #tpu.memory_space<hbm>> -> memref<128xi32, #tpu.memory_space<hbm>>
            %dma_start3A_128 = tpu.memref_slice %arg5[%mul3A_126] : memref<160000xi32, #tpu.memory_space<hbm>> -> memref<128xi32, #tpu.memory_space<hbm>>
            tpu.enqueue_dma source(%dma_start3A_128 : memref<128xi32, #tpu.memory_space<hbm>>) target(%arg13 : memref<128xi32, #tpu.memory_space<vmem>>) target_semaphore(%arg22 : memref<!tpu.dma_semaphore, #tpu.memory_space<semaphore_mem>>)
          } else {
          }
          %gt3A = arith.constant 0 : i32
          %gt3A_106 = arith.cmpi sgt, %scan3A_43, %gt3A : i32
          %convert_element_type3A_107 = arith.extui %gt3A_106 : i1 to i32
          %cond3A_108 = arith.constant 0 : i32
          %cond3A_109 = arith.cmpi ne, %convert_element_type3A_107, %cond3A_108 : i32
          scf.if %cond3A_109 {
            %dma_wait3A_119 = arith.constant 0 : i32
            %dma_wait3A_120 = arith.constant 0 : i32
            %dma_wait3A_121 = tpu.memref_slice %arg17[%dma_wait3A_119, %dma_wait3A_120] : memref<10000x128xf32, #tpu.memory_space<vmem_shared>> -> memref<10000x128xf32, #tpu.memory_space<vmem_shared>>
            tpu.wait_indirect_dma semaphore(%arg21 : memref<!tpu.dma_semaphore, #tpu.memory_space<semaphore_mem>>) src(%arg16 : memref<128x128xf32, #tpu.memory_space<vmem>>) dst(%dma_wait3A_121 : memref<10000x128xf32, #tpu.memory_space<vmem_shared>>)
          } else {
          }
          %dma_start3A_110 = arith.constant 0 : i32
          %dma_start3A_111 = arith.constant 0 : i32
          %dma_start3A_112 = tpu.memref_slice %arg3[%dma_start3A_110, %dma_start3A_111] : memref<10000x128xf32, #tpu.memory_space<hbm>> -> memref<10000x128xf32, #tpu.memory_space<hbm>>
          tpu.enqueue_indirect_dma source(%dma_start3A_112 : memref<10000x128xf32, #tpu.memory_space<hbm>>) target(%arg16 : memref<128x128xf32, #tpu.memory_space<vmem>>) offsets(%arg10 : memref<128xi32, #tpu.memory_space<vmem>>) semaphore(%arg19 : memref<!tpu.dma_semaphore, #tpu.memory_space<semaphore_mem>>)
          %dma_wait3A_113 = arith.constant 0 : i32
          %dma_wait3A_114 = arith.constant 0 : i32
          %dma_wait3A_115 = tpu.memref_slice %arg3[%dma_wait3A_113, %dma_wait3A_114] : memref<10000x128xf32, #tpu.memory_space<hbm>> -> memref<10000x128xf32, #tpu.memory_space<hbm>>
          tpu.wait_indirect_dma semaphore(%arg19 : memref<!tpu.dma_semaphore, #tpu.memory_space<semaphore_mem>>) src(%dma_wait3A_115 : memref<10000x128xf32, #tpu.memory_space<hbm>>) dst(%arg16 : memref<128x128xf32, #tpu.memory_space<vmem>>)
          %dma_start3A_116 = arith.constant 0 : i32
          %dma_start3A_117 = arith.constant 0 : i32
          %dma_start3A_118 = tpu.memref_slice %arg17[%dma_start3A_116, %dma_start3A_117] : memref<10000x128xf32, #tpu.memory_space<vmem_shared>> -> memref<10000x128xf32, #tpu.memory_space<vmem_shared>>
          tpu.enqueue_indirect_dma source(%arg16 : memref<128x128xf32, #tpu.memory_space<vmem>>) target(%dma_start3A_118 : memref<10000x128xf32, #tpu.memory_space<vmem_shared>>) offsets(%arg12 : memref<128xi32, #tpu.memory_space<vmem>>) semaphore(%arg21 : memref<!tpu.dma_semaphore, #tpu.memory_space<semaphore_mem>>) {add = true}
        } else {
        }
        %mul3A_67 = arith.constant 4 : i32
        %mul3A_68 = arith.muli %mul3A_67, %scan3A_43 : i32
        %add3A_69 = arith.constant 2 : i32
        %add3A_70 = arith.addi %mul3A_68, %add3A_69 : i32
        %mul3A_71 = arith.constant 16 : i32
        %mul3A_72 = arith.muli %add3A_70, %mul3A_71 : i32
        %add3A_73 = arith.addi %mul3A_72, %arg1 : i32
        %lt3A_74 = arith.constant 1250 : i32
        %lt3A_75 = arith.cmpi slt, %add3A_73, %lt3A_74 : i32
        %convert_element_type3A_76 = arith.extui %lt3A_75 : i1 to i32
        %cond3A_77 = arith.constant 0 : i32
        %cond3A_78 = arith.cmpi ne, %convert_element_type3A_76, %cond3A_77 : i32
        scf.if %cond3A_78 {
          %mul3A_91 = arith.constant 128 : i32
          %mul3A_92 = arith.muli %add3A_73, %mul3A_91 : i32
          %dma_wait3A_93 = tpu.memref_slice %arg4[%mul3A_92] : memref<160000xi32, #tpu.memory_space<hbm>> -> memref<128xi32, #tpu.memory_space<hbm>>
          %dma_wait3A_94 = tpu.memref_slice %arg4[%mul3A_92] : memref<160000xi32, #tpu.memory_space<hbm>> -> memref<128xi32, #tpu.memory_space<hbm>>
          tpu.wait_dma2 semaphore(%arg22 : memref<!tpu.dma_semaphore, #tpu.memory_space<semaphore_mem>>) src(%dma_wait3A_94 : memref<128xi32, #tpu.memory_space<hbm>>) dst(%arg9 : memref<128xi32, #tpu.memory_space<vmem>>)
          %mul3A_95 = arith.constant 128 : i32
          %mul3A_96 = arith.muli %add3A_73, %mul3A_95 : i32
          %dma_wait3A_97 = tpu.memref_slice %arg5[%mul3A_96] : memref<160000xi32, #tpu.memory_space<hbm>> -> memref<128xi32, #tpu.memory_space<hbm>>
          %dma_wait3A_98 = tpu.memref_slice %arg5[%mul3A_96] : memref<160000xi32, #tpu.memory_space<hbm>> -> memref<128xi32, #tpu.memory_space<hbm>>
          tpu.wait_dma2 semaphore(%arg22 : memref<!tpu.dma_semaphore, #tpu.memory_space<semaphore_mem>>) src(%dma_wait3A_98 : memref<128xi32, #tpu.memory_space<hbm>>) dst(%arg13 : memref<128xi32, #tpu.memory_space<vmem>>)
          %add3A_99 = arith.constant 16 : i32
          %add3A_100 = arith.addi %add3A_73, %add3A_99 : i32
          %lt3A_101 = arith.constant 1250 : i32
          %lt3A_102 = arith.cmpi slt, %add3A_100, %lt3A_101 : i32
          %convert_element_type3A_103 = arith.extui %lt3A_102 : i1 to i32
          %cond3A_104 = arith.constant 0 : i32
          %cond3A_105 = arith.cmpi ne, %convert_element_type3A_103, %cond3A_104 : i32
          scf.if %cond3A_105 {
            %add3A_118 = arith.constant 16 : i32
            %add3A_119 = arith.addi %add3A_73, %add3A_118 : i32
            %mul3A_120 = arith.constant 128 : i32
            %mul3A_121 = arith.muli %add3A_119, %mul3A_120 : i32
            %dma_start3A_122 = tpu.memref_slice %arg4[%mul3A_121] : memref<160000xi32, #tpu.memory_space<hbm>> -> memref<128xi32, #tpu.memory_space<hbm>>
            %dma_start3A_123 = tpu.memref_slice %arg4[%mul3A_121] : memref<160000xi32, #tpu.memory_space<hbm>> -> memref<128xi32, #tpu.memory_space<hbm>>
            tpu.enqueue_dma source(%dma_start3A_123 : memref<128xi32, #tpu.memory_space<hbm>>) target(%arg10 : memref<128xi32, #tpu.memory_space<vmem>>) target_semaphore(%arg23 : memref<!tpu.dma_semaphore, #tpu.memory_space<semaphore_mem>>)
            %mul3A_124 = arith.constant 128 : i32
            %mul3A_125 = arith.muli %add3A_119, %mul3A_124 : i32
            %dma_start3A_126 = tpu.memref_slice %arg5[%mul3A_125] : memref<160000xi32, #tpu.memory_space<hbm>> -> memref<128xi32, #tpu.memory_space<hbm>>
            %dma_start3A_127 = tpu.memref_slice %arg5[%mul3A_125] : memref<160000xi32, #tpu.memory_space<hbm>> -> memref<128xi32, #tpu.memory_space<hbm>>
            tpu.enqueue_dma source(%dma_start3A_127 : memref<128xi32, #tpu.memory_space<hbm>>) target(%arg14 : memref<128xi32, #tpu.memory_space<vmem>>) target_semaphore(%arg23 : memref<!tpu.dma_semaphore, #tpu.memory_space<semaphore_mem>>)
          } else {
          }
          %dma_wait3A_106 = arith.constant 0 : i32
          %dma_wait3A_107 = arith.constant 0 : i32
          %dma_wait3A_108 = tpu.memref_slice %arg17[%dma_wait3A_106, %dma_wait3A_107] : memref<10000x128xf32, #tpu.memory_space<vmem_shared>> -> memref<10000x128xf32, #tpu.memory_space<vmem_shared>>
          tpu.wait_indirect_dma semaphore(%arg20 : memref<!tpu.dma_semaphore, #tpu.memory_space<semaphore_mem>>) src(%arg15 : memref<128x128xf32, #tpu.memory_space<vmem>>) dst(%dma_wait3A_108 : memref<10000x128xf32, #tpu.memory_space<vmem_shared>>)
          %dma_start3A_109 = arith.constant 0 : i32
          %dma_start3A_110 = arith.constant 0 : i32
          %dma_start3A_111 = tpu.memref_slice %arg3[%dma_start3A_109, %dma_start3A_110] : memref<10000x128xf32, #tpu.memory_space<hbm>> -> memref<10000x128xf32, #tpu.memory_space<hbm>>
          tpu.enqueue_indirect_dma source(%dma_start3A_111 : memref<10000x128xf32, #tpu.memory_space<hbm>>) target(%arg15 : memref<128x128xf32, #tpu.memory_space<vmem>>) offsets(%arg9 : memref<128xi32, #tpu.memory_space<vmem>>) semaphore(%arg18 : memref<!tpu.dma_semaphore, #tpu.memory_space<semaphore_mem>>)
          %dma_wait3A_112 = arith.constant 0 : i32
          %dma_wait3A_113 = arith.constant 0 : i32
          %dma_wait3A_114 = tpu.memref_slice %arg3[%dma_wait3A_112, %dma_wait3A_113] : memref<10000x128xf32, #tpu.memory_space<hbm>> -> memref<10000x128xf32, #tpu.memory_space<hbm>>
          tpu.wait_indirect_dma semaphore(%arg18 : memref<!tpu.dma_semaphore, #tpu.memory_space<semaphore_mem>>) src(%dma_wait3A_114 : memref<10000x128xf32, #tpu.memory_space<hbm>>) dst(%arg15 : memref<128x128xf32, #tpu.memory_space<vmem>>)
          %dma_start3A_115 = arith.constant 0 : i32
          %dma_start3A_116 = arith.constant 0 : i32
          %dma_start3A_117 = tpu.memref_slice %arg17[%dma_start3A_115, %dma_start3A_116] : memref<10000x128xf32, #tpu.memory_space<vmem_shared>> -> memref<10000x128xf32, #tpu.memory_space<vmem_shared>>
          tpu.enqueue_indirect_dma source(%arg15 : memref<128x128xf32, #tpu.memory_space<vmem>>) target(%dma_start3A_117 : memref<10000x128xf32, #tpu.memory_space<vmem_shared>>) offsets(%arg13 : memref<128xi32, #tpu.memory_space<vmem>>) semaphore(%arg20 : memref<!tpu.dma_semaphore, #tpu.memory_space<semaphore_mem>>) {add = true}
        } else {
        }
        %mul3A_79 = arith.constant 4 : i32
        %mul3A_80 = arith.muli %mul3A_79, %scan3A_43 : i32
        %add3A_81 = arith.constant 3 : i32
        %add3A_82 = arith.addi %mul3A_80, %add3A_81 : i32
        %mul3A_83 = arith.constant 16 : i32
        %mul3A_84 = arith.muli %add3A_82, %mul3A_83 : i32
        %add3A_85 = arith.addi %mul3A_84, %arg1 : i32
        %lt3A_86 = arith.constant 1250 : i32
        %lt3A_87 = arith.cmpi slt, %add3A_85, %lt3A_86 : i32
        %convert_element_type3A_88 = arith.extui %lt3A_87 : i1 to i32
        %cond3A_89 = arith.constant 0 : i32
        %cond3A_90 = arith.cmpi ne, %convert_element_type3A_88, %cond3A_89 : i32
        scf.if %cond3A_90 {
          %mul3A_91 = arith.constant 128 : i32
          %mul3A_92 = arith.muli %add3A_85, %mul3A_91 : i32
          %dma_wait3A_93 = tpu.memref_slice %arg4[%mul3A_92] : memref<160000xi32, #tpu.memory_space<hbm>> -> memref<128xi32, #tpu.memory_space<hbm>>
          %dma_wait3A_94 = tpu.memref_slice %arg4[%mul3A_92] : memref<160000xi32, #tpu.memory_space<hbm>> -> memref<128xi32, #tpu.memory_space<hbm>>
          tpu.wait_dma2 semaphore(%arg23 : memref<!tpu.dma_semaphore, #tpu.memory_space<semaphore_mem>>) src(%dma_wait3A_94 : memref<128xi32, #tpu.memory_space<hbm>>) dst(%arg10 : memref<128xi32, #tpu.memory_space<vmem>>)
          %mul3A_95 = arith.constant 128 : i32
          %mul3A_96 = arith.muli %add3A_85, %mul3A_95 : i32
          %dma_wait3A_97 = tpu.memref_slice %arg5[%mul3A_96] : memref<160000xi32, #tpu.memory_space<hbm>> -> memref<128xi32, #tpu.memory_space<hbm>>
          %dma_wait3A_98 = tpu.memref_slice %arg5[%mul3A_96] : memref<160000xi32, #tpu.memory_space<hbm>> -> memref<128xi32, #tpu.memory_space<hbm>>
          tpu.wait_dma2 semaphore(%arg23 : memref<!tpu.dma_semaphore, #tpu.memory_space<semaphore_mem>>) src(%dma_wait3A_98 : memref<128xi32, #tpu.memory_space<hbm>>) dst(%arg14 : memref<128xi32, #tpu.memory_space<vmem>>)
          %add3A_99 = arith.constant 16 : i32
          %add3A_100 = arith.addi %add3A_85, %add3A_99 : i32
          %lt3A_101 = arith.constant 1250 : i32
          %lt3A_102 = arith.cmpi slt, %add3A_100, %lt3A_101 : i32
          %convert_element_type3A_103 = arith.extui %lt3A_102 : i1 to i32
          %cond3A_104 = arith.constant 0 : i32
          %cond3A_105 = arith.cmpi ne, %convert_element_type3A_103, %cond3A_104 : i32
          scf.if %cond3A_105 {
            %add3A_118 = arith.constant 16 : i32
            %add3A_119 = arith.addi %add3A_85, %add3A_118 : i32
            %mul3A_120 = arith.constant 128 : i32
            %mul3A_121 = arith.muli %add3A_119, %mul3A_120 : i32
            %dma_start3A_122 = tpu.memref_slice %arg4[%mul3A_121] : memref<160000xi32, #tpu.memory_space<hbm>> -> memref<128xi32, #tpu.memory_space<hbm>>
            %dma_start3A_123 = tpu.memref_slice %arg4[%mul3A_121] : memref<160000xi32, #tpu.memory_space<hbm>> -> memref<128xi32, #tpu.memory_space<hbm>>
            tpu.enqueue_dma source(%dma_start3A_123 : memref<128xi32, #tpu.memory_space<hbm>>) target(%arg9 : memref<128xi32, #tpu.memory_space<vmem>>) target_semaphore(%arg22 : memref<!tpu.dma_semaphore, #tpu.memory_space<semaphore_mem>>)
            %mul3A_124 = arith.constant 128 : i32
            %mul3A_125 = arith.muli %add3A_119, %mul3A_124 : i32
            %dma_start3A_126 = tpu.memref_slice %arg5[%mul3A_125] : memref<160000xi32, #tpu.memory_space<hbm>> -> memref<128xi32, #tpu.memory_space<hbm>>
            %dma_start3A_127 = tpu.memref_slice %arg5[%mul3A_125] : memref<160000xi32, #tpu.memory_space<hbm>> -> memref<128xi32, #tpu.memory_space<hbm>>
            tpu.enqueue_dma source(%dma_start3A_127 : memref<128xi32, #tpu.memory_space<hbm>>) target(%arg11 : memref<128xi32, #tpu.memory_space<vmem>>) target_semaphore(%arg22 : memref<!tpu.dma_semaphore, #tpu.memory_space<semaphore_mem>>)
          } else {
          }
          %dma_wait3A_106 = arith.constant 0 : i32
          %dma_wait3A_107 = arith.constant 0 : i32
          %dma_wait3A_108 = tpu.memref_slice %arg17[%dma_wait3A_106, %dma_wait3A_107] : memref<10000x128xf32, #tpu.memory_space<vmem_shared>> -> memref<10000x128xf32, #tpu.memory_space<vmem_shared>>
          tpu.wait_indirect_dma semaphore(%arg21 : memref<!tpu.dma_semaphore, #tpu.memory_space<semaphore_mem>>) src(%arg16 : memref<128x128xf32, #tpu.memory_space<vmem>>) dst(%dma_wait3A_108 : memref<10000x128xf32, #tpu.memory_space<vmem_shared>>)
          %dma_start3A_109 = arith.constant 0 : i32
          %dma_start3A_110 = arith.constant 0 : i32
          %dma_start3A_111 = tpu.memref_slice %arg3[%dma_start3A_109, %dma_start3A_110] : memref<10000x128xf32, #tpu.memory_space<hbm>> -> memref<10000x128xf32, #tpu.memory_space<hbm>>
          tpu.enqueue_indirect_dma source(%dma_start3A_111 : memref<10000x128xf32, #tpu.memory_space<hbm>>) target(%arg16 : memref<128x128xf32, #tpu.memory_space<vmem>>) offsets(%arg10 : memref<128xi32, #tpu.memory_space<vmem>>) semaphore(%arg19 : memref<!tpu.dma_semaphore, #tpu.memory_space<semaphore_mem>>)
          %dma_wait3A_112 = arith.constant 0 : i32
          %dma_wait3A_113 = arith.constant 0 : i32
          %dma_wait3A_114 = tpu.memref_slice %arg3[%dma_wait3A_112, %dma_wait3A_113] : memref<10000x128xf32, #tpu.memory_space<hbm>> -> memref<10000x128xf32, #tpu.memory_space<hbm>>
          tpu.wait_indirect_dma semaphore(%arg19 : memref<!tpu.dma_semaphore, #tpu.memory_space<semaphore_mem>>) src(%dma_wait3A_114 : memref<10000x128xf32, #tpu.memory_space<hbm>>) dst(%arg16 : memref<128x128xf32, #tpu.memory_space<vmem>>)
          %dma_start3A_115 = arith.constant 0 : i32
          %dma_start3A_116 = arith.constant 0 : i32
          %dma_start3A_117 = tpu.memref_slice %arg17[%dma_start3A_115, %dma_start3A_116] : memref<10000x128xf32, #tpu.memory_space<vmem_shared>> -> memref<10000x128xf32, #tpu.memory_space<vmem_shared>>
          tpu.enqueue_indirect_dma source(%arg16 : memref<128x128xf32, #tpu.memory_space<vmem>>) target(%dma_start3A_117 : memref<10000x128xf32, #tpu.memory_space<vmem_shared>>) offsets(%arg14 : memref<128xi32, #tpu.memory_space<vmem>>) semaphore(%arg21 : memref<!tpu.dma_semaphore, #tpu.memory_space<semaphore_mem>>) {add = true}
        } else {
        }
      }
      %scan3A_37 = arith.constant 20 : i32
      %dma_wait3A = arith.constant 0 : i32
      %dma_wait3A_38 = arith.constant 0 : i32
      %dma_wait3A_39 = tpu.memref_slice %arg17[%dma_wait3A, %dma_wait3A_38] : memref<10000x128xf32, #tpu.memory_space<vmem_shared>> -> memref<10000x128xf32, #tpu.memory_space<vmem_shared>>
      tpu.wait_indirect_dma semaphore(%arg20 : memref<!tpu.dma_semaphore, #tpu.memory_space<semaphore_mem>>) src(%arg15 : memref<128x128xf32, #tpu.memory_space<vmem>>) dst(%dma_wait3A_39 : memref<10000x128xf32, #tpu.memory_space<vmem_shared>>)
      %dma_wait3A_40 = arith.constant 0 : i32
      %dma_wait3A_41 = arith.constant 0 : i32
      %dma_wait3A_42 = tpu.memref_slice %arg17[%dma_wait3A_40, %dma_wait3A_41] : memref<10000x128xf32, #tpu.memory_space<vmem_shared>> -> memref<10000x128xf32, #tpu.memory_space<vmem_shared>>
      tpu.wait_indirect_dma semaphore(%arg21 : memref<!tpu.dma_semaphore, #tpu.memory_space<semaphore_mem>>) src(%arg16 : memref<128x128xf32, #tpu.memory_space<vmem>>) dst(%dma_wait3A_42 : memref<10000x128xf32, #tpu.memory_space<vmem_shared>>)
    } else {
    }
    %barrier3A_16 = arith.constant 0 : index
    tpu.barrier barrier_id(%barrier3A_16)
    %eq3A_17 = arith.constant 0 : i32
    %eq3A_18 = arith.cmpi eq, %arg0, %eq3A_17 : i32
    %convert_element_type3A_19 = arith.extui %eq3A_18 : i1 to i32
    %cond3A_20 = arith.constant 0 : i32
    %cond3A_21 = arith.cmpi ne, %convert_element_type3A_19, %cond3A_20 : i32
    scf.if %cond3A_21 {
      %lt3A_27 = arith.constant 15 : i32
      %lt3A_28 = arith.cmpi slt, %arg1, %lt3A_27 : i32
      %convert_element_type3A_29 = arith.extui %lt3A_28 : i1 to i32
      %cond3A_30 = arith.constant 0 : i32
      %cond3A_31 = arith.cmpi ne, %convert_element_type3A_29, %cond3A_30 : i32
      scf.if %cond3A_31 {
        %mul3A = arith.constant 624 : i32
        %mul3A_37 = arith.muli %arg1, %mul3A : i32
        %mul3A_38 = arith.constant 624 : i32
        %mul3A_39 = arith.muli %arg1, %mul3A_38 : i32
        "tpu.region"() ({
          %run_scoped3A = tpu.sem_alloc : memref<!tpu.dma_semaphore, #tpu.memory_space<semaphore_mem>>
          %dma_start3A = arith.constant 0 : i32
          %dma_start3A_40 = tpu.memref_slice %arg7[%mul3A_39, %dma_start3A] : memref<10000x128xf32, #tpu.memory_space<hbm>> -> memref<624x128xf32, #tpu.memory_space<hbm>>
          %dma_start3A_41 = arith.constant 0 : i32
          %dma_start3A_42 = tpu.memref_slice %arg17[%mul3A_37, %dma_start3A_41] : memref<10000x128xf32, #tpu.memory_space<vmem_shared>> -> memref<624x128xf32, #tpu.memory_space<vmem_shared>>
          tpu.enqueue_dma source(%dma_start3A_42 : memref<624x128xf32, #tpu.memory_space<vmem_shared>>) target(%dma_start3A_40 : memref<624x128xf32, #tpu.memory_space<hbm>>) target_semaphore(%run_scoped3A : memref<!tpu.dma_semaphore, #tpu.memory_space<semaphore_mem>>)
          %dma_wait3A = arith.constant 0 : i32
          %dma_wait3A_43 = tpu.memref_slice %arg7[%mul3A_39, %dma_wait3A] : memref<10000x128xf32, #tpu.memory_space<hbm>> -> memref<624x128xf32, #tpu.memory_space<hbm>>
          %dma_wait3A_44 = arith.constant 0 : i32
          %dma_wait3A_45 = tpu.memref_slice %arg17[%mul3A_37, %dma_wait3A_44] : memref<10000x128xf32, #tpu.memory_space<vmem_shared>> -> memref<624x128xf32, #tpu.memory_space<vmem_shared>>
          tpu.wait_dma2 semaphore(%run_scoped3A : memref<!tpu.dma_semaphore, #tpu.memory_space<semaphore_mem>>) src(%dma_wait3A_45 : memref<624x128xf32, #tpu.memory_space<vmem_shared>>) dst(%dma_wait3A_43 : memref<624x128xf32, #tpu.memory_space<hbm>>)
          tpu.yield
        }) : () -> ()
      } else {
      }
      %eq3A_32 = arith.constant 15 : i32
      %eq3A_33 = arith.cmpi eq, %arg1, %eq3A_32 : i32
      %convert_element_type3A_34 = arith.extui %eq3A_33 : i1 to i32
      %cond3A_35 = arith.constant 0 : i32
      %cond3A_36 = arith.cmpi ne, %convert_element_type3A_34, %cond3A_35 : i32
      scf.if %cond3A_36 {
        "tpu.region"() ({
          %run_scoped3A = tpu.sem_alloc : memref<!tpu.dma_semaphore, #tpu.memory_space<semaphore_mem>>
          %dma_start3A = arith.constant 9360 : i32
          %dma_start3A_37 = arith.constant 0 : i32
          %dma_start3A_38 = tpu.memref_slice %arg7[%dma_start3A, %dma_start3A_37] : memref<10000x128xf32, #tpu.memory_space<hbm>> -> memref<640x128xf32, #tpu.memory_space<hbm>>
          %dma_start3A_39 = arith.constant 9360 : i32
          %dma_start3A_40 = arith.constant 0 : i32
          %dma_start3A_41 = tpu.memref_slice %arg17[%dma_start3A_39, %dma_start3A_40] : memref<10000x128xf32, #tpu.memory_space<vmem_shared>> -> memref<640x128xf32, #tpu.memory_space<vmem_shared>>
          tpu.enqueue_dma source(%dma_start3A_41 : memref<640x128xf32, #tpu.memory_space<vmem_shared>>) target(%dma_start3A_38 : memref<640x128xf32, #tpu.memory_space<hbm>>) target_semaphore(%run_scoped3A : memref<!tpu.dma_semaphore, #tpu.memory_space<semaphore_mem>>)
          %dma_wait3A = arith.constant 9360 : i32
          %dma_wait3A_42 = arith.constant 0 : i32
          %dma_wait3A_43 = tpu.memref_slice %arg7[%dma_wait3A, %dma_wait3A_42] : memref<10000x128xf32, #tpu.memory_space<hbm>> -> memref<640x128xf32, #tpu.memory_space<hbm>>
          %dma_wait3A_44 = arith.constant 9360 : i32
          %dma_wait3A_45 = arith.constant 0 : i32
          %dma_wait3A_46 = tpu.memref_slice %arg17[%dma_wait3A_44, %dma_wait3A_45] : memref<10000x128xf32, #tpu.memory_space<vmem_shared>> -> memref<640x128xf32, #tpu.memory_space<vmem_shared>>
          tpu.wait_dma2 semaphore(%run_scoped3A : memref<!tpu.dma_semaphore, #tpu.memory_space<semaphore_mem>>) src(%dma_wait3A_46 : memref<640x128xf32, #tpu.memory_space<vmem_shared>>) dst(%dma_wait3A_43 : memref<640x128xf32, #tpu.memory_space<hbm>>)
          tpu.yield
        }) : () -> ()
      } else {
      }
    } else {
    }
    %eq3A_22 = arith.constant 1 : i32
    %eq3A_23 = arith.cmpi eq, %arg0, %eq3A_22 : i32
    %convert_element_type3A_24 = arith.extui %eq3A_23 : i1 to i32
    %cond3A_25 = arith.constant 0 : i32
    %cond3A_26 = arith.cmpi ne, %convert_element_type3A_24, %cond3A_25 : i32
    scf.if %cond3A_26 {
      %lt3A_27 = arith.constant 15 : i32
      %lt3A_28 = arith.cmpi slt, %arg1, %lt3A_27 : i32
      %convert_element_type3A_29 = arith.extui %lt3A_28 : i1 to i32
      %cond3A_30 = arith.constant 0 : i32
      %cond3A_31 = arith.cmpi ne, %convert_element_type3A_29, %cond3A_30 : i32
      scf.if %cond3A_31 {
        %mul3A = arith.constant 624 : i32
        %mul3A_37 = arith.muli %arg1, %mul3A : i32
        %mul3A_38 = arith.constant 624 : i32
        %mul3A_39 = arith.muli %arg1, %mul3A_38 : i32
        "tpu.region"() ({
          %run_scoped3A = tpu.sem_alloc : memref<!tpu.dma_semaphore, #tpu.memory_space<semaphore_mem>>
          %dma_start3A = arith.constant 0 : i32
          %dma_start3A_40 = tpu.memref_slice %arg8[%mul3A_39, %dma_start3A] : memref<10000x128xf32, #tpu.memory_space<hbm>> -> memref<624x128xf32, #tpu.memory_space<hbm>>
          %dma_start3A_41 = arith.constant 0 : i32
          %dma_start3A_42 = tpu.memref_slice %arg17[%mul3A_37, %dma_start3A_41] : memref<10000x128xf32, #tpu.memory_space<vmem_shared>> -> memref<624x128xf32, #tpu.memory_space<vmem_shared>>
          tpu.enqueue_dma source(%dma_start3A_42 : memref<624x128xf32, #tpu.memory_space<vmem_shared>>) target(%dma_start3A_40 : memref<624x128xf32, #tpu.memory_space<hbm>>) target_semaphore(%run_scoped3A : memref<!tpu.dma_semaphore, #tpu.memory_space<semaphore_mem>>)
          %dma_wait3A = arith.constant 0 : i32
          %dma_wait3A_43 = tpu.memref_slice %arg8[%mul3A_39, %dma_wait3A] : memref<10000x128xf32, #tpu.memory_space<hbm>> -> memref<624x128xf32, #tpu.memory_space<hbm>>
          %dma_wait3A_44 = arith.constant 0 : i32
          %dma_wait3A_45 = tpu.memref_slice %arg17[%mul3A_37, %dma_wait3A_44] : memref<10000x128xf32, #tpu.memory_space<vmem_shared>> -> memref<624x128xf32, #tpu.memory_space<vmem_shared>>
          tpu.wait_dma2 semaphore(%run_scoped3A : memref<!tpu.dma_semaphore, #tpu.memory_space<semaphore_mem>>) src(%dma_wait3A_45 : memref<624x128xf32, #tpu.memory_space<vmem_shared>>) dst(%dma_wait3A_43 : memref<624x128xf32, #tpu.memory_space<hbm>>)
          tpu.yield
        }) : () -> ()
      } else {
      }
      %eq3A_32 = arith.constant 15 : i32
      %eq3A_33 = arith.cmpi eq, %arg1, %eq3A_32 : i32
      %convert_element_type3A_34 = arith.extui %eq3A_33 : i1 to i32
      %cond3A_35 = arith.constant 0 : i32
      %cond3A_36 = arith.cmpi ne, %convert_element_type3A_34, %cond3A_35 : i32
      scf.if %cond3A_36 {
        "tpu.region"() ({
          %run_scoped3A = tpu.sem_alloc : memref<!tpu.dma_semaphore, #tpu.memory_space<semaphore_mem>>
          %dma_start3A = arith.constant 9360 : i32
          %dma_start3A_37 = arith.constant 0 : i32
          %dma_start3A_38 = tpu.memref_slice %arg8[%dma_start3A, %dma_start3A_37] : memref<10000x128xf32, #tpu.memory_space<hbm>> -> memref<640x128xf32, #tpu.memory_space<hbm>>
          %dma_start3A_39 = arith.constant 9360 : i32
          %dma_start3A_40 = arith.constant 0 : i32
          %dma_start3A_41 = tpu.memref_slice %arg17[%dma_start3A_39, %dma_start3A_40] : memref<10000x128xf32, #tpu.memory_space<vmem_shared>> -> memref<640x128xf32, #tpu.memory_space<vmem_shared>>
          tpu.enqueue_dma source(%dma_start3A_41 : memref<640x128xf32, #tpu.memory_space<vmem_shared>>) target(%dma_start3A_38 : memref<640x128xf32, #tpu.memory_space<hbm>>) target_semaphore(%run_scoped3A : memref<!tpu.dma_semaphore, #tpu.memory_space<semaphore_mem>>)
          %dma_wait3A = arith.constant 9360 : i32
          %dma_wait3A_42 = arith.constant 0 : i32
          %dma_wait3A_43 = tpu.memref_slice %arg8[%dma_wait3A, %dma_wait3A_42] : memref<10000x128xf32, #tpu.memory_space<hbm>> -> memref<640x128xf32, #tpu.memory_space<hbm>>
          %dma_wait3A_44 = arith.constant 9360 : i32
          %dma_wait3A_45 = arith.constant 0 : i32
          %dma_wait3A_46 = tpu.memref_slice %arg17[%dma_wait3A_44, %dma_wait3A_45] : memref<10000x128xf32, #tpu.memory_space<vmem_shared>> -> memref<640x128xf32, #tpu.memory_space<vmem_shared>>
          tpu.wait_dma2 semaphore(%run_scoped3A : memref<!tpu.dma_semaphore, #tpu.memory_space<semaphore_mem>>) src(%dma_wait3A_46 : memref<640x128xf32, #tpu.memory_space<vmem_shared>>) dst(%dma_wait3A_43 : memref<640x128xf32, #tpu.memory_space<hbm>>)
          tpu.yield
        }) : () -> ()
      } else {
      }
    } else {
    }
    return
  }
}

#map = affine_map<(d0, d1) -> (0, 0)>
#map1 = affine_map<(d0, d1) -> (0)>
module attributes {stable_mosaic.version = 14 : i64} {
  func.func @_sc_stage2(%arg0: i32, %arg1: i32, %arg2: memref<10000x128xf32, #tpu.memory_space<hbm>>, %arg3: memref<10000x128xf32, #tpu.memory_space<hbm>>, %arg4: memref<10000x128xf32, #tpu.memory_space<hbm>>, %arg5: memref<10000x128xf32, #tpu.memory_space<hbm>>, %arg6: memref<160000xi32, #tpu.memory_space<hbm>>, %arg7: memref<160000xi32, #tpu.memory_space<hbm>>, %arg8: memref<640x128xf32, #tpu.memory_space<hbm>>, %arg9: memref<10000x128xf32, #tpu.memory_space<hbm>>, %arg10: memref<10000x128xf32, #tpu.memory_space<hbm>>, %arg11: memref<10000x128xf32, #tpu.memory_space<hbm>>, %arg12: memref<10000x128xf32, #tpu.memory_space<hbm>>, %arg13: memref<128xi32, #tpu.memory_space<vmem>>, %arg14: memref<128xi32, #tpu.memory_space<vmem>>, %arg15: memref<128xi32, #tpu.memory_space<vmem>>, %arg16: memref<128xi32, #tpu.memory_space<vmem>>, %arg17: memref<128xi32, #tpu.memory_space<vmem>>, %arg18: memref<128xi32, #tpu.memory_space<vmem>>, %arg19: memref<128x128xf32, #tpu.memory_space<vmem>>, %arg20: memref<128x128xf32, #tpu.memory_space<vmem>>, %arg21: memref<10000x128xf32, #tpu.memory_space<vmem_shared>>, %arg22: memref<!tpu.dma_semaphore, #tpu.memory_space<semaphore_mem>>, %arg23: memref<!tpu.dma_semaphore, #tpu.memory_space<semaphore_mem>>, %arg24: memref<!tpu.dma_semaphore, #tpu.memory_space<semaphore_mem>>, %arg25: memref<!tpu.dma_semaphore, #tpu.memory_space<semaphore_mem>>, %arg26: memref<!tpu.dma_semaphore, #tpu.memory_space<semaphore_mem>>, %arg27: memref<!tpu.dma_semaphore, #tpu.memory_space<semaphore_mem>>) attributes {dimension_semantics = [#tpu.dimension_semantics<core_parallel>, #tpu.dimension_semantics<subcore_parallel>], iteration_bounds = array<i64: 2, 16>, scalar_prefetch = 0 : i64, scratch_operands = 15 : i64, tpu.core_type = #tpu.core_type<sc_vector_subcore>, window_params = [{transform_indices = #map}, {transform_indices = #map}, {transform_indices = #map}, {transform_indices = #map}, {transform_indices = #map1}, {transform_indices = #map1}, {transform_indices = #map}, {transform_indices = #map}, {transform_indices = #map}, {transform_indices = #map}, {transform_indices = #map}]} {
    %eq3A = arith.constant 0 : i32
    %eq3A_0 = arith.cmpi eq, %arg0, %eq3A : i32
    %convert_element_type3A = arith.extui %eq3A_0 : i1 to i32
    %cond3A = arith.constant 0 : i32
    %cond3A_1 = arith.cmpi ne, %convert_element_type3A, %cond3A : i32
    scf.if %cond3A_1 {
      %lt3A = arith.constant 15 : i32
      %lt3A_7 = arith.cmpi slt, %arg1, %lt3A : i32
      %convert_element_type3A_8 = arith.extui %lt3A_7 : i1 to i32
      %cond3A_9 = arith.constant 0 : i32
      %cond3A_10 = arith.cmpi ne, %convert_element_type3A_8, %cond3A_9 : i32
      scf.if %cond3A_10 {
        %mul3A_87 = arith.constant 624 : i32
        %mul3A_88 = arith.muli %arg1, %mul3A_87 : i32
        "tpu.region"() ({
          %run_scoped3A = tpu.sem_alloc : memref<!tpu.dma_semaphore, #tpu.memory_space<semaphore_mem>>
          %dma_start3A_89 = arith.constant 0 : i32
          %dma_start3A_90 = tpu.memref_slice %arg21[%mul3A_88, %dma_start3A_89] : memref<10000x128xf32, #tpu.memory_space<vmem_shared>> -> memref<624x128xf32, #tpu.memory_space<vmem_shared>>
          %dma_start3A_91 = arith.constant 0 : i32
          %dma_start3A_92 = arith.constant 0 : i32
          %dma_start3A_93 = tpu.memref_slice %arg8[%dma_start3A_91, %dma_start3A_92] : memref<640x128xf32, #tpu.memory_space<hbm>> -> memref<624x128xf32, #tpu.memory_space<hbm>>
          tpu.enqueue_dma source(%dma_start3A_93 : memref<624x128xf32, #tpu.memory_space<hbm>>) target(%dma_start3A_90 : memref<624x128xf32, #tpu.memory_space<vmem_shared>>) target_semaphore(%run_scoped3A : memref<!tpu.dma_semaphore, #tpu.memory_space<semaphore_mem>>)
          %dma_wait3A_94 = arith.constant 0 : i32
          %dma_wait3A_95 = tpu.memref_slice %arg21[%mul3A_88, %dma_wait3A_94] : memref<10000x128xf32, #tpu.memory_space<vmem_shared>> -> memref<624x128xf32, #tpu.memory_space<vmem_shared>>
          %dma_wait3A_96 = arith.constant 0 : i32
          %dma_wait3A_97 = arith.constant 0 : i32
          %dma_wait3A_98 = tpu.memref_slice %arg8[%dma_wait3A_96, %dma_wait3A_97] : memref<640x128xf32, #tpu.memory_space<hbm>> -> memref<624x128xf32, #tpu.memory_space<hbm>>
          tpu.wait_dma2 semaphore(%run_scoped3A : memref<!tpu.dma_semaphore, #tpu.memory_space<semaphore_mem>>) src(%dma_wait3A_98 : memref<624x128xf32, #tpu.memory_space<hbm>>) dst(%dma_wait3A_95 : memref<624x128xf32, #tpu.memory_space<vmem_shared>>)
          tpu.yield
        }) : () -> ()
      } else {
      }
      %eq3A_11 = arith.constant 15 : i32
      %eq3A_12 = arith.cmpi eq, %arg1, %eq3A_11 : i32
      %convert_element_type3A_13 = arith.extui %eq3A_12 : i1 to i32
      %cond3A_14 = arith.constant 0 : i32
      %cond3A_15 = arith.cmpi ne, %convert_element_type3A_13, %cond3A_14 : i32
      scf.if %cond3A_15 {
        "tpu.region"() ({
          %run_scoped3A = tpu.sem_alloc : memref<!tpu.dma_semaphore, #tpu.memory_space<semaphore_mem>>
          %dma_start3A_87 = arith.constant 9360 : i32
          %dma_start3A_88 = arith.constant 0 : i32
          %dma_start3A_89 = tpu.memref_slice %arg21[%dma_start3A_87, %dma_start3A_88] : memref<10000x128xf32, #tpu.memory_space<vmem_shared>> -> memref<640x128xf32, #tpu.memory_space<vmem_shared>>
          tpu.enqueue_dma source(%arg8 : memref<640x128xf32, #tpu.memory_space<hbm>>) target(%dma_start3A_89 : memref<640x128xf32, #tpu.memory_space<vmem_shared>>) target_semaphore(%run_scoped3A : memref<!tpu.dma_semaphore, #tpu.memory_space<semaphore_mem>>)
          %dma_wait3A_90 = arith.constant 9360 : i32
          %dma_wait3A_91 = arith.constant 0 : i32
          %dma_wait3A_92 = tpu.memref_slice %arg21[%dma_wait3A_90, %dma_wait3A_91] : memref<10000x128xf32, #tpu.memory_space<vmem_shared>> -> memref<640x128xf32, #tpu.memory_space<vmem_shared>>
          tpu.wait_dma2 semaphore(%run_scoped3A : memref<!tpu.dma_semaphore, #tpu.memory_space<semaphore_mem>>) src(%arg8 : memref<640x128xf32, #tpu.memory_space<hbm>>) dst(%dma_wait3A_92 : memref<640x128xf32, #tpu.memory_space<vmem_shared>>)
          tpu.yield
        }) : () -> ()
      } else {
      }
      %barrier3A = arith.constant 0 : index
      tpu.barrier barrier_id(%barrier3A)
      %mul3A = arith.constant 128 : i32
      %mul3A_16 = arith.muli %arg1, %mul3A : i32
      %dma_start3A = tpu.memref_slice %arg6[%mul3A_16] : memref<160000xi32, #tpu.memory_space<hbm>> -> memref<128xi32, #tpu.memory_space<hbm>>
      %dma_start3A_17 = tpu.memref_slice %arg6[%mul3A_16] : memref<160000xi32, #tpu.memory_space<hbm>> -> memref<128xi32, #tpu.memory_space<hbm>>
      tpu.enqueue_dma source(%dma_start3A_17 : memref<128xi32, #tpu.memory_space<hbm>>) target(%arg13 : memref<128xi32, #tpu.memory_space<vmem>>) target_semaphore(%arg26 : memref<!tpu.dma_semaphore, #tpu.memory_space<semaphore_mem>>)
      %mul3A_18 = arith.constant 128 : i32
      %mul3A_19 = arith.muli %arg1, %mul3A_18 : i32
      %dma_start3A_20 = tpu.memref_slice %arg7[%mul3A_19] : memref<160000xi32, #tpu.memory_space<hbm>> -> memref<128xi32, #tpu.memory_space<hbm>>
      %dma_start3A_21 = tpu.memref_slice %arg7[%mul3A_19] : memref<160000xi32, #tpu.memory_space<hbm>> -> memref<128xi32, #tpu.memory_space<hbm>>
      tpu.enqueue_dma source(%dma_start3A_21 : memref<128xi32, #tpu.memory_space<hbm>>) target(%arg15 : memref<128xi32, #tpu.memory_space<vmem>>) target_semaphore(%arg26 : memref<!tpu.dma_semaphore, #tpu.memory_space<semaphore_mem>>)
      %scan3A = arith.constant 0 : i32
      %scan3A_22 = arith.constant 0 : i32
      %scan3A_23 = arith.constant 20 : i32
      %scan3A_24 = arith.addi %scan3A_22, %scan3A_23 : i32
      %scan3A_25 = arith.constant 1 : i32
      scf.for %scan3A_87 = %scan3A_22 to %scan3A_24 step %scan3A_25  : i32 {
        %mul3A_88 = arith.constant 4 : i32
        %mul3A_89 = arith.muli %mul3A_88, %scan3A_87 : i32
        %add3A = arith.constant 0 : i32
        %add3A_90 = arith.addi %mul3A_89, %add3A : i32
        %mul3A_91 = arith.constant 16 : i32
        %mul3A_92 = arith.muli %add3A_90, %mul3A_91 : i32
        %add3A_93 = arith.addi %mul3A_92, %arg1 : i32
        %lt3A_94 = arith.constant 1250 : i32
        %lt3A_95 = arith.cmpi slt, %add3A_93, %lt3A_94 : i32
        %convert_element_type3A_96 = arith.extui %lt3A_95 : i1 to i32
        %cond3A_97 = arith.constant 0 : i32
        %cond3A_98 = arith.cmpi ne, %convert_element_type3A_96, %cond3A_97 : i32
        scf.if %cond3A_98 {
          %mul3A_135 = arith.constant 128 : i32
          %mul3A_136 = arith.muli %add3A_93, %mul3A_135 : i32
          %dma_wait3A_137 = tpu.memref_slice %arg6[%mul3A_136] : memref<160000xi32, #tpu.memory_space<hbm>> -> memref<128xi32, #tpu.memory_space<hbm>>
          %dma_wait3A_138 = tpu.memref_slice %arg6[%mul3A_136] : memref<160000xi32, #tpu.memory_space<hbm>> -> memref<128xi32, #tpu.memory_space<hbm>>
          tpu.wait_dma2 semaphore(%arg26 : memref<!tpu.dma_semaphore, #tpu.memory_space<semaphore_mem>>) src(%dma_wait3A_138 : memref<128xi32, #tpu.memory_space<hbm>>) dst(%arg13 : memref<128xi32, #tpu.memory_space<vmem>>)
          %mul3A_139 = arith.constant 128 : i32
          %mul3A_140 = arith.muli %add3A_93, %mul3A_139 : i32
          %dma_wait3A_141 = tpu.memref_slice %arg7[%mul3A_140] : memref<160000xi32, #tpu.memory_space<hbm>> -> memref<128xi32, #tpu.memory_space<hbm>>
          %dma_wait3A_142 = tpu.memref_slice %arg7[%mul3A_140] : memref<160000xi32, #tpu.memory_space<hbm>> -> memref<128xi32, #tpu.memory_space<hbm>>
          tpu.wait_dma2 semaphore(%arg26 : memref<!tpu.dma_semaphore, #tpu.memory_space<semaphore_mem>>) src(%dma_wait3A_142 : memref<128xi32, #tpu.memory_space<hbm>>) dst(%arg15 : memref<128xi32, #tpu.memory_space<vmem>>)
          %add3A_143 = arith.constant 16 : i32
          %add3A_144 = arith.addi %add3A_93, %add3A_143 : i32
          %lt3A_145 = arith.constant 1250 : i32
          %lt3A_146 = arith.cmpi slt, %add3A_144, %lt3A_145 : i32
          %convert_element_type3A_147 = arith.extui %lt3A_146 : i1 to i32
          %cond3A_148 = arith.constant 0 : i32
          %cond3A_149 = arith.cmpi ne, %convert_element_type3A_147, %cond3A_148 : i32
          scf.if %cond3A_149 {
            %add3A_163 = arith.constant 16 : i32
            %add3A_164 = arith.addi %add3A_93, %add3A_163 : i32
            %mul3A_165 = arith.constant 128 : i32
            %mul3A_166 = arith.muli %add3A_164, %mul3A_165 : i32
            %dma_start3A_167 = tpu.memref_slice %arg6[%mul3A_166] : memref<160000xi32, #tpu.memory_space<hbm>> -> memref<128xi32, #tpu.memory_space<hbm>>
            %dma_start3A_168 = tpu.memref_slice %arg6[%mul3A_166] : memref<160000xi32, #tpu.memory_space<hbm>> -> memref<128xi32, #tpu.memory_space<hbm>>
            tpu.enqueue_dma source(%dma_start3A_168 : memref<128xi32, #tpu.memory_space<hbm>>) target(%arg14 : memref<128xi32, #tpu.memory_space<vmem>>) target_semaphore(%arg27 : memref<!tpu.dma_semaphore, #tpu.memory_space<semaphore_mem>>)
            %mul3A_169 = arith.constant 128 : i32
            %mul3A_170 = arith.muli %add3A_164, %mul3A_169 : i32
            %dma_start3A_171 = tpu.memref_slice %arg7[%mul3A_170] : memref<160000xi32, #tpu.memory_space<hbm>> -> memref<128xi32, #tpu.memory_space<hbm>>
            %dma_start3A_172 = tpu.memref_slice %arg7[%mul3A_170] : memref<160000xi32, #tpu.memory_space<hbm>> -> memref<128xi32, #tpu.memory_space<hbm>>
            tpu.enqueue_dma source(%dma_start3A_172 : memref<128xi32, #tpu.memory_space<hbm>>) target(%arg16 : memref<128xi32, #tpu.memory_space<vmem>>) target_semaphore(%arg27 : memref<!tpu.dma_semaphore, #tpu.memory_space<semaphore_mem>>)
          } else {
          }
          %gt3A = arith.constant 0 : i32
          %gt3A_150 = arith.cmpi sgt, %scan3A_87, %gt3A : i32
          %convert_element_type3A_151 = arith.extui %gt3A_150 : i1 to i32
          %cond3A_152 = arith.constant 0 : i32
          %cond3A_153 = arith.cmpi ne, %convert_element_type3A_151, %cond3A_152 : i32
          scf.if %cond3A_153 {
            %dma_wait3A_163 = arith.constant 0 : i32
            %dma_wait3A_164 = arith.constant 0 : i32
            %dma_wait3A_165 = tpu.memref_slice %arg21[%dma_wait3A_163, %dma_wait3A_164] : memref<10000x128xf32, #tpu.memory_space<vmem_shared>> -> memref<10000x128xf32, #tpu.memory_space<vmem_shared>>
            tpu.wait_indirect_dma semaphore(%arg24 : memref<!tpu.dma_semaphore, #tpu.memory_space<semaphore_mem>>) src(%arg19 : memref<128x128xf32, #tpu.memory_space<vmem>>) dst(%dma_wait3A_165 : memref<10000x128xf32, #tpu.memory_space<vmem_shared>>)
          } else {
          }
          %dma_start3A_154 = arith.constant 0 : i32
          %dma_start3A_155 = arith.constant 0 : i32
          %dma_start3A_156 = tpu.memref_slice %arg2[%dma_start3A_154, %dma_start3A_155] : memref<10000x128xf32, #tpu.memory_space<hbm>> -> memref<10000x128xf32, #tpu.memory_space<hbm>>
          tpu.enqueue_indirect_dma source(%dma_start3A_156 : memref<10000x128xf32, #tpu.memory_space<hbm>>) target(%arg19 : memref<128x128xf32, #tpu.memory_space<vmem>>) offsets(%arg13 : memref<128xi32, #tpu.memory_space<vmem>>) semaphore(%arg22 : memref<!tpu.dma_semaphore, #tpu.memory_space<semaphore_mem>>)
          %dma_wait3A_157 = arith.constant 0 : i32
          %dma_wait3A_158 = arith.constant 0 : i32
          %dma_wait3A_159 = tpu.memref_slice %arg2[%dma_wait3A_157, %dma_wait3A_158] : memref<10000x128xf32, #tpu.memory_space<hbm>> -> memref<10000x128xf32, #tpu.memory_space<hbm>>
          tpu.wait_indirect_dma semaphore(%arg22 : memref<!tpu.dma_semaphore, #tpu.memory_space<semaphore_mem>>) src(%dma_wait3A_159 : memref<10000x128xf32, #tpu.memory_space<hbm>>) dst(%arg19 : memref<128x128xf32, #tpu.memory_space<vmem>>)
          %dma_start3A_160 = arith.constant 0 : i32
          %dma_start3A_161 = arith.constant 0 : i32
          %dma_start3A_162 = tpu.memref_slice %arg21[%dma_start3A_160, %dma_start3A_161] : memref<10000x128xf32, #tpu.memory_space<vmem_shared>> -> memref<10000x128xf32, #tpu.memory_space<vmem_shared>>
          tpu.enqueue_indirect_dma source(%arg19 : memref<128x128xf32, #tpu.memory_space<vmem>>) target(%dma_start3A_162 : memref<10000x128xf32, #tpu.memory_space<vmem_shared>>) offsets(%arg15 : memref<128xi32, #tpu.memory_space<vmem>>) semaphore(%arg24 : memref<!tpu.dma_semaphore, #tpu.memory_space<semaphore_mem>>) {add = true}
        } else {
        }
        %mul3A_99 = arith.constant 4 : i32
        %mul3A_100 = arith.muli %mul3A_99, %scan3A_87 : i32
        %add3A_101 = arith.constant 1 : i32
        %add3A_102 = arith.addi %mul3A_100, %add3A_101 : i32
        %mul3A_103 = arith.constant 16 : i32
        %mul3A_104 = arith.muli %add3A_102, %mul3A_103 : i32
        %add3A_105 = arith.addi %mul3A_104, %arg1 : i32
        %lt3A_106 = arith.constant 1250 : i32
        %lt3A_107 = arith.cmpi slt, %add3A_105, %lt3A_106 : i32
        %convert_element_type3A_108 = arith.extui %lt3A_107 : i1 to i32
        %cond3A_109 = arith.constant 0 : i32
        %cond3A_110 = arith.cmpi ne, %convert_element_type3A_108, %cond3A_109 : i32
        scf.if %cond3A_110 {
          %mul3A_135 = arith.constant 128 : i32
          %mul3A_136 = arith.muli %add3A_105, %mul3A_135 : i32
          %dma_wait3A_137 = tpu.memref_slice %arg6[%mul3A_136] : memref<160000xi32, #tpu.memory_space<hbm>> -> memref<128xi32, #tpu.memory_space<hbm>>
          %dma_wait3A_138 = tpu.memref_slice %arg6[%mul3A_136] : memref<160000xi32, #tpu.memory_space<hbm>> -> memref<128xi32, #tpu.memory_space<hbm>>
          tpu.wait_dma2 semaphore(%arg27 : memref<!tpu.dma_semaphore, #tpu.memory_space<semaphore_mem>>) src(%dma_wait3A_138 : memref<128xi32, #tpu.memory_space<hbm>>) dst(%arg14 : memref<128xi32, #tpu.memory_space<vmem>>)
          %mul3A_139 = arith.constant 128 : i32
          %mul3A_140 = arith.muli %add3A_105, %mul3A_139 : i32
          %dma_wait3A_141 = tpu.memref_slice %arg7[%mul3A_140] : memref<160000xi32, #tpu.memory_space<hbm>> -> memref<128xi32, #tpu.memory_space<hbm>>
          %dma_wait3A_142 = tpu.memref_slice %arg7[%mul3A_140] : memref<160000xi32, #tpu.memory_space<hbm>> -> memref<128xi32, #tpu.memory_space<hbm>>
          tpu.wait_dma2 semaphore(%arg27 : memref<!tpu.dma_semaphore, #tpu.memory_space<semaphore_mem>>) src(%dma_wait3A_142 : memref<128xi32, #tpu.memory_space<hbm>>) dst(%arg16 : memref<128xi32, #tpu.memory_space<vmem>>)
          %add3A_143 = arith.constant 16 : i32
          %add3A_144 = arith.addi %add3A_105, %add3A_143 : i32
          %lt3A_145 = arith.constant 1250 : i32
          %lt3A_146 = arith.cmpi slt, %add3A_144, %lt3A_145 : i32
          %convert_element_type3A_147 = arith.extui %lt3A_146 : i1 to i32
          %cond3A_148 = arith.constant 0 : i32
          %cond3A_149 = arith.cmpi ne, %convert_element_type3A_147, %cond3A_148 : i32
          scf.if %cond3A_149 {
            %add3A_163 = arith.constant 16 : i32
            %add3A_164 = arith.addi %add3A_105, %add3A_163 : i32
            %mul3A_165 = arith.constant 128 : i32
            %mul3A_166 = arith.muli %add3A_164, %mul3A_165 : i32
            %dma_start3A_167 = tpu.memref_slice %arg6[%mul3A_166] : memref<160000xi32, #tpu.memory_space<hbm>> -> memref<128xi32, #tpu.memory_space<hbm>>
            %dma_start3A_168 = tpu.memref_slice %arg6[%mul3A_166] : memref<160000xi32, #tpu.memory_space<hbm>> -> memref<128xi32, #tpu.memory_space<hbm>>
            tpu.enqueue_dma source(%dma_start3A_168 : memref<128xi32, #tpu.memory_space<hbm>>) target(%arg13 : memref<128xi32, #tpu.memory_space<vmem>>) target_semaphore(%arg26 : memref<!tpu.dma_semaphore, #tpu.memory_space<semaphore_mem>>)
            %mul3A_169 = arith.constant 128 : i32
            %mul3A_170 = arith.muli %add3A_164, %mul3A_169 : i32
            %dma_start3A_171 = tpu.memref_slice %arg7[%mul3A_170] : memref<160000xi32, #tpu.memory_space<hbm>> -> memref<128xi32, #tpu.memory_space<hbm>>
            %dma_start3A_172 = tpu.memref_slice %arg7[%mul3A_170] : memref<160000xi32, #tpu.memory_space<hbm>> -> memref<128xi32, #tpu.memory_space<hbm>>
            tpu.enqueue_dma source(%dma_start3A_172 : memref<128xi32, #tpu.memory_space<hbm>>) target(%arg17 : memref<128xi32, #tpu.memory_space<vmem>>) target_semaphore(%arg26 : memref<!tpu.dma_semaphore, #tpu.memory_space<semaphore_mem>>)
          } else {
          }
          %gt3A = arith.constant 0 : i32
          %gt3A_150 = arith.cmpi sgt, %scan3A_87, %gt3A : i32
          %convert_element_type3A_151 = arith.extui %gt3A_150 : i1 to i32
          %cond3A_152 = arith.constant 0 : i32
          %cond3A_153 = arith.cmpi ne, %convert_element_type3A_151, %cond3A_152 : i32
          scf.if %cond3A_153 {
            %dma_wait3A_163 = arith.constant 0 : i32
            %dma_wait3A_164 = arith.constant 0 : i32
            %dma_wait3A_165 = tpu.memref_slice %arg21[%dma_wait3A_163, %dma_wait3A_164] : memref<10000x128xf32, #tpu.memory_space<vmem_shared>> -> memref<10000x128xf32, #tpu.memory_space<vmem_shared>>
            tpu.wait_indirect_dma semaphore(%arg25 : memref<!tpu.dma_semaphore, #tpu.memory_space<semaphore_mem>>) src(%arg20 : memref<128x128xf32, #tpu.memory_space<vmem>>) dst(%dma_wait3A_165 : memref<10000x128xf32, #tpu.memory_space<vmem_shared>>)
          } else {
          }
          %dma_start3A_154 = arith.constant 0 : i32
          %dma_start3A_155 = arith.constant 0 : i32
          %dma_start3A_156 = tpu.memref_slice %arg2[%dma_start3A_154, %dma_start3A_155] : memref<10000x128xf32, #tpu.memory_space<hbm>> -> memref<10000x128xf32, #tpu.memory_space<hbm>>
          tpu.enqueue_indirect_dma source(%dma_start3A_156 : memref<10000x128xf32, #tpu.memory_space<hbm>>) target(%arg20 : memref<128x128xf32, #tpu.memory_space<vmem>>) offsets(%arg14 : memref<128xi32, #tpu.memory_space<vmem>>) semaphore(%arg23 : memref<!tpu.dma_semaphore, #tpu.memory_space<semaphore_mem>>)
          %dma_wait3A_157 = arith.constant 0 : i32
          %dma_wait3A_158 = arith.constant 0 : i32
          %dma_wait3A_159 = tpu.memref_slice %arg2[%dma_wait3A_157, %dma_wait3A_158] : memref<10000x128xf32, #tpu.memory_space<hbm>> -> memref<10000x128xf32, #tpu.memory_space<hbm>>
          tpu.wait_indirect_dma semaphore(%arg23 : memref<!tpu.dma_semaphore, #tpu.memory_space<semaphore_mem>>) src(%dma_wait3A_159 : memref<10000x128xf32, #tpu.memory_space<hbm>>) dst(%arg20 : memref<128x128xf32, #tpu.memory_space<vmem>>)
          %dma_start3A_160 = arith.constant 0 : i32
          %dma_start3A_161 = arith.constant 0 : i32
          %dma_start3A_162 = tpu.memref_slice %arg21[%dma_start3A_160, %dma_start3A_161] : memref<10000x128xf32, #tpu.memory_space<vmem_shared>> -> memref<10000x128xf32, #tpu.memory_space<vmem_shared>>
          tpu.enqueue_indirect_dma source(%arg20 : memref<128x128xf32, #tpu.memory_space<vmem>>) target(%dma_start3A_162 : memref<10000x128xf32, #tpu.memory_space<vmem_shared>>) offsets(%arg16 : memref<128xi32, #tpu.memory_space<vmem>>) semaphore(%arg25 : memref<!tpu.dma_semaphore, #tpu.memory_space<semaphore_mem>>) {add = true}
        } else {
        }
        %mul3A_111 = arith.constant 4 : i32
        %mul3A_112 = arith.muli %mul3A_111, %scan3A_87 : i32
        %add3A_113 = arith.constant 2 : i32
        %add3A_114 = arith.addi %mul3A_112, %add3A_113 : i32
        %mul3A_115 = arith.constant 16 : i32
        %mul3A_116 = arith.muli %add3A_114, %mul3A_115 : i32
        %add3A_117 = arith.addi %mul3A_116, %arg1 : i32
        %lt3A_118 = arith.constant 1250 : i32
        %lt3A_119 = arith.cmpi slt, %add3A_117, %lt3A_118 : i32
        %convert_element_type3A_120 = arith.extui %lt3A_119 : i1 to i32
        %cond3A_121 = arith.constant 0 : i32
        %cond3A_122 = arith.cmpi ne, %convert_element_type3A_120, %cond3A_121 : i32
        scf.if %cond3A_122 {
          %mul3A_135 = arith.constant 128 : i32
          %mul3A_136 = arith.muli %add3A_117, %mul3A_135 : i32
          %dma_wait3A_137 = tpu.memref_slice %arg6[%mul3A_136] : memref<160000xi32, #tpu.memory_space<hbm>> -> memref<128xi32, #tpu.memory_space<hbm>>
          %dma_wait3A_138 = tpu.memref_slice %arg6[%mul3A_136] : memref<160000xi32, #tpu.memory_space<hbm>> -> memref<128xi32, #tpu.memory_space<hbm>>
          tpu.wait_dma2 semaphore(%arg26 : memref<!tpu.dma_semaphore, #tpu.memory_space<semaphore_mem>>) src(%dma_wait3A_138 : memref<128xi32, #tpu.memory_space<hbm>>) dst(%arg13 : memref<128xi32, #tpu.memory_space<vmem>>)
          %mul3A_139 = arith.constant 128 : i32
          %mul3A_140 = arith.muli %add3A_117, %mul3A_139 : i32
          %dma_wait3A_141 = tpu.memref_slice %arg7[%mul3A_140] : memref<160000xi32, #tpu.memory_space<hbm>> -> memref<128xi32, #tpu.memory_space<hbm>>
          %dma_wait3A_142 = tpu.memref_slice %arg7[%mul3A_140] : memref<160000xi32, #tpu.memory_space<hbm>> -> memref<128xi32, #tpu.memory_space<hbm>>
          tpu.wait_dma2 semaphore(%arg26 : memref<!tpu.dma_semaphore, #tpu.memory_space<semaphore_mem>>) src(%dma_wait3A_142 : memref<128xi32, #tpu.memory_space<hbm>>) dst(%arg17 : memref<128xi32, #tpu.memory_space<vmem>>)
          %add3A_143 = arith.constant 16 : i32
          %add3A_144 = arith.addi %add3A_117, %add3A_143 : i32
          %lt3A_145 = arith.constant 1250 : i32
          %lt3A_146 = arith.cmpi slt, %add3A_144, %lt3A_145 : i32
          %convert_element_type3A_147 = arith.extui %lt3A_146 : i1 to i32
          %cond3A_148 = arith.constant 0 : i32
          %cond3A_149 = arith.cmpi ne, %convert_element_type3A_147, %cond3A_148 : i32
          scf.if %cond3A_149 {
            %add3A_162 = arith.constant 16 : i32
            %add3A_163 = arith.addi %add3A_117, %add3A_162 : i32
            %mul3A_164 = arith.constant 128 : i32
            %mul3A_165 = arith.muli %add3A_163, %mul3A_164 : i32
            %dma_start3A_166 = tpu.memref_slice %arg6[%mul3A_165] : memref<160000xi32, #tpu.memory_space<hbm>> -> memref<128xi32, #tpu.memory_space<hbm>>
            %dma_start3A_167 = tpu.memref_slice %arg6[%mul3A_165] : memref<160000xi32, #tpu.memory_space<hbm>> -> memref<128xi32, #tpu.memory_space<hbm>>
            tpu.enqueue_dma source(%dma_start3A_167 : memref<128xi32, #tpu.memory_space<hbm>>) target(%arg14 : memref<128xi32, #tpu.memory_space<vmem>>) target_semaphore(%arg27 : memref<!tpu.dma_semaphore, #tpu.memory_space<semaphore_mem>>)
            %mul3A_168 = arith.constant 128 : i32
            %mul3A_169 = arith.muli %add3A_163, %mul3A_168 : i32
            %dma_start3A_170 = tpu.memref_slice %arg7[%mul3A_169] : memref<160000xi32, #tpu.memory_space<hbm>> -> memref<128xi32, #tpu.memory_space<hbm>>
            %dma_start3A_171 = tpu.memref_slice %arg7[%mul3A_169] : memref<160000xi32, #tpu.memory_space<hbm>> -> memref<128xi32, #tpu.memory_space<hbm>>
            tpu.enqueue_dma source(%dma_start3A_171 : memref<128xi32, #tpu.memory_space<hbm>>) target(%arg18 : memref<128xi32, #tpu.memory_space<vmem>>) target_semaphore(%arg27 : memref<!tpu.dma_semaphore, #tpu.memory_space<semaphore_mem>>)
          } else {
          }
          %dma_wait3A_150 = arith.constant 0 : i32
          %dma_wait3A_151 = arith.constant 0 : i32
          %dma_wait3A_152 = tpu.memref_slice %arg21[%dma_wait3A_150, %dma_wait3A_151] : memref<10000x128xf32, #tpu.memory_space<vmem_shared>> -> memref<10000x128xf32, #tpu.memory_space<vmem_shared>>
          tpu.wait_indirect_dma semaphore(%arg24 : memref<!tpu.dma_semaphore, #tpu.memory_space<semaphore_mem>>) src(%arg19 : memref<128x128xf32, #tpu.memory_space<vmem>>) dst(%dma_wait3A_152 : memref<10000x128xf32, #tpu.memory_space<vmem_shared>>)
          %dma_start3A_153 = arith.constant 0 : i32
          %dma_start3A_154 = arith.constant 0 : i32
          %dma_start3A_155 = tpu.memref_slice %arg2[%dma_start3A_153, %dma_start3A_154] : memref<10000x128xf32, #tpu.memory_space<hbm>> -> memref<10000x128xf32, #tpu.memory_space<hbm>>
          tpu.enqueue_indirect_dma source(%dma_start3A_155 : memref<10000x128xf32, #tpu.memory_space<hbm>>) target(%arg19 : memref<128x128xf32, #tpu.memory_space<vmem>>) offsets(%arg13 : memref<128xi32, #tpu.memory_space<vmem>>) semaphore(%arg22 : memref<!tpu.dma_semaphore, #tpu.memory_space<semaphore_mem>>)
          %dma_wait3A_156 = arith.constant 0 : i32
          %dma_wait3A_157 = arith.constant 0 : i32
          %dma_wait3A_158 = tpu.memref_slice %arg2[%dma_wait3A_156, %dma_wait3A_157] : memref<10000x128xf32, #tpu.memory_space<hbm>> -> memref<10000x128xf32, #tpu.memory_space<hbm>>
          tpu.wait_indirect_dma semaphore(%arg22 : memref<!tpu.dma_semaphore, #tpu.memory_space<semaphore_mem>>) src(%dma_wait3A_158 : memref<10000x128xf32, #tpu.memory_space<hbm>>) dst(%arg19 : memref<128x128xf32, #tpu.memory_space<vmem>>)
          %dma_start3A_159 = arith.constant 0 : i32
          %dma_start3A_160 = arith.constant 0 : i32
          %dma_start3A_161 = tpu.memref_slice %arg21[%dma_start3A_159, %dma_start3A_160] : memref<10000x128xf32, #tpu.memory_space<vmem_shared>> -> memref<10000x128xf32, #tpu.memory_space<vmem_shared>>
          tpu.enqueue_indirect_dma source(%arg19 : memref<128x128xf32, #tpu.memory_space<vmem>>) target(%dma_start3A_161 : memref<10000x128xf32, #tpu.memory_space<vmem_shared>>) offsets(%arg17 : memref<128xi32, #tpu.memory_space<vmem>>) semaphore(%arg24 : memref<!tpu.dma_semaphore, #tpu.memory_space<semaphore_mem>>) {add = true}
        } else {
        }
        %mul3A_123 = arith.constant 4 : i32
        %mul3A_124 = arith.muli %mul3A_123, %scan3A_87 : i32
        %add3A_125 = arith.constant 3 : i32
        %add3A_126 = arith.addi %mul3A_124, %add3A_125 : i32
        %mul3A_127 = arith.constant 16 : i32
        %mul3A_128 = arith.muli %add3A_126, %mul3A_127 : i32
        %add3A_129 = arith.addi %mul3A_128, %arg1 : i32
        %lt3A_130 = arith.constant 1250 : i32
        %lt3A_131 = arith.cmpi slt, %add3A_129, %lt3A_130 : i32
        %convert_element_type3A_132 = arith.extui %lt3A_131 : i1 to i32
        %cond3A_133 = arith.constant 0 : i32
        %cond3A_134 = arith.cmpi ne, %convert_element_type3A_132, %cond3A_133 : i32
        scf.if %cond3A_134 {
          %mul3A_135 = arith.constant 128 : i32
          %mul3A_136 = arith.muli %add3A_129, %mul3A_135 : i32
          %dma_wait3A_137 = tpu.memref_slice %arg6[%mul3A_136] : memref<160000xi32, #tpu.memory_space<hbm>> -> memref<128xi32, #tpu.memory_space<hbm>>
          %dma_wait3A_138 = tpu.memref_slice %arg6[%mul3A_136] : memref<160000xi32, #tpu.memory_space<hbm>> -> memref<128xi32, #tpu.memory_space<hbm>>
          tpu.wait_dma2 semaphore(%arg27 : memref<!tpu.dma_semaphore, #tpu.memory_space<semaphore_mem>>) src(%dma_wait3A_138 : memref<128xi32, #tpu.memory_space<hbm>>) dst(%arg14 : memref<128xi32, #tpu.memory_space<vmem>>)
          %mul3A_139 = arith.constant 128 : i32
          %mul3A_140 = arith.muli %add3A_129, %mul3A_139 : i32
          %dma_wait3A_141 = tpu.memref_slice %arg7[%mul3A_140] : memref<160000xi32, #tpu.memory_space<hbm>> -> memref<128xi32, #tpu.memory_space<hbm>>
          %dma_wait3A_142 = tpu.memref_slice %arg7[%mul3A_140] : memref<160000xi32, #tpu.memory_space<hbm>> -> memref<128xi32, #tpu.memory_space<hbm>>
          tpu.wait_dma2 semaphore(%arg27 : memref<!tpu.dma_semaphore, #tpu.memory_space<semaphore_mem>>) src(%dma_wait3A_142 : memref<128xi32, #tpu.memory_space<hbm>>) dst(%arg18 : memref<128xi32, #tpu.memory_space<vmem>>)
          %add3A_143 = arith.constant 16 : i32
          %add3A_144 = arith.addi %add3A_129, %add3A_143 : i32
          %lt3A_145 = arith.constant 1250 : i32
          %lt3A_146 = arith.cmpi slt, %add3A_144, %lt3A_145 : i32
          %convert_element_type3A_147 = arith.extui %lt3A_146 : i1 to i32
          %cond3A_148 = arith.constant 0 : i32
          %cond3A_149 = arith.cmpi ne, %convert_element_type3A_147, %cond3A_148 : i32
          scf.if %cond3A_149 {
            %add3A_162 = arith.constant 16 : i32
            %add3A_163 = arith.addi %add3A_129, %add3A_162 : i32
            %mul3A_164 = arith.constant 128 : i32
            %mul3A_165 = arith.muli %add3A_163, %mul3A_164 : i32
            %dma_start3A_166 = tpu.memref_slice %arg6[%mul3A_165] : memref<160000xi32, #tpu.memory_space<hbm>> -> memref<128xi32, #tpu.memory_space<hbm>>
            %dma_start3A_167 = tpu.memref_slice %arg6[%mul3A_165] : memref<160000xi32, #tpu.memory_space<hbm>> -> memref<128xi32, #tpu.memory_space<hbm>>
            tpu.enqueue_dma source(%dma_start3A_167 : memref<128xi32, #tpu.memory_space<hbm>>) target(%arg13 : memref<128xi32, #tpu.memory_space<vmem>>) target_semaphore(%arg26 : memref<!tpu.dma_semaphore, #tpu.memory_space<semaphore_mem>>)
            %mul3A_168 = arith.constant 128 : i32
            %mul3A_169 = arith.muli %add3A_163, %mul3A_168 : i32
            %dma_start3A_170 = tpu.memref_slice %arg7[%mul3A_169] : memref<160000xi32, #tpu.memory_space<hbm>> -> memref<128xi32, #tpu.memory_space<hbm>>
            %dma_start3A_171 = tpu.memref_slice %arg7[%mul3A_169] : memref<160000xi32, #tpu.memory_space<hbm>> -> memref<128xi32, #tpu.memory_space<hbm>>
            tpu.enqueue_dma source(%dma_start3A_171 : memref<128xi32, #tpu.memory_space<hbm>>) target(%arg15 : memref<128xi32, #tpu.memory_space<vmem>>) target_semaphore(%arg26 : memref<!tpu.dma_semaphore, #tpu.memory_space<semaphore_mem>>)
          } else {
          }
          %dma_wait3A_150 = arith.constant 0 : i32
          %dma_wait3A_151 = arith.constant 0 : i32
          %dma_wait3A_152 = tpu.memref_slice %arg21[%dma_wait3A_150, %dma_wait3A_151] : memref<10000x128xf32, #tpu.memory_space<vmem_shared>> -> memref<10000x128xf32, #tpu.memory_space<vmem_shared>>
          tpu.wait_indirect_dma semaphore(%arg25 : memref<!tpu.dma_semaphore, #tpu.memory_space<semaphore_mem>>) src(%arg20 : memref<128x128xf32, #tpu.memory_space<vmem>>) dst(%dma_wait3A_152 : memref<10000x128xf32, #tpu.memory_space<vmem_shared>>)
          %dma_start3A_153 = arith.constant 0 : i32
          %dma_start3A_154 = arith.constant 0 : i32
          %dma_start3A_155 = tpu.memref_slice %arg2[%dma_start3A_153, %dma_start3A_154] : memref<10000x128xf32, #tpu.memory_space<hbm>> -> memref<10000x128xf32, #tpu.memory_space<hbm>>
          tpu.enqueue_indirect_dma source(%dma_start3A_155 : memref<10000x128xf32, #tpu.memory_space<hbm>>) target(%arg20 : memref<128x128xf32, #tpu.memory_space<vmem>>) offsets(%arg14 : memref<128xi32, #tpu.memory_space<vmem>>) semaphore(%arg23 : memref<!tpu.dma_semaphore, #tpu.memory_space<semaphore_mem>>)
          %dma_wait3A_156 = arith.constant 0 : i32
          %dma_wait3A_157 = arith.constant 0 : i32
          %dma_wait3A_158 = tpu.memref_slice %arg2[%dma_wait3A_156, %dma_wait3A_157] : memref<10000x128xf32, #tpu.memory_space<hbm>> -> memref<10000x128xf32, #tpu.memory_space<hbm>>
          tpu.wait_indirect_dma semaphore(%arg23 : memref<!tpu.dma_semaphore, #tpu.memory_space<semaphore_mem>>) src(%dma_wait3A_158 : memref<10000x128xf32, #tpu.memory_space<hbm>>) dst(%arg20 : memref<128x128xf32, #tpu.memory_space<vmem>>)
          %dma_start3A_159 = arith.constant 0 : i32
          %dma_start3A_160 = arith.constant 0 : i32
          %dma_start3A_161 = tpu.memref_slice %arg21[%dma_start3A_159, %dma_start3A_160] : memref<10000x128xf32, #tpu.memory_space<vmem_shared>> -> memref<10000x128xf32, #tpu.memory_space<vmem_shared>>
          tpu.enqueue_indirect_dma source(%arg20 : memref<128x128xf32, #tpu.memory_space<vmem>>) target(%dma_start3A_161 : memref<10000x128xf32, #tpu.memory_space<vmem_shared>>) offsets(%arg18 : memref<128xi32, #tpu.memory_space<vmem>>) semaphore(%arg25 : memref<!tpu.dma_semaphore, #tpu.memory_space<semaphore_mem>>) {add = true}
        } else {
        }
      }
      %scan3A_26 = arith.constant 20 : i32
      %dma_wait3A = arith.constant 0 : i32
      %dma_wait3A_27 = arith.constant 0 : i32
      %dma_wait3A_28 = tpu.memref_slice %arg21[%dma_wait3A, %dma_wait3A_27] : memref<10000x128xf32, #tpu.memory_space<vmem_shared>> -> memref<10000x128xf32, #tpu.memory_space<vmem_shared>>
      tpu.wait_indirect_dma semaphore(%arg24 : memref<!tpu.dma_semaphore, #tpu.memory_space<semaphore_mem>>) src(%arg19 : memref<128x128xf32, #tpu.memory_space<vmem>>) dst(%dma_wait3A_28 : memref<10000x128xf32, #tpu.memory_space<vmem_shared>>)
      %dma_wait3A_29 = arith.constant 0 : i32
      %dma_wait3A_30 = arith.constant 0 : i32
      %dma_wait3A_31 = tpu.memref_slice %arg21[%dma_wait3A_29, %dma_wait3A_30] : memref<10000x128xf32, #tpu.memory_space<vmem_shared>> -> memref<10000x128xf32, #tpu.memory_space<vmem_shared>>
      tpu.wait_indirect_dma semaphore(%arg25 : memref<!tpu.dma_semaphore, #tpu.memory_space<semaphore_mem>>) src(%arg20 : memref<128x128xf32, #tpu.memory_space<vmem>>) dst(%dma_wait3A_31 : memref<10000x128xf32, #tpu.memory_space<vmem_shared>>)
      %barrier3A_32 = arith.constant 0 : index
      tpu.barrier barrier_id(%barrier3A_32)
      %lt3A_33 = arith.constant 15 : i32
      %lt3A_34 = arith.cmpi slt, %arg1, %lt3A_33 : i32
      %convert_element_type3A_35 = arith.extui %lt3A_34 : i1 to i32
      %cond3A_36 = arith.constant 0 : i32
      %cond3A_37 = arith.cmpi ne, %convert_element_type3A_35, %cond3A_36 : i32
      scf.if %cond3A_37 {
        %mul3A_87 = arith.constant 624 : i32
        %mul3A_88 = arith.muli %arg1, %mul3A_87 : i32
        %mul3A_89 = arith.constant 624 : i32
        %mul3A_90 = arith.muli %arg1, %mul3A_89 : i32
        "tpu.region"() ({
          %run_scoped3A = tpu.sem_alloc : memref<!tpu.dma_semaphore, #tpu.memory_space<semaphore_mem>>
          %dma_start3A_91 = arith.constant 0 : i32
          %dma_start3A_92 = tpu.memref_slice %arg9[%mul3A_90, %dma_start3A_91] : memref<10000x128xf32, #tpu.memory_space<hbm>> -> memref<624x128xf32, #tpu.memory_space<hbm>>
          %dma_start3A_93 = arith.constant 0 : i32
          %dma_start3A_94 = tpu.memref_slice %arg21[%mul3A_88, %dma_start3A_93] : memref<10000x128xf32, #tpu.memory_space<vmem_shared>> -> memref<624x128xf32, #tpu.memory_space<vmem_shared>>
          tpu.enqueue_dma source(%dma_start3A_94 : memref<624x128xf32, #tpu.memory_space<vmem_shared>>) target(%dma_start3A_92 : memref<624x128xf32, #tpu.memory_space<hbm>>) target_semaphore(%run_scoped3A : memref<!tpu.dma_semaphore, #tpu.memory_space<semaphore_mem>>)
          %dma_wait3A_95 = arith.constant 0 : i32
          %dma_wait3A_96 = tpu.memref_slice %arg9[%mul3A_90, %dma_wait3A_95] : memref<10000x128xf32, #tpu.memory_space<hbm>> -> memref<624x128xf32, #tpu.memory_space<hbm>>
          %dma_wait3A_97 = arith.constant 0 : i32
          %dma_wait3A_98 = tpu.memref_slice %arg21[%mul3A_88, %dma_wait3A_97] : memref<10000x128xf32, #tpu.memory_space<vmem_shared>> -> memref<624x128xf32, #tpu.memory_space<vmem_shared>>
          tpu.wait_dma2 semaphore(%run_scoped3A : memref<!tpu.dma_semaphore, #tpu.memory_space<semaphore_mem>>) src(%dma_wait3A_98 : memref<624x128xf32, #tpu.memory_space<vmem_shared>>) dst(%dma_wait3A_96 : memref<624x128xf32, #tpu.memory_space<hbm>>)
          tpu.yield
        }) : () -> ()
      } else {
      }
      %eq3A_38 = arith.constant 15 : i32
      %eq3A_39 = arith.cmpi eq, %arg1, %eq3A_38 : i32
      %convert_element_type3A_40 = arith.extui %eq3A_39 : i1 to i32
      %cond3A_41 = arith.constant 0 : i32
      %cond3A_42 = arith.cmpi ne, %convert_element_type3A_40, %cond3A_41 : i32
      scf.if %cond3A_42 {
        "tpu.region"() ({
          %run_scoped3A = tpu.sem_alloc : memref<!tpu.dma_semaphore, #tpu.memory_space<semaphore_mem>>
          %dma_start3A_87 = arith.constant 9360 : i32
          %dma_start3A_88 = arith.constant 0 : i32
          %dma_start3A_89 = tpu.memref_slice %arg9[%dma_start3A_87, %dma_start3A_88] : memref<10000x128xf32, #tpu.memory_space<hbm>> -> memref<640x128xf32, #tpu.memory_space<hbm>>
          %dma_start3A_90 = arith.constant 9360 : i32
          %dma_start3A_91 = arith.constant 0 : i32
          %dma_start3A_92 = tpu.memref_slice %arg21[%dma_start3A_90, %dma_start3A_91] : memref<10000x128xf32, #tpu.memory_space<vmem_shared>> -> memref<640x128xf32, #tpu.memory_space<vmem_shared>>
          tpu.enqueue_dma source(%dma_start3A_92 : memref<640x128xf32, #tpu.memory_space<vmem_shared>>) target(%dma_start3A_89 : memref<640x128xf32, #tpu.memory_space<hbm>>) target_semaphore(%run_scoped3A : memref<!tpu.dma_semaphore, #tpu.memory_space<semaphore_mem>>)
          %dma_wait3A_93 = arith.constant 9360 : i32
          %dma_wait3A_94 = arith.constant 0 : i32
          %dma_wait3A_95 = tpu.memref_slice %arg9[%dma_wait3A_93, %dma_wait3A_94] : memref<10000x128xf32, #tpu.memory_space<hbm>> -> memref<640x128xf32, #tpu.memory_space<hbm>>
          %dma_wait3A_96 = arith.constant 9360 : i32
          %dma_wait3A_97 = arith.constant 0 : i32
          %dma_wait3A_98 = tpu.memref_slice %arg21[%dma_wait3A_96, %dma_wait3A_97] : memref<10000x128xf32, #tpu.memory_space<vmem_shared>> -> memref<640x128xf32, #tpu.memory_space<vmem_shared>>
          tpu.wait_dma2 semaphore(%run_scoped3A : memref<!tpu.dma_semaphore, #tpu.memory_space<semaphore_mem>>) src(%dma_wait3A_98 : memref<640x128xf32, #tpu.memory_space<vmem_shared>>) dst(%dma_wait3A_95 : memref<640x128xf32, #tpu.memory_space<hbm>>)
          tpu.yield
        }) : () -> ()
      } else {
      }
      %barrier3A_43 = arith.constant 0 : index
      tpu.barrier barrier_id(%barrier3A_43)
      %lt3A_44 = arith.constant 15 : i32
      %lt3A_45 = arith.cmpi slt, %arg1, %lt3A_44 : i32
      %convert_element_type3A_46 = arith.extui %lt3A_45 : i1 to i32
      %cond3A_47 = arith.constant 0 : i32
      %cond3A_48 = arith.cmpi ne, %convert_element_type3A_46, %cond3A_47 : i32
      scf.if %cond3A_48 {
        %mul3A_87 = arith.constant 624 : i32
        %mul3A_88 = arith.muli %arg1, %mul3A_87 : i32
        "tpu.region"() ({
          %run_scoped3A = tpu.sem_alloc : memref<!tpu.dma_semaphore, #tpu.memory_space<semaphore_mem>>
          %dma_start3A_89 = arith.constant 0 : i32
          %dma_start3A_90 = tpu.memref_slice %arg21[%mul3A_88, %dma_start3A_89] : memref<10000x128xf32, #tpu.memory_space<vmem_shared>> -> memref<624x128xf32, #tpu.memory_space<vmem_shared>>
          %dma_start3A_91 = arith.constant 0 : i32
          %dma_start3A_92 = arith.constant 0 : i32
          %dma_start3A_93 = tpu.memref_slice %arg8[%dma_start3A_91, %dma_start3A_92] : memref<640x128xf32, #tpu.memory_space<hbm>> -> memref<624x128xf32, #tpu.memory_space<hbm>>
          tpu.enqueue_dma source(%dma_start3A_93 : memref<624x128xf32, #tpu.memory_space<hbm>>) target(%dma_start3A_90 : memref<624x128xf32, #tpu.memory_space<vmem_shared>>) target_semaphore(%run_scoped3A : memref<!tpu.dma_semaphore, #tpu.memory_space<semaphore_mem>>)
          %dma_wait3A_94 = arith.constant 0 : i32
          %dma_wait3A_95 = tpu.memref_slice %arg21[%mul3A_88, %dma_wait3A_94] : memref<10000x128xf32, #tpu.memory_space<vmem_shared>> -> memref<624x128xf32, #tpu.memory_space<vmem_shared>>
          %dma_wait3A_96 = arith.constant 0 : i32
          %dma_wait3A_97 = arith.constant 0 : i32
          %dma_wait3A_98 = tpu.memref_slice %arg8[%dma_wait3A_96, %dma_wait3A_97] : memref<640x128xf32, #tpu.memory_space<hbm>> -> memref<624x128xf32, #tpu.memory_space<hbm>>
          tpu.wait_dma2 semaphore(%run_scoped3A : memref<!tpu.dma_semaphore, #tpu.memory_space<semaphore_mem>>) src(%dma_wait3A_98 : memref<624x128xf32, #tpu.memory_space<hbm>>) dst(%dma_wait3A_95 : memref<624x128xf32, #tpu.memory_space<vmem_shared>>)
          tpu.yield
        }) : () -> ()
      } else {
      }
      %eq3A_49 = arith.constant 15 : i32
      %eq3A_50 = arith.cmpi eq, %arg1, %eq3A_49 : i32
      %convert_element_type3A_51 = arith.extui %eq3A_50 : i1 to i32
      %cond3A_52 = arith.constant 0 : i32
      %cond3A_53 = arith.cmpi ne, %convert_element_type3A_51, %cond3A_52 : i32
      scf.if %cond3A_53 {
        "tpu.region"() ({
          %run_scoped3A = tpu.sem_alloc : memref<!tpu.dma_semaphore, #tpu.memory_space<semaphore_mem>>
          %dma_start3A_87 = arith.constant 9360 : i32
          %dma_start3A_88 = arith.constant 0 : i32
          %dma_start3A_89 = tpu.memref_slice %arg21[%dma_start3A_87, %dma_start3A_88] : memref<10000x128xf32, #tpu.memory_space<vmem_shared>> -> memref<640x128xf32, #tpu.memory_space<vmem_shared>>
          tpu.enqueue_dma source(%arg8 : memref<640x128xf32, #tpu.memory_space<hbm>>) target(%dma_start3A_89 : memref<640x128xf32, #tpu.memory_space<vmem_shared>>) target_semaphore(%run_scoped3A : memref<!tpu.dma_semaphore, #tpu.memory_space<semaphore_mem>>)
          %dma_wait3A_90 = arith.constant 9360 : i32
          %dma_wait3A_91 = arith.constant 0 : i32
          %dma_wait3A_92 = tpu.memref_slice %arg21[%dma_wait3A_90, %dma_wait3A_91] : memref<10000x128xf32, #tpu.memory_space<vmem_shared>> -> memref<640x128xf32, #tpu.memory_space<vmem_shared>>
          tpu.wait_dma2 semaphore(%run_scoped3A : memref<!tpu.dma_semaphore, #tpu.memory_space<semaphore_mem>>) src(%arg8 : memref<640x128xf32, #tpu.memory_space<hbm>>) dst(%dma_wait3A_92 : memref<640x128xf32, #tpu.memory_space<vmem_shared>>)
          tpu.yield
        }) : () -> ()
      } else {
      }
      %barrier3A_54 = arith.constant 0 : index
      tpu.barrier barrier_id(%barrier3A_54)
      %mul3A_55 = arith.constant 128 : i32
      %mul3A_56 = arith.muli %arg1, %mul3A_55 : i32
      %dma_start3A_57 = tpu.memref_slice %arg6[%mul3A_56] : memref<160000xi32, #tpu.memory_space<hbm>> -> memref<128xi32, #tpu.memory_space<hbm>>
      %dma_start3A_58 = tpu.memref_slice %arg6[%mul3A_56] : memref<160000xi32, #tpu.memory_space<hbm>> -> memref<128xi32, #tpu.memory_space<hbm>>
      tpu.enqueue_dma source(%dma_start3A_58 : memref<128xi32, #tpu.memory_space<hbm>>) target(%arg13 : memref<128xi32, #tpu.memory_space<vmem>>) target_semaphore(%arg26 : memref<!tpu.dma_semaphore, #tpu.memory_space<semaphore_mem>>)
      %mul3A_59 = arith.constant 128 : i32
      %mul3A_60 = arith.muli %arg1, %mul3A_59 : i32
      %dma_start3A_61 = tpu.memref_slice %arg7[%mul3A_60] : memref<160000xi32, #tpu.memory_space<hbm>> -> memref<128xi32, #tpu.memory_space<hbm>>
      %dma_start3A_62 = tpu.memref_slice %arg7[%mul3A_60] : memref<160000xi32, #tpu.memory_space<hbm>> -> memref<128xi32, #tpu.memory_space<hbm>>
      tpu.enqueue_dma source(%dma_start3A_62 : memref<128xi32, #tpu.memory_space<hbm>>) target(%arg15 : memref<128xi32, #tpu.memory_space<vmem>>) target_semaphore(%arg26 : memref<!tpu.dma_semaphore, #tpu.memory_space<semaphore_mem>>)
      %scan3A_63 = arith.constant 0 : i32
      %scan3A_64 = arith.constant 0 : i32
      %scan3A_65 = arith.constant 20 : i32
      %scan3A_66 = arith.addi %scan3A_64, %scan3A_65 : i32
      %scan3A_67 = arith.constant 1 : i32
      scf.for %scan3A_87 = %scan3A_64 to %scan3A_66 step %scan3A_67  : i32 {
        %mul3A_88 = arith.constant 4 : i32
        %mul3A_89 = arith.muli %mul3A_88, %scan3A_87 : i32
        %add3A = arith.constant 0 : i32
        %add3A_90 = arith.addi %mul3A_89, %add3A : i32
        %mul3A_91 = arith.constant 16 : i32
        %mul3A_92 = arith.muli %add3A_90, %mul3A_91 : i32
        %add3A_93 = arith.addi %mul3A_92, %arg1 : i32
        %lt3A_94 = arith.constant 1250 : i32
        %lt3A_95 = arith.cmpi slt, %add3A_93, %lt3A_94 : i32
        %convert_element_type3A_96 = arith.extui %lt3A_95 : i1 to i32
        %cond3A_97 = arith.constant 0 : i32
        %cond3A_98 = arith.cmpi ne, %convert_element_type3A_96, %cond3A_97 : i32
        scf.if %cond3A_98 {
          %mul3A_135 = arith.constant 128 : i32
          %mul3A_136 = arith.muli %add3A_93, %mul3A_135 : i32
          %dma_wait3A_137 = tpu.memref_slice %arg6[%mul3A_136] : memref<160000xi32, #tpu.memory_space<hbm>> -> memref<128xi32, #tpu.memory_space<hbm>>
          %dma_wait3A_138 = tpu.memref_slice %arg6[%mul3A_136] : memref<160000xi32, #tpu.memory_space<hbm>> -> memref<128xi32, #tpu.memory_space<hbm>>
          tpu.wait_dma2 semaphore(%arg26 : memref<!tpu.dma_semaphore, #tpu.memory_space<semaphore_mem>>) src(%dma_wait3A_138 : memref<128xi32, #tpu.memory_space<hbm>>) dst(%arg13 : memref<128xi32, #tpu.memory_space<vmem>>)
          %mul3A_139 = arith.constant 128 : i32
          %mul3A_140 = arith.muli %add3A_93, %mul3A_139 : i32
          %dma_wait3A_141 = tpu.memref_slice %arg7[%mul3A_140] : memref<160000xi32, #tpu.memory_space<hbm>> -> memref<128xi32, #tpu.memory_space<hbm>>
          %dma_wait3A_142 = tpu.memref_slice %arg7[%mul3A_140] : memref<160000xi32, #tpu.memory_space<hbm>> -> memref<128xi32, #tpu.memory_space<hbm>>
          tpu.wait_dma2 semaphore(%arg26 : memref<!tpu.dma_semaphore, #tpu.memory_space<semaphore_mem>>) src(%dma_wait3A_142 : memref<128xi32, #tpu.memory_space<hbm>>) dst(%arg15 : memref<128xi32, #tpu.memory_space<vmem>>)
          %add3A_143 = arith.constant 16 : i32
          %add3A_144 = arith.addi %add3A_93, %add3A_143 : i32
          %lt3A_145 = arith.constant 1250 : i32
          %lt3A_146 = arith.cmpi slt, %add3A_144, %lt3A_145 : i32
          %convert_element_type3A_147 = arith.extui %lt3A_146 : i1 to i32
          %cond3A_148 = arith.constant 0 : i32
          %cond3A_149 = arith.cmpi ne, %convert_element_type3A_147, %cond3A_148 : i32
          scf.if %cond3A_149 {
            %add3A_163 = arith.constant 16 : i32
            %add3A_164 = arith.addi %add3A_93, %add3A_163 : i32
            %mul3A_165 = arith.constant 128 : i32
            %mul3A_166 = arith.muli %add3A_164, %mul3A_165 : i32
            %dma_start3A_167 = tpu.memref_slice %arg6[%mul3A_166] : memref<160000xi32, #tpu.memory_space<hbm>> -> memref<128xi32, #tpu.memory_space<hbm>>
            %dma_start3A_168 = tpu.memref_slice %arg6[%mul3A_166] : memref<160000xi32, #tpu.memory_space<hbm>> -> memref<128xi32, #tpu.memory_space<hbm>>
            tpu.enqueue_dma source(%dma_start3A_168 : memref<128xi32, #tpu.memory_space<hbm>>) target(%arg14 : memref<128xi32, #tpu.memory_space<vmem>>) target_semaphore(%arg27 : memref<!tpu.dma_semaphore, #tpu.memory_space<semaphore_mem>>)
            %mul3A_169 = arith.constant 128 : i32
            %mul3A_170 = arith.muli %add3A_164, %mul3A_169 : i32
            %dma_start3A_171 = tpu.memref_slice %arg7[%mul3A_170] : memref<160000xi32, #tpu.memory_space<hbm>> -> memref<128xi32, #tpu.memory_space<hbm>>
            %dma_start3A_172 = tpu.memref_slice %arg7[%mul3A_170] : memref<160000xi32, #tpu.memory_space<hbm>> -> memref<128xi32, #tpu.memory_space<hbm>>
            tpu.enqueue_dma source(%dma_start3A_172 : memref<128xi32, #tpu.memory_space<hbm>>) target(%arg16 : memref<128xi32, #tpu.memory_space<vmem>>) target_semaphore(%arg27 : memref<!tpu.dma_semaphore, #tpu.memory_space<semaphore_mem>>)
          } else {
          }
          %gt3A = arith.constant 0 : i32
          %gt3A_150 = arith.cmpi sgt, %scan3A_87, %gt3A : i32
          %convert_element_type3A_151 = arith.extui %gt3A_150 : i1 to i32
          %cond3A_152 = arith.constant 0 : i32
          %cond3A_153 = arith.cmpi ne, %convert_element_type3A_151, %cond3A_152 : i32
          scf.if %cond3A_153 {
            %dma_wait3A_163 = arith.constant 0 : i32
            %dma_wait3A_164 = arith.constant 0 : i32
            %dma_wait3A_165 = tpu.memref_slice %arg21[%dma_wait3A_163, %dma_wait3A_164] : memref<10000x128xf32, #tpu.memory_space<vmem_shared>> -> memref<10000x128xf32, #tpu.memory_space<vmem_shared>>
            tpu.wait_indirect_dma semaphore(%arg24 : memref<!tpu.dma_semaphore, #tpu.memory_space<semaphore_mem>>) src(%arg19 : memref<128x128xf32, #tpu.memory_space<vmem>>) dst(%dma_wait3A_165 : memref<10000x128xf32, #tpu.memory_space<vmem_shared>>)
          } else {
          }
          %dma_start3A_154 = arith.constant 0 : i32
          %dma_start3A_155 = arith.constant 0 : i32
          %dma_start3A_156 = tpu.memref_slice %arg3[%dma_start3A_154, %dma_start3A_155] : memref<10000x128xf32, #tpu.memory_space<hbm>> -> memref<10000x128xf32, #tpu.memory_space<hbm>>
          tpu.enqueue_indirect_dma source(%dma_start3A_156 : memref<10000x128xf32, #tpu.memory_space<hbm>>) target(%arg19 : memref<128x128xf32, #tpu.memory_space<vmem>>) offsets(%arg13 : memref<128xi32, #tpu.memory_space<vmem>>) semaphore(%arg22 : memref<!tpu.dma_semaphore, #tpu.memory_space<semaphore_mem>>)
          %dma_wait3A_157 = arith.constant 0 : i32
          %dma_wait3A_158 = arith.constant 0 : i32
          %dma_wait3A_159 = tpu.memref_slice %arg3[%dma_wait3A_157, %dma_wait3A_158] : memref<10000x128xf32, #tpu.memory_space<hbm>> -> memref<10000x128xf32, #tpu.memory_space<hbm>>
          tpu.wait_indirect_dma semaphore(%arg22 : memref<!tpu.dma_semaphore, #tpu.memory_space<semaphore_mem>>) src(%dma_wait3A_159 : memref<10000x128xf32, #tpu.memory_space<hbm>>) dst(%arg19 : memref<128x128xf32, #tpu.memory_space<vmem>>)
          %dma_start3A_160 = arith.constant 0 : i32
          %dma_start3A_161 = arith.constant 0 : i32
          %dma_start3A_162 = tpu.memref_slice %arg21[%dma_start3A_160, %dma_start3A_161] : memref<10000x128xf32, #tpu.memory_space<vmem_shared>> -> memref<10000x128xf32, #tpu.memory_space<vmem_shared>>
          tpu.enqueue_indirect_dma source(%arg19 : memref<128x128xf32, #tpu.memory_space<vmem>>) target(%dma_start3A_162 : memref<10000x128xf32, #tpu.memory_space<vmem_shared>>) offsets(%arg15 : memref<128xi32, #tpu.memory_space<vmem>>) semaphore(%arg24 : memref<!tpu.dma_semaphore, #tpu.memory_space<semaphore_mem>>) {add = true}
        } else {
        }
        %mul3A_99 = arith.constant 4 : i32
        %mul3A_100 = arith.muli %mul3A_99, %scan3A_87 : i32
        %add3A_101 = arith.constant 1 : i32
        %add3A_102 = arith.addi %mul3A_100, %add3A_101 : i32
        %mul3A_103 = arith.constant 16 : i32
        %mul3A_104 = arith.muli %add3A_102, %mul3A_103 : i32
        %add3A_105 = arith.addi %mul3A_104, %arg1 : i32
        %lt3A_106 = arith.constant 1250 : i32
        %lt3A_107 = arith.cmpi slt, %add3A_105, %lt3A_106 : i32
        %convert_element_type3A_108 = arith.extui %lt3A_107 : i1 to i32
        %cond3A_109 = arith.constant 0 : i32
        %cond3A_110 = arith.cmpi ne, %convert_element_type3A_108, %cond3A_109 : i32
        scf.if %cond3A_110 {
          %mul3A_135 = arith.constant 128 : i32
          %mul3A_136 = arith.muli %add3A_105, %mul3A_135 : i32
          %dma_wait3A_137 = tpu.memref_slice %arg6[%mul3A_136] : memref<160000xi32, #tpu.memory_space<hbm>> -> memref<128xi32, #tpu.memory_space<hbm>>
          %dma_wait3A_138 = tpu.memref_slice %arg6[%mul3A_136] : memref<160000xi32, #tpu.memory_space<hbm>> -> memref<128xi32, #tpu.memory_space<hbm>>
          tpu.wait_dma2 semaphore(%arg27 : memref<!tpu.dma_semaphore, #tpu.memory_space<semaphore_mem>>) src(%dma_wait3A_138 : memref<128xi32, #tpu.memory_space<hbm>>) dst(%arg14 : memref<128xi32, #tpu.memory_space<vmem>>)
          %mul3A_139 = arith.constant 128 : i32
          %mul3A_140 = arith.muli %add3A_105, %mul3A_139 : i32
          %dma_wait3A_141 = tpu.memref_slice %arg7[%mul3A_140] : memref<160000xi32, #tpu.memory_space<hbm>> -> memref<128xi32, #tpu.memory_space<hbm>>
          %dma_wait3A_142 = tpu.memref_slice %arg7[%mul3A_140] : memref<160000xi32, #tpu.memory_space<hbm>> -> memref<128xi32, #tpu.memory_space<hbm>>
          tpu.wait_dma2 semaphore(%arg27 : memref<!tpu.dma_semaphore, #tpu.memory_space<semaphore_mem>>) src(%dma_wait3A_142 : memref<128xi32, #tpu.memory_space<hbm>>) dst(%arg16 : memref<128xi32, #tpu.memory_space<vmem>>)
          %add3A_143 = arith.constant 16 : i32
          %add3A_144 = arith.addi %add3A_105, %add3A_143 : i32
          %lt3A_145 = arith.constant 1250 : i32
          %lt3A_146 = arith.cmpi slt, %add3A_144, %lt3A_145 : i32
          %convert_element_type3A_147 = arith.extui %lt3A_146 : i1 to i32
          %cond3A_148 = arith.constant 0 : i32
          %cond3A_149 = arith.cmpi ne, %convert_element_type3A_147, %cond3A_148 : i32
          scf.if %cond3A_149 {
            %add3A_163 = arith.constant 16 : i32
            %add3A_164 = arith.addi %add3A_105, %add3A_163 : i32
            %mul3A_165 = arith.constant 128 : i32
            %mul3A_166 = arith.muli %add3A_164, %mul3A_165 : i32
            %dma_start3A_167 = tpu.memref_slice %arg6[%mul3A_166] : memref<160000xi32, #tpu.memory_space<hbm>> -> memref<128xi32, #tpu.memory_space<hbm>>
            %dma_start3A_168 = tpu.memref_slice %arg6[%mul3A_166] : memref<160000xi32, #tpu.memory_space<hbm>> -> memref<128xi32, #tpu.memory_space<hbm>>
            tpu.enqueue_dma source(%dma_start3A_168 : memref<128xi32, #tpu.memory_space<hbm>>) target(%arg13 : memref<128xi32, #tpu.memory_space<vmem>>) target_semaphore(%arg26 : memref<!tpu.dma_semaphore, #tpu.memory_space<semaphore_mem>>)
            %mul3A_169 = arith.constant 128 : i32
            %mul3A_170 = arith.muli %add3A_164, %mul3A_169 : i32
            %dma_start3A_171 = tpu.memref_slice %arg7[%mul3A_170] : memref<160000xi32, #tpu.memory_space<hbm>> -> memref<128xi32, #tpu.memory_space<hbm>>
            %dma_start3A_172 = tpu.memref_slice %arg7[%mul3A_170] : memref<160000xi32, #tpu.memory_space<hbm>> -> memref<128xi32, #tpu.memory_space<hbm>>
            tpu.enqueue_dma source(%dma_start3A_172 : memref<128xi32, #tpu.memory_space<hbm>>) target(%arg17 : memref<128xi32, #tpu.memory_space<vmem>>) target_semaphore(%arg26 : memref<!tpu.dma_semaphore, #tpu.memory_space<semaphore_mem>>)
          } else {
          }
          %gt3A = arith.constant 0 : i32
          %gt3A_150 = arith.cmpi sgt, %scan3A_87, %gt3A : i32
          %convert_element_type3A_151 = arith.extui %gt3A_150 : i1 to i32
          %cond3A_152 = arith.constant 0 : i32
          %cond3A_153 = arith.cmpi ne, %convert_element_type3A_151, %cond3A_152 : i32
          scf.if %cond3A_153 {
            %dma_wait3A_163 = arith.constant 0 : i32
            %dma_wait3A_164 = arith.constant 0 : i32
            %dma_wait3A_165 = tpu.memref_slice %arg21[%dma_wait3A_163, %dma_wait3A_164] : memref<10000x128xf32, #tpu.memory_space<vmem_shared>> -> memref<10000x128xf32, #tpu.memory_space<vmem_shared>>
            tpu.wait_indirect_dma semaphore(%arg25 : memref<!tpu.dma_semaphore, #tpu.memory_space<semaphore_mem>>) src(%arg20 : memref<128x128xf32, #tpu.memory_space<vmem>>) dst(%dma_wait3A_165 : memref<10000x128xf32, #tpu.memory_space<vmem_shared>>)
          } else {
          }
          %dma_start3A_154 = arith.constant 0 : i32
          %dma_start3A_155 = arith.constant 0 : i32
          %dma_start3A_156 = tpu.memref_slice %arg3[%dma_start3A_154, %dma_start3A_155] : memref<10000x128xf32, #tpu.memory_space<hbm>> -> memref<10000x128xf32, #tpu.memory_space<hbm>>
          tpu.enqueue_indirect_dma source(%dma_start3A_156 : memref<10000x128xf32, #tpu.memory_space<hbm>>) target(%arg20 : memref<128x128xf32, #tpu.memory_space<vmem>>) offsets(%arg14 : memref<128xi32, #tpu.memory_space<vmem>>) semaphore(%arg23 : memref<!tpu.dma_semaphore, #tpu.memory_space<semaphore_mem>>)
          %dma_wait3A_157 = arith.constant 0 : i32
          %dma_wait3A_158 = arith.constant 0 : i32
          %dma_wait3A_159 = tpu.memref_slice %arg3[%dma_wait3A_157, %dma_wait3A_158] : memref<10000x128xf32, #tpu.memory_space<hbm>> -> memref<10000x128xf32, #tpu.memory_space<hbm>>
          tpu.wait_indirect_dma semaphore(%arg23 : memref<!tpu.dma_semaphore, #tpu.memory_space<semaphore_mem>>) src(%dma_wait3A_159 : memref<10000x128xf32, #tpu.memory_space<hbm>>) dst(%arg20 : memref<128x128xf32, #tpu.memory_space<vmem>>)
          %dma_start3A_160 = arith.constant 0 : i32
          %dma_start3A_161 = arith.constant 0 : i32
          %dma_start3A_162 = tpu.memref_slice %arg21[%dma_start3A_160, %dma_start3A_161] : memref<10000x128xf32, #tpu.memory_space<vmem_shared>> -> memref<10000x128xf32, #tpu.memory_space<vmem_shared>>
          tpu.enqueue_indirect_dma source(%arg20 : memref<128x128xf32, #tpu.memory_space<vmem>>) target(%dma_start3A_162 : memref<10000x128xf32, #tpu.memory_space<vmem_shared>>) offsets(%arg16 : memref<128xi32, #tpu.memory_space<vmem>>) semaphore(%arg25 : memref<!tpu.dma_semaphore, #tpu.memory_space<semaphore_mem>>) {add = true}
        } else {
        }
        %mul3A_111 = arith.constant 4 : i32
        %mul3A_112 = arith.muli %mul3A_111, %scan3A_87 : i32
        %add3A_113 = arith.constant 2 : i32
        %add3A_114 = arith.addi %mul3A_112, %add3A_113 : i32
        %mul3A_115 = arith.constant 16 : i32
        %mul3A_116 = arith.muli %add3A_114, %mul3A_115 : i32
        %add3A_117 = arith.addi %mul3A_116, %arg1 : i32
        %lt3A_118 = arith.constant 1250 : i32
        %lt3A_119 = arith.cmpi slt, %add3A_117, %lt3A_118 : i32
        %convert_element_type3A_120 = arith.extui %lt3A_119 : i1 to i32
        %cond3A_121 = arith.constant 0 : i32
        %cond3A_122 = arith.cmpi ne, %convert_element_type3A_120, %cond3A_121 : i32
        scf.if %cond3A_122 {
          %mul3A_135 = arith.constant 128 : i32
          %mul3A_136 = arith.muli %add3A_117, %mul3A_135 : i32
          %dma_wait3A_137 = tpu.memref_slice %arg6[%mul3A_136] : memref<160000xi32, #tpu.memory_space<hbm>> -> memref<128xi32, #tpu.memory_space<hbm>>
          %dma_wait3A_138 = tpu.memref_slice %arg6[%mul3A_136] : memref<160000xi32, #tpu.memory_space<hbm>> -> memref<128xi32, #tpu.memory_space<hbm>>
          tpu.wait_dma2 semaphore(%arg26 : memref<!tpu.dma_semaphore, #tpu.memory_space<semaphore_mem>>) src(%dma_wait3A_138 : memref<128xi32, #tpu.memory_space<hbm>>) dst(%arg13 : memref<128xi32, #tpu.memory_space<vmem>>)
          %mul3A_139 = arith.constant 128 : i32
          %mul3A_140 = arith.muli %add3A_117, %mul3A_139 : i32
          %dma_wait3A_141 = tpu.memref_slice %arg7[%mul3A_140] : memref<160000xi32, #tpu.memory_space<hbm>> -> memref<128xi32, #tpu.memory_space<hbm>>
          %dma_wait3A_142 = tpu.memref_slice %arg7[%mul3A_140] : memref<160000xi32, #tpu.memory_space<hbm>> -> memref<128xi32, #tpu.memory_space<hbm>>
          tpu.wait_dma2 semaphore(%arg26 : memref<!tpu.dma_semaphore, #tpu.memory_space<semaphore_mem>>) src(%dma_wait3A_142 : memref<128xi32, #tpu.memory_space<hbm>>) dst(%arg17 : memref<128xi32, #tpu.memory_space<vmem>>)
          %add3A_143 = arith.constant 16 : i32
          %add3A_144 = arith.addi %add3A_117, %add3A_143 : i32
          %lt3A_145 = arith.constant 1250 : i32
          %lt3A_146 = arith.cmpi slt, %add3A_144, %lt3A_145 : i32
          %convert_element_type3A_147 = arith.extui %lt3A_146 : i1 to i32
          %cond3A_148 = arith.constant 0 : i32
          %cond3A_149 = arith.cmpi ne, %convert_element_type3A_147, %cond3A_148 : i32
          scf.if %cond3A_149 {
            %add3A_162 = arith.constant 16 : i32
            %add3A_163 = arith.addi %add3A_117, %add3A_162 : i32
            %mul3A_164 = arith.constant 128 : i32
            %mul3A_165 = arith.muli %add3A_163, %mul3A_164 : i32
            %dma_start3A_166 = tpu.memref_slice %arg6[%mul3A_165] : memref<160000xi32, #tpu.memory_space<hbm>> -> memref<128xi32, #tpu.memory_space<hbm>>
            %dma_start3A_167 = tpu.memref_slice %arg6[%mul3A_165] : memref<160000xi32, #tpu.memory_space<hbm>> -> memref<128xi32, #tpu.memory_space<hbm>>
            tpu.enqueue_dma source(%dma_start3A_167 : memref<128xi32, #tpu.memory_space<hbm>>) target(%arg14 : memref<128xi32, #tpu.memory_space<vmem>>) target_semaphore(%arg27 : memref<!tpu.dma_semaphore, #tpu.memory_space<semaphore_mem>>)
            %mul3A_168 = arith.constant 128 : i32
            %mul3A_169 = arith.muli %add3A_163, %mul3A_168 : i32
            %dma_start3A_170 = tpu.memref_slice %arg7[%mul3A_169] : memref<160000xi32, #tpu.memory_space<hbm>> -> memref<128xi32, #tpu.memory_space<hbm>>
            %dma_start3A_171 = tpu.memref_slice %arg7[%mul3A_169] : memref<160000xi32, #tpu.memory_space<hbm>> -> memref<128xi32, #tpu.memory_space<hbm>>
            tpu.enqueue_dma source(%dma_start3A_171 : memref<128xi32, #tpu.memory_space<hbm>>) target(%arg18 : memref<128xi32, #tpu.memory_space<vmem>>) target_semaphore(%arg27 : memref<!tpu.dma_semaphore, #tpu.memory_space<semaphore_mem>>)
          } else {
          }
          %dma_wait3A_150 = arith.constant 0 : i32
          %dma_wait3A_151 = arith.constant 0 : i32
          %dma_wait3A_152 = tpu.memref_slice %arg21[%dma_wait3A_150, %dma_wait3A_151] : memref<10000x128xf32, #tpu.memory_space<vmem_shared>> -> memref<10000x128xf32, #tpu.memory_space<vmem_shared>>
          tpu.wait_indirect_dma semaphore(%arg24 : memref<!tpu.dma_semaphore, #tpu.memory_space<semaphore_mem>>) src(%arg19 : memref<128x128xf32, #tpu.memory_space<vmem>>) dst(%dma_wait3A_152 : memref<10000x128xf32, #tpu.memory_space<vmem_shared>>)
          %dma_start3A_153 = arith.constant 0 : i32
          %dma_start3A_154 = arith.constant 0 : i32
          %dma_start3A_155 = tpu.memref_slice %arg3[%dma_start3A_153, %dma_start3A_154] : memref<10000x128xf32, #tpu.memory_space<hbm>> -> memref<10000x128xf32, #tpu.memory_space<hbm>>
          tpu.enqueue_indirect_dma source(%dma_start3A_155 : memref<10000x128xf32, #tpu.memory_space<hbm>>) target(%arg19 : memref<128x128xf32, #tpu.memory_space<vmem>>) offsets(%arg13 : memref<128xi32, #tpu.memory_space<vmem>>) semaphore(%arg22 : memref<!tpu.dma_semaphore, #tpu.memory_space<semaphore_mem>>)
          %dma_wait3A_156 = arith.constant 0 : i32
          %dma_wait3A_157 = arith.constant 0 : i32
          %dma_wait3A_158 = tpu.memref_slice %arg3[%dma_wait3A_156, %dma_wait3A_157] : memref<10000x128xf32, #tpu.memory_space<hbm>> -> memref<10000x128xf32, #tpu.memory_space<hbm>>
          tpu.wait_indirect_dma semaphore(%arg22 : memref<!tpu.dma_semaphore, #tpu.memory_space<semaphore_mem>>) src(%dma_wait3A_158 : memref<10000x128xf32, #tpu.memory_space<hbm>>) dst(%arg19 : memref<128x128xf32, #tpu.memory_space<vmem>>)
          %dma_start3A_159 = arith.constant 0 : i32
          %dma_start3A_160 = arith.constant 0 : i32
          %dma_start3A_161 = tpu.memref_slice %arg21[%dma_start3A_159, %dma_start3A_160] : memref<10000x128xf32, #tpu.memory_space<vmem_shared>> -> memref<10000x128xf32, #tpu.memory_space<vmem_shared>>
          tpu.enqueue_indirect_dma source(%arg19 : memref<128x128xf32, #tpu.memory_space<vmem>>) target(%dma_start3A_161 : memref<10000x128xf32, #tpu.memory_space<vmem_shared>>) offsets(%arg17 : memref<128xi32, #tpu.memory_space<vmem>>) semaphore(%arg24 : memref<!tpu.dma_semaphore, #tpu.memory_space<semaphore_mem>>) {add = true}
        } else {
        }
        %mul3A_123 = arith.constant 4 : i32
        %mul3A_124 = arith.muli %mul3A_123, %scan3A_87 : i32
        %add3A_125 = arith.constant 3 : i32
        %add3A_126 = arith.addi %mul3A_124, %add3A_125 : i32
        %mul3A_127 = arith.constant 16 : i32
        %mul3A_128 = arith.muli %add3A_126, %mul3A_127 : i32
        %add3A_129 = arith.addi %mul3A_128, %arg1 : i32
        %lt3A_130 = arith.constant 1250 : i32
        %lt3A_131 = arith.cmpi slt, %add3A_129, %lt3A_130 : i32
        %convert_element_type3A_132 = arith.extui %lt3A_131 : i1 to i32
        %cond3A_133 = arith.constant 0 : i32
        %cond3A_134 = arith.cmpi ne, %convert_element_type3A_132, %cond3A_133 : i32
        scf.if %cond3A_134 {
          %mul3A_135 = arith.constant 128 : i32
          %mul3A_136 = arith.muli %add3A_129, %mul3A_135 : i32
          %dma_wait3A_137 = tpu.memref_slice %arg6[%mul3A_136] : memref<160000xi32, #tpu.memory_space<hbm>> -> memref<128xi32, #tpu.memory_space<hbm>>
          %dma_wait3A_138 = tpu.memref_slice %arg6[%mul3A_136] : memref<160000xi32, #tpu.memory_space<hbm>> -> memref<128xi32, #tpu.memory_space<hbm>>
          tpu.wait_dma2 semaphore(%arg27 : memref<!tpu.dma_semaphore, #tpu.memory_space<semaphore_mem>>) src(%dma_wait3A_138 : memref<128xi32, #tpu.memory_space<hbm>>) dst(%arg14 : memref<128xi32, #tpu.memory_space<vmem>>)
          %mul3A_139 = arith.constant 128 : i32
          %mul3A_140 = arith.muli %add3A_129, %mul3A_139 : i32
          %dma_wait3A_141 = tpu.memref_slice %arg7[%mul3A_140] : memref<160000xi32, #tpu.memory_space<hbm>> -> memref<128xi32, #tpu.memory_space<hbm>>
          %dma_wait3A_142 = tpu.memref_slice %arg7[%mul3A_140] : memref<160000xi32, #tpu.memory_space<hbm>> -> memref<128xi32, #tpu.memory_space<hbm>>
          tpu.wait_dma2 semaphore(%arg27 : memref<!tpu.dma_semaphore, #tpu.memory_space<semaphore_mem>>) src(%dma_wait3A_142 : memref<128xi32, #tpu.memory_space<hbm>>) dst(%arg18 : memref<128xi32, #tpu.memory_space<vmem>>)
          %add3A_143 = arith.constant 16 : i32
          %add3A_144 = arith.addi %add3A_129, %add3A_143 : i32
          %lt3A_145 = arith.constant 1250 : i32
          %lt3A_146 = arith.cmpi slt, %add3A_144, %lt3A_145 : i32
          %convert_element_type3A_147 = arith.extui %lt3A_146 : i1 to i32
          %cond3A_148 = arith.constant 0 : i32
          %cond3A_149 = arith.cmpi ne, %convert_element_type3A_147, %cond3A_148 : i32
          scf.if %cond3A_149 {
            %add3A_162 = arith.constant 16 : i32
            %add3A_163 = arith.addi %add3A_129, %add3A_162 : i32
            %mul3A_164 = arith.constant 128 : i32
            %mul3A_165 = arith.muli %add3A_163, %mul3A_164 : i32
            %dma_start3A_166 = tpu.memref_slice %arg6[%mul3A_165] : memref<160000xi32, #tpu.memory_space<hbm>> -> memref<128xi32, #tpu.memory_space<hbm>>
            %dma_start3A_167 = tpu.memref_slice %arg6[%mul3A_165] : memref<160000xi32, #tpu.memory_space<hbm>> -> memref<128xi32, #tpu.memory_space<hbm>>
            tpu.enqueue_dma source(%dma_start3A_167 : memref<128xi32, #tpu.memory_space<hbm>>) target(%arg13 : memref<128xi32, #tpu.memory_space<vmem>>) target_semaphore(%arg26 : memref<!tpu.dma_semaphore, #tpu.memory_space<semaphore_mem>>)
            %mul3A_168 = arith.constant 128 : i32
            %mul3A_169 = arith.muli %add3A_163, %mul3A_168 : i32
            %dma_start3A_170 = tpu.memref_slice %arg7[%mul3A_169] : memref<160000xi32, #tpu.memory_space<hbm>> -> memref<128xi32, #tpu.memory_space<hbm>>
            %dma_start3A_171 = tpu.memref_slice %arg7[%mul3A_169] : memref<160000xi32, #tpu.memory_space<hbm>> -> memref<128xi32, #tpu.memory_space<hbm>>
            tpu.enqueue_dma source(%dma_start3A_171 : memref<128xi32, #tpu.memory_space<hbm>>) target(%arg15 : memref<128xi32, #tpu.memory_space<vmem>>) target_semaphore(%arg26 : memref<!tpu.dma_semaphore, #tpu.memory_space<semaphore_mem>>)
          } else {
          }
          %dma_wait3A_150 = arith.constant 0 : i32
          %dma_wait3A_151 = arith.constant 0 : i32
          %dma_wait3A_152 = tpu.memref_slice %arg21[%dma_wait3A_150, %dma_wait3A_151] : memref<10000x128xf32, #tpu.memory_space<vmem_shared>> -> memref<10000x128xf32, #tpu.memory_space<vmem_shared>>
          tpu.wait_indirect_dma semaphore(%arg25 : memref<!tpu.dma_semaphore, #tpu.memory_space<semaphore_mem>>) src(%arg20 : memref<128x128xf32, #tpu.memory_space<vmem>>) dst(%dma_wait3A_152 : memref<10000x128xf32, #tpu.memory_space<vmem_shared>>)
          %dma_start3A_153 = arith.constant 0 : i32
          %dma_start3A_154 = arith.constant 0 : i32
          %dma_start3A_155 = tpu.memref_slice %arg3[%dma_start3A_153, %dma_start3A_154] : memref<10000x128xf32, #tpu.memory_space<hbm>> -> memref<10000x128xf32, #tpu.memory_space<hbm>>
          tpu.enqueue_indirect_dma source(%dma_start3A_155 : memref<10000x128xf32, #tpu.memory_space<hbm>>) target(%arg20 : memref<128x128xf32, #tpu.memory_space<vmem>>) offsets(%arg14 : memref<128xi32, #tpu.memory_space<vmem>>) semaphore(%arg23 : memref<!tpu.dma_semaphore, #tpu.memory_space<semaphore_mem>>)
          %dma_wait3A_156 = arith.constant 0 : i32
          %dma_wait3A_157 = arith.constant 0 : i32
          %dma_wait3A_158 = tpu.memref_slice %arg3[%dma_wait3A_156, %dma_wait3A_157] : memref<10000x128xf32, #tpu.memory_space<hbm>> -> memref<10000x128xf32, #tpu.memory_space<hbm>>
          tpu.wait_indirect_dma semaphore(%arg23 : memref<!tpu.dma_semaphore, #tpu.memory_space<semaphore_mem>>) src(%dma_wait3A_158 : memref<10000x128xf32, #tpu.memory_space<hbm>>) dst(%arg20 : memref<128x128xf32, #tpu.memory_space<vmem>>)
          %dma_start3A_159 = arith.constant 0 : i32
          %dma_start3A_160 = arith.constant 0 : i32
          %dma_start3A_161 = tpu.memref_slice %arg21[%dma_start3A_159, %dma_start3A_160] : memref<10000x128xf32, #tpu.memory_space<vmem_shared>> -> memref<10000x128xf32, #tpu.memory_space<vmem_shared>>
          tpu.enqueue_indirect_dma source(%arg20 : memref<128x128xf32, #tpu.memory_space<vmem>>) target(%dma_start3A_161 : memref<10000x128xf32, #tpu.memory_space<vmem_shared>>) offsets(%arg18 : memref<128xi32, #tpu.memory_space<vmem>>) semaphore(%arg25 : memref<!tpu.dma_semaphore, #tpu.memory_space<semaphore_mem>>) {add = true}
        } else {
        }
      }
      %scan3A_68 = arith.constant 20 : i32
      %dma_wait3A_69 = arith.constant 0 : i32
      %dma_wait3A_70 = arith.constant 0 : i32
      %dma_wait3A_71 = tpu.memref_slice %arg21[%dma_wait3A_69, %dma_wait3A_70] : memref<10000x128xf32, #tpu.memory_space<vmem_shared>> -> memref<10000x128xf32, #tpu.memory_space<vmem_shared>>
      tpu.wait_indirect_dma semaphore(%arg24 : memref<!tpu.dma_semaphore, #tpu.memory_space<semaphore_mem>>) src(%arg19 : memref<128x128xf32, #tpu.memory_space<vmem>>) dst(%dma_wait3A_71 : memref<10000x128xf32, #tpu.memory_space<vmem_shared>>)
      %dma_wait3A_72 = arith.constant 0 : i32
      %dma_wait3A_73 = arith.constant 0 : i32
      %dma_wait3A_74 = tpu.memref_slice %arg21[%dma_wait3A_72, %dma_wait3A_73] : memref<10000x128xf32, #tpu.memory_space<vmem_shared>> -> memref<10000x128xf32, #tpu.memory_space<vmem_shared>>
      tpu.wait_indirect_dma semaphore(%arg25 : memref<!tpu.dma_semaphore, #tpu.memory_space<semaphore_mem>>) src(%arg20 : memref<128x128xf32, #tpu.memory_space<vmem>>) dst(%dma_wait3A_74 : memref<10000x128xf32, #tpu.memory_space<vmem_shared>>)
      %barrier3A_75 = arith.constant 0 : index
      tpu.barrier barrier_id(%barrier3A_75)
      %lt3A_76 = arith.constant 15 : i32
      %lt3A_77 = arith.cmpi slt, %arg1, %lt3A_76 : i32
      %convert_element_type3A_78 = arith.extui %lt3A_77 : i1 to i32
      %cond3A_79 = arith.constant 0 : i32
      %cond3A_80 = arith.cmpi ne, %convert_element_type3A_78, %cond3A_79 : i32
      scf.if %cond3A_80 {
        %mul3A_87 = arith.constant 624 : i32
        %mul3A_88 = arith.muli %arg1, %mul3A_87 : i32
        %mul3A_89 = arith.constant 624 : i32
        %mul3A_90 = arith.muli %arg1, %mul3A_89 : i32
        "tpu.region"() ({
          %run_scoped3A = tpu.sem_alloc : memref<!tpu.dma_semaphore, #tpu.memory_space<semaphore_mem>>
          %dma_start3A_91 = arith.constant 0 : i32
          %dma_start3A_92 = tpu.memref_slice %arg10[%mul3A_90, %dma_start3A_91] : memref<10000x128xf32, #tpu.memory_space<hbm>> -> memref<624x128xf32, #tpu.memory_space<hbm>>
          %dma_start3A_93 = arith.constant 0 : i32
          %dma_start3A_94 = tpu.memref_slice %arg21[%mul3A_88, %dma_start3A_93] : memref<10000x128xf32, #tpu.memory_space<vmem_shared>> -> memref<624x128xf32, #tpu.memory_space<vmem_shared>>
          tpu.enqueue_dma source(%dma_start3A_94 : memref<624x128xf32, #tpu.memory_space<vmem_shared>>) target(%dma_start3A_92 : memref<624x128xf32, #tpu.memory_space<hbm>>) target_semaphore(%run_scoped3A : memref<!tpu.dma_semaphore, #tpu.memory_space<semaphore_mem>>)
          %dma_wait3A_95 = arith.constant 0 : i32
          %dma_wait3A_96 = tpu.memref_slice %arg10[%mul3A_90, %dma_wait3A_95] : memref<10000x128xf32, #tpu.memory_space<hbm>> -> memref<624x128xf32, #tpu.memory_space<hbm>>
          %dma_wait3A_97 = arith.constant 0 : i32
          %dma_wait3A_98 = tpu.memref_slice %arg21[%mul3A_88, %dma_wait3A_97] : memref<10000x128xf32, #tpu.memory_space<vmem_shared>> -> memref<624x128xf32, #tpu.memory_space<vmem_shared>>
          tpu.wait_dma2 semaphore(%run_scoped3A : memref<!tpu.dma_semaphore, #tpu.memory_space<semaphore_mem>>) src(%dma_wait3A_98 : memref<624x128xf32, #tpu.memory_space<vmem_shared>>) dst(%dma_wait3A_96 : memref<624x128xf32, #tpu.memory_space<hbm>>)
          tpu.yield
        }) : () -> ()
      } else {
      }
      %eq3A_81 = arith.constant 15 : i32
      %eq3A_82 = arith.cmpi eq, %arg1, %eq3A_81 : i32
      %convert_element_type3A_83 = arith.extui %eq3A_82 : i1 to i32
      %cond3A_84 = arith.constant 0 : i32
      %cond3A_85 = arith.cmpi ne, %convert_element_type3A_83, %cond3A_84 : i32
      scf.if %cond3A_85 {
        "tpu.region"() ({
          %run_scoped3A = tpu.sem_alloc : memref<!tpu.dma_semaphore, #tpu.memory_space<semaphore_mem>>
          %dma_start3A_87 = arith.constant 9360 : i32
          %dma_start3A_88 = arith.constant 0 : i32
          %dma_start3A_89 = tpu.memref_slice %arg10[%dma_start3A_87, %dma_start3A_88] : memref<10000x128xf32, #tpu.memory_space<hbm>> -> memref<640x128xf32, #tpu.memory_space<hbm>>
          %dma_start3A_90 = arith.constant 9360 : i32
          %dma_start3A_91 = arith.constant 0 : i32
          %dma_start3A_92 = tpu.memref_slice %arg21[%dma_start3A_90, %dma_start3A_91] : memref<10000x128xf32, #tpu.memory_space<vmem_shared>> -> memref<640x128xf32, #tpu.memory_space<vmem_shared>>
          tpu.enqueue_dma source(%dma_start3A_92 : memref<640x128xf32, #tpu.memory_space<vmem_shared>>) target(%dma_start3A_89 : memref<640x128xf32, #tpu.memory_space<hbm>>) target_semaphore(%run_scoped3A : memref<!tpu.dma_semaphore, #tpu.memory_space<semaphore_mem>>)
          %dma_wait3A_93 = arith.constant 9360 : i32
          %dma_wait3A_94 = arith.constant 0 : i32
          %dma_wait3A_95 = tpu.memref_slice %arg10[%dma_wait3A_93, %dma_wait3A_94] : memref<10000x128xf32, #tpu.memory_space<hbm>> -> memref<640x128xf32, #tpu.memory_space<hbm>>
          %dma_wait3A_96 = arith.constant 9360 : i32
          %dma_wait3A_97 = arith.constant 0 : i32
          %dma_wait3A_98 = tpu.memref_slice %arg21[%dma_wait3A_96, %dma_wait3A_97] : memref<10000x128xf32, #tpu.memory_space<vmem_shared>> -> memref<640x128xf32, #tpu.memory_space<vmem_shared>>
          tpu.wait_dma2 semaphore(%run_scoped3A : memref<!tpu.dma_semaphore, #tpu.memory_space<semaphore_mem>>) src(%dma_wait3A_98 : memref<640x128xf32, #tpu.memory_space<vmem_shared>>) dst(%dma_wait3A_95 : memref<640x128xf32, #tpu.memory_space<hbm>>)
          tpu.yield
        }) : () -> ()
      } else {
      }
      %barrier3A_86 = arith.constant 0 : index
      tpu.barrier barrier_id(%barrier3A_86)
    } else {
    }
    %eq3A_2 = arith.constant 1 : i32
    %eq3A_3 = arith.cmpi eq, %arg0, %eq3A_2 : i32
    %convert_element_type3A_4 = arith.extui %eq3A_3 : i1 to i32
    %cond3A_5 = arith.constant 0 : i32
    %cond3A_6 = arith.cmpi ne, %convert_element_type3A_4, %cond3A_5 : i32
    scf.if %cond3A_6 {
      %lt3A = arith.constant 15 : i32
      %lt3A_7 = arith.cmpi slt, %arg1, %lt3A : i32
      %convert_element_type3A_8 = arith.extui %lt3A_7 : i1 to i32
      %cond3A_9 = arith.constant 0 : i32
      %cond3A_10 = arith.cmpi ne, %convert_element_type3A_8, %cond3A_9 : i32
      scf.if %cond3A_10 {
        %mul3A_87 = arith.constant 624 : i32
        %mul3A_88 = arith.muli %arg1, %mul3A_87 : i32
        "tpu.region"() ({
          %run_scoped3A = tpu.sem_alloc : memref<!tpu.dma_semaphore, #tpu.memory_space<semaphore_mem>>
          %dma_start3A_89 = arith.constant 0 : i32
          %dma_start3A_90 = tpu.memref_slice %arg21[%mul3A_88, %dma_start3A_89] : memref<10000x128xf32, #tpu.memory_space<vmem_shared>> -> memref<624x128xf32, #tpu.memory_space<vmem_shared>>
          %dma_start3A_91 = arith.constant 0 : i32
          %dma_start3A_92 = arith.constant 0 : i32
          %dma_start3A_93 = tpu.memref_slice %arg8[%dma_start3A_91, %dma_start3A_92] : memref<640x128xf32, #tpu.memory_space<hbm>> -> memref<624x128xf32, #tpu.memory_space<hbm>>
          tpu.enqueue_dma source(%dma_start3A_93 : memref<624x128xf32, #tpu.memory_space<hbm>>) target(%dma_start3A_90 : memref<624x128xf32, #tpu.memory_space<vmem_shared>>) target_semaphore(%run_scoped3A : memref<!tpu.dma_semaphore, #tpu.memory_space<semaphore_mem>>)
          %dma_wait3A_94 = arith.constant 0 : i32
          %dma_wait3A_95 = tpu.memref_slice %arg21[%mul3A_88, %dma_wait3A_94] : memref<10000x128xf32, #tpu.memory_space<vmem_shared>> -> memref<624x128xf32, #tpu.memory_space<vmem_shared>>
          %dma_wait3A_96 = arith.constant 0 : i32
          %dma_wait3A_97 = arith.constant 0 : i32
          %dma_wait3A_98 = tpu.memref_slice %arg8[%dma_wait3A_96, %dma_wait3A_97] : memref<640x128xf32, #tpu.memory_space<hbm>> -> memref<624x128xf32, #tpu.memory_space<hbm>>
          tpu.wait_dma2 semaphore(%run_scoped3A : memref<!tpu.dma_semaphore, #tpu.memory_space<semaphore_mem>>) src(%dma_wait3A_98 : memref<624x128xf32, #tpu.memory_space<hbm>>) dst(%dma_wait3A_95 : memref<624x128xf32, #tpu.memory_space<vmem_shared>>)
          tpu.yield
        }) : () -> ()
      } else {
      }
      %eq3A_11 = arith.constant 15 : i32
      %eq3A_12 = arith.cmpi eq, %arg1, %eq3A_11 : i32
      %convert_element_type3A_13 = arith.extui %eq3A_12 : i1 to i32
      %cond3A_14 = arith.constant 0 : i32
      %cond3A_15 = arith.cmpi ne, %convert_element_type3A_13, %cond3A_14 : i32
      scf.if %cond3A_15 {
        "tpu.region"() ({
          %run_scoped3A = tpu.sem_alloc : memref<!tpu.dma_semaphore, #tpu.memory_space<semaphore_mem>>
          %dma_start3A_87 = arith.constant 9360 : i32
          %dma_start3A_88 = arith.constant 0 : i32
          %dma_start3A_89 = tpu.memref_slice %arg21[%dma_start3A_87, %dma_start3A_88] : memref<10000x128xf32, #tpu.memory_space<vmem_shared>> -> memref<640x128xf32, #tpu.memory_space<vmem_shared>>
          tpu.enqueue_dma source(%arg8 : memref<640x128xf32, #tpu.memory_space<hbm>>) target(%dma_start3A_89 : memref<640x128xf32, #tpu.memory_space<vmem_shared>>) target_semaphore(%run_scoped3A : memref<!tpu.dma_semaphore, #tpu.memory_space<semaphore_mem>>)
          %dma_wait3A_90 = arith.constant 9360 : i32
          %dma_wait3A_91 = arith.constant 0 : i32
          %dma_wait3A_92 = tpu.memref_slice %arg21[%dma_wait3A_90, %dma_wait3A_91] : memref<10000x128xf32, #tpu.memory_space<vmem_shared>> -> memref<640x128xf32, #tpu.memory_space<vmem_shared>>
          tpu.wait_dma2 semaphore(%run_scoped3A : memref<!tpu.dma_semaphore, #tpu.memory_space<semaphore_mem>>) src(%arg8 : memref<640x128xf32, #tpu.memory_space<hbm>>) dst(%dma_wait3A_92 : memref<640x128xf32, #tpu.memory_space<vmem_shared>>)
          tpu.yield
        }) : () -> ()
      } else {
      }
      %barrier3A = arith.constant 0 : index
      tpu.barrier barrier_id(%barrier3A)
      %mul3A = arith.constant 128 : i32
      %mul3A_16 = arith.muli %arg1, %mul3A : i32
      %dma_start3A = tpu.memref_slice %arg6[%mul3A_16] : memref<160000xi32, #tpu.memory_space<hbm>> -> memref<128xi32, #tpu.memory_space<hbm>>
      %dma_start3A_17 = tpu.memref_slice %arg6[%mul3A_16] : memref<160000xi32, #tpu.memory_space<hbm>> -> memref<128xi32, #tpu.memory_space<hbm>>
      tpu.enqueue_dma source(%dma_start3A_17 : memref<128xi32, #tpu.memory_space<hbm>>) target(%arg13 : memref<128xi32, #tpu.memory_space<vmem>>) target_semaphore(%arg26 : memref<!tpu.dma_semaphore, #tpu.memory_space<semaphore_mem>>)
      %mul3A_18 = arith.constant 128 : i32
      %mul3A_19 = arith.muli %arg1, %mul3A_18 : i32
      %dma_start3A_20 = tpu.memref_slice %arg7[%mul3A_19] : memref<160000xi32, #tpu.memory_space<hbm>> -> memref<128xi32, #tpu.memory_space<hbm>>
      %dma_start3A_21 = tpu.memref_slice %arg7[%mul3A_19] : memref<160000xi32, #tpu.memory_space<hbm>> -> memref<128xi32, #tpu.memory_space<hbm>>
      tpu.enqueue_dma source(%dma_start3A_21 : memref<128xi32, #tpu.memory_space<hbm>>) target(%arg15 : memref<128xi32, #tpu.memory_space<vmem>>) target_semaphore(%arg26 : memref<!tpu.dma_semaphore, #tpu.memory_space<semaphore_mem>>)
      %scan3A = arith.constant 0 : i32
      %scan3A_22 = arith.constant 0 : i32
      %scan3A_23 = arith.constant 20 : i32
      %scan3A_24 = arith.addi %scan3A_22, %scan3A_23 : i32
      %scan3A_25 = arith.constant 1 : i32
      scf.for %scan3A_87 = %scan3A_22 to %scan3A_24 step %scan3A_25  : i32 {
        %mul3A_88 = arith.constant 4 : i32
        %mul3A_89 = arith.muli %mul3A_88, %scan3A_87 : i32
        %add3A = arith.constant 0 : i32
        %add3A_90 = arith.addi %mul3A_89, %add3A : i32
        %mul3A_91 = arith.constant 16 : i32
        %mul3A_92 = arith.muli %add3A_90, %mul3A_91 : i32
        %add3A_93 = arith.addi %mul3A_92, %arg1 : i32
        %lt3A_94 = arith.constant 1250 : i32
        %lt3A_95 = arith.cmpi slt, %add3A_93, %lt3A_94 : i32
        %convert_element_type3A_96 = arith.extui %lt3A_95 : i1 to i32
        %cond3A_97 = arith.constant 0 : i32
        %cond3A_98 = arith.cmpi ne, %convert_element_type3A_96, %cond3A_97 : i32
        scf.if %cond3A_98 {
          %mul3A_135 = arith.constant 128 : i32
          %mul3A_136 = arith.muli %add3A_93, %mul3A_135 : i32
          %dma_wait3A_137 = tpu.memref_slice %arg6[%mul3A_136] : memref<160000xi32, #tpu.memory_space<hbm>> -> memref<128xi32, #tpu.memory_space<hbm>>
          %dma_wait3A_138 = tpu.memref_slice %arg6[%mul3A_136] : memref<160000xi32, #tpu.memory_space<hbm>> -> memref<128xi32, #tpu.memory_space<hbm>>
          tpu.wait_dma2 semaphore(%arg26 : memref<!tpu.dma_semaphore, #tpu.memory_space<semaphore_mem>>) src(%dma_wait3A_138 : memref<128xi32, #tpu.memory_space<hbm>>) dst(%arg13 : memref<128xi32, #tpu.memory_space<vmem>>)
          %mul3A_139 = arith.constant 128 : i32
          %mul3A_140 = arith.muli %add3A_93, %mul3A_139 : i32
          %dma_wait3A_141 = tpu.memref_slice %arg7[%mul3A_140] : memref<160000xi32, #tpu.memory_space<hbm>> -> memref<128xi32, #tpu.memory_space<hbm>>
          %dma_wait3A_142 = tpu.memref_slice %arg7[%mul3A_140] : memref<160000xi32, #tpu.memory_space<hbm>> -> memref<128xi32, #tpu.memory_space<hbm>>
          tpu.wait_dma2 semaphore(%arg26 : memref<!tpu.dma_semaphore, #tpu.memory_space<semaphore_mem>>) src(%dma_wait3A_142 : memref<128xi32, #tpu.memory_space<hbm>>) dst(%arg15 : memref<128xi32, #tpu.memory_space<vmem>>)
          %add3A_143 = arith.constant 16 : i32
          %add3A_144 = arith.addi %add3A_93, %add3A_143 : i32
          %lt3A_145 = arith.constant 1250 : i32
          %lt3A_146 = arith.cmpi slt, %add3A_144, %lt3A_145 : i32
          %convert_element_type3A_147 = arith.extui %lt3A_146 : i1 to i32
          %cond3A_148 = arith.constant 0 : i32
          %cond3A_149 = arith.cmpi ne, %convert_element_type3A_147, %cond3A_148 : i32
          scf.if %cond3A_149 {
            %add3A_163 = arith.constant 16 : i32
            %add3A_164 = arith.addi %add3A_93, %add3A_163 : i32
            %mul3A_165 = arith.constant 128 : i32
            %mul3A_166 = arith.muli %add3A_164, %mul3A_165 : i32
            %dma_start3A_167 = tpu.memref_slice %arg6[%mul3A_166] : memref<160000xi32, #tpu.memory_space<hbm>> -> memref<128xi32, #tpu.memory_space<hbm>>
            %dma_start3A_168 = tpu.memref_slice %arg6[%mul3A_166] : memref<160000xi32, #tpu.memory_space<hbm>> -> memref<128xi32, #tpu.memory_space<hbm>>
            tpu.enqueue_dma source(%dma_start3A_168 : memref<128xi32, #tpu.memory_space<hbm>>) target(%arg14 : memref<128xi32, #tpu.memory_space<vmem>>) target_semaphore(%arg27 : memref<!tpu.dma_semaphore, #tpu.memory_space<semaphore_mem>>)
            %mul3A_169 = arith.constant 128 : i32
            %mul3A_170 = arith.muli %add3A_164, %mul3A_169 : i32
            %dma_start3A_171 = tpu.memref_slice %arg7[%mul3A_170] : memref<160000xi32, #tpu.memory_space<hbm>> -> memref<128xi32, #tpu.memory_space<hbm>>
            %dma_start3A_172 = tpu.memref_slice %arg7[%mul3A_170] : memref<160000xi32, #tpu.memory_space<hbm>> -> memref<128xi32, #tpu.memory_space<hbm>>
            tpu.enqueue_dma source(%dma_start3A_172 : memref<128xi32, #tpu.memory_space<hbm>>) target(%arg16 : memref<128xi32, #tpu.memory_space<vmem>>) target_semaphore(%arg27 : memref<!tpu.dma_semaphore, #tpu.memory_space<semaphore_mem>>)
          } else {
          }
          %gt3A = arith.constant 0 : i32
          %gt3A_150 = arith.cmpi sgt, %scan3A_87, %gt3A : i32
          %convert_element_type3A_151 = arith.extui %gt3A_150 : i1 to i32
          %cond3A_152 = arith.constant 0 : i32
          %cond3A_153 = arith.cmpi ne, %convert_element_type3A_151, %cond3A_152 : i32
          scf.if %cond3A_153 {
            %dma_wait3A_163 = arith.constant 0 : i32
            %dma_wait3A_164 = arith.constant 0 : i32
            %dma_wait3A_165 = tpu.memref_slice %arg21[%dma_wait3A_163, %dma_wait3A_164] : memref<10000x128xf32, #tpu.memory_space<vmem_shared>> -> memref<10000x128xf32, #tpu.memory_space<vmem_shared>>
            tpu.wait_indirect_dma semaphore(%arg24 : memref<!tpu.dma_semaphore, #tpu.memory_space<semaphore_mem>>) src(%arg19 : memref<128x128xf32, #tpu.memory_space<vmem>>) dst(%dma_wait3A_165 : memref<10000x128xf32, #tpu.memory_space<vmem_shared>>)
          } else {
          }
          %dma_start3A_154 = arith.constant 0 : i32
          %dma_start3A_155 = arith.constant 0 : i32
          %dma_start3A_156 = tpu.memref_slice %arg4[%dma_start3A_154, %dma_start3A_155] : memref<10000x128xf32, #tpu.memory_space<hbm>> -> memref<10000x128xf32, #tpu.memory_space<hbm>>
          tpu.enqueue_indirect_dma source(%dma_start3A_156 : memref<10000x128xf32, #tpu.memory_space<hbm>>) target(%arg19 : memref<128x128xf32, #tpu.memory_space<vmem>>) offsets(%arg13 : memref<128xi32, #tpu.memory_space<vmem>>) semaphore(%arg22 : memref<!tpu.dma_semaphore, #tpu.memory_space<semaphore_mem>>)
          %dma_wait3A_157 = arith.constant 0 : i32
          %dma_wait3A_158 = arith.constant 0 : i32
          %dma_wait3A_159 = tpu.memref_slice %arg4[%dma_wait3A_157, %dma_wait3A_158] : memref<10000x128xf32, #tpu.memory_space<hbm>> -> memref<10000x128xf32, #tpu.memory_space<hbm>>
          tpu.wait_indirect_dma semaphore(%arg22 : memref<!tpu.dma_semaphore, #tpu.memory_space<semaphore_mem>>) src(%dma_wait3A_159 : memref<10000x128xf32, #tpu.memory_space<hbm>>) dst(%arg19 : memref<128x128xf32, #tpu.memory_space<vmem>>)
          %dma_start3A_160 = arith.constant 0 : i32
          %dma_start3A_161 = arith.constant 0 : i32
          %dma_start3A_162 = tpu.memref_slice %arg21[%dma_start3A_160, %dma_start3A_161] : memref<10000x128xf32, #tpu.memory_space<vmem_shared>> -> memref<10000x128xf32, #tpu.memory_space<vmem_shared>>
          tpu.enqueue_indirect_dma source(%arg19 : memref<128x128xf32, #tpu.memory_space<vmem>>) target(%dma_start3A_162 : memref<10000x128xf32, #tpu.memory_space<vmem_shared>>) offsets(%arg15 : memref<128xi32, #tpu.memory_space<vmem>>) semaphore(%arg24 : memref<!tpu.dma_semaphore, #tpu.memory_space<semaphore_mem>>) {add = true}
        } else {
        }
        %mul3A_99 = arith.constant 4 : i32
        %mul3A_100 = arith.muli %mul3A_99, %scan3A_87 : i32
        %add3A_101 = arith.constant 1 : i32
        %add3A_102 = arith.addi %mul3A_100, %add3A_101 : i32
        %mul3A_103 = arith.constant 16 : i32
        %mul3A_104 = arith.muli %add3A_102, %mul3A_103 : i32
        %add3A_105 = arith.addi %mul3A_104, %arg1 : i32
        %lt3A_106 = arith.constant 1250 : i32
        %lt3A_107 = arith.cmpi slt, %add3A_105, %lt3A_106 : i32
        %convert_element_type3A_108 = arith.extui %lt3A_107 : i1 to i32
        %cond3A_109 = arith.constant 0 : i32
        %cond3A_110 = arith.cmpi ne, %convert_element_type3A_108, %cond3A_109 : i32
        scf.if %cond3A_110 {
          %mul3A_135 = arith.constant 128 : i32
          %mul3A_136 = arith.muli %add3A_105, %mul3A_135 : i32
          %dma_wait3A_137 = tpu.memref_slice %arg6[%mul3A_136] : memref<160000xi32, #tpu.memory_space<hbm>> -> memref<128xi32, #tpu.memory_space<hbm>>
          %dma_wait3A_138 = tpu.memref_slice %arg6[%mul3A_136] : memref<160000xi32, #tpu.memory_space<hbm>> -> memref<128xi32, #tpu.memory_space<hbm>>
          tpu.wait_dma2 semaphore(%arg27 : memref<!tpu.dma_semaphore, #tpu.memory_space<semaphore_mem>>) src(%dma_wait3A_138 : memref<128xi32, #tpu.memory_space<hbm>>) dst(%arg14 : memref<128xi32, #tpu.memory_space<vmem>>)
          %mul3A_139 = arith.constant 128 : i32
          %mul3A_140 = arith.muli %add3A_105, %mul3A_139 : i32
          %dma_wait3A_141 = tpu.memref_slice %arg7[%mul3A_140] : memref<160000xi32, #tpu.memory_space<hbm>> -> memref<128xi32, #tpu.memory_space<hbm>>
          %dma_wait3A_142 = tpu.memref_slice %arg7[%mul3A_140] : memref<160000xi32, #tpu.memory_space<hbm>> -> memref<128xi32, #tpu.memory_space<hbm>>
          tpu.wait_dma2 semaphore(%arg27 : memref<!tpu.dma_semaphore, #tpu.memory_space<semaphore_mem>>) src(%dma_wait3A_142 : memref<128xi32, #tpu.memory_space<hbm>>) dst(%arg16 : memref<128xi32, #tpu.memory_space<vmem>>)
          %add3A_143 = arith.constant 16 : i32
          %add3A_144 = arith.addi %add3A_105, %add3A_143 : i32
          %lt3A_145 = arith.constant 1250 : i32
          %lt3A_146 = arith.cmpi slt, %add3A_144, %lt3A_145 : i32
          %convert_element_type3A_147 = arith.extui %lt3A_146 : i1 to i32
          %cond3A_148 = arith.constant 0 : i32
          %cond3A_149 = arith.cmpi ne, %convert_element_type3A_147, %cond3A_148 : i32
          scf.if %cond3A_149 {
            %add3A_163 = arith.constant 16 : i32
            %add3A_164 = arith.addi %add3A_105, %add3A_163 : i32
            %mul3A_165 = arith.constant 128 : i32
            %mul3A_166 = arith.muli %add3A_164, %mul3A_165 : i32
            %dma_start3A_167 = tpu.memref_slice %arg6[%mul3A_166] : memref<160000xi32, #tpu.memory_space<hbm>> -> memref<128xi32, #tpu.memory_space<hbm>>
            %dma_start3A_168 = tpu.memref_slice %arg6[%mul3A_166] : memref<160000xi32, #tpu.memory_space<hbm>> -> memref<128xi32, #tpu.memory_space<hbm>>
            tpu.enqueue_dma source(%dma_start3A_168 : memref<128xi32, #tpu.memory_space<hbm>>) target(%arg13 : memref<128xi32, #tpu.memory_space<vmem>>) target_semaphore(%arg26 : memref<!tpu.dma_semaphore, #tpu.memory_space<semaphore_mem>>)
            %mul3A_169 = arith.constant 128 : i32
            %mul3A_170 = arith.muli %add3A_164, %mul3A_169 : i32
            %dma_start3A_171 = tpu.memref_slice %arg7[%mul3A_170] : memref<160000xi32, #tpu.memory_space<hbm>> -> memref<128xi32, #tpu.memory_space<hbm>>
            %dma_start3A_172 = tpu.memref_slice %arg7[%mul3A_170] : memref<160000xi32, #tpu.memory_space<hbm>> -> memref<128xi32, #tpu.memory_space<hbm>>
            tpu.enqueue_dma source(%dma_start3A_172 : memref<128xi32, #tpu.memory_space<hbm>>) target(%arg17 : memref<128xi32, #tpu.memory_space<vmem>>) target_semaphore(%arg26 : memref<!tpu.dma_semaphore, #tpu.memory_space<semaphore_mem>>)
          } else {
          }
          %gt3A = arith.constant 0 : i32
          %gt3A_150 = arith.cmpi sgt, %scan3A_87, %gt3A : i32
          %convert_element_type3A_151 = arith.extui %gt3A_150 : i1 to i32
          %cond3A_152 = arith.constant 0 : i32
          %cond3A_153 = arith.cmpi ne, %convert_element_type3A_151, %cond3A_152 : i32
          scf.if %cond3A_153 {
            %dma_wait3A_163 = arith.constant 0 : i32
            %dma_wait3A_164 = arith.constant 0 : i32
            %dma_wait3A_165 = tpu.memref_slice %arg21[%dma_wait3A_163, %dma_wait3A_164] : memref<10000x128xf32, #tpu.memory_space<vmem_shared>> -> memref<10000x128xf32, #tpu.memory_space<vmem_shared>>
            tpu.wait_indirect_dma semaphore(%arg25 : memref<!tpu.dma_semaphore, #tpu.memory_space<semaphore_mem>>) src(%arg20 : memref<128x128xf32, #tpu.memory_space<vmem>>) dst(%dma_wait3A_165 : memref<10000x128xf32, #tpu.memory_space<vmem_shared>>)
          } else {
          }
          %dma_start3A_154 = arith.constant 0 : i32
          %dma_start3A_155 = arith.constant 0 : i32
          %dma_start3A_156 = tpu.memref_slice %arg4[%dma_start3A_154, %dma_start3A_155] : memref<10000x128xf32, #tpu.memory_space<hbm>> -> memref<10000x128xf32, #tpu.memory_space<hbm>>
          tpu.enqueue_indirect_dma source(%dma_start3A_156 : memref<10000x128xf32, #tpu.memory_space<hbm>>) target(%arg20 : memref<128x128xf32, #tpu.memory_space<vmem>>) offsets(%arg14 : memref<128xi32, #tpu.memory_space<vmem>>) semaphore(%arg23 : memref<!tpu.dma_semaphore, #tpu.memory_space<semaphore_mem>>)
          %dma_wait3A_157 = arith.constant 0 : i32
          %dma_wait3A_158 = arith.constant 0 : i32
          %dma_wait3A_159 = tpu.memref_slice %arg4[%dma_wait3A_157, %dma_wait3A_158] : memref<10000x128xf32, #tpu.memory_space<hbm>> -> memref<10000x128xf32, #tpu.memory_space<hbm>>
          tpu.wait_indirect_dma semaphore(%arg23 : memref<!tpu.dma_semaphore, #tpu.memory_space<semaphore_mem>>) src(%dma_wait3A_159 : memref<10000x128xf32, #tpu.memory_space<hbm>>) dst(%arg20 : memref<128x128xf32, #tpu.memory_space<vmem>>)
          %dma_start3A_160 = arith.constant 0 : i32
          %dma_start3A_161 = arith.constant 0 : i32
          %dma_start3A_162 = tpu.memref_slice %arg21[%dma_start3A_160, %dma_start3A_161] : memref<10000x128xf32, #tpu.memory_space<vmem_shared>> -> memref<10000x128xf32, #tpu.memory_space<vmem_shared>>
          tpu.enqueue_indirect_dma source(%arg20 : memref<128x128xf32, #tpu.memory_space<vmem>>) target(%dma_start3A_162 : memref<10000x128xf32, #tpu.memory_space<vmem_shared>>) offsets(%arg16 : memref<128xi32, #tpu.memory_space<vmem>>) semaphore(%arg25 : memref<!tpu.dma_semaphore, #tpu.memory_space<semaphore_mem>>) {add = true}
        } else {
        }
        %mul3A_111 = arith.constant 4 : i32
        %mul3A_112 = arith.muli %mul3A_111, %scan3A_87 : i32
        %add3A_113 = arith.constant 2 : i32
        %add3A_114 = arith.addi %mul3A_112, %add3A_113 : i32
        %mul3A_115 = arith.constant 16 : i32
        %mul3A_116 = arith.muli %add3A_114, %mul3A_115 : i32
        %add3A_117 = arith.addi %mul3A_116, %arg1 : i32
        %lt3A_118 = arith.constant 1250 : i32
        %lt3A_119 = arith.cmpi slt, %add3A_117, %lt3A_118 : i32
        %convert_element_type3A_120 = arith.extui %lt3A_119 : i1 to i32
        %cond3A_121 = arith.constant 0 : i32
        %cond3A_122 = arith.cmpi ne, %convert_element_type3A_120, %cond3A_121 : i32
        scf.if %cond3A_122 {
          %mul3A_135 = arith.constant 128 : i32
          %mul3A_136 = arith.muli %add3A_117, %mul3A_135 : i32
          %dma_wait3A_137 = tpu.memref_slice %arg6[%mul3A_136] : memref<160000xi32, #tpu.memory_space<hbm>> -> memref<128xi32, #tpu.memory_space<hbm>>
          %dma_wait3A_138 = tpu.memref_slice %arg6[%mul3A_136] : memref<160000xi32, #tpu.memory_space<hbm>> -> memref<128xi32, #tpu.memory_space<hbm>>
          tpu.wait_dma2 semaphore(%arg26 : memref<!tpu.dma_semaphore, #tpu.memory_space<semaphore_mem>>) src(%dma_wait3A_138 : memref<128xi32, #tpu.memory_space<hbm>>) dst(%arg13 : memref<128xi32, #tpu.memory_space<vmem>>)
          %mul3A_139 = arith.constant 128 : i32
          %mul3A_140 = arith.muli %add3A_117, %mul3A_139 : i32
          %dma_wait3A_141 = tpu.memref_slice %arg7[%mul3A_140] : memref<160000xi32, #tpu.memory_space<hbm>> -> memref<128xi32, #tpu.memory_space<hbm>>
          %dma_wait3A_142 = tpu.memref_slice %arg7[%mul3A_140] : memref<160000xi32, #tpu.memory_space<hbm>> -> memref<128xi32, #tpu.memory_space<hbm>>
          tpu.wait_dma2 semaphore(%arg26 : memref<!tpu.dma_semaphore, #tpu.memory_space<semaphore_mem>>) src(%dma_wait3A_142 : memref<128xi32, #tpu.memory_space<hbm>>) dst(%arg17 : memref<128xi32, #tpu.memory_space<vmem>>)
          %add3A_143 = arith.constant 16 : i32
          %add3A_144 = arith.addi %add3A_117, %add3A_143 : i32
          %lt3A_145 = arith.constant 1250 : i32
          %lt3A_146 = arith.cmpi slt, %add3A_144, %lt3A_145 : i32
          %convert_element_type3A_147 = arith.extui %lt3A_146 : i1 to i32
          %cond3A_148 = arith.constant 0 : i32
          %cond3A_149 = arith.cmpi ne, %convert_element_type3A_147, %cond3A_148 : i32
          scf.if %cond3A_149 {
            %add3A_162 = arith.constant 16 : i32
            %add3A_163 = arith.addi %add3A_117, %add3A_162 : i32
            %mul3A_164 = arith.constant 128 : i32
            %mul3A_165 = arith.muli %add3A_163, %mul3A_164 : i32
            %dma_start3A_166 = tpu.memref_slice %arg6[%mul3A_165] : memref<160000xi32, #tpu.memory_space<hbm>> -> memref<128xi32, #tpu.memory_space<hbm>>
            %dma_start3A_167 = tpu.memref_slice %arg6[%mul3A_165] : memref<160000xi32, #tpu.memory_space<hbm>> -> memref<128xi32, #tpu.memory_space<hbm>>
            tpu.enqueue_dma source(%dma_start3A_167 : memref<128xi32, #tpu.memory_space<hbm>>) target(%arg14 : memref<128xi32, #tpu.memory_space<vmem>>) target_semaphore(%arg27 : memref<!tpu.dma_semaphore, #tpu.memory_space<semaphore_mem>>)
            %mul3A_168 = arith.constant 128 : i32
            %mul3A_169 = arith.muli %add3A_163, %mul3A_168 : i32
            %dma_start3A_170 = tpu.memref_slice %arg7[%mul3A_169] : memref<160000xi32, #tpu.memory_space<hbm>> -> memref<128xi32, #tpu.memory_space<hbm>>
            %dma_start3A_171 = tpu.memref_slice %arg7[%mul3A_169] : memref<160000xi32, #tpu.memory_space<hbm>> -> memref<128xi32, #tpu.memory_space<hbm>>
            tpu.enqueue_dma source(%dma_start3A_171 : memref<128xi32, #tpu.memory_space<hbm>>) target(%arg18 : memref<128xi32, #tpu.memory_space<vmem>>) target_semaphore(%arg27 : memref<!tpu.dma_semaphore, #tpu.memory_space<semaphore_mem>>)
          } else {
          }
          %dma_wait3A_150 = arith.constant 0 : i32
          %dma_wait3A_151 = arith.constant 0 : i32
          %dma_wait3A_152 = tpu.memref_slice %arg21[%dma_wait3A_150, %dma_wait3A_151] : memref<10000x128xf32, #tpu.memory_space<vmem_shared>> -> memref<10000x128xf32, #tpu.memory_space<vmem_shared>>
          tpu.wait_indirect_dma semaphore(%arg24 : memref<!tpu.dma_semaphore, #tpu.memory_space<semaphore_mem>>) src(%arg19 : memref<128x128xf32, #tpu.memory_space<vmem>>) dst(%dma_wait3A_152 : memref<10000x128xf32, #tpu.memory_space<vmem_shared>>)
          %dma_start3A_153 = arith.constant 0 : i32
          %dma_start3A_154 = arith.constant 0 : i32
          %dma_start3A_155 = tpu.memref_slice %arg4[%dma_start3A_153, %dma_start3A_154] : memref<10000x128xf32, #tpu.memory_space<hbm>> -> memref<10000x128xf32, #tpu.memory_space<hbm>>
          tpu.enqueue_indirect_dma source(%dma_start3A_155 : memref<10000x128xf32, #tpu.memory_space<hbm>>) target(%arg19 : memref<128x128xf32, #tpu.memory_space<vmem>>) offsets(%arg13 : memref<128xi32, #tpu.memory_space<vmem>>) semaphore(%arg22 : memref<!tpu.dma_semaphore, #tpu.memory_space<semaphore_mem>>)
          %dma_wait3A_156 = arith.constant 0 : i32
          %dma_wait3A_157 = arith.constant 0 : i32
          %dma_wait3A_158 = tpu.memref_slice %arg4[%dma_wait3A_156, %dma_wait3A_157] : memref<10000x128xf32, #tpu.memory_space<hbm>> -> memref<10000x128xf32, #tpu.memory_space<hbm>>
          tpu.wait_indirect_dma semaphore(%arg22 : memref<!tpu.dma_semaphore, #tpu.memory_space<semaphore_mem>>) src(%dma_wait3A_158 : memref<10000x128xf32, #tpu.memory_space<hbm>>) dst(%arg19 : memref<128x128xf32, #tpu.memory_space<vmem>>)
          %dma_start3A_159 = arith.constant 0 : i32
          %dma_start3A_160 = arith.constant 0 : i32
          %dma_start3A_161 = tpu.memref_slice %arg21[%dma_start3A_159, %dma_start3A_160] : memref<10000x128xf32, #tpu.memory_space<vmem_shared>> -> memref<10000x128xf32, #tpu.memory_space<vmem_shared>>
          tpu.enqueue_indirect_dma source(%arg19 : memref<128x128xf32, #tpu.memory_space<vmem>>) target(%dma_start3A_161 : memref<10000x128xf32, #tpu.memory_space<vmem_shared>>) offsets(%arg17 : memref<128xi32, #tpu.memory_space<vmem>>) semaphore(%arg24 : memref<!tpu.dma_semaphore, #tpu.memory_space<semaphore_mem>>) {add = true}
        } else {
        }
        %mul3A_123 = arith.constant 4 : i32
        %mul3A_124 = arith.muli %mul3A_123, %scan3A_87 : i32
        %add3A_125 = arith.constant 3 : i32
        %add3A_126 = arith.addi %mul3A_124, %add3A_125 : i32
        %mul3A_127 = arith.constant 16 : i32
        %mul3A_128 = arith.muli %add3A_126, %mul3A_127 : i32
        %add3A_129 = arith.addi %mul3A_128, %arg1 : i32
        %lt3A_130 = arith.constant 1250 : i32
        %lt3A_131 = arith.cmpi slt, %add3A_129, %lt3A_130 : i32
        %convert_element_type3A_132 = arith.extui %lt3A_131 : i1 to i32
        %cond3A_133 = arith.constant 0 : i32
        %cond3A_134 = arith.cmpi ne, %convert_element_type3A_132, %cond3A_133 : i32
        scf.if %cond3A_134 {
          %mul3A_135 = arith.constant 128 : i32
          %mul3A_136 = arith.muli %add3A_129, %mul3A_135 : i32
          %dma_wait3A_137 = tpu.memref_slice %arg6[%mul3A_136] : memref<160000xi32, #tpu.memory_space<hbm>> -> memref<128xi32, #tpu.memory_space<hbm>>
          %dma_wait3A_138 = tpu.memref_slice %arg6[%mul3A_136] : memref<160000xi32, #tpu.memory_space<hbm>> -> memref<128xi32, #tpu.memory_space<hbm>>
          tpu.wait_dma2 semaphore(%arg27 : memref<!tpu.dma_semaphore, #tpu.memory_space<semaphore_mem>>) src(%dma_wait3A_138 : memref<128xi32, #tpu.memory_space<hbm>>) dst(%arg14 : memref<128xi32, #tpu.memory_space<vmem>>)
          %mul3A_139 = arith.constant 128 : i32
          %mul3A_140 = arith.muli %add3A_129, %mul3A_139 : i32
          %dma_wait3A_141 = tpu.memref_slice %arg7[%mul3A_140] : memref<160000xi32, #tpu.memory_space<hbm>> -> memref<128xi32, #tpu.memory_space<hbm>>
          %dma_wait3A_142 = tpu.memref_slice %arg7[%mul3A_140] : memref<160000xi32, #tpu.memory_space<hbm>> -> memref<128xi32, #tpu.memory_space<hbm>>
          tpu.wait_dma2 semaphore(%arg27 : memref<!tpu.dma_semaphore, #tpu.memory_space<semaphore_mem>>) src(%dma_wait3A_142 : memref<128xi32, #tpu.memory_space<hbm>>) dst(%arg18 : memref<128xi32, #tpu.memory_space<vmem>>)
          %add3A_143 = arith.constant 16 : i32
          %add3A_144 = arith.addi %add3A_129, %add3A_143 : i32
          %lt3A_145 = arith.constant 1250 : i32
          %lt3A_146 = arith.cmpi slt, %add3A_144, %lt3A_145 : i32
          %convert_element_type3A_147 = arith.extui %lt3A_146 : i1 to i32
          %cond3A_148 = arith.constant 0 : i32
          %cond3A_149 = arith.cmpi ne, %convert_element_type3A_147, %cond3A_148 : i32
          scf.if %cond3A_149 {
            %add3A_162 = arith.constant 16 : i32
            %add3A_163 = arith.addi %add3A_129, %add3A_162 : i32
            %mul3A_164 = arith.constant 128 : i32
            %mul3A_165 = arith.muli %add3A_163, %mul3A_164 : i32
            %dma_start3A_166 = tpu.memref_slice %arg6[%mul3A_165] : memref<160000xi32, #tpu.memory_space<hbm>> -> memref<128xi32, #tpu.memory_space<hbm>>
            %dma_start3A_167 = tpu.memref_slice %arg6[%mul3A_165] : memref<160000xi32, #tpu.memory_space<hbm>> -> memref<128xi32, #tpu.memory_space<hbm>>
            tpu.enqueue_dma source(%dma_start3A_167 : memref<128xi32, #tpu.memory_space<hbm>>) target(%arg13 : memref<128xi32, #tpu.memory_space<vmem>>) target_semaphore(%arg26 : memref<!tpu.dma_semaphore, #tpu.memory_space<semaphore_mem>>)
            %mul3A_168 = arith.constant 128 : i32
            %mul3A_169 = arith.muli %add3A_163, %mul3A_168 : i32
            %dma_start3A_170 = tpu.memref_slice %arg7[%mul3A_169] : memref<160000xi32, #tpu.memory_space<hbm>> -> memref<128xi32, #tpu.memory_space<hbm>>
            %dma_start3A_171 = tpu.memref_slice %arg7[%mul3A_169] : memref<160000xi32, #tpu.memory_space<hbm>> -> memref<128xi32, #tpu.memory_space<hbm>>
            tpu.enqueue_dma source(%dma_start3A_171 : memref<128xi32, #tpu.memory_space<hbm>>) target(%arg15 : memref<128xi32, #tpu.memory_space<vmem>>) target_semaphore(%arg26 : memref<!tpu.dma_semaphore, #tpu.memory_space<semaphore_mem>>)
          } else {
          }
          %dma_wait3A_150 = arith.constant 0 : i32
          %dma_wait3A_151 = arith.constant 0 : i32
          %dma_wait3A_152 = tpu.memref_slice %arg21[%dma_wait3A_150, %dma_wait3A_151] : memref<10000x128xf32, #tpu.memory_space<vmem_shared>> -> memref<10000x128xf32, #tpu.memory_space<vmem_shared>>
          tpu.wait_indirect_dma semaphore(%arg25 : memref<!tpu.dma_semaphore, #tpu.memory_space<semaphore_mem>>) src(%arg20 : memref<128x128xf32, #tpu.memory_space<vmem>>) dst(%dma_wait3A_152 : memref<10000x128xf32, #tpu.memory_space<vmem_shared>>)
          %dma_start3A_153 = arith.constant 0 : i32
          %dma_start3A_154 = arith.constant 0 : i32
          %dma_start3A_155 = tpu.memref_slice %arg4[%dma_start3A_153, %dma_start3A_154] : memref<10000x128xf32, #tpu.memory_space<hbm>> -> memref<10000x128xf32, #tpu.memory_space<hbm>>
          tpu.enqueue_indirect_dma source(%dma_start3A_155 : memref<10000x128xf32, #tpu.memory_space<hbm>>) target(%arg20 : memref<128x128xf32, #tpu.memory_space<vmem>>) offsets(%arg14 : memref<128xi32, #tpu.memory_space<vmem>>) semaphore(%arg23 : memref<!tpu.dma_semaphore, #tpu.memory_space<semaphore_mem>>)
          %dma_wait3A_156 = arith.constant 0 : i32
          %dma_wait3A_157 = arith.constant 0 : i32
          %dma_wait3A_158 = tpu.memref_slice %arg4[%dma_wait3A_156, %dma_wait3A_157] : memref<10000x128xf32, #tpu.memory_space<hbm>> -> memref<10000x128xf32, #tpu.memory_space<hbm>>
          tpu.wait_indirect_dma semaphore(%arg23 : memref<!tpu.dma_semaphore, #tpu.memory_space<semaphore_mem>>) src(%dma_wait3A_158 : memref<10000x128xf32, #tpu.memory_space<hbm>>) dst(%arg20 : memref<128x128xf32, #tpu.memory_space<vmem>>)
          %dma_start3A_159 = arith.constant 0 : i32
          %dma_start3A_160 = arith.constant 0 : i32
          %dma_start3A_161 = tpu.memref_slice %arg21[%dma_start3A_159, %dma_start3A_160] : memref<10000x128xf32, #tpu.memory_space<vmem_shared>> -> memref<10000x128xf32, #tpu.memory_space<vmem_shared>>
          tpu.enqueue_indirect_dma source(%arg20 : memref<128x128xf32, #tpu.memory_space<vmem>>) target(%dma_start3A_161 : memref<10000x128xf32, #tpu.memory_space<vmem_shared>>) offsets(%arg18 : memref<128xi32, #tpu.memory_space<vmem>>) semaphore(%arg25 : memref<!tpu.dma_semaphore, #tpu.memory_space<semaphore_mem>>) {add = true}
        } else {
        }
      }
      %scan3A_26 = arith.constant 20 : i32
      %dma_wait3A = arith.constant 0 : i32
      %dma_wait3A_27 = arith.constant 0 : i32
      %dma_wait3A_28 = tpu.memref_slice %arg21[%dma_wait3A, %dma_wait3A_27] : memref<10000x128xf32, #tpu.memory_space<vmem_shared>> -> memref<10000x128xf32, #tpu.memory_space<vmem_shared>>
      tpu.wait_indirect_dma semaphore(%arg24 : memref<!tpu.dma_semaphore, #tpu.memory_space<semaphore_mem>>) src(%arg19 : memref<128x128xf32, #tpu.memory_space<vmem>>) dst(%dma_wait3A_28 : memref<10000x128xf32, #tpu.memory_space<vmem_shared>>)
      %dma_wait3A_29 = arith.constant 0 : i32
      %dma_wait3A_30 = arith.constant 0 : i32
      %dma_wait3A_31 = tpu.memref_slice %arg21[%dma_wait3A_29, %dma_wait3A_30] : memref<10000x128xf32, #tpu.memory_space<vmem_shared>> -> memref<10000x128xf32, #tpu.memory_space<vmem_shared>>
      tpu.wait_indirect_dma semaphore(%arg25 : memref<!tpu.dma_semaphore, #tpu.memory_space<semaphore_mem>>) src(%arg20 : memref<128x128xf32, #tpu.memory_space<vmem>>) dst(%dma_wait3A_31 : memref<10000x128xf32, #tpu.memory_space<vmem_shared>>)
      %barrier3A_32 = arith.constant 0 : index
      tpu.barrier barrier_id(%barrier3A_32)
      %lt3A_33 = arith.constant 15 : i32
      %lt3A_34 = arith.cmpi slt, %arg1, %lt3A_33 : i32
      %convert_element_type3A_35 = arith.extui %lt3A_34 : i1 to i32
      %cond3A_36 = arith.constant 0 : i32
      %cond3A_37 = arith.cmpi ne, %convert_element_type3A_35, %cond3A_36 : i32
      scf.if %cond3A_37 {
        %mul3A_87 = arith.constant 624 : i32
        %mul3A_88 = arith.muli %arg1, %mul3A_87 : i32
        %mul3A_89 = arith.constant 624 : i32
        %mul3A_90 = arith.muli %arg1, %mul3A_89 : i32
        "tpu.region"() ({
          %run_scoped3A = tpu.sem_alloc : memref<!tpu.dma_semaphore, #tpu.memory_space<semaphore_mem>>
          %dma_start3A_91 = arith.constant 0 : i32
          %dma_start3A_92 = tpu.memref_slice %arg11[%mul3A_90, %dma_start3A_91] : memref<10000x128xf32, #tpu.memory_space<hbm>> -> memref<624x128xf32, #tpu.memory_space<hbm>>
          %dma_start3A_93 = arith.constant 0 : i32
          %dma_start3A_94 = tpu.memref_slice %arg21[%mul3A_88, %dma_start3A_93] : memref<10000x128xf32, #tpu.memory_space<vmem_shared>> -> memref<624x128xf32, #tpu.memory_space<vmem_shared>>
          tpu.enqueue_dma source(%dma_start3A_94 : memref<624x128xf32, #tpu.memory_space<vmem_shared>>) target(%dma_start3A_92 : memref<624x128xf32, #tpu.memory_space<hbm>>) target_semaphore(%run_scoped3A : memref<!tpu.dma_semaphore, #tpu.memory_space<semaphore_mem>>)
          %dma_wait3A_95 = arith.constant 0 : i32
          %dma_wait3A_96 = tpu.memref_slice %arg11[%mul3A_90, %dma_wait3A_95] : memref<10000x128xf32, #tpu.memory_space<hbm>> -> memref<624x128xf32, #tpu.memory_space<hbm>>
          %dma_wait3A_97 = arith.constant 0 : i32
          %dma_wait3A_98 = tpu.memref_slice %arg21[%mul3A_88, %dma_wait3A_97] : memref<10000x128xf32, #tpu.memory_space<vmem_shared>> -> memref<624x128xf32, #tpu.memory_space<vmem_shared>>
          tpu.wait_dma2 semaphore(%run_scoped3A : memref<!tpu.dma_semaphore, #tpu.memory_space<semaphore_mem>>) src(%dma_wait3A_98 : memref<624x128xf32, #tpu.memory_space<vmem_shared>>) dst(%dma_wait3A_96 : memref<624x128xf32, #tpu.memory_space<hbm>>)
          tpu.yield
        }) : () -> ()
      } else {
      }
      %eq3A_38 = arith.constant 15 : i32
      %eq3A_39 = arith.cmpi eq, %arg1, %eq3A_38 : i32
      %convert_element_type3A_40 = arith.extui %eq3A_39 : i1 to i32
      %cond3A_41 = arith.constant 0 : i32
      %cond3A_42 = arith.cmpi ne, %convert_element_type3A_40, %cond3A_41 : i32
      scf.if %cond3A_42 {
        "tpu.region"() ({
          %run_scoped3A = tpu.sem_alloc : memref<!tpu.dma_semaphore, #tpu.memory_space<semaphore_mem>>
          %dma_start3A_87 = arith.constant 9360 : i32
          %dma_start3A_88 = arith.constant 0 : i32
          %dma_start3A_89 = tpu.memref_slice %arg11[%dma_start3A_87, %dma_start3A_88] : memref<10000x128xf32, #tpu.memory_space<hbm>> -> memref<640x128xf32, #tpu.memory_space<hbm>>
          %dma_start3A_90 = arith.constant 9360 : i32
          %dma_start3A_91 = arith.constant 0 : i32
          %dma_start3A_92 = tpu.memref_slice %arg21[%dma_start3A_90, %dma_start3A_91] : memref<10000x128xf32, #tpu.memory_space<vmem_shared>> -> memref<640x128xf32, #tpu.memory_space<vmem_shared>>
          tpu.enqueue_dma source(%dma_start3A_92 : memref<640x128xf32, #tpu.memory_space<vmem_shared>>) target(%dma_start3A_89 : memref<640x128xf32, #tpu.memory_space<hbm>>) target_semaphore(%run_scoped3A : memref<!tpu.dma_semaphore, #tpu.memory_space<semaphore_mem>>)
          %dma_wait3A_93 = arith.constant 9360 : i32
          %dma_wait3A_94 = arith.constant 0 : i32
          %dma_wait3A_95 = tpu.memref_slice %arg11[%dma_wait3A_93, %dma_wait3A_94] : memref<10000x128xf32, #tpu.memory_space<hbm>> -> memref<640x128xf32, #tpu.memory_space<hbm>>
          %dma_wait3A_96 = arith.constant 9360 : i32
          %dma_wait3A_97 = arith.constant 0 : i32
          %dma_wait3A_98 = tpu.memref_slice %arg21[%dma_wait3A_96, %dma_wait3A_97] : memref<10000x128xf32, #tpu.memory_space<vmem_shared>> -> memref<640x128xf32, #tpu.memory_space<vmem_shared>>
          tpu.wait_dma2 semaphore(%run_scoped3A : memref<!tpu.dma_semaphore, #tpu.memory_space<semaphore_mem>>) src(%dma_wait3A_98 : memref<640x128xf32, #tpu.memory_space<vmem_shared>>) dst(%dma_wait3A_95 : memref<640x128xf32, #tpu.memory_space<hbm>>)
          tpu.yield
        }) : () -> ()
      } else {
      }
      %barrier3A_43 = arith.constant 0 : index
      tpu.barrier barrier_id(%barrier3A_43)
      %lt3A_44 = arith.constant 15 : i32
      %lt3A_45 = arith.cmpi slt, %arg1, %lt3A_44 : i32
      %convert_element_type3A_46 = arith.extui %lt3A_45 : i1 to i32
      %cond3A_47 = arith.constant 0 : i32
      %cond3A_48 = arith.cmpi ne, %convert_element_type3A_46, %cond3A_47 : i32
      scf.if %cond3A_48 {
        %mul3A_87 = arith.constant 624 : i32
        %mul3A_88 = arith.muli %arg1, %mul3A_87 : i32
        "tpu.region"() ({
          %run_scoped3A = tpu.sem_alloc : memref<!tpu.dma_semaphore, #tpu.memory_space<semaphore_mem>>
          %dma_start3A_89 = arith.constant 0 : i32
          %dma_start3A_90 = tpu.memref_slice %arg21[%mul3A_88, %dma_start3A_89] : memref<10000x128xf32, #tpu.memory_space<vmem_shared>> -> memref<624x128xf32, #tpu.memory_space<vmem_shared>>
          %dma_start3A_91 = arith.constant 0 : i32
          %dma_start3A_92 = arith.constant 0 : i32
          %dma_start3A_93 = tpu.memref_slice %arg8[%dma_start3A_91, %dma_start3A_92] : memref<640x128xf32, #tpu.memory_space<hbm>> -> memref<624x128xf32, #tpu.memory_space<hbm>>
          tpu.enqueue_dma source(%dma_start3A_93 : memref<624x128xf32, #tpu.memory_space<hbm>>) target(%dma_start3A_90 : memref<624x128xf32, #tpu.memory_space<vmem_shared>>) target_semaphore(%run_scoped3A : memref<!tpu.dma_semaphore, #tpu.memory_space<semaphore_mem>>)
          %dma_wait3A_94 = arith.constant 0 : i32
          %dma_wait3A_95 = tpu.memref_slice %arg21[%mul3A_88, %dma_wait3A_94] : memref<10000x128xf32, #tpu.memory_space<vmem_shared>> -> memref<624x128xf32, #tpu.memory_space<vmem_shared>>
          %dma_wait3A_96 = arith.constant 0 : i32
          %dma_wait3A_97 = arith.constant 0 : i32
          %dma_wait3A_98 = tpu.memref_slice %arg8[%dma_wait3A_96, %dma_wait3A_97] : memref<640x128xf32, #tpu.memory_space<hbm>> -> memref<624x128xf32, #tpu.memory_space<hbm>>
          tpu.wait_dma2 semaphore(%run_scoped3A : memref<!tpu.dma_semaphore, #tpu.memory_space<semaphore_mem>>) src(%dma_wait3A_98 : memref<624x128xf32, #tpu.memory_space<hbm>>) dst(%dma_wait3A_95 : memref<624x128xf32, #tpu.memory_space<vmem_shared>>)
          tpu.yield
        }) : () -> ()
      } else {
      }
      %eq3A_49 = arith.constant 15 : i32
      %eq3A_50 = arith.cmpi eq, %arg1, %eq3A_49 : i32
      %convert_element_type3A_51 = arith.extui %eq3A_50 : i1 to i32
      %cond3A_52 = arith.constant 0 : i32
      %cond3A_53 = arith.cmpi ne, %convert_element_type3A_51, %cond3A_52 : i32
      scf.if %cond3A_53 {
        "tpu.region"() ({
          %run_scoped3A = tpu.sem_alloc : memref<!tpu.dma_semaphore, #tpu.memory_space<semaphore_mem>>
          %dma_start3A_87 = arith.constant 9360 : i32
          %dma_start3A_88 = arith.constant 0 : i32
          %dma_start3A_89 = tpu.memref_slice %arg21[%dma_start3A_87, %dma_start3A_88] : memref<10000x128xf32, #tpu.memory_space<vmem_shared>> -> memref<640x128xf32, #tpu.memory_space<vmem_shared>>
          tpu.enqueue_dma source(%arg8 : memref<640x128xf32, #tpu.memory_space<hbm>>) target(%dma_start3A_89 : memref<640x128xf32, #tpu.memory_space<vmem_shared>>) target_semaphore(%run_scoped3A : memref<!tpu.dma_semaphore, #tpu.memory_space<semaphore_mem>>)
          %dma_wait3A_90 = arith.constant 9360 : i32
          %dma_wait3A_91 = arith.constant 0 : i32
          %dma_wait3A_92 = tpu.memref_slice %arg21[%dma_wait3A_90, %dma_wait3A_91] : memref<10000x128xf32, #tpu.memory_space<vmem_shared>> -> memref<640x128xf32, #tpu.memory_space<vmem_shared>>
          tpu.wait_dma2 semaphore(%run_scoped3A : memref<!tpu.dma_semaphore, #tpu.memory_space<semaphore_mem>>) src(%arg8 : memref<640x128xf32, #tpu.memory_space<hbm>>) dst(%dma_wait3A_92 : memref<640x128xf32, #tpu.memory_space<vmem_shared>>)
          tpu.yield
        }) : () -> ()
      } else {
      }
      %barrier3A_54 = arith.constant 0 : index
      tpu.barrier barrier_id(%barrier3A_54)
      %mul3A_55 = arith.constant 128 : i32
      %mul3A_56 = arith.muli %arg1, %mul3A_55 : i32
      %dma_start3A_57 = tpu.memref_slice %arg6[%mul3A_56] : memref<160000xi32, #tpu.memory_space<hbm>> -> memref<128xi32, #tpu.memory_space<hbm>>
      %dma_start3A_58 = tpu.memref_slice %arg6[%mul3A_56] : memref<160000xi32, #tpu.memory_space<hbm>> -> memref<128xi32, #tpu.memory_space<hbm>>
      tpu.enqueue_dma source(%dma_start3A_58 : memref<128xi32, #tpu.memory_space<hbm>>) target(%arg13 : memref<128xi32, #tpu.memory_space<vmem>>) target_semaphore(%arg26 : memref<!tpu.dma_semaphore, #tpu.memory_space<semaphore_mem>>)
      %mul3A_59 = arith.constant 128 : i32
      %mul3A_60 = arith.muli %arg1, %mul3A_59 : i32
      %dma_start3A_61 = tpu.memref_slice %arg7[%mul3A_60] : memref<160000xi32, #tpu.memory_space<hbm>> -> memref<128xi32, #tpu.memory_space<hbm>>
      %dma_start3A_62 = tpu.memref_slice %arg7[%mul3A_60] : memref<160000xi32, #tpu.memory_space<hbm>> -> memref<128xi32, #tpu.memory_space<hbm>>
      tpu.enqueue_dma source(%dma_start3A_62 : memref<128xi32, #tpu.memory_space<hbm>>) target(%arg15 : memref<128xi32, #tpu.memory_space<vmem>>) target_semaphore(%arg26 : memref<!tpu.dma_semaphore, #tpu.memory_space<semaphore_mem>>)
      %scan3A_63 = arith.constant 0 : i32
      %scan3A_64 = arith.constant 0 : i32
      %scan3A_65 = arith.constant 20 : i32
      %scan3A_66 = arith.addi %scan3A_64, %scan3A_65 : i32
      %scan3A_67 = arith.constant 1 : i32
      scf.for %scan3A_87 = %scan3A_64 to %scan3A_66 step %scan3A_67  : i32 {
        %mul3A_88 = arith.constant 4 : i32
        %mul3A_89 = arith.muli %mul3A_88, %scan3A_87 : i32
        %add3A = arith.constant 0 : i32
        %add3A_90 = arith.addi %mul3A_89, %add3A : i32
        %mul3A_91 = arith.constant 16 : i32
        %mul3A_92 = arith.muli %add3A_90, %mul3A_91 : i32
        %add3A_93 = arith.addi %mul3A_92, %arg1 : i32
        %lt3A_94 = arith.constant 1250 : i32
        %lt3A_95 = arith.cmpi slt, %add3A_93, %lt3A_94 : i32
        %convert_element_type3A_96 = arith.extui %lt3A_95 : i1 to i32
        %cond3A_97 = arith.constant 0 : i32
        %cond3A_98 = arith.cmpi ne, %convert_element_type3A_96, %cond3A_97 : i32
        scf.if %cond3A_98 {
          %mul3A_135 = arith.constant 128 : i32
          %mul3A_136 = arith.muli %add3A_93, %mul3A_135 : i32
          %dma_wait3A_137 = tpu.memref_slice %arg6[%mul3A_136] : memref<160000xi32, #tpu.memory_space<hbm>> -> memref<128xi32, #tpu.memory_space<hbm>>
          %dma_wait3A_138 = tpu.memref_slice %arg6[%mul3A_136] : memref<160000xi32, #tpu.memory_space<hbm>> -> memref<128xi32, #tpu.memory_space<hbm>>
          tpu.wait_dma2 semaphore(%arg26 : memref<!tpu.dma_semaphore, #tpu.memory_space<semaphore_mem>>) src(%dma_wait3A_138 : memref<128xi32, #tpu.memory_space<hbm>>) dst(%arg13 : memref<128xi32, #tpu.memory_space<vmem>>)
          %mul3A_139 = arith.constant 128 : i32
          %mul3A_140 = arith.muli %add3A_93, %mul3A_139 : i32
          %dma_wait3A_141 = tpu.memref_slice %arg7[%mul3A_140] : memref<160000xi32, #tpu.memory_space<hbm>> -> memref<128xi32, #tpu.memory_space<hbm>>
          %dma_wait3A_142 = tpu.memref_slice %arg7[%mul3A_140] : memref<160000xi32, #tpu.memory_space<hbm>> -> memref<128xi32, #tpu.memory_space<hbm>>
          tpu.wait_dma2 semaphore(%arg26 : memref<!tpu.dma_semaphore, #tpu.memory_space<semaphore_mem>>) src(%dma_wait3A_142 : memref<128xi32, #tpu.memory_space<hbm>>) dst(%arg15 : memref<128xi32, #tpu.memory_space<vmem>>)
          %add3A_143 = arith.constant 16 : i32
          %add3A_144 = arith.addi %add3A_93, %add3A_143 : i32
          %lt3A_145 = arith.constant 1250 : i32
          %lt3A_146 = arith.cmpi slt, %add3A_144, %lt3A_145 : i32
          %convert_element_type3A_147 = arith.extui %lt3A_146 : i1 to i32
          %cond3A_148 = arith.constant 0 : i32
          %cond3A_149 = arith.cmpi ne, %convert_element_type3A_147, %cond3A_148 : i32
          scf.if %cond3A_149 {
            %add3A_163 = arith.constant 16 : i32
            %add3A_164 = arith.addi %add3A_93, %add3A_163 : i32
            %mul3A_165 = arith.constant 128 : i32
            %mul3A_166 = arith.muli %add3A_164, %mul3A_165 : i32
            %dma_start3A_167 = tpu.memref_slice %arg6[%mul3A_166] : memref<160000xi32, #tpu.memory_space<hbm>> -> memref<128xi32, #tpu.memory_space<hbm>>
            %dma_start3A_168 = tpu.memref_slice %arg6[%mul3A_166] : memref<160000xi32, #tpu.memory_space<hbm>> -> memref<128xi32, #tpu.memory_space<hbm>>
            tpu.enqueue_dma source(%dma_start3A_168 : memref<128xi32, #tpu.memory_space<hbm>>) target(%arg14 : memref<128xi32, #tpu.memory_space<vmem>>) target_semaphore(%arg27 : memref<!tpu.dma_semaphore, #tpu.memory_space<semaphore_mem>>)
            %mul3A_169 = arith.constant 128 : i32
            %mul3A_170 = arith.muli %add3A_164, %mul3A_169 : i32
            %dma_start3A_171 = tpu.memref_slice %arg7[%mul3A_170] : memref<160000xi32, #tpu.memory_space<hbm>> -> memref<128xi32, #tpu.memory_space<hbm>>
            %dma_start3A_172 = tpu.memref_slice %arg7[%mul3A_170] : memref<160000xi32, #tpu.memory_space<hbm>> -> memref<128xi32, #tpu.memory_space<hbm>>
            tpu.enqueue_dma source(%dma_start3A_172 : memref<128xi32, #tpu.memory_space<hbm>>) target(%arg16 : memref<128xi32, #tpu.memory_space<vmem>>) target_semaphore(%arg27 : memref<!tpu.dma_semaphore, #tpu.memory_space<semaphore_mem>>)
          } else {
          }
          %gt3A = arith.constant 0 : i32
          %gt3A_150 = arith.cmpi sgt, %scan3A_87, %gt3A : i32
          %convert_element_type3A_151 = arith.extui %gt3A_150 : i1 to i32
          %cond3A_152 = arith.constant 0 : i32
          %cond3A_153 = arith.cmpi ne, %convert_element_type3A_151, %cond3A_152 : i32
          scf.if %cond3A_153 {
            %dma_wait3A_163 = arith.constant 0 : i32
            %dma_wait3A_164 = arith.constant 0 : i32
            %dma_wait3A_165 = tpu.memref_slice %arg21[%dma_wait3A_163, %dma_wait3A_164] : memref<10000x128xf32, #tpu.memory_space<vmem_shared>> -> memref<10000x128xf32, #tpu.memory_space<vmem_shared>>
            tpu.wait_indirect_dma semaphore(%arg24 : memref<!tpu.dma_semaphore, #tpu.memory_space<semaphore_mem>>) src(%arg19 : memref<128x128xf32, #tpu.memory_space<vmem>>) dst(%dma_wait3A_165 : memref<10000x128xf32, #tpu.memory_space<vmem_shared>>)
          } else {
          }
          %dma_start3A_154 = arith.constant 0 : i32
          %dma_start3A_155 = arith.constant 0 : i32
          %dma_start3A_156 = tpu.memref_slice %arg5[%dma_start3A_154, %dma_start3A_155] : memref<10000x128xf32, #tpu.memory_space<hbm>> -> memref<10000x128xf32, #tpu.memory_space<hbm>>
          tpu.enqueue_indirect_dma source(%dma_start3A_156 : memref<10000x128xf32, #tpu.memory_space<hbm>>) target(%arg19 : memref<128x128xf32, #tpu.memory_space<vmem>>) offsets(%arg13 : memref<128xi32, #tpu.memory_space<vmem>>) semaphore(%arg22 : memref<!tpu.dma_semaphore, #tpu.memory_space<semaphore_mem>>)
          %dma_wait3A_157 = arith.constant 0 : i32
          %dma_wait3A_158 = arith.constant 0 : i32
          %dma_wait3A_159 = tpu.memref_slice %arg5[%dma_wait3A_157, %dma_wait3A_158] : memref<10000x128xf32, #tpu.memory_space<hbm>> -> memref<10000x128xf32, #tpu.memory_space<hbm>>
          tpu.wait_indirect_dma semaphore(%arg22 : memref<!tpu.dma_semaphore, #tpu.memory_space<semaphore_mem>>) src(%dma_wait3A_159 : memref<10000x128xf32, #tpu.memory_space<hbm>>) dst(%arg19 : memref<128x128xf32, #tpu.memory_space<vmem>>)
          %dma_start3A_160 = arith.constant 0 : i32
          %dma_start3A_161 = arith.constant 0 : i32
          %dma_start3A_162 = tpu.memref_slice %arg21[%dma_start3A_160, %dma_start3A_161] : memref<10000x128xf32, #tpu.memory_space<vmem_shared>> -> memref<10000x128xf32, #tpu.memory_space<vmem_shared>>
          tpu.enqueue_indirect_dma source(%arg19 : memref<128x128xf32, #tpu.memory_space<vmem>>) target(%dma_start3A_162 : memref<10000x128xf32, #tpu.memory_space<vmem_shared>>) offsets(%arg15 : memref<128xi32, #tpu.memory_space<vmem>>) semaphore(%arg24 : memref<!tpu.dma_semaphore, #tpu.memory_space<semaphore_mem>>) {add = true}
        } else {
        }
        %mul3A_99 = arith.constant 4 : i32
        %mul3A_100 = arith.muli %mul3A_99, %scan3A_87 : i32
        %add3A_101 = arith.constant 1 : i32
        %add3A_102 = arith.addi %mul3A_100, %add3A_101 : i32
        %mul3A_103 = arith.constant 16 : i32
        %mul3A_104 = arith.muli %add3A_102, %mul3A_103 : i32
        %add3A_105 = arith.addi %mul3A_104, %arg1 : i32
        %lt3A_106 = arith.constant 1250 : i32
        %lt3A_107 = arith.cmpi slt, %add3A_105, %lt3A_106 : i32
        %convert_element_type3A_108 = arith.extui %lt3A_107 : i1 to i32
        %cond3A_109 = arith.constant 0 : i32
        %cond3A_110 = arith.cmpi ne, %convert_element_type3A_108, %cond3A_109 : i32
        scf.if %cond3A_110 {
          %mul3A_135 = arith.constant 128 : i32
          %mul3A_136 = arith.muli %add3A_105, %mul3A_135 : i32
          %dma_wait3A_137 = tpu.memref_slice %arg6[%mul3A_136] : memref<160000xi32, #tpu.memory_space<hbm>> -> memref<128xi32, #tpu.memory_space<hbm>>
          %dma_wait3A_138 = tpu.memref_slice %arg6[%mul3A_136] : memref<160000xi32, #tpu.memory_space<hbm>> -> memref<128xi32, #tpu.memory_space<hbm>>
          tpu.wait_dma2 semaphore(%arg27 : memref<!tpu.dma_semaphore, #tpu.memory_space<semaphore_mem>>) src(%dma_wait3A_138 : memref<128xi32, #tpu.memory_space<hbm>>) dst(%arg14 : memref<128xi32, #tpu.memory_space<vmem>>)
          %mul3A_139 = arith.constant 128 : i32
          %mul3A_140 = arith.muli %add3A_105, %mul3A_139 : i32
          %dma_wait3A_141 = tpu.memref_slice %arg7[%mul3A_140] : memref<160000xi32, #tpu.memory_space<hbm>> -> memref<128xi32, #tpu.memory_space<hbm>>
          %dma_wait3A_142 = tpu.memref_slice %arg7[%mul3A_140] : memref<160000xi32, #tpu.memory_space<hbm>> -> memref<128xi32, #tpu.memory_space<hbm>>
          tpu.wait_dma2 semaphore(%arg27 : memref<!tpu.dma_semaphore, #tpu.memory_space<semaphore_mem>>) src(%dma_wait3A_142 : memref<128xi32, #tpu.memory_space<hbm>>) dst(%arg16 : memref<128xi32, #tpu.memory_space<vmem>>)
          %add3A_143 = arith.constant 16 : i32
          %add3A_144 = arith.addi %add3A_105, %add3A_143 : i32
          %lt3A_145 = arith.constant 1250 : i32
          %lt3A_146 = arith.cmpi slt, %add3A_144, %lt3A_145 : i32
          %convert_element_type3A_147 = arith.extui %lt3A_146 : i1 to i32
          %cond3A_148 = arith.constant 0 : i32
          %cond3A_149 = arith.cmpi ne, %convert_element_type3A_147, %cond3A_148 : i32
          scf.if %cond3A_149 {
            %add3A_163 = arith.constant 16 : i32
            %add3A_164 = arith.addi %add3A_105, %add3A_163 : i32
            %mul3A_165 = arith.constant 128 : i32
            %mul3A_166 = arith.muli %add3A_164, %mul3A_165 : i32
            %dma_start3A_167 = tpu.memref_slice %arg6[%mul3A_166] : memref<160000xi32, #tpu.memory_space<hbm>> -> memref<128xi32, #tpu.memory_space<hbm>>
            %dma_start3A_168 = tpu.memref_slice %arg6[%mul3A_166] : memref<160000xi32, #tpu.memory_space<hbm>> -> memref<128xi32, #tpu.memory_space<hbm>>
            tpu.enqueue_dma source(%dma_start3A_168 : memref<128xi32, #tpu.memory_space<hbm>>) target(%arg13 : memref<128xi32, #tpu.memory_space<vmem>>) target_semaphore(%arg26 : memref<!tpu.dma_semaphore, #tpu.memory_space<semaphore_mem>>)
            %mul3A_169 = arith.constant 128 : i32
            %mul3A_170 = arith.muli %add3A_164, %mul3A_169 : i32
            %dma_start3A_171 = tpu.memref_slice %arg7[%mul3A_170] : memref<160000xi32, #tpu.memory_space<hbm>> -> memref<128xi32, #tpu.memory_space<hbm>>
            %dma_start3A_172 = tpu.memref_slice %arg7[%mul3A_170] : memref<160000xi32, #tpu.memory_space<hbm>> -> memref<128xi32, #tpu.memory_space<hbm>>
            tpu.enqueue_dma source(%dma_start3A_172 : memref<128xi32, #tpu.memory_space<hbm>>) target(%arg17 : memref<128xi32, #tpu.memory_space<vmem>>) target_semaphore(%arg26 : memref<!tpu.dma_semaphore, #tpu.memory_space<semaphore_mem>>)
          } else {
          }
          %gt3A = arith.constant 0 : i32
          %gt3A_150 = arith.cmpi sgt, %scan3A_87, %gt3A : i32
          %convert_element_type3A_151 = arith.extui %gt3A_150 : i1 to i32
          %cond3A_152 = arith.constant 0 : i32
          %cond3A_153 = arith.cmpi ne, %convert_element_type3A_151, %cond3A_152 : i32
          scf.if %cond3A_153 {
            %dma_wait3A_163 = arith.constant 0 : i32
            %dma_wait3A_164 = arith.constant 0 : i32
            %dma_wait3A_165 = tpu.memref_slice %arg21[%dma_wait3A_163, %dma_wait3A_164] : memref<10000x128xf32, #tpu.memory_space<vmem_shared>> -> memref<10000x128xf32, #tpu.memory_space<vmem_shared>>
            tpu.wait_indirect_dma semaphore(%arg25 : memref<!tpu.dma_semaphore, #tpu.memory_space<semaphore_mem>>) src(%arg20 : memref<128x128xf32, #tpu.memory_space<vmem>>) dst(%dma_wait3A_165 : memref<10000x128xf32, #tpu.memory_space<vmem_shared>>)
          } else {
          }
          %dma_start3A_154 = arith.constant 0 : i32
          %dma_start3A_155 = arith.constant 0 : i32
          %dma_start3A_156 = tpu.memref_slice %arg5[%dma_start3A_154, %dma_start3A_155] : memref<10000x128xf32, #tpu.memory_space<hbm>> -> memref<10000x128xf32, #tpu.memory_space<hbm>>
          tpu.enqueue_indirect_dma source(%dma_start3A_156 : memref<10000x128xf32, #tpu.memory_space<hbm>>) target(%arg20 : memref<128x128xf32, #tpu.memory_space<vmem>>) offsets(%arg14 : memref<128xi32, #tpu.memory_space<vmem>>) semaphore(%arg23 : memref<!tpu.dma_semaphore, #tpu.memory_space<semaphore_mem>>)
          %dma_wait3A_157 = arith.constant 0 : i32
          %dma_wait3A_158 = arith.constant 0 : i32
          %dma_wait3A_159 = tpu.memref_slice %arg5[%dma_wait3A_157, %dma_wait3A_158] : memref<10000x128xf32, #tpu.memory_space<hbm>> -> memref<10000x128xf32, #tpu.memory_space<hbm>>
          tpu.wait_indirect_dma semaphore(%arg23 : memref<!tpu.dma_semaphore, #tpu.memory_space<semaphore_mem>>) src(%dma_wait3A_159 : memref<10000x128xf32, #tpu.memory_space<hbm>>) dst(%arg20 : memref<128x128xf32, #tpu.memory_space<vmem>>)
          %dma_start3A_160 = arith.constant 0 : i32
          %dma_start3A_161 = arith.constant 0 : i32
          %dma_start3A_162 = tpu.memref_slice %arg21[%dma_start3A_160, %dma_start3A_161] : memref<10000x128xf32, #tpu.memory_space<vmem_shared>> -> memref<10000x128xf32, #tpu.memory_space<vmem_shared>>
          tpu.enqueue_indirect_dma source(%arg20 : memref<128x128xf32, #tpu.memory_space<vmem>>) target(%dma_start3A_162 : memref<10000x128xf32, #tpu.memory_space<vmem_shared>>) offsets(%arg16 : memref<128xi32, #tpu.memory_space<vmem>>) semaphore(%arg25 : memref<!tpu.dma_semaphore, #tpu.memory_space<semaphore_mem>>) {add = true}
        } else {
        }
        %mul3A_111 = arith.constant 4 : i32
        %mul3A_112 = arith.muli %mul3A_111, %scan3A_87 : i32
        %add3A_113 = arith.constant 2 : i32
        %add3A_114 = arith.addi %mul3A_112, %add3A_113 : i32
        %mul3A_115 = arith.constant 16 : i32
        %mul3A_116 = arith.muli %add3A_114, %mul3A_115 : i32
        %add3A_117 = arith.addi %mul3A_116, %arg1 : i32
        %lt3A_118 = arith.constant 1250 : i32
        %lt3A_119 = arith.cmpi slt, %add3A_117, %lt3A_118 : i32
        %convert_element_type3A_120 = arith.extui %lt3A_119 : i1 to i32
        %cond3A_121 = arith.constant 0 : i32
        %cond3A_122 = arith.cmpi ne, %convert_element_type3A_120, %cond3A_121 : i32
        scf.if %cond3A_122 {
          %mul3A_135 = arith.constant 128 : i32
          %mul3A_136 = arith.muli %add3A_117, %mul3A_135 : i32
          %dma_wait3A_137 = tpu.memref_slice %arg6[%mul3A_136] : memref<160000xi32, #tpu.memory_space<hbm>> -> memref<128xi32, #tpu.memory_space<hbm>>
          %dma_wait3A_138 = tpu.memref_slice %arg6[%mul3A_136] : memref<160000xi32, #tpu.memory_space<hbm>> -> memref<128xi32, #tpu.memory_space<hbm>>
          tpu.wait_dma2 semaphore(%arg26 : memref<!tpu.dma_semaphore, #tpu.memory_space<semaphore_mem>>) src(%dma_wait3A_138 : memref<128xi32, #tpu.memory_space<hbm>>) dst(%arg13 : memref<128xi32, #tpu.memory_space<vmem>>)
          %mul3A_139 = arith.constant 128 : i32
          %mul3A_140 = arith.muli %add3A_117, %mul3A_139 : i32
          %dma_wait3A_141 = tpu.memref_slice %arg7[%mul3A_140] : memref<160000xi32, #tpu.memory_space<hbm>> -> memref<128xi32, #tpu.memory_space<hbm>>
          %dma_wait3A_142 = tpu.memref_slice %arg7[%mul3A_140] : memref<160000xi32, #tpu.memory_space<hbm>> -> memref<128xi32, #tpu.memory_space<hbm>>
          tpu.wait_dma2 semaphore(%arg26 : memref<!tpu.dma_semaphore, #tpu.memory_space<semaphore_mem>>) src(%dma_wait3A_142 : memref<128xi32, #tpu.memory_space<hbm>>) dst(%arg17 : memref<128xi32, #tpu.memory_space<vmem>>)
          %add3A_143 = arith.constant 16 : i32
          %add3A_144 = arith.addi %add3A_117, %add3A_143 : i32
          %lt3A_145 = arith.constant 1250 : i32
          %lt3A_146 = arith.cmpi slt, %add3A_144, %lt3A_145 : i32
          %convert_element_type3A_147 = arith.extui %lt3A_146 : i1 to i32
          %cond3A_148 = arith.constant 0 : i32
          %cond3A_149 = arith.cmpi ne, %convert_element_type3A_147, %cond3A_148 : i32
          scf.if %cond3A_149 {
            %add3A_162 = arith.constant 16 : i32
            %add3A_163 = arith.addi %add3A_117, %add3A_162 : i32
            %mul3A_164 = arith.constant 128 : i32
            %mul3A_165 = arith.muli %add3A_163, %mul3A_164 : i32
            %dma_start3A_166 = tpu.memref_slice %arg6[%mul3A_165] : memref<160000xi32, #tpu.memory_space<hbm>> -> memref<128xi32, #tpu.memory_space<hbm>>
            %dma_start3A_167 = tpu.memref_slice %arg6[%mul3A_165] : memref<160000xi32, #tpu.memory_space<hbm>> -> memref<128xi32, #tpu.memory_space<hbm>>
            tpu.enqueue_dma source(%dma_start3A_167 : memref<128xi32, #tpu.memory_space<hbm>>) target(%arg14 : memref<128xi32, #tpu.memory_space<vmem>>) target_semaphore(%arg27 : memref<!tpu.dma_semaphore, #tpu.memory_space<semaphore_mem>>)
            %mul3A_168 = arith.constant 128 : i32
            %mul3A_169 = arith.muli %add3A_163, %mul3A_168 : i32
            %dma_start3A_170 = tpu.memref_slice %arg7[%mul3A_169] : memref<160000xi32, #tpu.memory_space<hbm>> -> memref<128xi32, #tpu.memory_space<hbm>>
            %dma_start3A_171 = tpu.memref_slice %arg7[%mul3A_169] : memref<160000xi32, #tpu.memory_space<hbm>> -> memref<128xi32, #tpu.memory_space<hbm>>
            tpu.enqueue_dma source(%dma_start3A_171 : memref<128xi32, #tpu.memory_space<hbm>>) target(%arg18 : memref<128xi32, #tpu.memory_space<vmem>>) target_semaphore(%arg27 : memref<!tpu.dma_semaphore, #tpu.memory_space<semaphore_mem>>)
          } else {
          }
          %dma_wait3A_150 = arith.constant 0 : i32
          %dma_wait3A_151 = arith.constant 0 : i32
          %dma_wait3A_152 = tpu.memref_slice %arg21[%dma_wait3A_150, %dma_wait3A_151] : memref<10000x128xf32, #tpu.memory_space<vmem_shared>> -> memref<10000x128xf32, #tpu.memory_space<vmem_shared>>
          tpu.wait_indirect_dma semaphore(%arg24 : memref<!tpu.dma_semaphore, #tpu.memory_space<semaphore_mem>>) src(%arg19 : memref<128x128xf32, #tpu.memory_space<vmem>>) dst(%dma_wait3A_152 : memref<10000x128xf32, #tpu.memory_space<vmem_shared>>)
          %dma_start3A_153 = arith.constant 0 : i32
          %dma_start3A_154 = arith.constant 0 : i32
          %dma_start3A_155 = tpu.memref_slice %arg5[%dma_start3A_153, %dma_start3A_154] : memref<10000x128xf32, #tpu.memory_space<hbm>> -> memref<10000x128xf32, #tpu.memory_space<hbm>>
          tpu.enqueue_indirect_dma source(%dma_start3A_155 : memref<10000x128xf32, #tpu.memory_space<hbm>>) target(%arg19 : memref<128x128xf32, #tpu.memory_space<vmem>>) offsets(%arg13 : memref<128xi32, #tpu.memory_space<vmem>>) semaphore(%arg22 : memref<!tpu.dma_semaphore, #tpu.memory_space<semaphore_mem>>)
          %dma_wait3A_156 = arith.constant 0 : i32
          %dma_wait3A_157 = arith.constant 0 : i32
          %dma_wait3A_158 = tpu.memref_slice %arg5[%dma_wait3A_156, %dma_wait3A_157] : memref<10000x128xf32, #tpu.memory_space<hbm>> -> memref<10000x128xf32, #tpu.memory_space<hbm>>
          tpu.wait_indirect_dma semaphore(%arg22 : memref<!tpu.dma_semaphore, #tpu.memory_space<semaphore_mem>>) src(%dma_wait3A_158 : memref<10000x128xf32, #tpu.memory_space<hbm>>) dst(%arg19 : memref<128x128xf32, #tpu.memory_space<vmem>>)
          %dma_start3A_159 = arith.constant 0 : i32
          %dma_start3A_160 = arith.constant 0 : i32
          %dma_start3A_161 = tpu.memref_slice %arg21[%dma_start3A_159, %dma_start3A_160] : memref<10000x128xf32, #tpu.memory_space<vmem_shared>> -> memref<10000x128xf32, #tpu.memory_space<vmem_shared>>
          tpu.enqueue_indirect_dma source(%arg19 : memref<128x128xf32, #tpu.memory_space<vmem>>) target(%dma_start3A_161 : memref<10000x128xf32, #tpu.memory_space<vmem_shared>>) offsets(%arg17 : memref<128xi32, #tpu.memory_space<vmem>>) semaphore(%arg24 : memref<!tpu.dma_semaphore, #tpu.memory_space<semaphore_mem>>) {add = true}
        } else {
        }
        %mul3A_123 = arith.constant 4 : i32
        %mul3A_124 = arith.muli %mul3A_123, %scan3A_87 : i32
        %add3A_125 = arith.constant 3 : i32
        %add3A_126 = arith.addi %mul3A_124, %add3A_125 : i32
        %mul3A_127 = arith.constant 16 : i32
        %mul3A_128 = arith.muli %add3A_126, %mul3A_127 : i32
        %add3A_129 = arith.addi %mul3A_128, %arg1 : i32
        %lt3A_130 = arith.constant 1250 : i32
        %lt3A_131 = arith.cmpi slt, %add3A_129, %lt3A_130 : i32
        %convert_element_type3A_132 = arith.extui %lt3A_131 : i1 to i32
        %cond3A_133 = arith.constant 0 : i32
        %cond3A_134 = arith.cmpi ne, %convert_element_type3A_132, %cond3A_133 : i32
        scf.if %cond3A_134 {
          %mul3A_135 = arith.constant 128 : i32
          %mul3A_136 = arith.muli %add3A_129, %mul3A_135 : i32
          %dma_wait3A_137 = tpu.memref_slice %arg6[%mul3A_136] : memref<160000xi32, #tpu.memory_space<hbm>> -> memref<128xi32, #tpu.memory_space<hbm>>
          %dma_wait3A_138 = tpu.memref_slice %arg6[%mul3A_136] : memref<160000xi32, #tpu.memory_space<hbm>> -> memref<128xi32, #tpu.memory_space<hbm>>
          tpu.wait_dma2 semaphore(%arg27 : memref<!tpu.dma_semaphore, #tpu.memory_space<semaphore_mem>>) src(%dma_wait3A_138 : memref<128xi32, #tpu.memory_space<hbm>>) dst(%arg14 : memref<128xi32, #tpu.memory_space<vmem>>)
          %mul3A_139 = arith.constant 128 : i32
          %mul3A_140 = arith.muli %add3A_129, %mul3A_139 : i32
          %dma_wait3A_141 = tpu.memref_slice %arg7[%mul3A_140] : memref<160000xi32, #tpu.memory_space<hbm>> -> memref<128xi32, #tpu.memory_space<hbm>>
          %dma_wait3A_142 = tpu.memref_slice %arg7[%mul3A_140] : memref<160000xi32, #tpu.memory_space<hbm>> -> memref<128xi32, #tpu.memory_space<hbm>>
          tpu.wait_dma2 semaphore(%arg27 : memref<!tpu.dma_semaphore, #tpu.memory_space<semaphore_mem>>) src(%dma_wait3A_142 : memref<128xi32, #tpu.memory_space<hbm>>) dst(%arg18 : memref<128xi32, #tpu.memory_space<vmem>>)
          %add3A_143 = arith.constant 16 : i32
          %add3A_144 = arith.addi %add3A_129, %add3A_143 : i32
          %lt3A_145 = arith.constant 1250 : i32
          %lt3A_146 = arith.cmpi slt, %add3A_144, %lt3A_145 : i32
          %convert_element_type3A_147 = arith.extui %lt3A_146 : i1 to i32
          %cond3A_148 = arith.constant 0 : i32
          %cond3A_149 = arith.cmpi ne, %convert_element_type3A_147, %cond3A_148 : i32
          scf.if %cond3A_149 {
            %add3A_162 = arith.constant 16 : i32
            %add3A_163 = arith.addi %add3A_129, %add3A_162 : i32
            %mul3A_164 = arith.constant 128 : i32
            %mul3A_165 = arith.muli %add3A_163, %mul3A_164 : i32
            %dma_start3A_166 = tpu.memref_slice %arg6[%mul3A_165] : memref<160000xi32, #tpu.memory_space<hbm>> -> memref<128xi32, #tpu.memory_space<hbm>>
            %dma_start3A_167 = tpu.memref_slice %arg6[%mul3A_165] : memref<160000xi32, #tpu.memory_space<hbm>> -> memref<128xi32, #tpu.memory_space<hbm>>
            tpu.enqueue_dma source(%dma_start3A_167 : memref<128xi32, #tpu.memory_space<hbm>>) target(%arg13 : memref<128xi32, #tpu.memory_space<vmem>>) target_semaphore(%arg26 : memref<!tpu.dma_semaphore, #tpu.memory_space<semaphore_mem>>)
            %mul3A_168 = arith.constant 128 : i32
            %mul3A_169 = arith.muli %add3A_163, %mul3A_168 : i32
            %dma_start3A_170 = tpu.memref_slice %arg7[%mul3A_169] : memref<160000xi32, #tpu.memory_space<hbm>> -> memref<128xi32, #tpu.memory_space<hbm>>
            %dma_start3A_171 = tpu.memref_slice %arg7[%mul3A_169] : memref<160000xi32, #tpu.memory_space<hbm>> -> memref<128xi32, #tpu.memory_space<hbm>>
            tpu.enqueue_dma source(%dma_start3A_171 : memref<128xi32, #tpu.memory_space<hbm>>) target(%arg15 : memref<128xi32, #tpu.memory_space<vmem>>) target_semaphore(%arg26 : memref<!tpu.dma_semaphore, #tpu.memory_space<semaphore_mem>>)
          } else {
          }
          %dma_wait3A_150 = arith.constant 0 : i32
          %dma_wait3A_151 = arith.constant 0 : i32
          %dma_wait3A_152 = tpu.memref_slice %arg21[%dma_wait3A_150, %dma_wait3A_151] : memref<10000x128xf32, #tpu.memory_space<vmem_shared>> -> memref<10000x128xf32, #tpu.memory_space<vmem_shared>>
          tpu.wait_indirect_dma semaphore(%arg25 : memref<!tpu.dma_semaphore, #tpu.memory_space<semaphore_mem>>) src(%arg20 : memref<128x128xf32, #tpu.memory_space<vmem>>) dst(%dma_wait3A_152 : memref<10000x128xf32, #tpu.memory_space<vmem_shared>>)
          %dma_start3A_153 = arith.constant 0 : i32
          %dma_start3A_154 = arith.constant 0 : i32
          %dma_start3A_155 = tpu.memref_slice %arg5[%dma_start3A_153, %dma_start3A_154] : memref<10000x128xf32, #tpu.memory_space<hbm>> -> memref<10000x128xf32, #tpu.memory_space<hbm>>
          tpu.enqueue_indirect_dma source(%dma_start3A_155 : memref<10000x128xf32, #tpu.memory_space<hbm>>) target(%arg20 : memref<128x128xf32, #tpu.memory_space<vmem>>) offsets(%arg14 : memref<128xi32, #tpu.memory_space<vmem>>) semaphore(%arg23 : memref<!tpu.dma_semaphore, #tpu.memory_space<semaphore_mem>>)
          %dma_wait3A_156 = arith.constant 0 : i32
          %dma_wait3A_157 = arith.constant 0 : i32
          %dma_wait3A_158 = tpu.memref_slice %arg5[%dma_wait3A_156, %dma_wait3A_157] : memref<10000x128xf32, #tpu.memory_space<hbm>> -> memref<10000x128xf32, #tpu.memory_space<hbm>>
          tpu.wait_indirect_dma semaphore(%arg23 : memref<!tpu.dma_semaphore, #tpu.memory_space<semaphore_mem>>) src(%dma_wait3A_158 : memref<10000x128xf32, #tpu.memory_space<hbm>>) dst(%arg20 : memref<128x128xf32, #tpu.memory_space<vmem>>)
          %dma_start3A_159 = arith.constant 0 : i32
          %dma_start3A_160 = arith.constant 0 : i32
          %dma_start3A_161 = tpu.memref_slice %arg21[%dma_start3A_159, %dma_start3A_160] : memref<10000x128xf32, #tpu.memory_space<vmem_shared>> -> memref<10000x128xf32, #tpu.memory_space<vmem_shared>>
          tpu.enqueue_indirect_dma source(%arg20 : memref<128x128xf32, #tpu.memory_space<vmem>>) target(%dma_start3A_161 : memref<10000x128xf32, #tpu.memory_space<vmem_shared>>) offsets(%arg18 : memref<128xi32, #tpu.memory_space<vmem>>) semaphore(%arg25 : memref<!tpu.dma_semaphore, #tpu.memory_space<semaphore_mem>>) {add = true}
        } else {
        }
      }
      %scan3A_68 = arith.constant 20 : i32
      %dma_wait3A_69 = arith.constant 0 : i32
      %dma_wait3A_70 = arith.constant 0 : i32
      %dma_wait3A_71 = tpu.memref_slice %arg21[%dma_wait3A_69, %dma_wait3A_70] : memref<10000x128xf32, #tpu.memory_space<vmem_shared>> -> memref<10000x128xf32, #tpu.memory_space<vmem_shared>>
      tpu.wait_indirect_dma semaphore(%arg24 : memref<!tpu.dma_semaphore, #tpu.memory_space<semaphore_mem>>) src(%arg19 : memref<128x128xf32, #tpu.memory_space<vmem>>) dst(%dma_wait3A_71 : memref<10000x128xf32, #tpu.memory_space<vmem_shared>>)
      %dma_wait3A_72 = arith.constant 0 : i32
      %dma_wait3A_73 = arith.constant 0 : i32
      %dma_wait3A_74 = tpu.memref_slice %arg21[%dma_wait3A_72, %dma_wait3A_73] : memref<10000x128xf32, #tpu.memory_space<vmem_shared>> -> memref<10000x128xf32, #tpu.memory_space<vmem_shared>>
      tpu.wait_indirect_dma semaphore(%arg25 : memref<!tpu.dma_semaphore, #tpu.memory_space<semaphore_mem>>) src(%arg20 : memref<128x128xf32, #tpu.memory_space<vmem>>) dst(%dma_wait3A_74 : memref<10000x128xf32, #tpu.memory_space<vmem_shared>>)
      %barrier3A_75 = arith.constant 0 : index
      tpu.barrier barrier_id(%barrier3A_75)
      %lt3A_76 = arith.constant 15 : i32
      %lt3A_77 = arith.cmpi slt, %arg1, %lt3A_76 : i32
      %convert_element_type3A_78 = arith.extui %lt3A_77 : i1 to i32
      %cond3A_79 = arith.constant 0 : i32
      %cond3A_80 = arith.cmpi ne, %convert_element_type3A_78, %cond3A_79 : i32
      scf.if %cond3A_80 {
        %mul3A_87 = arith.constant 624 : i32
        %mul3A_88 = arith.muli %arg1, %mul3A_87 : i32
        %mul3A_89 = arith.constant 624 : i32
        %mul3A_90 = arith.muli %arg1, %mul3A_89 : i32
        "tpu.region"() ({
          %run_scoped3A = tpu.sem_alloc : memref<!tpu.dma_semaphore, #tpu.memory_space<semaphore_mem>>
          %dma_start3A_91 = arith.constant 0 : i32
          %dma_start3A_92 = tpu.memref_slice %arg12[%mul3A_90, %dma_start3A_91] : memref<10000x128xf32, #tpu.memory_space<hbm>> -> memref<624x128xf32, #tpu.memory_space<hbm>>
          %dma_start3A_93 = arith.constant 0 : i32
          %dma_start3A_94 = tpu.memref_slice %arg21[%mul3A_88, %dma_start3A_93] : memref<10000x128xf32, #tpu.memory_space<vmem_shared>> -> memref<624x128xf32, #tpu.memory_space<vmem_shared>>
          tpu.enqueue_dma source(%dma_start3A_94 : memref<624x128xf32, #tpu.memory_space<vmem_shared>>) target(%dma_start3A_92 : memref<624x128xf32, #tpu.memory_space<hbm>>) target_semaphore(%run_scoped3A : memref<!tpu.dma_semaphore, #tpu.memory_space<semaphore_mem>>)
          %dma_wait3A_95 = arith.constant 0 : i32
          %dma_wait3A_96 = tpu.memref_slice %arg12[%mul3A_90, %dma_wait3A_95] : memref<10000x128xf32, #tpu.memory_space<hbm>> -> memref<624x128xf32, #tpu.memory_space<hbm>>
          %dma_wait3A_97 = arith.constant 0 : i32
          %dma_wait3A_98 = tpu.memref_slice %arg21[%mul3A_88, %dma_wait3A_97] : memref<10000x128xf32, #tpu.memory_space<vmem_shared>> -> memref<624x128xf32, #tpu.memory_space<vmem_shared>>
          tpu.wait_dma2 semaphore(%run_scoped3A : memref<!tpu.dma_semaphore, #tpu.memory_space<semaphore_mem>>) src(%dma_wait3A_98 : memref<624x128xf32, #tpu.memory_space<vmem_shared>>) dst(%dma_wait3A_96 : memref<624x128xf32, #tpu.memory_space<hbm>>)
          tpu.yield
        }) : () -> ()
      } else {
      }
      %eq3A_81 = arith.constant 15 : i32
      %eq3A_82 = arith.cmpi eq, %arg1, %eq3A_81 : i32
      %convert_element_type3A_83 = arith.extui %eq3A_82 : i1 to i32
      %cond3A_84 = arith.constant 0 : i32
      %cond3A_85 = arith.cmpi ne, %convert_element_type3A_83, %cond3A_84 : i32
      scf.if %cond3A_85 {
        "tpu.region"() ({
          %run_scoped3A = tpu.sem_alloc : memref<!tpu.dma_semaphore, #tpu.memory_space<semaphore_mem>>
          %dma_start3A_87 = arith.constant 9360 : i32
          %dma_start3A_88 = arith.constant 0 : i32
          %dma_start3A_89 = tpu.memref_slice %arg12[%dma_start3A_87, %dma_start3A_88] : memref<10000x128xf32, #tpu.memory_space<hbm>> -> memref<640x128xf32, #tpu.memory_space<hbm>>
          %dma_start3A_90 = arith.constant 9360 : i32
          %dma_start3A_91 = arith.constant 0 : i32
          %dma_start3A_92 = tpu.memref_slice %arg21[%dma_start3A_90, %dma_start3A_91] : memref<10000x128xf32, #tpu.memory_space<vmem_shared>> -> memref<640x128xf32, #tpu.memory_space<vmem_shared>>
          tpu.enqueue_dma source(%dma_start3A_92 : memref<640x128xf32, #tpu.memory_space<vmem_shared>>) target(%dma_start3A_89 : memref<640x128xf32, #tpu.memory_space<hbm>>) target_semaphore(%run_scoped3A : memref<!tpu.dma_semaphore, #tpu.memory_space<semaphore_mem>>)
          %dma_wait3A_93 = arith.constant 9360 : i32
          %dma_wait3A_94 = arith.constant 0 : i32
          %dma_wait3A_95 = tpu.memref_slice %arg12[%dma_wait3A_93, %dma_wait3A_94] : memref<10000x128xf32, #tpu.memory_space<hbm>> -> memref<640x128xf32, #tpu.memory_space<hbm>>
          %dma_wait3A_96 = arith.constant 9360 : i32
          %dma_wait3A_97 = arith.constant 0 : i32
          %dma_wait3A_98 = tpu.memref_slice %arg21[%dma_wait3A_96, %dma_wait3A_97] : memref<10000x128xf32, #tpu.memory_space<vmem_shared>> -> memref<640x128xf32, #tpu.memory_space<vmem_shared>>
          tpu.wait_dma2 semaphore(%run_scoped3A : memref<!tpu.dma_semaphore, #tpu.memory_space<semaphore_mem>>) src(%dma_wait3A_98 : memref<640x128xf32, #tpu.memory_space<vmem_shared>>) dst(%dma_wait3A_95 : memref<640x128xf32, #tpu.memory_space<hbm>>)
          tpu.yield
        }) : () -> ()
      } else {
      }
      %barrier3A_86 = arith.constant 0 : index
      tpu.barrier barrier_id(%barrier3A_86)
    } else {
    }
    return
  }
}

#map = affine_map<(d0, d1) -> (0, 0)>
#map1 = affine_map<(d0, d1) -> (0)>
module attributes {stable_mosaic.version = 14 : i64} {
  func.func @_sc_edges(%arg0: i32, %arg1: i32, %arg2: memref<160000x128xf32, #tpu.memory_space<hbm>>, %arg3: memref<160000xi32, #tpu.memory_space<hbm>>, %arg4: memref<640x128xf32, #tpu.memory_space<hbm>>, %arg5: memref<10000x128xf32, #tpu.memory_space<hbm>>, %arg6: memref<10000x128xf32, #tpu.memory_space<hbm>>, %arg7: memref<128xi32, #tpu.memory_space<vmem>>, %arg8: memref<128xi32, #tpu.memory_space<vmem>>, %arg9: memref<128x128xf32, #tpu.memory_space<vmem>>, %arg10: memref<128x128xf32, #tpu.memory_space<vmem>>, %arg11: memref<10000x128xf32, #tpu.memory_space<vmem_shared>>, %arg12: memref<!tpu.dma_semaphore, #tpu.memory_space<semaphore_mem>>, %arg13: memref<!tpu.dma_semaphore, #tpu.memory_space<semaphore_mem>>) attributes {dimension_semantics = [#tpu.dimension_semantics<core_parallel>, #tpu.dimension_semantics<subcore_parallel>], iteration_bounds = array<i64: 2, 16>, scalar_prefetch = 0 : i64, scratch_operands = 7 : i64, tpu.core_type = #tpu.core_type<sc_vector_subcore>, window_params = [{transform_indices = #map}, {transform_indices = #map1}, {transform_indices = #map}, {transform_indices = #map}, {transform_indices = #map}]} {
    %lt3A = arith.constant 15 : i32
    %lt3A_0 = arith.cmpi slt, %arg1, %lt3A : i32
    %convert_element_type3A = arith.extui %lt3A_0 : i1 to i32
    %cond3A = arith.constant 0 : i32
    %cond3A_1 = arith.cmpi ne, %convert_element_type3A, %cond3A : i32
    scf.if %cond3A_1 {
      %mul3A_30 = arith.constant 624 : i32
      %mul3A_31 = arith.muli %arg1, %mul3A_30 : i32
      "tpu.region"() ({
        %run_scoped3A = tpu.sem_alloc : memref<!tpu.dma_semaphore, #tpu.memory_space<semaphore_mem>>
        %dma_start3A_32 = arith.constant 0 : i32
        %dma_start3A_33 = tpu.memref_slice %arg11[%mul3A_31, %dma_start3A_32] : memref<10000x128xf32, #tpu.memory_space<vmem_shared>> -> memref<624x128xf32, #tpu.memory_space<vmem_shared>>
        %dma_start3A_34 = arith.constant 0 : i32
        %dma_start3A_35 = arith.constant 0 : i32
        %dma_start3A_36 = tpu.memref_slice %arg4[%dma_start3A_34, %dma_start3A_35] : memref<640x128xf32, #tpu.memory_space<hbm>> -> memref<624x128xf32, #tpu.memory_space<hbm>>
        tpu.enqueue_dma source(%dma_start3A_36 : memref<624x128xf32, #tpu.memory_space<hbm>>) target(%dma_start3A_33 : memref<624x128xf32, #tpu.memory_space<vmem_shared>>) target_semaphore(%run_scoped3A : memref<!tpu.dma_semaphore, #tpu.memory_space<semaphore_mem>>)
        %dma_wait3A = arith.constant 0 : i32
        %dma_wait3A_37 = tpu.memref_slice %arg11[%mul3A_31, %dma_wait3A] : memref<10000x128xf32, #tpu.memory_space<vmem_shared>> -> memref<624x128xf32, #tpu.memory_space<vmem_shared>>
        %dma_wait3A_38 = arith.constant 0 : i32
        %dma_wait3A_39 = arith.constant 0 : i32
        %dma_wait3A_40 = tpu.memref_slice %arg4[%dma_wait3A_38, %dma_wait3A_39] : memref<640x128xf32, #tpu.memory_space<hbm>> -> memref<624x128xf32, #tpu.memory_space<hbm>>
        tpu.wait_dma2 semaphore(%run_scoped3A : memref<!tpu.dma_semaphore, #tpu.memory_space<semaphore_mem>>) src(%dma_wait3A_40 : memref<624x128xf32, #tpu.memory_space<hbm>>) dst(%dma_wait3A_37 : memref<624x128xf32, #tpu.memory_space<vmem_shared>>)
        tpu.yield
      }) : () -> ()
    } else {
    }
    %eq3A = arith.constant 15 : i32
    %eq3A_2 = arith.cmpi eq, %arg1, %eq3A : i32
    %convert_element_type3A_3 = arith.extui %eq3A_2 : i1 to i32
    %cond3A_4 = arith.constant 0 : i32
    %cond3A_5 = arith.cmpi ne, %convert_element_type3A_3, %cond3A_4 : i32
    scf.if %cond3A_5 {
      "tpu.region"() ({
        %run_scoped3A = tpu.sem_alloc : memref<!tpu.dma_semaphore, #tpu.memory_space<semaphore_mem>>
        %dma_start3A_30 = arith.constant 9360 : i32
        %dma_start3A_31 = arith.constant 0 : i32
        %dma_start3A_32 = tpu.memref_slice %arg11[%dma_start3A_30, %dma_start3A_31] : memref<10000x128xf32, #tpu.memory_space<vmem_shared>> -> memref<640x128xf32, #tpu.memory_space<vmem_shared>>
        tpu.enqueue_dma source(%arg4 : memref<640x128xf32, #tpu.memory_space<hbm>>) target(%dma_start3A_32 : memref<640x128xf32, #tpu.memory_space<vmem_shared>>) target_semaphore(%run_scoped3A : memref<!tpu.dma_semaphore, #tpu.memory_space<semaphore_mem>>)
        %dma_wait3A = arith.constant 9360 : i32
        %dma_wait3A_33 = arith.constant 0 : i32
        %dma_wait3A_34 = tpu.memref_slice %arg11[%dma_wait3A, %dma_wait3A_33] : memref<10000x128xf32, #tpu.memory_space<vmem_shared>> -> memref<640x128xf32, #tpu.memory_space<vmem_shared>>
        tpu.wait_dma2 semaphore(%run_scoped3A : memref<!tpu.dma_semaphore, #tpu.memory_space<semaphore_mem>>) src(%arg4 : memref<640x128xf32, #tpu.memory_space<hbm>>) dst(%dma_wait3A_34 : memref<640x128xf32, #tpu.memory_space<vmem_shared>>)
        tpu.yield
      }) : () -> ()
    } else {
    }
    %barrier3A = arith.constant 0 : index
    tpu.barrier barrier_id(%barrier3A)
    %mul3A = arith.constant 625 : i32
    %mul3A_6 = arith.muli %arg0, %mul3A : i32
    %add3A = arith.addi %mul3A_6, %arg1 : i32
    %mul3A_7 = arith.constant 128 : i32
    %mul3A_8 = arith.muli %add3A, %mul3A_7 : i32
    %dma_start3A = tpu.memref_slice %arg3[%mul3A_8] : memref<160000xi32, #tpu.memory_space<hbm>> -> memref<128xi32, #tpu.memory_space<hbm>>
    %dma_start3A_9 = tpu.memref_slice %arg3[%mul3A_8] : memref<160000xi32, #tpu.memory_space<hbm>> -> memref<128xi32, #tpu.memory_space<hbm>>
    tpu.enqueue_dma source(%dma_start3A_9 : memref<128xi32, #tpu.memory_space<hbm>>) target(%arg7 : memref<128xi32, #tpu.memory_space<vmem>>) target_semaphore(%arg12 : memref<!tpu.dma_semaphore, #tpu.memory_space<semaphore_mem>>)
    %dma_start3A_10 = arith.constant 0 : i32
    %dma_start3A_11 = tpu.memref_slice %arg2[%mul3A_8, %dma_start3A_10] : memref<160000x128xf32, #tpu.memory_space<hbm>> -> memref<128x128xf32, #tpu.memory_space<hbm>>
    %dma_start3A_12 = arith.constant 0 : i32
    %dma_start3A_13 = tpu.memref_slice %arg2[%mul3A_8, %dma_start3A_12] : memref<160000x128xf32, #tpu.memory_space<hbm>> -> memref<128x128xf32, #tpu.memory_space<hbm>>
    tpu.enqueue_dma source(%dma_start3A_13 : memref<128x128xf32, #tpu.memory_space<hbm>>) target(%arg9 : memref<128x128xf32, #tpu.memory_space<vmem>>) target_semaphore(%arg12 : memref<!tpu.dma_semaphore, #tpu.memory_space<semaphore_mem>>)
    %scan3A = arith.constant 0 : i32
    %scan3A_14 = arith.constant 0 : i32
    %scan3A_15 = arith.constant 20 : i32
    %scan3A_16 = arith.addi %scan3A_14, %scan3A_15 : i32
    %scan3A_17 = arith.constant 1 : i32
    scf.for %scan3A_30 = %scan3A_14 to %scan3A_16 step %scan3A_17  : i32 {
      %mul3A_31 = arith.constant 2 : i32
      %mul3A_32 = arith.muli %mul3A_31, %scan3A_30 : i32
      %mul3A_33 = arith.constant 16 : i32
      %mul3A_34 = arith.muli %mul3A_32, %mul3A_33 : i32
      %add3A_35 = arith.addi %mul3A_34, %arg1 : i32
      %add3A_36 = arith.constant 16 : i32
      %add3A_37 = arith.addi %add3A_35, %add3A_36 : i32
      %lt3A_38 = arith.constant 625 : i32
      %lt3A_39 = arith.cmpi slt, %add3A_35, %lt3A_38 : i32
      %convert_element_type3A_40 = arith.extui %lt3A_39 : i1 to i32
      %cond3A_41 = arith.constant 0 : i32
      %cond3A_42 = arith.cmpi ne, %convert_element_type3A_40, %cond3A_41 : i32
      scf.if %cond3A_42 {
        %mul3A_50 = arith.constant 625 : i32
        %mul3A_51 = arith.muli %arg0, %mul3A_50 : i32
        %add3A_52 = arith.addi %mul3A_51, %add3A_35 : i32
        %mul3A_53 = arith.constant 128 : i32
        %mul3A_54 = arith.muli %add3A_52, %mul3A_53 : i32
        %dma_wait3A = tpu.memref_slice %arg3[%mul3A_54] : memref<160000xi32, #tpu.memory_space<hbm>> -> memref<128xi32, #tpu.memory_space<hbm>>
        %dma_wait3A_55 = tpu.memref_slice %arg3[%mul3A_54] : memref<160000xi32, #tpu.memory_space<hbm>> -> memref<128xi32, #tpu.memory_space<hbm>>
        tpu.wait_dma2 semaphore(%arg12 : memref<!tpu.dma_semaphore, #tpu.memory_space<semaphore_mem>>) src(%dma_wait3A_55 : memref<128xi32, #tpu.memory_space<hbm>>) dst(%arg7 : memref<128xi32, #tpu.memory_space<vmem>>)
        %dma_wait3A_56 = arith.constant 0 : i32
        %dma_wait3A_57 = tpu.memref_slice %arg2[%mul3A_54, %dma_wait3A_56] : memref<160000x128xf32, #tpu.memory_space<hbm>> -> memref<128x128xf32, #tpu.memory_space<hbm>>
        %dma_wait3A_58 = arith.constant 0 : i32
        %dma_wait3A_59 = tpu.memref_slice %arg2[%mul3A_54, %dma_wait3A_58] : memref<160000x128xf32, #tpu.memory_space<hbm>> -> memref<128x128xf32, #tpu.memory_space<hbm>>
        tpu.wait_dma2 semaphore(%arg12 : memref<!tpu.dma_semaphore, #tpu.memory_space<semaphore_mem>>) src(%dma_wait3A_59 : memref<128x128xf32, #tpu.memory_space<hbm>>) dst(%arg9 : memref<128x128xf32, #tpu.memory_space<vmem>>)
        %lt3A_60 = arith.constant 625 : i32
        %lt3A_61 = arith.cmpi slt, %add3A_37, %lt3A_60 : i32
        %convert_element_type3A_62 = arith.extui %lt3A_61 : i1 to i32
        %cond3A_63 = arith.constant 0 : i32
        %cond3A_64 = arith.cmpi ne, %convert_element_type3A_62, %cond3A_63 : i32
        scf.if %cond3A_64 {
          %mul3A_65 = arith.constant 625 : i32
          %mul3A_66 = arith.muli %arg0, %mul3A_65 : i32
          %add3A_67 = arith.addi %mul3A_66, %add3A_37 : i32
          %mul3A_68 = arith.constant 128 : i32
          %mul3A_69 = arith.muli %add3A_67, %mul3A_68 : i32
          %dma_start3A_70 = tpu.memref_slice %arg3[%mul3A_69] : memref<160000xi32, #tpu.memory_space<hbm>> -> memref<128xi32, #tpu.memory_space<hbm>>
          %dma_start3A_71 = tpu.memref_slice %arg3[%mul3A_69] : memref<160000xi32, #tpu.memory_space<hbm>> -> memref<128xi32, #tpu.memory_space<hbm>>
          tpu.enqueue_dma source(%dma_start3A_71 : memref<128xi32, #tpu.memory_space<hbm>>) target(%arg8 : memref<128xi32, #tpu.memory_space<vmem>>) target_semaphore(%arg13 : memref<!tpu.dma_semaphore, #tpu.memory_space<semaphore_mem>>)
          %dma_start3A_72 = arith.constant 0 : i32
          %dma_start3A_73 = tpu.memref_slice %arg2[%mul3A_69, %dma_start3A_72] : memref<160000x128xf32, #tpu.memory_space<hbm>> -> memref<128x128xf32, #tpu.memory_space<hbm>>
          %dma_start3A_74 = arith.constant 0 : i32
          %dma_start3A_75 = tpu.memref_slice %arg2[%mul3A_69, %dma_start3A_74] : memref<160000x128xf32, #tpu.memory_space<hbm>> -> memref<128x128xf32, #tpu.memory_space<hbm>>
          tpu.enqueue_dma source(%dma_start3A_75 : memref<128x128xf32, #tpu.memory_space<hbm>>) target(%arg10 : memref<128x128xf32, #tpu.memory_space<vmem>>) target_semaphore(%arg13 : memref<!tpu.dma_semaphore, #tpu.memory_space<semaphore_mem>>)
        } else {
        }
        "tpu.region"() ({
          %run_scoped3A = tpu.sem_alloc : memref<!tpu.dma_semaphore, #tpu.memory_space<semaphore_mem>>
          %dma_start3A_65 = arith.constant 0 : i32
          %dma_start3A_66 = arith.constant 0 : i32
          %dma_start3A_67 = tpu.memref_slice %arg11[%dma_start3A_65, %dma_start3A_66] : memref<10000x128xf32, #tpu.memory_space<vmem_shared>> -> memref<10000x128xf32, #tpu.memory_space<vmem_shared>>
          tpu.enqueue_indirect_dma source(%arg9 : memref<128x128xf32, #tpu.memory_space<vmem>>) target(%dma_start3A_67 : memref<10000x128xf32, #tpu.memory_space<vmem_shared>>) offsets(%arg7 : memref<128xi32, #tpu.memory_space<vmem>>) semaphore(%run_scoped3A : memref<!tpu.dma_semaphore, #tpu.memory_space<semaphore_mem>>) {add = true}
          %dma_wait3A_68 = arith.constant 0 : i32
          %dma_wait3A_69 = arith.constant 0 : i32
          %dma_wait3A_70 = tpu.memref_slice %arg11[%dma_wait3A_68, %dma_wait3A_69] : memref<10000x128xf32, #tpu.memory_space<vmem_shared>> -> memref<10000x128xf32, #tpu.memory_space<vmem_shared>>
          tpu.wait_indirect_dma semaphore(%run_scoped3A : memref<!tpu.dma_semaphore, #tpu.memory_space<semaphore_mem>>) src(%arg9 : memref<128x128xf32, #tpu.memory_space<vmem>>) dst(%dma_wait3A_70 : memref<10000x128xf32, #tpu.memory_space<vmem_shared>>)
          tpu.yield
        }) : () -> ()
      } else {
      }
      %add3A_43 = arith.constant 16 : i32
      %add3A_44 = arith.addi %add3A_37, %add3A_43 : i32
      %lt3A_45 = arith.constant 625 : i32
      %lt3A_46 = arith.cmpi slt, %add3A_37, %lt3A_45 : i32
      %convert_element_type3A_47 = arith.extui %lt3A_46 : i1 to i32
      %cond3A_48 = arith.constant 0 : i32
      %cond3A_49 = arith.cmpi ne, %convert_element_type3A_47, %cond3A_48 : i32
      scf.if %cond3A_49 {
        %mul3A_50 = arith.constant 625 : i32
        %mul3A_51 = arith.muli %arg0, %mul3A_50 : i32
        %add3A_52 = arith.addi %mul3A_51, %add3A_37 : i32
        %mul3A_53 = arith.constant 128 : i32
        %mul3A_54 = arith.muli %add3A_52, %mul3A_53 : i32
        %dma_wait3A = tpu.memref_slice %arg3[%mul3A_54] : memref<160000xi32, #tpu.memory_space<hbm>> -> memref<128xi32, #tpu.memory_space<hbm>>
        %dma_wait3A_55 = tpu.memref_slice %arg3[%mul3A_54] : memref<160000xi32, #tpu.memory_space<hbm>> -> memref<128xi32, #tpu.memory_space<hbm>>
        tpu.wait_dma2 semaphore(%arg13 : memref<!tpu.dma_semaphore, #tpu.memory_space<semaphore_mem>>) src(%dma_wait3A_55 : memref<128xi32, #tpu.memory_space<hbm>>) dst(%arg8 : memref<128xi32, #tpu.memory_space<vmem>>)
        %dma_wait3A_56 = arith.constant 0 : i32
        %dma_wait3A_57 = tpu.memref_slice %arg2[%mul3A_54, %dma_wait3A_56] : memref<160000x128xf32, #tpu.memory_space<hbm>> -> memref<128x128xf32, #tpu.memory_space<hbm>>
        %dma_wait3A_58 = arith.constant 0 : i32
        %dma_wait3A_59 = tpu.memref_slice %arg2[%mul3A_54, %dma_wait3A_58] : memref<160000x128xf32, #tpu.memory_space<hbm>> -> memref<128x128xf32, #tpu.memory_space<hbm>>
        tpu.wait_dma2 semaphore(%arg13 : memref<!tpu.dma_semaphore, #tpu.memory_space<semaphore_mem>>) src(%dma_wait3A_59 : memref<128x128xf32, #tpu.memory_space<hbm>>) dst(%arg10 : memref<128x128xf32, #tpu.memory_space<vmem>>)
        %lt3A_60 = arith.constant 625 : i32
        %lt3A_61 = arith.cmpi slt, %add3A_44, %lt3A_60 : i32
        %convert_element_type3A_62 = arith.extui %lt3A_61 : i1 to i32
        %cond3A_63 = arith.constant 0 : i32
        %cond3A_64 = arith.cmpi ne, %convert_element_type3A_62, %cond3A_63 : i32
        scf.if %cond3A_64 {
          %mul3A_65 = arith.constant 625 : i32
          %mul3A_66 = arith.muli %arg0, %mul3A_65 : i32
          %add3A_67 = arith.addi %mul3A_66, %add3A_44 : i32
          %mul3A_68 = arith.constant 128 : i32
          %mul3A_69 = arith.muli %add3A_67, %mul3A_68 : i32
          %dma_start3A_70 = tpu.memref_slice %arg3[%mul3A_69] : memref<160000xi32, #tpu.memory_space<hbm>> -> memref<128xi32, #tpu.memory_space<hbm>>
          %dma_start3A_71 = tpu.memref_slice %arg3[%mul3A_69] : memref<160000xi32, #tpu.memory_space<hbm>> -> memref<128xi32, #tpu.memory_space<hbm>>
          tpu.enqueue_dma source(%dma_start3A_71 : memref<128xi32, #tpu.memory_space<hbm>>) target(%arg7 : memref<128xi32, #tpu.memory_space<vmem>>) target_semaphore(%arg12 : memref<!tpu.dma_semaphore, #tpu.memory_space<semaphore_mem>>)
          %dma_start3A_72 = arith.constant 0 : i32
          %dma_start3A_73 = tpu.memref_slice %arg2[%mul3A_69, %dma_start3A_72] : memref<160000x128xf32, #tpu.memory_space<hbm>> -> memref<128x128xf32, #tpu.memory_space<hbm>>
          %dma_start3A_74 = arith.constant 0 : i32
          %dma_start3A_75 = tpu.memref_slice %arg2[%mul3A_69, %dma_start3A_74] : memref<160000x128xf32, #tpu.memory_space<hbm>> -> memref<128x128xf32, #tpu.memory_space<hbm>>
          tpu.enqueue_dma source(%dma_start3A_75 : memref<128x128xf32, #tpu.memory_space<hbm>>) target(%arg9 : memref<128x128xf32, #tpu.memory_space<vmem>>) target_semaphore(%arg12 : memref<!tpu.dma_semaphore, #tpu.memory_space<semaphore_mem>>)
        } else {
        }
        "tpu.region"() ({
          %run_scoped3A = tpu.sem_alloc : memref<!tpu.dma_semaphore, #tpu.memory_space<semaphore_mem>>
          %dma_start3A_65 = arith.constant 0 : i32
          %dma_start3A_66 = arith.constant 0 : i32
          %dma_start3A_67 = tpu.memref_slice %arg11[%dma_start3A_65, %dma_start3A_66] : memref<10000x128xf32, #tpu.memory_space<vmem_shared>> -> memref<10000x128xf32, #tpu.memory_space<vmem_shared>>
          tpu.enqueue_indirect_dma source(%arg10 : memref<128x128xf32, #tpu.memory_space<vmem>>) target(%dma_start3A_67 : memref<10000x128xf32, #tpu.memory_space<vmem_shared>>) offsets(%arg8 : memref<128xi32, #tpu.memory_space<vmem>>) semaphore(%run_scoped3A : memref<!tpu.dma_semaphore, #tpu.memory_space<semaphore_mem>>) {add = true}
          %dma_wait3A_68 = arith.constant 0 : i32
          %dma_wait3A_69 = arith.constant 0 : i32
          %dma_wait3A_70 = tpu.memref_slice %arg11[%dma_wait3A_68, %dma_wait3A_69] : memref<10000x128xf32, #tpu.memory_space<vmem_shared>> -> memref<10000x128xf32, #tpu.memory_space<vmem_shared>>
          tpu.wait_indirect_dma semaphore(%run_scoped3A : memref<!tpu.dma_semaphore, #tpu.memory_space<semaphore_mem>>) src(%arg10 : memref<128x128xf32, #tpu.memory_space<vmem>>) dst(%dma_wait3A_70 : memref<10000x128xf32, #tpu.memory_space<vmem_shared>>)
          tpu.yield
        }) : () -> ()
      } else {
      }
    }
    %scan3A_18 = arith.constant 20 : i32
    %barrier3A_19 = arith.constant 0 : index
    tpu.barrier barrier_id(%barrier3A_19)
    %eq3A_20 = arith.constant 0 : i32
    %eq3A_21 = arith.cmpi eq, %arg0, %eq3A_20 : i32
    %convert_element_type3A_22 = arith.extui %eq3A_21 : i1 to i32
    %cond3A_23 = arith.constant 0 : i32
    %cond3A_24 = arith.cmpi ne, %convert_element_type3A_22, %cond3A_23 : i32
    scf.if %cond3A_24 {
      %lt3A_30 = arith.constant 15 : i32
      %lt3A_31 = arith.cmpi slt, %arg1, %lt3A_30 : i32
      %convert_element_type3A_32 = arith.extui %lt3A_31 : i1 to i32
      %cond3A_33 = arith.constant 0 : i32
      %cond3A_34 = arith.cmpi ne, %convert_element_type3A_32, %cond3A_33 : i32
      scf.if %cond3A_34 {
        %mul3A_40 = arith.constant 624 : i32
        %mul3A_41 = arith.muli %arg1, %mul3A_40 : i32
        %mul3A_42 = arith.constant 624 : i32
        %mul3A_43 = arith.muli %arg1, %mul3A_42 : i32
        "tpu.region"() ({
          %run_scoped3A = tpu.sem_alloc : memref<!tpu.dma_semaphore, #tpu.memory_space<semaphore_mem>>
          %dma_start3A_44 = arith.constant 0 : i32
          %dma_start3A_45 = tpu.memref_slice %arg5[%mul3A_43, %dma_start3A_44] : memref<10000x128xf32, #tpu.memory_space<hbm>> -> memref<624x128xf32, #tpu.memory_space<hbm>>
          %dma_start3A_46 = arith.constant 0 : i32
          %dma_start3A_47 = tpu.memref_slice %arg11[%mul3A_41, %dma_start3A_46] : memref<10000x128xf32, #tpu.memory_space<vmem_shared>> -> memref<624x128xf32, #tpu.memory_space<vmem_shared>>
          tpu.enqueue_dma source(%dma_start3A_47 : memref<624x128xf32, #tpu.memory_space<vmem_shared>>) target(%dma_start3A_45 : memref<624x128xf32, #tpu.memory_space<hbm>>) target_semaphore(%run_scoped3A : memref<!tpu.dma_semaphore, #tpu.memory_space<semaphore_mem>>)
          %dma_wait3A = arith.constant 0 : i32
          %dma_wait3A_48 = tpu.memref_slice %arg5[%mul3A_43, %dma_wait3A] : memref<10000x128xf32, #tpu.memory_space<hbm>> -> memref<624x128xf32, #tpu.memory_space<hbm>>
          %dma_wait3A_49 = arith.constant 0 : i32
          %dma_wait3A_50 = tpu.memref_slice %arg11[%mul3A_41, %dma_wait3A_49] : memref<10000x128xf32, #tpu.memory_space<vmem_shared>> -> memref<624x128xf32, #tpu.memory_space<vmem_shared>>
          tpu.wait_dma2 semaphore(%run_scoped3A : memref<!tpu.dma_semaphore, #tpu.memory_space<semaphore_mem>>) src(%dma_wait3A_50 : memref<624x128xf32, #tpu.memory_space<vmem_shared>>) dst(%dma_wait3A_48 : memref<624x128xf32, #tpu.memory_space<hbm>>)
          tpu.yield
        }) : () -> ()
      } else {
      }
      %eq3A_35 = arith.constant 15 : i32
      %eq3A_36 = arith.cmpi eq, %arg1, %eq3A_35 : i32
      %convert_element_type3A_37 = arith.extui %eq3A_36 : i1 to i32
      %cond3A_38 = arith.constant 0 : i32
      %cond3A_39 = arith.cmpi ne, %convert_element_type3A_37, %cond3A_38 : i32
      scf.if %cond3A_39 {
        "tpu.region"() ({
          %run_scoped3A = tpu.sem_alloc : memref<!tpu.dma_semaphore, #tpu.memory_space<semaphore_mem>>
          %dma_start3A_40 = arith.constant 9360 : i32
          %dma_start3A_41 = arith.constant 0 : i32
          %dma_start3A_42 = tpu.memref_slice %arg5[%dma_start3A_40, %dma_start3A_41] : memref<10000x128xf32, #tpu.memory_space<hbm>> -> memref<640x128xf32, #tpu.memory_space<hbm>>
          %dma_start3A_43 = arith.constant 9360 : i32
          %dma_start3A_44 = arith.constant 0 : i32
          %dma_start3A_45 = tpu.memref_slice %arg11[%dma_start3A_43, %dma_start3A_44] : memref<10000x128xf32, #tpu.memory_space<vmem_shared>> -> memref<640x128xf32, #tpu.memory_space<vmem_shared>>
          tpu.enqueue_dma source(%dma_start3A_45 : memref<640x128xf32, #tpu.memory_space<vmem_shared>>) target(%dma_start3A_42 : memref<640x128xf32, #tpu.memory_space<hbm>>) target_semaphore(%run_scoped3A : memref<!tpu.dma_semaphore, #tpu.memory_space<semaphore_mem>>)
          %dma_wait3A = arith.constant 9360 : i32
          %dma_wait3A_46 = arith.constant 0 : i32
          %dma_wait3A_47 = tpu.memref_slice %arg5[%dma_wait3A, %dma_wait3A_46] : memref<10000x128xf32, #tpu.memory_space<hbm>> -> memref<640x128xf32, #tpu.memory_space<hbm>>
          %dma_wait3A_48 = arith.constant 9360 : i32
          %dma_wait3A_49 = arith.constant 0 : i32
          %dma_wait3A_50 = tpu.memref_slice %arg11[%dma_wait3A_48, %dma_wait3A_49] : memref<10000x128xf32, #tpu.memory_space<vmem_shared>> -> memref<640x128xf32, #tpu.memory_space<vmem_shared>>
          tpu.wait_dma2 semaphore(%run_scoped3A : memref<!tpu.dma_semaphore, #tpu.memory_space<semaphore_mem>>) src(%dma_wait3A_50 : memref<640x128xf32, #tpu.memory_space<vmem_shared>>) dst(%dma_wait3A_47 : memref<640x128xf32, #tpu.memory_space<hbm>>)
          tpu.yield
        }) : () -> ()
      } else {
      }
    } else {
    }
    %eq3A_25 = arith.constant 1 : i32
    %eq3A_26 = arith.cmpi eq, %arg0, %eq3A_25 : i32
    %convert_element_type3A_27 = arith.extui %eq3A_26 : i1 to i32
    %cond3A_28 = arith.constant 0 : i32
    %cond3A_29 = arith.cmpi ne, %convert_element_type3A_27, %cond3A_28 : i32
    scf.if %cond3A_29 {
      %lt3A_30 = arith.constant 15 : i32
      %lt3A_31 = arith.cmpi slt, %arg1, %lt3A_30 : i32
      %convert_element_type3A_32 = arith.extui %lt3A_31 : i1 to i32
      %cond3A_33 = arith.constant 0 : i32
      %cond3A_34 = arith.cmpi ne, %convert_element_type3A_32, %cond3A_33 : i32
      scf.if %cond3A_34 {
        %mul3A_40 = arith.constant 624 : i32
        %mul3A_41 = arith.muli %arg1, %mul3A_40 : i32
        %mul3A_42 = arith.constant 624 : i32
        %mul3A_43 = arith.muli %arg1, %mul3A_42 : i32
        "tpu.region"() ({
          %run_scoped3A = tpu.sem_alloc : memref<!tpu.dma_semaphore, #tpu.memory_space<semaphore_mem>>
          %dma_start3A_44 = arith.constant 0 : i32
          %dma_start3A_45 = tpu.memref_slice %arg6[%mul3A_43, %dma_start3A_44] : memref<10000x128xf32, #tpu.memory_space<hbm>> -> memref<624x128xf32, #tpu.memory_space<hbm>>
          %dma_start3A_46 = arith.constant 0 : i32
          %dma_start3A_47 = tpu.memref_slice %arg11[%mul3A_41, %dma_start3A_46] : memref<10000x128xf32, #tpu.memory_space<vmem_shared>> -> memref<624x128xf32, #tpu.memory_space<vmem_shared>>
          tpu.enqueue_dma source(%dma_start3A_47 : memref<624x128xf32, #tpu.memory_space<vmem_shared>>) target(%dma_start3A_45 : memref<624x128xf32, #tpu.memory_space<hbm>>) target_semaphore(%run_scoped3A : memref<!tpu.dma_semaphore, #tpu.memory_space<semaphore_mem>>)
          %dma_wait3A = arith.constant 0 : i32
          %dma_wait3A_48 = tpu.memref_slice %arg6[%mul3A_43, %dma_wait3A] : memref<10000x128xf32, #tpu.memory_space<hbm>> -> memref<624x128xf32, #tpu.memory_space<hbm>>
          %dma_wait3A_49 = arith.constant 0 : i32
          %dma_wait3A_50 = tpu.memref_slice %arg11[%mul3A_41, %dma_wait3A_49] : memref<10000x128xf32, #tpu.memory_space<vmem_shared>> -> memref<624x128xf32, #tpu.memory_space<vmem_shared>>
          tpu.wait_dma2 semaphore(%run_scoped3A : memref<!tpu.dma_semaphore, #tpu.memory_space<semaphore_mem>>) src(%dma_wait3A_50 : memref<624x128xf32, #tpu.memory_space<vmem_shared>>) dst(%dma_wait3A_48 : memref<624x128xf32, #tpu.memory_space<hbm>>)
          tpu.yield
        }) : () -> ()
      } else {
      }
      %eq3A_35 = arith.constant 15 : i32
      %eq3A_36 = arith.cmpi eq, %arg1, %eq3A_35 : i32
      %convert_element_type3A_37 = arith.extui %eq3A_36 : i1 to i32
      %cond3A_38 = arith.constant 0 : i32
      %cond3A_39 = arith.cmpi ne, %convert_element_type3A_37, %cond3A_38 : i32
      scf.if %cond3A_39 {
        "tpu.region"() ({
          %run_scoped3A = tpu.sem_alloc : memref<!tpu.dma_semaphore, #tpu.memory_space<semaphore_mem>>
          %dma_start3A_40 = arith.constant 9360 : i32
          %dma_start3A_41 = arith.constant 0 : i32
          %dma_start3A_42 = tpu.memref_slice %arg6[%dma_start3A_40, %dma_start3A_41] : memref<10000x128xf32, #tpu.memory_space<hbm>> -> memref<640x128xf32, #tpu.memory_space<hbm>>
          %dma_start3A_43 = arith.constant 9360 : i32
          %dma_start3A_44 = arith.constant 0 : i32
          %dma_start3A_45 = tpu.memref_slice %arg11[%dma_start3A_43, %dma_start3A_44] : memref<10000x128xf32, #tpu.memory_space<vmem_shared>> -> memref<640x128xf32, #tpu.memory_space<vmem_shared>>
          tpu.enqueue_dma source(%dma_start3A_45 : memref<640x128xf32, #tpu.memory_space<vmem_shared>>) target(%dma_start3A_42 : memref<640x128xf32, #tpu.memory_space<hbm>>) target_semaphore(%run_scoped3A : memref<!tpu.dma_semaphore, #tpu.memory_space<semaphore_mem>>)
          %dma_wait3A = arith.constant 9360 : i32
          %dma_wait3A_46 = arith.constant 0 : i32
          %dma_wait3A_47 = tpu.memref_slice %arg6[%dma_wait3A, %dma_wait3A_46] : memref<10000x128xf32, #tpu.memory_space<hbm>> -> memref<640x128xf32, #tpu.memory_space<hbm>>
          %dma_wait3A_48 = arith.constant 9360 : i32
          %dma_wait3A_49 = arith.constant 0 : i32
          %dma_wait3A_50 = tpu.memref_slice %arg11[%dma_wait3A_48, %dma_wait3A_49] : memref<10000x128xf32, #tpu.memory_space<vmem_shared>> -> memref<640x128xf32, #tpu.memory_space<vmem_shared>>
          tpu.wait_dma2 semaphore(%run_scoped3A : memref<!tpu.dma_semaphore, #tpu.memory_space<semaphore_mem>>) src(%dma_wait3A_50 : memref<640x128xf32, #tpu.memory_space<vmem_shared>>) dst(%dma_wait3A_47 : memref<640x128xf32, #tpu.memory_space<hbm>>)
          tpu.yield
        }) : () -> ()
      } else {
      }
    } else {
    }
    return
  }
}

module attributes {stable_mosaic.version = 14 : i64} {
  func.func @_tc1_body(%arg0: i32, %arg1: memref<1000x256xf32, #tpu.memory_space<vmem>>, %arg2: memref<1000x128xf32, #tpu.memory_space<vmem>>, %arg3: memref<1000x128xf32, #tpu.memory_space<vmem>>, %arg4: memref<256x512xf32, #tpu.memory_space<vmem>>, %arg5: memref<256x512xf32, #tpu.memory_space<vmem>>, %arg6: memref<1x512xf32, #tpu.memory_space<vmem>>, %arg7: memref<1000x128xf32, #tpu.memory_space<vmem>>, %arg8: memref<1000x128xf32, #tpu.memory_space<vmem>>, %arg9: memref<1000x128xf32, #tpu.memory_space<vmem>>, %arg10: memref<1000x128xf32, #tpu.memory_space<vmem>>) attributes {dimension_semantics = [#tpu.dimension_semantics<arbitrary>], iteration_bounds = array<i64: 10>, scalar_prefetch = 0 : i64, scratch_operands = 0 : i64, tpu.core_type = #tpu.core_type<tc>, window_params = [{transform_indices = @transform_0, window_bounds = array<i64: 1000, 256>}, {transform_indices = @transform_1, window_bounds = array<i64: 1000, 128>}, {transform_indices = @transform_2, window_bounds = array<i64: 1000, 128>}, {pipeline_mode = #tpu.pipeline_mode<synchronous>, transform_indices = @transform_3, window_bounds = array<i64: 256, 512>}, {pipeline_mode = #tpu.pipeline_mode<synchronous>, transform_indices = @transform_4, window_bounds = array<i64: 256, 512>}, {pipeline_mode = #tpu.pipeline_mode<synchronous>, transform_indices = @transform_5, window_bounds = array<i64: 1, 512>}, {transform_indices = @transform_6, window_bounds = array<i64: 1000, 128>}, {transform_indices = @transform_7, window_bounds = array<i64: 1000, 128>}, {transform_indices = @transform_8, window_bounds = array<i64: 1000, 128>}, {transform_indices = @transform_9, window_bounds = array<i64: 1000, 128>}]} {
    %get3A = arith.constant 0 : index
    %get3A_0 = arith.constant 0 : index
    %get3A_1 = vector.load %arg1[%get3A, %get3A_0] : memref<1000x256xf32, #tpu.memory_space<vmem>>, vector<1000x256xf32>
    %get3A_2 = arith.constant 0 : index
    %get3A_3 = arith.constant 0 : index
    %get3A_4 = vector.load %arg4[%get3A_2, %get3A_3] : memref<256x512xf32, #tpu.memory_space<vmem>>, vector<256x512xf32>
    %dot_general3A = arith.constant dense<0.000000e+00> : vector<1000x512xf32>
    %dot_general3A_5 = tpu.matmul %get3A_1, %get3A_4, %dot_general3A {dimension_numbers = #tpu.dot_dimension_numbers<[1], [0], [0], [1], [0, 0, 1, 1], [], []>, transpose_lhs_hint = false} : vector<1000x256xf32>, vector<256x512xf32>, vector<1000x512xf32> -> vector<1000x512xf32>
    %get3A_6 = arith.constant 0 : index
    %get3A_7 = arith.constant 0 : index
    %get3A_8 = vector.load %arg2[%get3A_6, %get3A_7] : memref<1000x128xf32, #tpu.memory_space<vmem>>, vector<1000x128xf32>
    %get3A_9 = arith.constant 0 : index
    %get3A_10 = arith.constant 0 : index
    %get3A_11 = vector.load %arg5[%get3A_9, %get3A_10] : memref<256x512xf32, #tpu.memory_space<vmem>>, vector<128x512xf32>
    %dot_general3A_12 = arith.constant dense<0.000000e+00> : vector<1000x512xf32>
    %dot_general3A_13 = tpu.matmul %get3A_8, %get3A_11, %dot_general3A_12 {dimension_numbers = #tpu.dot_dimension_numbers<[1], [0], [0], [1], [0, 0, 1, 1], [], []>, transpose_lhs_hint = false} : vector<1000x128xf32>, vector<128x512xf32>, vector<1000x512xf32> -> vector<1000x512xf32>
    %add3A = arith.addf %dot_general3A_5, %dot_general3A_13 : vector<1000x512xf32>
    %get3A_14 = arith.constant 0 : index
    %get3A_15 = arith.constant 0 : index
    %get3A_16 = vector.load %arg3[%get3A_14, %get3A_15] : memref<1000x128xf32, #tpu.memory_space<vmem>>, vector<1000x128xf32>
    %get3A_17 = arith.constant 128 : index
    %get3A_18 = arith.constant 0 : index
    %get3A_19 = vector.load %arg5[%get3A_17, %get3A_18] : memref<256x512xf32, #tpu.memory_space<vmem>>, vector<128x512xf32>
    %dot_general3A_20 = arith.constant dense<0.000000e+00> : vector<1000x512xf32>
    %dot_general3A_21 = tpu.matmul %get3A_16, %get3A_19, %dot_general3A_20 {dimension_numbers = #tpu.dot_dimension_numbers<[1], [0], [0], [1], [0, 0, 1, 1], [], []>, transpose_lhs_hint = false} : vector<1000x128xf32>, vector<128x512xf32>, vector<1000x512xf32> -> vector<1000x512xf32>
    %add3A_22 = arith.addf %add3A, %dot_general3A_21 : vector<1000x512xf32>
    %get3A_23 = arith.constant 0 : index
    %get3A_24 = arith.constant 0 : index
    %get3A_25 = vector.load %arg6[%get3A_23, %get3A_24] : memref<1x512xf32, #tpu.memory_space<vmem>>, vector<1x512xf32>
    %add3A_26 = vector.broadcast %get3A_25 : vector<1x512xf32> to vector<1000x512xf32>
    %add3A_27 = arith.addf %add3A_22, %add3A_26 : vector<1000x512xf32>
    %max3A = arith.constant 0.000000e+00 : f32
    %max3A_28 = vector.broadcast %max3A : f32 to vector<1000x512xf32>
    %max3A_29 = arith.maximumf %add3A_27, %max3A_28 : vector<1000x512xf32>
    %slice3A = vector.extract_strided_slice %max3A_29 {offsets = [0, 0], sizes = [1000, 128], strides = [1, 1]} : vector<1000x512xf32> to vector<1000x128xf32>
    %swap3A = arith.constant 0 : index
    %swap3A_30 = arith.constant 0 : index
    %swap3A_31 = vector.load %arg7[%swap3A, %swap3A_30] : memref<1000x128xf32, #tpu.memory_space<vmem>>, vector<1000x128xf32>
    tpu.vector_store %arg7[%swap3A, %swap3A_30], %slice3A {strides = array<i32>} : memref<1000x128xf32, #tpu.memory_space<vmem>>, vector<1000x128xf32>,
    %slice3A_32 = vector.extract_strided_slice %max3A_29 {offsets = [0, 128], sizes = [1000, 128], strides = [1, 1]} : vector<1000x512xf32> to vector<1000x128xf32>
    %swap3A_33 = arith.constant 0 : index
    %swap3A_34 = arith.constant 0 : index
    %swap3A_35 = vector.load %arg8[%swap3A_33, %swap3A_34] : memref<1000x128xf32, #tpu.memory_space<vmem>>, vector<1000x128xf32>
    tpu.vector_store %arg8[%swap3A_33, %swap3A_34], %slice3A_32 {strides = array<i32>} : memref<1000x128xf32, #tpu.memory_space<vmem>>, vector<1000x128xf32>,
    %slice3A_36 = vector.extract_strided_slice %max3A_29 {offsets = [0, 256], sizes = [1000, 128], strides = [1, 1]} : vector<1000x512xf32> to vector<1000x128xf32>
    %swap3A_37 = arith.constant 0 : index
    %swap3A_38 = arith.constant 0 : index
    %swap3A_39 = vector.load %arg9[%swap3A_37, %swap3A_38] : memref<1000x128xf32, #tpu.memory_space<vmem>>, vector<1000x128xf32>
    tpu.vector_store %arg9[%swap3A_37, %swap3A_38], %slice3A_36 {strides = array<i32>} : memref<1000x128xf32, #tpu.memory_space<vmem>>, vector<1000x128xf32>,
    %slice3A_40 = vector.extract_strided_slice %max3A_29 {offsets = [0, 384], sizes = [1000, 128], strides = [1, 1]} : vector<1000x512xf32> to vector<1000x128xf32>
    %swap3A_41 = arith.constant 0 : index
    %swap3A_42 = arith.constant 0 : index
    %swap3A_43 = vector.load %arg10[%swap3A_41, %swap3A_42] : memref<1000x128xf32, #tpu.memory_space<vmem>>, vector<1000x128xf32>
    tpu.vector_store %arg10[%swap3A_41, %swap3A_42], %slice3A_40 {strides = array<i32>} : memref<1000x128xf32, #tpu.memory_space<vmem>>, vector<1000x128xf32>,
    return
  }
  func.func @transform_0(%arg0: i32) -> (i32, i32) {
    %c0_i32 = arith.constant 0 : i32
    %c0_i32_0 = arith.constant 0 : i32
    return %arg0, %c0_i32 : i32, i32
  }
  func.func @transform_1(%arg0: i32) -> (i32, i32) {
    %c0_i32 = arith.constant 0 : i32
    %c0_i32_0 = arith.constant 0 : i32
    return %arg0, %c0_i32 : i32, i32
  }
  func.func @transform_2(%arg0: i32) -> (i32, i32) {
    %c0_i32 = arith.constant 0 : i32
    %c0_i32_0 = arith.constant 0 : i32
    return %arg0, %c0_i32 : i32, i32
  }
  func.func @transform_3(%arg0: i32) -> (i32, i32) {
    %c0_i32 = arith.constant 0 : i32
    %c0_i32_0 = arith.constant 0 : i32
    %c0_i32_1 = arith.constant 0 : i32
    return %c0_i32, %c0_i32_0 : i32, i32
  }
  func.func @transform_4(%arg0: i32) -> (i32, i32) {
    %c0_i32 = arith.constant 0 : i32
    %c0_i32_0 = arith.constant 0 : i32
    %c0_i32_1 = arith.constant 0 : i32
    return %c0_i32, %c0_i32_0 : i32, i32
  }
  func.func @transform_5(%arg0: i32) -> (i32, i32) {
    %c0_i32 = arith.constant 0 : i32
    %c0_i32_0 = arith.constant 0 : i32
    %c0_i32_1 = arith.constant 0 : i32
    return %c0_i32, %c0_i32_0 : i32, i32
  }
  func.func @transform_6(%arg0: i32) -> (i32, i32) {
    %c0_i32 = arith.constant 0 : i32
    %c0_i32_0 = arith.constant 0 : i32
    return %arg0, %c0_i32 : i32, i32
  }
  func.func @transform_7(%arg0: i32) -> (i32, i32) {
    %c0_i32 = arith.constant 0 : i32
    %c0_i32_0 = arith.constant 0 : i32
    return %arg0, %c0_i32 : i32, i32
  }
  func.func @transform_8(%arg0: i32) -> (i32, i32) {
    %c0_i32 = arith.constant 0 : i32
    %c0_i32_0 = arith.constant 0 : i32
    return %arg0, %c0_i32 : i32, i32
  }
  func.func @transform_9(%arg0: i32) -> (i32, i32) {
    %c0_i32 = arith.constant 0 : i32
    %c0_i32_0 = arith.constant 0 : i32
    return %arg0, %c0_i32 : i32, i32
  }
}

module attributes {stable_mosaic.version = 14 : i64} {
  func.func @_tc2_body(%arg0: i32, %arg1: memref<1000x256xf32, #tpu.memory_space<vmem>>, %arg2: memref<1000x128xf32, #tpu.memory_space<vmem>>, %arg3: memref<1000x128xf32, #tpu.memory_space<vmem>>, %arg4: memref<1000x128xf32, #tpu.memory_space<vmem>>, %arg5: memref<1000x128xf32, #tpu.memory_space<vmem>>, %arg6: memref<1000x128xf32, #tpu.memory_space<vmem>>, %arg7: memref<1000x128xf32, #tpu.memory_space<vmem>>, %arg8: memref<16x512xf32, #tpu.memory_space<vmem>>, %arg9: memref<256x512xf32, #tpu.memory_space<vmem>>, %arg10: memref<512x512xf32, #tpu.memory_space<vmem>>, %arg11: memref<1x512xf32, #tpu.memory_space<vmem>>, %arg12: memref<512x256xf32, #tpu.memory_space<vmem>>, %arg13: memref<1x256xf32, #tpu.memory_space<vmem>>, %arg14: memref<1000x256xf32, #tpu.memory_space<vmem>>) attributes {dimension_semantics = [#tpu.dimension_semantics<arbitrary>], iteration_bounds = array<i64: 10>, scalar_prefetch = 0 : i64, scratch_operands = 0 : i64, tpu.core_type = #tpu.core_type<tc>, window_params = [{transform_indices = @transform_0, window_bounds = array<i64: 1000, 256>}, {transform_indices = @transform_1, window_bounds = array<i64: 1000, 128>}, {transform_indices = @transform_2, window_bounds = array<i64: 1000, 128>}, {transform_indices = @transform_3, window_bounds = array<i64: 1000, 128>}, {transform_indices = @transform_4, window_bounds = array<i64: 1000, 128>}, {transform_indices = @transform_5, window_bounds = array<i64: 1000, 128>}, {transform_indices = @transform_6, window_bounds = array<i64: 1000, 128>}, {pipeline_mode = #tpu.pipeline_mode<synchronous>, transform_indices = @transform_7, window_bounds = array<i64: 16, 512>}, {pipeline_mode = #tpu.pipeline_mode<synchronous>, transform_indices = @transform_8, window_bounds = array<i64: 256, 512>}, {pipeline_mode = #tpu.pipeline_mode<synchronous>, transform_indices = @transform_9, window_bounds = array<i64: 512, 512>}, {pipeline_mode = #tpu.pipeline_mode<synchronous>, transform_indices = @transform_10, window_bounds = array<i64: 1, 512>}, {pipeline_mode = #tpu.pipeline_mode<synchronous>, transform_indices = @transform_11, window_bounds = array<i64: 512, 256>}, {pipeline_mode = #tpu.pipeline_mode<synchronous>, transform_indices = @transform_12, window_bounds = array<i64: 1, 256>}, {transform_indices = @transform_13, window_bounds = array<i64: 1000, 256>}]} {
    %get3A = arith.constant 0 : index
    %get3A_0 = arith.constant 0 : index
    %get3A_1 = vector.load %arg6[%get3A, %get3A_0] : memref<1000x128xf32, #tpu.memory_space<vmem>>, vector<1000x128xf32>
    %get3A_2 = arith.constant 0 : index
    %get3A_3 = arith.constant 0 : index
    %get3A_4 = vector.load %arg7[%get3A_2, %get3A_3] : memref<1000x128xf32, #tpu.memory_space<vmem>>, vector<1000x128xf32>
    %add3A = arith.addf %get3A_1, %get3A_4 : vector<1000x128xf32>
    %slice3A = vector.extract_strided_slice %add3A {offsets = [0, 16], sizes = [1000, 1], strides = [1, 1]} : vector<1000x128xf32> to vector<1000x1xf32>
    %max3A = arith.constant 1.000000e+00 : f32
    %max3A_5 = vector.broadcast %max3A : f32 to vector<1000x1xf32>
    %max3A_6 = arith.maximumf %slice3A, %max3A_5 : vector<1000x1xf32>
    %get3A_7 = arith.constant 0 : index
    %get3A_8 = arith.constant 0 : index
    %get3A_9 = vector.load %arg2[%get3A_7, %get3A_8] : memref<1000x128xf32, #tpu.memory_space<vmem>>, vector<1000x128xf32>
    %get3A_10 = arith.constant 0 : index
    %get3A_11 = arith.constant 0 : index
    %get3A_12 = vector.load %arg3[%get3A_10, %get3A_11] : memref<1000x128xf32, #tpu.memory_space<vmem>>, vector<1000x128xf32>
    %get3A_13 = arith.constant 0 : index
    %get3A_14 = arith.constant 0 : index
    %get3A_15 = vector.load %arg4[%get3A_13, %get3A_14] : memref<1000x128xf32, #tpu.memory_space<vmem>>, vector<1000x128xf32>
    %get3A_16 = arith.constant 0 : index
    %get3A_17 = arith.constant 0 : index
    %get3A_18 = vector.load %arg5[%get3A_16, %get3A_17] : memref<1000x128xf32, #tpu.memory_space<vmem>>, vector<1000x128xf32>
    %concatenate3A = tpu.concatenate %get3A_9, %get3A_12, %get3A_15, %get3A_18 in 1 : vector<1000x128xf32>, vector<1000x128xf32>, vector<1000x128xf32>, vector<1000x128xf32> -> vector<1000x512xf32>
    %slice3A_19 = vector.extract_strided_slice %add3A {offsets = [0, 0], sizes = [1000, 16], strides = [1, 1]} : vector<1000x128xf32> to vector<1000x16xf32>
    %get3A_20 = arith.constant 0 : index
    %get3A_21 = arith.constant 0 : index
    %get3A_22 = vector.load %arg8[%get3A_20, %get3A_21] : memref<16x512xf32, #tpu.memory_space<vmem>>, vector<16x512xf32>
    %dot_general3A = arith.constant dense<0.000000e+00> : vector<1000x512xf32>
    %dot_general3A_23 = tpu.matmul %slice3A_19, %get3A_22, %dot_general3A {dimension_numbers = #tpu.dot_dimension_numbers<[1], [0], [0], [1], [0, 0, 1, 1], [], []>, transpose_lhs_hint = false} : vector<1000x16xf32>, vector<16x512xf32>, vector<1000x512xf32> -> vector<1000x512xf32>
    %add3A_24 = arith.addf %concatenate3A, %dot_general3A_23 : vector<1000x512xf32>
    %get3A_25 = arith.constant 0 : index
    %get3A_26 = arith.constant 0 : index
    %get3A_27 = vector.load %arg10[%get3A_25, %get3A_26] : memref<512x512xf32, #tpu.memory_space<vmem>>, vector<512x512xf32>
    %dot_general3A_28 = arith.constant dense<0.000000e+00> : vector<1000x512xf32>
    %dot_general3A_29 = tpu.matmul %add3A_24, %get3A_27, %dot_general3A_28 {dimension_numbers = #tpu.dot_dimension_numbers<[1], [0], [0], [1], [0, 0, 1, 1], [], []>, transpose_lhs_hint = false} : vector<1000x512xf32>, vector<512x512xf32>, vector<1000x512xf32> -> vector<1000x512xf32>
    %div3A = vector.broadcast %max3A_6 : vector<1000x1xf32> to vector<1000x512xf32>
    %div3A_30 = arith.divf %dot_general3A_29, %div3A : vector<1000x512xf32>
    %get3A_31 = arith.constant 0 : index
    %get3A_32 = arith.constant 0 : index
    %get3A_33 = vector.load %arg1[%get3A_31, %get3A_32] : memref<1000x256xf32, #tpu.memory_space<vmem>>, vector<1000x256xf32>
    %get3A_34 = arith.constant 0 : index
    %get3A_35 = arith.constant 0 : index
    %get3A_36 = vector.load %arg9[%get3A_34, %get3A_35] : memref<256x512xf32, #tpu.memory_space<vmem>>, vector<256x512xf32>
    %dot_general3A_37 = arith.constant dense<0.000000e+00> : vector<1000x512xf32>
    %dot_general3A_38 = tpu.matmul %get3A_33, %get3A_36, %dot_general3A_37 {dimension_numbers = #tpu.dot_dimension_numbers<[1], [0], [0], [1], [0, 0, 1, 1], [], []>, transpose_lhs_hint = false} : vector<1000x256xf32>, vector<256x512xf32>, vector<1000x512xf32> -> vector<1000x512xf32>
    %add3A_39 = arith.addf %dot_general3A_38, %div3A_30 : vector<1000x512xf32>
    %get3A_40 = arith.constant 0 : index
    %get3A_41 = arith.constant 0 : index
    %get3A_42 = vector.load %arg11[%get3A_40, %get3A_41] : memref<1x512xf32, #tpu.memory_space<vmem>>, vector<1x512xf32>
    %add3A_43 = vector.broadcast %get3A_42 : vector<1x512xf32> to vector<1000x512xf32>
    %add3A_44 = arith.addf %add3A_39, %add3A_43 : vector<1000x512xf32>
    %max3A_45 = arith.constant 0.000000e+00 : f32
    %max3A_46 = vector.broadcast %max3A_45 : f32 to vector<1000x512xf32>
    %max3A_47 = arith.maximumf %add3A_44, %max3A_46 : vector<1000x512xf32>
    %get3A_48 = arith.constant 0 : index
    %get3A_49 = arith.constant 0 : index
    %get3A_50 = vector.load %arg12[%get3A_48, %get3A_49] : memref<512x256xf32, #tpu.memory_space<vmem>>, vector<512x256xf32>
    %dot_general3A_51 = arith.constant dense<0.000000e+00> : vector<1000x256xf32>
    %dot_general3A_52 = tpu.matmul %max3A_47, %get3A_50, %dot_general3A_51 {dimension_numbers = #tpu.dot_dimension_numbers<[1], [0], [0], [1], [0, 0, 1, 1], [], []>, transpose_lhs_hint = false} : vector<1000x512xf32>, vector<512x256xf32>, vector<1000x256xf32> -> vector<1000x256xf32>
    %get3A_53 = arith.constant 0 : index
    %get3A_54 = arith.constant 0 : index
    %get3A_55 = vector.load %arg13[%get3A_53, %get3A_54] : memref<1x256xf32, #tpu.memory_space<vmem>>, vector<1x256xf32>
    %add3A_56 = vector.broadcast %get3A_55 : vector<1x256xf32> to vector<1000x256xf32>
    %add3A_57 = arith.addf %dot_general3A_52, %add3A_56 : vector<1000x256xf32>
    %swap3A = arith.constant 0 : index
    %swap3A_58 = arith.constant 0 : index
    %swap3A_59 = vector.load %arg14[%swap3A, %swap3A_58] : memref<1000x256xf32, #tpu.memory_space<vmem>>, vector<1000x256xf32>
    tpu.vector_store %arg14[%swap3A, %swap3A_58], %add3A_57 {strides = array<i32>} : memref<1000x256xf32, #tpu.memory_space<vmem>>, vector<1000x256xf32>,
    return
  }
  func.func @transform_0(%arg0: i32) -> (i32, i32) {
    %c0_i32 = arith.constant 0 : i32
    %c0_i32_0 = arith.constant 0 : i32
    return %arg0, %c0_i32 : i32, i32
  }
  func.func @transform_1(%arg0: i32) -> (i32, i32) {
    %c0_i32 = arith.constant 0 : i32
    %c0_i32_0 = arith.constant 0 : i32
    return %arg0, %c0_i32 : i32, i32
  }
  func.func @transform_2(%arg0: i32) -> (i32, i32) {
    %c0_i32 = arith.constant 0 : i32
    %c0_i32_0 = arith.constant 0 : i32
    return %arg0, %c0_i32 : i32, i32
  }
  func.func @transform_3(%arg0: i32) -> (i32, i32) {
    %c0_i32 = arith.constant 0 : i32
    %c0_i32_0 = arith.constant 0 : i32
    return %arg0, %c0_i32 : i32, i32
  }
  func.func @transform_4(%arg0: i32) -> (i32, i32) {
    %c0_i32 = arith.constant 0 : i32
    %c0_i32_0 = arith.constant 0 : i32
    return %arg0, %c0_i32 : i32, i32
  }
  func.func @transform_5(%arg0: i32) -> (i32, i32) {
    %c0_i32 = arith.constant 0 : i32
    %c0_i32_0 = arith.constant 0 : i32
    return %arg0, %c0_i32 : i32, i32
  }
  func.func @transform_6(%arg0: i32) -> (i32, i32) {
    %c0_i32 = arith.constant 0 : i32
    %c0_i32_0 = arith.constant 0 : i32
    return %arg0, %c0_i32 : i32, i32
  }
  func.func @transform_7(%arg0: i32) -> (i32, i32) {
    %c0_i32 = arith.constant 0 : i32
    %c0_i32_0 = arith.constant 0 : i32
    %c0_i32_1 = arith.constant 0 : i32
    return %c0_i32, %c0_i32_0 : i32, i32
  }
  func.func @transform_8(%arg0: i32) -> (i32, i32) {
    %c0_i32 = arith.constant 0 : i32
    %c0_i32_0 = arith.constant 0 : i32
    %c0_i32_1 = arith.constant 0 : i32
    return %c0_i32, %c0_i32_0 : i32, i32
  }
  func.func @transform_9(%arg0: i32) -> (i32, i32) {
    %c0_i32 = arith.constant 0 : i32
    %c0_i32_0 = arith.constant 0 : i32
    %c0_i32_1 = arith.constant 0 : i32
    return %c0_i32, %c0_i32_0 : i32, i32
  }
  func.func @transform_10(%arg0: i32) -> (i32, i32) {
    %c0_i32 = arith.constant 0 : i32
    %c0_i32_0 = arith.constant 0 : i32
    %c0_i32_1 = arith.constant 0 : i32
    return %c0_i32, %c0_i32_0 : i32, i32
  }
  func.func @transform_11(%arg0: i32) -> (i32, i32) {
    %c0_i32 = arith.constant 0 : i32
    %c0_i32_0 = arith.constant 0 : i32
    %c0_i32_1 = arith.constant 0 : i32
    return %c0_i32, %c0_i32_0 : i32, i32
  }
  func.func @transform_12(%arg0: i32) -> (i32, i32) {
    %c0_i32 = arith.constant 0 : i32
    %c0_i32_0 = arith.constant 0 : i32
    %c0_i32_1 = arith.constant 0 : i32
    return %c0_i32, %c0_i32_0 : i32, i32
  }
  func.func @transform_13(%arg0: i32) -> (i32, i32) {
    %c0_i32 = arith.constant 0 : i32
    %c0_i32_0 = arith.constant 0 : i32
    return %arg0, %c0_i32 : i32, i32
  }
}

</mosaic_0001>

<sc_bundles>
// kernel: kernel.10.cloned.1.call-start
scs
__scs_entry_jumppad:
0x0: {  	(pc) =	sbr.rel $0x88, $3  }
0x1: {  	(tag) =	ssettag $0x0;
	lr =	simm.s32 $0x1  }
0x2: {  	[smem:$0x3F93] =	sst lr;
	_ =	strace $0xD0000000  }
0x3: {  	_ = 	snop  }
0x4: {  	_ = 	snop  }
0x5: {  	_ = 	snop  }
0x6: {  	_ = 	snop  }
0x7: {  	_ = 	snop  }
__scs_overlays_trampoline_lowered:
0x8: {  	[smem:$0x3FA2] =	sst s0  }
0x9: {  	[smem:$0x3FA3] =	sst s1  }
0xa: {  	[smem:$0x3FA4] =	sst s2  }
0xb: {  	[smem:$0x3FA5] =	sst s3  }
0xc: {  	[smem:$0x3FA6] =	sst s4  }
0xd: {  	[smem:$0x3FA7] =	sst s5  }
0xe: {  	[smem:$0x3FA8] =	sst s6  }
0xf: {  	[smem:$0x3FA9] =	sst s7  }
0x10: {  	[smem:$0x3FAA] =	sst s8  }
0x11: {  	[smem:$0x3FAB] =	sst s9;
	s0 =	simm.s32 @!p0 $0x0  }
0x12: {  	s1 =	sld [smem:$0x3F91];
	s0 =	simm.s32 @p0 $0x1  }
0x13: {  	[smem:$0x3FAC] =	sst s0;
	s0 =	simm.s32 @!p1 $0x0  }
0x14: {  	s2 =	sld [smem:$0x3F90];
	s0 =	simm.s32 @p1 $0x1  }
0x15: {  	[smem:$0x3FAD] =	sst s0;
	s0 =	simm.s32 @!p2 $0x0  }
0x16: {  	s3 =	sld [smem:$0x3FDB];
	s0 =	simm.s32 @p2 $0x1  }
0x17: {  	s4 =	simm.s32 $0x1BF5;
	[smem:$0x3FAF] =	sst s0  }
0x18: {  	s0 =	sld [smem:$0x3F92];
	_ =	swait.ge [sflag:s4], $0x0  }
0x19: {  	s7 =	sld [smem:$0x3F93]  }
0x1a: {  	s8 =	sadd.s32 $0xFFFFE003, lr  }
0x1b: {  	s9 =	sadd.s32 $0xFFFFFEF7, lr;
	s5 =	simm.s32 $0xFFFFFFFF;
	p2 =	slt.u32 s8, $0xFFFFF086  }
0x1c: {  	p1 =	slt.u32 s9, $0xF7A;
	s5 =	simm.s32 @!p2 $0x0  }
0x1d: {  	s5 =	simm.s32 @p1 $0x1;
	p0 =	seq.s32 s7, s2  }
0x1e: {  	s7 =	smul.u32 @!p0 $0xF7A, s2;
	p2 =	seq.s32 @!p0 s5, $0x0  }
0x1f: {  	s9 =	smul.u32 $0xF7A, s1;
	s8 =	simm.s32 @!p0 $0x1BF5;
	p2 =	por !p2, p0  }
0x20: {  	[sflag:s8] =	ssyncset.s32 @!p0 $0xFFFFF086;
	s6 =	sadd.s32 @!p0 s3, s7;
	s7 =	simm.s32 @!p0 $0x108  }
0x21: {  	s3 =	sadd.s32 s3, s9;
	s6 =	sadd.s32 @!p0 $0x88, s6;
	s7 =	simm.s32 @p2 $0x1082  }
0x22: {  	[simem:s7], [sflag:s8] =	dma.local @!p0 [hbm:s6], $0xF7A  }
0x23: {  	s9 =	sor.u32 $0xD0000000, s2;
	s6 =	simm.s32 $0x108;
	_ =	swait.ge @!p0 [sflag:s8], $0x0  }
0x24: {  	s3 =	sadd.s32 $0x88, s3;
	s6 =	simm.s32 @!p1 $0x1082;
	[sflag:s4] =	ssyncset.s32 $0xFFFFF086  }
0x25: {  	[simem:s6], [sflag:s4] =	dma.local [hbm:s3], $0xF7A  }
0x26: {  	[smem:$0x3F93] =	sst s1;
	(tag) =	ssettag s2;
	_ =	strace s9  }
0x27: {  	s1 =	sld [smem:$0x3FA3]  }
0x28: {  	s2 =	sld [smem:$0x3FA4]  }
0x29: {  	s4 =	sld [smem:$0x3FA6]  }
0x2a: {  	p0 =	seq.s32 s5, $0x0;
	s5 =	sld [smem:$0x3FA7]  }
0x2b: {  	s6 =	sld [smem:$0x3FA8]  }
0x2c: {  	s7 =	sld [smem:$0x3FA9]  }
0x2d: {  	s3 =	simm.s32 $0x108;
	s8 =	sld [smem:$0x3FAA]  }
0x2e: {  	s3 =	simm.s32 @!p0 $0x1082;
	s9 =	sld [smem:$0x3FAB]  }
0x2f: {  	lr =	sadd.s32 s0, s3;
	s0 =	sld [smem:$0x3FA2]  }
0x30: {  	s3 =	sld [smem:$0x3FA5]  }
0x31: {  	[smem:$0x3FAE] =	sst s10  }
0x32: {  	s10 =	sld [smem:$0x3FAC];
	_ =	sdelay $0x3  }
0x33: {  	p0 =	seq.s32 s10, $0x1;
	s10 =	sld [smem:$0x3FAE];
	_ =	sdelay $0x3  }
0x34: {  	[smem:$0x3FAE] =	sst s10  }
0x35: {  	s10 =	sld [smem:$0x3FAD];
	_ =	sdelay $0x3  }
0x36: {  	p1 =	seq.s32 s10, $0x1;
	s10 =	sld [smem:$0x3FAE];
	_ =	sdelay $0x3  }
0x37: {  	[smem:$0x3FAE] =	sst s10  }
0x38: {  	s10 =	sld [smem:$0x3FAF]  }
0x39: {  	_ = 	snop;
	(pc) =	sbr.ind lr, $3  }
0x3a: {  	_ = 	snop  }
0x3b: {  	_ = 	snop  }
0x3c: {  	p2 =	seq.s32 s10, $0x1;
	s10 =	sld [smem:$0x3FAE]  }
0x3d: {  	_ =	shalt  }
0x3e: {  	_ =	shalt  }
0x3f: {  	_ =	shalt  }
0x40: {  	_ =	shalt  }
0x41: {  	_ =	shalt  }
0x42: {  	_ =	shalt  }
0x43: {  	_ =	shalt  }
0x44: {  	_ =	shalt  }
0x45: {  	_ =	shalt  }
0x46: {  	_ =	shalt  }
0x47: {  	_ =	shalt  }
0x48: {  	_ =	shalt  }
0x49: {  	_ =	shalt  }
0x4a: {  	_ =	shalt  }
0x4b: {  	_ =	shalt  }
0x4c: {  	_ =	shalt  }
0x4d: {  	_ =	shalt  }
0x4e: {  	_ =	shalt  }
0x4f: {  	_ =	shalt  }
0x50: {  	_ =	shalt  }
0x51: {  	_ =	shalt  }
0x52: {  	_ =	shalt  }
0x53: {  	_ =	shalt  }
0x54: {  	_ =	shalt  }
0x55: {  	_ =	shalt  }
0x56: {  	_ =	shalt  }
0x57: {  	_ =	shalt  }
0x58: {  	_ =	shalt  }
0x59: {  	_ =	shalt  }
0x5a: {  	_ =	shalt  }
0x5b: {  	_ =	shalt  }
0x5c: {  	_ =	shalt  }
0x5d: {  	_ =	shalt  }
0x5e: {  	_ =	shalt  }
0x5f: {  	_ =	shalt  }
0x60: {  	_ =	shalt  }
0x61: {  	_ =	shalt  }
0x62: {  	_ =	shalt  }
0x63: {  	_ =	shalt  }
0x64: {  	_ =	shalt  }
0x65: {  	_ =	shalt  }
0x66: {  	_ =	shalt  }
0x67: {  	_ =	shalt  }
0x68: {  	_ =	shalt  }
0x69: {  	_ =	shalt  }
0x6a: {  	_ =	shalt  }
0x6b: {  	_ =	shalt  }
0x6c: {  	_ =	shalt  }
0x6d: {  	_ =	shalt  }
0x6e: {  	_ =	shalt  }
0x6f: {  	_ =	shalt  }
0x70: {  	_ =	shalt  }
0x71: {  	_ =	shalt  }
0x72: {  	_ =	shalt  }
0x73: {  	_ =	shalt  }
0x74: {  	_ =	shalt  }
0x75: {  	_ =	shalt  }
0x76: {  	_ =	shalt  }
0x77: {  	_ =	shalt  }
0x78: {  	_ =	shalt  }
0x79: {  	_ =	shalt  }
0x7a: {  	_ =	shalt  }
0x7b: {  	_ =	shalt  }
0x7c: {  	_ =	shalt  }
0x7d: {  	_ =	shalt  }
0x7e: {  	_ =	shalt  }
0x7f: {  	_ =	shalt  }
0x80: {  	_ =	shalt  }
0x81: {  	_ =	shalt  }
0x82: {  	_ =	shalt  }
0x83: {  	_ =	shalt  }
0x84: {  	_ =	shalt  }
0x85: {  	_ =	shalt  }
0x86: {  	_ =	shalt  }
0x87: {  	_ =	shalt  }
.Lfunc_end0:
.L_simem_size_0:
called_computation.1_lowered:
.L_overlay_start_0:
0x88: {  	s2 =	sld [smem:$0x3FD9]  }
0x89: {  	s3 =	sld [smem:$0x3FFE];
	_ =	sdelay $0x1  }
0x8a: {  	s1 =	srdreg.scid  }
0x8b: {  	s0 =	sand.u32 $0x1, s1  }
0x8c: {  	s17 =	sshll.u32 s0, $0xA;
	s2 =	sadd.s32 s3, s2  }
0x8d: {  	s2 =	sadd.s32 s2, s17  }
0x8e: {  	[smem:$0x3FBA] =	sst s2  }
0x8f: {  	_ = 	snop  }
0x90: {  	(tm) =	ssettm $0x1  }
0x91: {  	s18 =	sld [smem:$0x3FFB];
	_ =	sdelay $0x3  }
0x92: {  	_ =	strace s18  }
0x93: {  	s2 =	sld [smem:$0x3FFC];
	_ =	sdelay $0x3  }
0x94: {  	_ =	strace s2  }
0x95: {  	s2 =	sld [smem:$0x3FFD];
	_ =	sdelay $0x3  }
0x96: {  	_ =	strace s2  }
0x97: {  	_ =	strace $0x8FFFFFFF  }
0x98: {  	s19 =	sld [smem:$0x3FDB];
	_ =	sdelay $0x1  }
0x99: {  	s20 =	simm.s32 $_scs_section_size  }
0x9a: {  	s4 =	simm.s32 $_size__tile_overlayer_lowered;
	s5 =	simm.s32 $_tile_overlayer_lowered  }
0x9b: {  	s6 =	simm.s32 $0x1BFF;
	s21 =	sshll.u32 s5, $0x1;
	s3 =	sadd.s32 s20, s19  }
0x9c: {  	s22 =	simm.s32 $0x0;
	s4 =	sshll.u32 s4, $0x1;
	s5 =	sadd.s32 s21, s3  }
0x9d: {  	[timem:s22], [sflag:s6] =	dma.local [hbm:s5], s4  }
0x9e: {  	_ =	swait.ge [sflag:s6], s4  }
0x9f: {  	s4 =	ssub.s32 $0x0, s4;
	[sflag:s6] =	ssyncset.done $0x0  }
0xa0: {  	[sflag:s6] =	ssyncadd.s32 s4;
	_ =	sdelay $0x1  }
0xa1: {  	s23 =	simm.s32 $0x1B8B  }
0xa2: {  	_ =	swait.ge [sflag:s23], $0x1  }
0xa3: {  	[sflag:s23] =	ssyncset.done $0x0  }
0xa4: {  	[sflag:s23] =	ssyncadd.s32 $0xFFFFFFFF  }
0xa5: {  	s4 =	sld [smem:$0x0]  }
0xa6: {  	s5 =	sand.u32 $0xFFFFFFFE, s1  }
0xa7: {  	p0 =	sne.s32 s1, s5  }
0xa8: {  	s5 =	sshll.u32 @p0 s5, $0xE  }
0xa9: {  	s5 =	sadd.s32 @p0 $0x11B8D, s5;
	s6 =	sshll.u32 @p0 s4, $0x11  }
0xaa: {  	s5 =	sor.u32 @p0 s6, s5  }
0xab: {  	[sflag:s5] =	ssyncadd.remote.s32 @p0 $0x1;
	_ =	sdelay $0x1  }
0xac: {  	s5 =	simm.s32 @p0 $0x1B8D  }
0xad: {  	_ =	swait.eq @p0 [sflag:s5], $0x1  }
0xae: {  	[sflag:s5] =	ssyncadd.s32 @p0 $0xFFFFFFFF  }
0xaf: {  	s6 =	sshll.u32 @!p0 s1, $0xE  }
0xb0: {  	s6 =	sor.u32 @!p0 $0x4000, s6;
	s5 =	simm.s32 @!p0 $0x1B8D  }
0xb1: {  	s4 =	sshll.u32 @!p0 s4, $0x11;
	s6 =	sadd.s32 @!p0 $0x11B8D, s6;
	_ =	swait.eq @!p0 [sflag:s5], $0x1  }
0xb2: {  	s4 =	sor.u32 @!p0 s4, s6;
	[sflag:s5] =	ssyncadd.s32 @!p0 $0xFFFFFFFF  }
0xb3: {  	s25 =	simm.s32 $0x1B8E;
	s24 =	sld [smem:$0x3FFE];
	[sflag:s4] =	ssyncadd.remote.s32 @!p0 $0x1  }
0xb4: {  	s26 =	simm.s32 $execute0_lowered;
	[smem:$0x3FD2] =	sst s25  }
0xb5: {  	s5 =	sshll.u32 s26, $0x1;
	_ =	strace $0x80000049;
	[dreg:$0x1] =	wrdreg $0xFFFFFFFF  }
0xb6: {  	s28 =	simm.s32 $_size_execute0_lowered;
	s3 =	sadd.s32 s3, s5;
	[dreg:$0x0] =	wrdreg $0x0  }
0xb7: {  	s5 =	sshll.u32 s28, $0x1;
	[dreg:$0x2] =	wrdreg s3  }
0xb8: {  	[dreg:$0x3] =	wrdreg s5  }
0xb9: {  	[dreg:$0x4] =	wrdreg $0xC0  }
0xba: {  	_ =	task [dreg:s22], $0x5FFFF  }
0xbb: {  	[dreg:$0x1] =	wrdreg $0xFFFFFFFF  }
0xbc: {  	[dreg:$0x0] =	wrdreg $0x60  }
0xbd: {  	[dreg:$0x2] =	wrdreg s24  }
0xbe: {  	[dreg:$0x3] =	wrdreg $0x81000  }
0xbf: {  	[dreg:$0x4] =	wrdreg $0x9  }
0xc0: {  	_ =	task.clear_ibuf [dreg:s22], $0x5FFFF;
	_ =	strace $0x90000049  }
0xc1: {  	s29 =	simm.s32 $0x9;
	_ =	strace $0x8000004B  }
0xc2: {  	_ =	swait.ge [sflag:s29], $0x1  }
0xc3: {  	[sflag:s29] =	ssyncadd.s32 $0xFFFFFFFF  }
0xc4: {  	_ =	strace $0x9000004B  }
0xc5: {  	_ =	sfence  }
0xc6: {  	s30 =	sld [smem:$0x0];
	_ =	sdelay $0x2  }
0xc7: {  	s31 =	sshll.u32 s1, $0xD;
	s1 =	sshrl.u32 s1, $0x2  }
0xc8: {  	s4 =	sand.u32 $0x4000, s31;
	s1 =	sadd.s32 s1, s30  }
0xc9: {  	s0 =	sor.u32 s4, s0;
	s1 =	sshll.u32 s1, $0x11  }
0xca: {  	s0 =	sor.u32 s1, s0  }
0xcb: {  	s0 =	sadd.s32 $0x8F2B, s0  }
0xcc: {  	[sflag:s0] =	ssyncadd.remote.s32 $0x1  }
0xcd: {  	_ =	sfence.sel $0xFFFF  }
0xce: {  	[dreg:$0x0] =	wrdreg $0xFFFFFFFF;
	(pc) =	sbr.abs _section_cstart, $3  }
0xcf: {  	[dreg:$0x1] =	wrdreg $0xFFFFFFFF  }
0xd0: {  	_ =	task.clear_ibuf [dreg:s22], $0x2FFFF;
	_ =	strace $0x9FFFFFFF  }
0xd1: {  	(tm) =	ssettm $0x7FFFFFFF  }
tec
execute0_lowered:
.L_overlay_start_1:
0x0: {  	(tag) =	ssettag $0x1  }
0x1: {  	s12 =	rddreg [dreg:$0x0]  }
0x2: {  	s1 =	rddreg [dreg:$0x1];
	s2 =	simm.s32 $0x0;
	s3 =	stileid.u32  }
0x3: {  	s4 =	srdreg.scid;
	s22 =	simm.s32 $0x1;
	s23 =	simm.s32 $0x80  }
0x4: {  	s24 =	simm.s32 $0x4100;
	s28 =	simm.s32 $0x3;
	s29 =	simm.s32 $0x0  }
0x5: {  	[smem:$0x7FF] =	sst s2;
	s16 =	sadd.s32 $0x2DA400, s12;
	s5 =	smul.u32 $0x2700, s3  }
0x6: {  	s17 =	sadd.s32 $0x2D0400, s12;
	s13 =	sand.u32 $0x1, s4;
	s6 =	smul.u32 $0x4E000, s3  }
0x7: {  	s4 =	sadd.s32 $0xE800, s12;
	s10 =	sadd.s32 $0x83D00, s12;
	s30 =	sshll.u32 s3, $0x4  }
0x8: {  	s31 =	sshll.u32 s3, $0xB;
	p0 =	seq.s32 s3, $0xF;
	s14 =	smul.u32 $0x271, s13  }
0x9: {  	p1 =	sne.s32 s3, $0x0;
	_ =	strace $0x8000004A;
	s18 =	smul.u32 $0x138800, s13  }
0xa: {  	s7 =	ssub.s32 $0x2, s13;
	p5 =	seq.s32 s13, $0x1;
	s21 =	smul.u32 $0x2710, s13  }
0xb: {  	s11 =	sadd.s32 s5, s12;
	s25 =	sshrl.u32 s7, $0x1;
	s6 =	sshrl.u32 s6, $0x2  }
0xc: {  	s12 =	sadd.s32 $0xAAF00, s12;
	p3 =	seq.s32 @p5 s3, $0xF;
	p6 =	seq.s32 @!p5 s3, $0xF  }
0xd: {  	s15 =	ssub.s32 s7, s25;
	s5 =	sadd.s32 s6, s1;
	s26 =	sadd.s32 s3, s14  }
0xe: {  	s6 =	sadd.s32 $0x124800, s1;
	s14 =	sadd.s32 $0x270, s14;
	s25 =	simm.s32 $0x4  }
0xf: {  	p2 =	por !p3, !p5;
	p3 =	por p3, !p5;
	p4 =	por !p6, p5  }
0x10: {  	p5 =	por p6, p5;
	s8 =	sshll.u32 s26, $0x4;
	s9 =	sshll.u32 s26, $0xB  }
0x11: {  	s19 =	sshll.u32 s14, $0x4;
	s20 =	sshll.u32 s14, $0xB;
	s13 =	smax.u32 s15, $0x1  }
0x12: {  	s26 =	simm.s32 $0x2;
	s0 =	sadd.s32 s17, s8;
	s8 =	sadd.s32 s16, s9  }
0x13: {  	s9 =	sadd.s32 $0x5F400, s11;
	s11 =	sadd.s32 $0x86600, s11;
	s14 =	sadd.s32 s17, s19  }
0x14: {  	s15 =	sadd.s32 s16, s20;
	s16 =	sadd.s32 s18, s16;
	s17 =	sadd.s32 s21, s17  }
0x15: {  	s19 =	sshll.u32 @!p0 s3, $0x6;
	s18 =	sshrl.u32 @p0 s6, $0x3;
	s20 =	sshrl.u32 @!p0 s5, $0x3  }
0x16: {  	s21 =	simm.s32 $0x100;
	[dreg:$0x3] =	wrdreg s0;
	s17 =	sadd.s32 s30, s17  }
0x17: {  	s16 =	sadd.s32 s31, s16;
	s19 =	sor.u32 @!p0 $0x1C03, s19;
	s17 =	sadd.s32 $0x100, s17  }
.LBB2_1:
0x18: {  	s30 =	simm.s32 @p0 $0x1FC3  }
0x19: {  	[spmem:s18], [sflag:s30] =	dma.local @p0 [hbm:s4], $0x2800  }
0x1a: {  	s30 =	simm.s32 @p0 $0x3  }
0x1b: {  	_ =	swait.ge @p0 [sflag:s30], $0x2800  }
0x1c: {  	[sflag:s30] =	ssyncset.done @p0 $0x0  }
0x1d: {  	[sflag:s30] =	ssyncadd.s32 @p0 $0xFFFFD800;
	s30 =	simm.s32 @!p0 $0x3  }
0x1e: {  	[spmem:s20], [sflag:s19] =	dma.local @!p0 [hbm:s4], $0x2700  }
0x1f: {  	_ =	swait.ge @!p0 [sflag:s30], $0x2700  }
0x20: {  	[sflag:s30] =	ssyncset.done @!p0 $0x0  }
0x21: {  	[sflag:s30] =	ssyncadd.s32 @!p0 $0xFFFFD900  }
0x22: {  	[bflag:$0x0] =	sbarrier.arrive $0xFFFF  }
0x23: {  	s0 =	rddreg [dreg:$0x3]  }
0x24: {  	[tilespmem:s2], [sflag:$0x1] =	stream.linear.gather [hbm4b:s0+s2], $0x80, $0x38;
	[tilespmem:$0x1B980] =	vst v63  }
0x25: {  	_ = 	snop  }
0x26: {  	[tilespmem:s21], [sflag:$0x1] =	stream.linear.gather [hbm4b:s8+s2], $0x4000, $0x38;
	[tilespmem:$0x1B980] =	vst v63  }
0x27: {  	_ =	swait.ge [sflag:s22], $0x80  }
0x28: {  	[sflag:s22] =	ssyncset.done $0x0  }
0x29: {  	[sflag:s22] =	ssyncadd.s32 $0xFFFFFF80  }
0x2a: {  	_ =	swait.ge [sflag:s22], $0x4000  }
0x2b: {  	[sflag:s22] =	ssyncset.done $0x0  }
0x2c: {  	s30 =	sadd.s32 $0x0, s16;
	[sflag:s22] =	ssyncadd.s32 $0xFFFFC000  }
0x2d: {  	[tilespmem:s23], [sflag:$0x2] =	stream.linear.gather [hbm4b:s17+s2], $0x80, $0x38;
	[tilespmem:$0x1B980] =	vst v63  }
0x2e: {  	s31 =	sadd.s32 $0x8000, s30  }
0x2f: {  	[tilespmem:s24], [sflag:$0x2] =	stream.linear.gather [hbm4b:s31+s2], $0x4000, $0x38;
	[tilespmem:$0x1B980] =	vst v63  }
0x30: {  	_ = 	snop  }
0x31: {  	[spmem:s1] =	stream.indirect.scatter.add.f32 [tilespmem:s21], [sflag:$0x4], $0x80, s2, s23, $0xb8;
	[tilespmem:$0x1B980] =	vst v63  }
0x32: {  	_ =	swait.ge [sflag:s25], $0x4000  }
0x33: {  	[sflag:s25] =	ssyncset.done $0x0  }
0x34: {  	[sflag:s25] =	ssyncadd.s32 $0xFFFFC000  }
0x35: {  	_ =	swait.ge [sflag:s26], $0x80  }
0x36: {  	[sflag:s26] =	ssyncset.done $0x0  }
0x37: {  	[sflag:s26] =	ssyncadd.s32 $0xFFFFFF80  }
0x38: {  	_ =	swait.ge [sflag:s26], $0x4000  }
0x39: {  	[sflag:s26] =	ssyncset.done $0x0  }
0x3a: {  	s31 =	sadd.s32 $0x100, s17;
	[sflag:s26] =	ssyncadd.s32 $0xFFFFC000  }
0x3b: {  	[tilespmem:s2], [sflag:$0x1] =	stream.linear.gather [hbm4b:s31+s2], $0x80, $0x38;
	[tilespmem:$0x1B980] =	vst v63  }
0x3c: {  	s30 =	sadd.s32 $0x10000, s30  }
0x3d: {  	[tilespmem:s21], [sflag:$0x1] =	stream.linear.gather [hbm4b:s30+s2], $0x4000, $0x38;
	[tilespmem:$0x1B980] =	vst v63  }
0x3e: {  	_ = 	snop  }
0x3f: {  	[spmem:s1] =	stream.indirect.scatter.add.f32 [tilespmem:s24], [sflag:$0x3], $0x80, s23, s23, $0xb8;
	[tilespmem:$0x1B980] =	vst v63  }
0x40: {  	_ =	swait.ge [sflag:s28], $0x4000  }
0x41: {  	s31 =	smov.u32 s17;
	s30 =	simm.s32 $0x10000;
	[sflag:s28] =	ssyncset.done $0x0  }
.LBB2_2:
0x42: {  	p6 =	sne.s32 s30, $0x120000;
	[sflag:s28] =	ssyncadd.s32 $0xFFFFC000;
	s31 =	sadd.s32 $0x200, s31  }
0x43: {  	s0 =	smov.u32 s30;
	s30 =	sadd.s32 $0x10000, s30  }
0x44: {  	_ =	swait.ge [sflag:s22], $0x80  }
0x45: {  	[sflag:s22] =	ssyncset.done $0x0  }
0x46: {  	[sflag:s22] =	ssyncadd.s32 $0xFFFFFF80  }
0x47: {  	_ =	swait.ge [sflag:s22], $0x4000  }
0x48: {  	[sflag:s22] =	ssyncset.done $0x0  }
0x49: {  	s0 =	sadd.s32 s0, s16;
	[sflag:s22] =	ssyncadd.s32 $0xFFFFC000  }
0x4a: {  	[tilespmem:s23], [sflag:$0x2] =	stream.linear.gather [hbm4b:s31+s2], $0x80, $0x38;
	[tilespmem:$0x1B980] =	vst v63  }
0x4b: {  	s7 =	sadd.s32 $0x8000, s0  }
0x4c: {  	[tilespmem:s24], [sflag:$0x2] =	stream.linear.gather [hbm4b:s7+s2], $0x4000, $0x38;
	[tilespmem:$0x1B980] =	vst v63  }
0x4d: {  	_ = 	snop  }
0x4e: {  	[spmem:s1] =	stream.indirect.scatter.add.f32 [tilespmem:s21], [sflag:$0x4], $0x80, s2, s23, $0xb8;
	[tilespmem:$0x1B980] =	vst v63  }
0x4f: {  	_ =	swait.ge [sflag:s25], $0x4000  }
0x50: {  	[sflag:s25] =	ssyncset.done $0x0  }
0x51: {  	[sflag:s25] =	ssyncadd.s32 $0xFFFFC000  }
0x52: {  	_ =	swait.ge [sflag:s26], $0x80  }
0x53: {  	[sflag:s26] =	ssyncset.done $0x0  }
0x54: {  	[sflag:s26] =	ssyncadd.s32 $0xFFFFFF80  }
0x55: {  	_ =	swait.ge [sflag:s26], $0x4000  }
0x56: {  	[sflag:s26] =	ssyncset.done $0x0  }
0x57: {  	s7 =	sadd.s32 $0x100, s31;
	[sflag:s26] =	ssyncadd.s32 $0xFFFFC000  }
0x58: {  	[tilespmem:s2], [sflag:$0x1] =	stream.linear.gather [hbm4b:s7+s2], $0x80, $0x38;
	[tilespmem:$0x1B980] =	vst v63  }
0x59: {  	s0 =	sadd.s32 $0x10000, s0  }
0x5a: {  	[tilespmem:s21], [sflag:$0x1] =	stream.linear.gather [hbm4b:s0+s2], $0x4000, $0x38;
	[tilespmem:$0x1B980] =	vst v63  }
.Ltmp0:
0x5b: {  	_ = 	snop;
	(pc) =	sbr.rel @p6 .LBB2_2-.Ltmp0, $4  }
0x5c: {  	_ = 	snop  }
0x5d: {  	[spmem:s1] =	stream.indirect.scatter.add.f32 [tilespmem:s24], [sflag:$0x3], $0x80, s23, s23, $0xb8;
	[tilespmem:$0x1B980] =	vst v63  }
0x5e: {  	_ =	swait.ge [sflag:s28], $0x4000  }
0x5f: {  	[sflag:s28] =	ssyncset.done $0x0  }
0x60: {  	[sflag:s28] =	ssyncadd.s32 $0xFFFFC000  }
0x61: {  	_ =	swait.ge [sflag:s22], $0x80  }
0x62: {  	[sflag:s22] =	ssyncset.done $0x0  }
0x63: {  	[sflag:s22] =	ssyncadd.s32 $0xFFFFFF80  }
0x64: {  	_ =	swait.ge [sflag:s22], $0x4000  }
0x65: {  	s0 =	simm.s32 @p1 $0x80;
	[sflag:s22] =	ssyncset.done $0x0  }
0x66: {  	s7 =	simm.s32 @p1 $0x0;
	s30 =	simm.s32 @p1 $0x100;
	[sflag:s22] =	ssyncadd.s32 $0xFFFFC000  }
0x67: {  	[spmem:s1] =	stream.indirect.scatter.add.f32 @p1 [tilespmem:s30], [sflag:$0x4], $0x80, s7, s0, $0xb8;
	[tilespmem:$0x1B980] =	vst v63  }
0x68: {  	s0 =	simm.s32 @p1 $0x4  }
0x69: {  	_ =	swait.ge @p1 [sflag:s0], $0x4000  }
0x6a: {  	[sflag:s0] =	ssyncset.done @p1 $0x0  }
0x6b: {  	s7 =	simm.s32 @!p1 $0x80;
	[sflag:s0] =	ssyncadd.s32 @p1 $0xFFFFC000;
	s0 =	simm.s32 @!p1 $0x0  }
0x6c: {  	[tilespmem:s7], [sflag:$0x2] =	stream.linear.gather @!p1 [hbm4b:s14+s0], $0x80, $0x38;
	[tilespmem:$0x1B980] =	vst v63  }
0x6d: {  	s30 =	simm.s32 @!p1 $0x4100  }
0x6e: {  	[tilespmem:s30], [sflag:$0x2] =	stream.linear.gather @!p1 [hbm4b:s15+s0], $0x4000, $0x38;
	[tilespmem:$0x1B980] =	vst v63  }
0x6f: {  	s31 =	simm.s32 @!p1 $0x100  }
0x70: {  	[spmem:s1] =	stream.indirect.scatter.add.f32 @!p1 [tilespmem:s31], [sflag:$0x4], $0x80, s0, s7, $0xb8;
	[tilespmem:$0x1B980] =	vst v63  }
0x71: {  	s0 =	simm.s32 @!p1 $0x4  }
0x72: {  	_ =	swait.ge @!p1 [sflag:s0], $0x4000  }
0x73: {  	[sflag:s0] =	ssyncset.done @!p1 $0x0  }
0x74: {  	[sflag:s0] =	ssyncadd.s32 @!p1 $0xFFFFC000;
	s0 =	simm.s32 @!p1 $0x2  }
0x75: {  	_ =	swait.ge @!p1 [sflag:s0], $0x80  }
0x76: {  	[sflag:s0] =	ssyncset.done @!p1 $0x0  }
0x77: {  	[sflag:s0] =	ssyncadd.s32 @!p1 $0xFFFFFF80  }
0x78: {  	_ =	swait.ge @!p1 [sflag:s0], $0x4000  }
0x79: {  	[sflag:s0] =	ssyncset.done @!p1 $0x0  }
0x7a: {  	[sflag:s0] =	ssyncadd.s32 @!p1 $0xFFFFC000;
	s0 =	simm.s32 @!p1 $0x3  }
0x7b: {  	[spmem:s1] =	stream.indirect.scatter.add.f32 @!p1 [tilespmem:s30], [sflag:$0x3], $0x80, s7, s7, $0xb8;
	[tilespmem:$0x1B980] =	vst v63  }
0x7c: {  	_ =	swait.ge @!p1 [sflag:s0], $0x4000  }
0x7d: {  	[sflag:s0] =	ssyncset.done @!p1 $0x0  }
0x7e: {  	[sflag:s0] =	ssyncadd.s32 @!p1 $0xFFFFC000  }
0x7f: {  	s7 =	simm.s32 @!p2 $0x1FC3;
	s0 =	sshrl.u32 @!p2 s6, $0x3;
	[bflag:$0x0] =	sbarrier.arrive $0xFFFF  }
0x80: {  	[hbm:s12], [sflag:s7] =	dma.local @!p2 [spmem:s0], $0x2800  }
0x81: {  	s0 =	simm.s32 @!p2 $0x3  }
0x82: {  	_ =	swait.ge @!p2 [sflag:s0], $0x2800  }
0x83: {  	s7 =	sshll.u32 @!p3 s3, $0x6;
	[sflag:s0] =	ssyncset.done @!p2 $0x0  }
0x84: {  	[sflag:s0] =	ssyncadd.s32 @!p2 $0xFFFFD800;
	s0 =	sor.u32 @!p3 $0x1C03, s7;
	s7 =	sshrl.u32 @!p3 s5, $0x3  }
0x85: {  	[hbm:s11], [sflag:s0] =	dma.local @!p3 [spmem:s7], $0x2700  }
0x86: {  	s0 =	simm.s32 @!p3 $0x3  }
0x87: {  	_ =	swait.ge @!p3 [sflag:s0], $0x2700  }
0x88: {  	[sflag:s0] =	ssyncset.done @!p3 $0x0  }
0x89: {  	s7 =	simm.s32 @!p4 $0x1FC3;
	[sflag:s0] =	ssyncadd.s32 @!p3 $0xFFFFD900;
	s0 =	sshrl.u32 @!p4 s6, $0x3  }
0x8a: {  	[hbm:s10], [sflag:s7] =	dma.local @!p4 [spmem:s0], $0x2800  }
0x8b: {  	s0 =	simm.s32 @!p4 $0x3  }
0x8c: {  	s29 =	sadd.s32 $0x1, s29;
	_ =	swait.ge @!p4 [sflag:s0], $0x2800  }
0x8d: {  	p6 =	sne.s32 s29, s13;
	s7 =	sshll.u32 @!p5 s3, $0x6;
	[sflag:s0] =	ssyncset.done @!p4 $0x0  }
0x8e: {  	[sflag:s0] =	ssyncadd.s32 @!p4 $0xFFFFD800;
	s0 =	sor.u32 @!p5 $0x1C03, s7;
	s7 =	sshrl.u32 @!p5 s5, $0x3  }
0x8f: {  	[hbm:s9], [sflag:s0] =	dma.local @!p5 [spmem:s7], $0x2700  }
.Ltmp1:
0x90: {  	_ = 	snop;
	(pc) =	sbr.rel @p6 .LBB2_1-.Ltmp1, $4  }
0x91: {  	s0 =	simm.s32 @!p5 $0x3  }
0x92: {  	_ =	swait.ge @!p5 [sflag:s0], $0x2700  }
0x93: {  	[sflag:s0] =	ssyncset.done @!p5 $0x0  }
0x94: {  	[sflag:s0] =	ssyncadd.s32 @!p5 $0xFFFFD900  }
0x95: {  	_ =	sfence.sel $0x180000  }
0x96: {  	[bflag:$0x0] =	sbarrier.arrive $0xFFFF  }
0x97: {  	_ =	strace $0x9000004A  }
0x98: {  	[bflag:$0x2] =	sbarrier.arrive $0xFFFF  }
0x99: {  	s0 =	rddreg [dreg:$0x2]  }
0x9a: {  	s0 =	sadd.s32 @!p1 $0x100000, s0  }
0x9b: {  	[sflag:s0] =	ssyncadd.tile.s32 @!p1 $0x1;
	_ =	shalt  }
.Lfunc_end2:
_tile_overlayer_lowered:
.L_overlay_start_2:
0x9c: {  	(tag) =	ssettag $0x2  }
0x9d: {  	s0 =	rddreg [dreg:$0x0];
	s2 =	stileid.u32  }
0x9e: {  	s1 =	rddreg [dreg:$0x1];
	p0 =	sne.s32 s2, $0x0  }
0x9f: {  	s3 =	rddreg [dreg:$0x2];
	[bflag:$0x3] =	sbarrier.arrive $0xFFFF;
	s2 =	simm.s32 @!p0 $0x1C03  }
0xa0: {  	[timem:s3], [sflag:s2] =	dma.local @!p0 [hbm:s0], s1  }
0xa1: {  	s0 =	simm.s32 @!p0 $0x3  }
0xa2: {  	_ =	swait.ge @!p0 [sflag:s0], s1  }
0xa3: {  	s1 =	ssub.s32 @!p0 $0x0, s1;
	[sflag:s0] =	ssyncset.done @!p0 $0x0  }
0xa4: {  	[sflag:s0] =	ssyncadd.s32 @!p0 s1  }
0xa5: {  	[bflag:$0x3] =	sbarrier.arrive $0xFFFF  }
0xa6: {  	_ =	shalt  }

// kernel: kernel.13.cloned.1.call-start
scs
__scs_entry_jumppad:
0x0: {  	(pc) =	sbr.rel $0x88, $3  }
0x1: {  	(tag) =	ssettag $0x0;
	lr =	simm.s32 $0x1  }
0x2: {  	[smem:$0x3F93] =	sst lr;
	_ =	strace $0xD0000000  }
0x3: {  	_ = 	snop  }
0x4: {  	_ = 	snop  }
0x5: {  	_ = 	snop  }
0x6: {  	_ = 	snop  }
0x7: {  	_ = 	snop  }
__scs_overlays_trampoline_lowered:
0x8: {  	[smem:$0x3FA2] =	sst s0  }
0x9: {  	[smem:$0x3FA3] =	sst s1  }
0xa: {  	[smem:$0x3FA4] =	sst s2  }
0xb: {  	[smem:$0x3FA5] =	sst s3  }
0xc: {  	[smem:$0x3FA6] =	sst s4  }
0xd: {  	[smem:$0x3FA7] =	sst s5  }
0xe: {  	[smem:$0x3FA8] =	sst s6  }
0xf: {  	[smem:$0x3FA9] =	sst s7  }
0x10: {  	[smem:$0x3FAA] =	sst s8  }
0x11: {  	[smem:$0x3FAB] =	sst s9;
	s0 =	simm.s32 @!p0 $0x0  }
0x12: {  	s1 =	sld [smem:$0x3F91];
	s0 =	simm.s32 @p0 $0x1  }
0x13: {  	[smem:$0x3FAC] =	sst s0;
	s0 =	simm.s32 @!p1 $0x0  }
0x14: {  	s2 =	sld [smem:$0x3F90];
	s0 =	simm.s32 @p1 $0x1  }
0x15: {  	[smem:$0x3FAD] =	sst s0;
	s0 =	simm.s32 @!p2 $0x0  }
0x16: {  	s3 =	sld [smem:$0x3FDB];
	s0 =	simm.s32 @p2 $0x1  }
0x17: {  	s4 =	simm.s32 $0x1BF5;
	[smem:$0x3FAF] =	sst s0  }
0x18: {  	s0 =	sld [smem:$0x3F92];
	_ =	swait.ge [sflag:s4], $0x0  }
0x19: {  	s7 =	sld [smem:$0x3F93]  }
0x1a: {  	s8 =	sadd.s32 $0xFFFFE003, lr  }
0x1b: {  	s9 =	sadd.s32 $0xFFFFFEF7, lr;
	s5 =	simm.s32 $0xFFFFFFFF;
	p2 =	slt.u32 s8, $0xFFFFF086  }
0x1c: {  	p1 =	slt.u32 s9, $0xF7A;
	s5 =	simm.s32 @!p2 $0x0  }
0x1d: {  	s5 =	simm.s32 @p1 $0x1;
	p0 =	seq.s32 s7, s2  }
0x1e: {  	s7 =	smul.u32 @!p0 $0xF7A, s2;
	p2 =	seq.s32 @!p0 s5, $0x0  }
0x1f: {  	s9 =	smul.u32 $0xF7A, s1;
	s8 =	simm.s32 @!p0 $0x1BF5;
	p2 =	por !p2, p0  }
0x20: {  	[sflag:s8] =	ssyncset.s32 @!p0 $0xFFFFF086;
	s6 =	sadd.s32 @!p0 s3, s7;
	s7 =	simm.s32 @!p0 $0x108  }
0x21: {  	s3 =	sadd.s32 s3, s9;
	s6 =	sadd.s32 @!p0 $0x88, s6;
	s7 =	simm.s32 @p2 $0x1082  }
0x22: {  	[simem:s7], [sflag:s8] =	dma.local @!p0 [hbm:s6], $0xF7A  }
0x23: {  	s9 =	sor.u32 $0xD0000000, s2;
	s6 =	simm.s32 $0x108;
	_ =	swait.ge @!p0 [sflag:s8], $0x0  }
0x24: {  	s3 =	sadd.s32 $0x88, s3;
	s6 =	simm.s32 @!p1 $0x1082;
	[sflag:s4] =	ssyncset.s32 $0xFFFFF086  }
0x25: {  	[simem:s6], [sflag:s4] =	dma.local [hbm:s3], $0xF7A  }
0x26: {  	[smem:$0x3F93] =	sst s1;
	(tag) =	ssettag s2;
	_ =	strace s9  }
0x27: {  	s1 =	sld [smem:$0x3FA3]  }
0x28: {  	s2 =	sld [smem:$0x3FA4]  }
0x29: {  	s4 =	sld [smem:$0x3FA6]  }
0x2a: {  	p0 =	seq.s32 s5, $0x0;
	s5 =	sld [smem:$0x3FA7]  }
0x2b: {  	s6 =	sld [smem:$0x3FA8]  }
0x2c: {  	s7 =	sld [smem:$0x3FA9]  }
0x2d: {  	s3 =	simm.s32 $0x108;
	s8 =	sld [smem:$0x3FAA]  }
0x2e: {  	s3 =	simm.s32 @!p0 $0x1082;
	s9 =	sld [smem:$0x3FAB]  }
0x2f: {  	lr =	sadd.s32 s0, s3;
	s0 =	sld [smem:$0x3FA2]  }
0x30: {  	s3 =	sld [smem:$0x3FA5]  }
0x31: {  	[smem:$0x3FAE] =	sst s10  }
0x32: {  	s10 =	sld [smem:$0x3FAC];
	_ =	sdelay $0x3  }
0x33: {  	p0 =	seq.s32 s10, $0x1;
	s10 =	sld [smem:$0x3FAE];
	_ =	sdelay $0x3  }
0x34: {  	[smem:$0x3FAE] =	sst s10  }
0x35: {  	s10 =	sld [smem:$0x3FAD];
	_ =	sdelay $0x3  }
0x36: {  	p1 =	seq.s32 s10, $0x1;
	s10 =	sld [smem:$0x3FAE];
	_ =	sdelay $0x3  }
0x37: {  	[smem:$0x3FAE] =	sst s10  }
0x38: {  	s10 =	sld [smem:$0x3FAF]  }
0x39: {  	_ = 	snop;
	(pc) =	sbr.ind lr, $3  }
0x3a: {  	_ = 	snop  }
0x3b: {  	_ = 	snop  }
0x3c: {  	p2 =	seq.s32 s10, $0x1;
	s10 =	sld [smem:$0x3FAE]  }
0x3d: {  	_ =	shalt  }
0x3e: {  	_ =	shalt  }
0x3f: {  	_ =	shalt  }
0x40: {  	_ =	shalt  }
0x41: {  	_ =	shalt  }
0x42: {  	_ =	shalt  }
0x43: {  	_ =	shalt  }
0x44: {  	_ =	shalt  }
0x45: {  	_ =	shalt  }
0x46: {  	_ =	shalt  }
0x47: {  	_ =	shalt  }
0x48: {  	_ =	shalt  }
0x49: {  	_ =	shalt  }
0x4a: {  	_ =	shalt  }
0x4b: {  	_ =	shalt  }
0x4c: {  	_ =	shalt  }
0x4d: {  	_ =	shalt  }
0x4e: {  	_ =	shalt  }
0x4f: {  	_ =	shalt  }
0x50: {  	_ =	shalt  }
0x51: {  	_ =	shalt  }
0x52: {  	_ =	shalt  }
0x53: {  	_ =	shalt  }
0x54: {  	_ =	shalt  }
0x55: {  	_ =	shalt  }
0x56: {  	_ =	shalt  }
0x57: {  	_ =	shalt  }
0x58: {  	_ =	shalt  }
0x59: {  	_ =	shalt  }
0x5a: {  	_ =	shalt  }
0x5b: {  	_ =	shalt  }
0x5c: {  	_ =	shalt  }
0x5d: {  	_ =	shalt  }
0x5e: {  	_ =	shalt  }
0x5f: {  	_ =	shalt  }
0x60: {  	_ =	shalt  }
0x61: {  	_ =	shalt  }
0x62: {  	_ =	shalt  }
0x63: {  	_ =	shalt  }
0x64: {  	_ =	shalt  }
0x65: {  	_ =	shalt  }
0x66: {  	_ =	shalt  }
0x67: {  	_ =	shalt  }
0x68: {  	_ =	shalt  }
0x69: {  	_ =	shalt  }
0x6a: {  	_ =	shalt  }
0x6b: {  	_ =	shalt  }
0x6c: {  	_ =	shalt  }
0x6d: {  	_ =	shalt  }
0x6e: {  	_ =	shalt  }
0x6f: {  	_ =	shalt  }
0x70: {  	_ =	shalt  }
0x71: {  	_ =	shalt  }
0x72: {  	_ =	shalt  }
0x73: {  	_ =	shalt  }
0x74: {  	_ =	shalt  }
0x75: {  	_ =	shalt  }
0x76: {  	_ =	shalt  }
0x77: {  	_ =	shalt  }
0x78: {  	_ =	shalt  }
0x79: {  	_ =	shalt  }
0x7a: {  	_ =	shalt  }
0x7b: {  	_ =	shalt  }
0x7c: {  	_ =	shalt  }
0x7d: {  	_ =	shalt  }
0x7e: {  	_ =	shalt  }
0x7f: {  	_ =	shalt  }
0x80: {  	_ =	shalt  }
0x81: {  	_ =	shalt  }
0x82: {  	_ =	shalt  }
0x83: {  	_ =	shalt  }
0x84: {  	_ =	shalt  }
0x85: {  	_ =	shalt  }
0x86: {  	_ =	shalt  }
0x87: {  	_ =	shalt  }
.Lfunc_end0:
.L_simem_size_0:
called_computation.2_lowered:
.L_overlay_start_0:
0x88: {  	s2 =	sld [smem:$0x3FD9]  }
0x89: {  	s3 =	sld [smem:$0x3FFE];
	_ =	sdelay $0x1  }
0x8a: {  	s1 =	srdreg.scid  }
0x8b: {  	s0 =	sand.u32 $0x1, s1  }
0x8c: {  	s15 =	sshll.u32 s0, $0xA;
	s2 =	sadd.s32 s3, s2  }
0x8d: {  	s2 =	sadd.s32 s2, s15  }
0x8e: {  	[smem:$0x3FBA] =	sst s2  }
0x8f: {  	_ = 	snop  }
0x90: {  	s2 =	sld [smem:$0x3FD0];
	_ =	sdelay $0x2  }
0x91: {  	s4 =	simm.s32 $0xB;
	s16 =	simm.s32 $0x10  }
0x92: {  	[smem:s16], [sflag:s4] =	dma.local [hbm:s2], $0x1  }
0x93: {  	_ =	swait.eq [sflag:s4], $0x1  }
0x94: {  	[sflag:s4] =	ssyncset.done $0x0  }
0x95: {  	s17 =	sld [smem:$0x10];
	[sflag:s4] =	ssyncadd.s32 $0xFFFFFFFF  }
0x96: {  	s18 =	sld [smem:$0x11];
	(tm) =	ssettm $0x1  }
0x97: {  	s19 =	sld [smem:$0x3FFB];
	_ =	sdelay $0x3  }
0x98: {  	_ =	strace s19  }
0x99: {  	s2 =	sld [smem:$0x3FFC];
	_ =	sdelay $0x3  }
0x9a: {  	_ =	strace s2  }
0x9b: {  	s2 =	sld [smem:$0x3FFD];
	_ =	sdelay $0x3  }
0x9c: {  	_ =	strace s2  }
0x9d: {  	_ =	strace $0x8FFFFFFF  }
0x9e: {  	s20 =	sld [smem:$0x3FDB];
	_ =	sdelay $0x1  }
0x9f: {  	s5 =	simm.s32 $_scs_section_size  }
0xa0: {  	s6 =	simm.s32 $_size__tile_overlayer_lowered;
	s7 =	simm.s32 $_tile_overlayer_lowered  }
0xa1: {  	s8 =	simm.s32 $0x1BFF;
	s21 =	sshll.u32 s7, $0x1;
	s5 =	sadd.s32 s5, s20  }
0xa2: {  	s22 =	simm.s32 $0x0;
	s6 =	sshll.u32 s6, $0x1;
	s7 =	sadd.s32 s21, s5  }
0xa3: {  	[timem:s22], [sflag:s8] =	dma.local [hbm:s7], s6  }
0xa4: {  	_ =	swait.ge [sflag:s8], s6  }
0xa5: {  	s6 =	ssub.s32 $0x0, s6;
	[sflag:s8] =	ssyncset.done $0x0  }
0xa6: {  	[sflag:s8] =	ssyncadd.s32 s6;
	_ =	sdelay $0x1  }
0xa7: {  	s23 =	simm.s32 $0x1B8B  }
0xa8: {  	_ =	swait.ge [sflag:s23], $0x1  }
0xa9: {  	[sflag:s23] =	ssyncset.done $0x0  }
0xaa: {  	[sflag:s23] =	ssyncadd.s32 $0xFFFFFFFF  }
0xab: {  	s6 =	sld [smem:$0x0]  }
0xac: {  	s7 =	sand.u32 $0xFFFFFFFE, s1  }
0xad: {  	p0 =	sne.s32 s1, s7  }
0xae: {  	s7 =	sshll.u32 @p0 s7, $0xE  }
0xaf: {  	s7 =	sadd.s32 @p0 $0x11B8D, s7;
	s8 =	sshll.u32 @p0 s6, $0x11  }
0xb0: {  	s7 =	sor.u32 @p0 s8, s7  }
0xb1: {  	[sflag:s7] =	ssyncadd.remote.s32 @p0 $0x1;
	_ =	sdelay $0x1  }
0xb2: {  	s7 =	simm.s32 @p0 $0x1B8D  }
0xb3: {  	_ =	swait.eq @p0 [sflag:s7], $0x1  }
0xb4: {  	[sflag:s7] =	ssyncadd.s32 @p0 $0xFFFFFFFF  }
0xb5: {  	s8 =	sshll.u32 @!p0 s1, $0xE  }
0xb6: {  	s8 =	sor.u32 @!p0 $0x4000, s8;
	s7 =	simm.s32 @!p0 $0x1B8D  }
0xb7: {  	s6 =	sshll.u32 @!p0 s6, $0x11;
	s8 =	sadd.s32 @!p0 $0x11B8D, s8;
	_ =	swait.eq @!p0 [sflag:s7], $0x1  }
0xb8: {  	s6 =	sor.u32 @!p0 s6, s8;
	[sflag:s7] =	ssyncadd.s32 @!p0 $0xFFFFFFFF  }
0xb9: {  	s25 =	simm.s32 $0x1B8E;
	s24 =	sld [smem:$0x3FFE];
	[sflag:s6] =	ssyncadd.remote.s32 @!p0 $0x1  }
0xba: {  	s26 =	simm.s32 $execute0_lowered;
	[smem:$0x3FD2] =	sst s25  }
0xbb: {  	s7 =	sshll.u32 s26, $0x1;
	_ =	strace $0x8000004C;
	[dreg:$0x1] =	wrdreg $0xFFFFFFFF  }
0xbc: {  	s28 =	simm.s32 $_size_execute0_lowered;
	s5 =	sadd.s32 s5, s7;
	[dreg:$0x0] =	wrdreg $0x0  }
0xbd: {  	s7 =	sshll.u32 s28, $0x1;
	[dreg:$0x2] =	wrdreg s5  }
0xbe: {  	[dreg:$0x3] =	wrdreg s7  }
0xbf: {  	[dreg:$0x4] =	wrdreg $0xC0  }
0xc0: {  	_ =	task [dreg:s22], $0x5FFFF  }
0xc1: {  	[dreg:$0x1] =	wrdreg $0xFFFFFFFF  }
0xc2: {  	[dreg:$0x0] =	wrdreg $0x60  }
0xc3: {  	[dreg:$0x2] =	wrdreg s18  }
0xc4: {  	[dreg:$0x3] =	wrdreg s17  }
0xc5: {  	[dreg:$0x4] =	wrdreg s24  }
0xc6: {  	[dreg:$0x5] =	wrdreg $0x83000  }
0xc7: {  	[dreg:$0x6] =	wrdreg $0xA  }
0xc8: {  	_ =	task.clear_ibuf [dreg:s22], $0x7FFFF;
	_ =	strace $0x9000004C  }
0xc9: {  	s29 =	simm.s32 $0xA;
	_ =	strace $0x8000004E  }
0xca: {  	_ =	swait.ge [sflag:s29], $0x1  }
0xcb: {  	[sflag:s29] =	ssyncadd.s32 $0xFFFFFFFF  }
0xcc: {  	_ =	strace $0x9000004E  }
0xcd: {  	_ =	sfence  }
0xce: {  	s30 =	sld [smem:$0x0];
	_ =	sdelay $0x2  }
0xcf: {  	s31 =	sshll.u32 s1, $0xD;
	s1 =	sshrl.u32 s1, $0x2  }
0xd0: {  	s4 =	sand.u32 $0x4000, s31;
	s1 =	sadd.s32 s1, s30  }
0xd1: {  	s0 =	sor.u32 s4, s0;
	s1 =	sshll.u32 s1, $0x11  }
0xd2: {  	s0 =	sor.u32 s1, s0  }
0xd3: {  	s0 =	sadd.s32 $0x8F2B, s0  }
0xd4: {  	[sflag:s0] =	ssyncadd.remote.s32 $0x1  }
0xd5: {  	_ =	sfence.sel $0xFFFF  }
0xd6: {  	[dreg:$0x0] =	wrdreg $0xFFFFFFFF;
	(pc) =	sbr.abs _section_cstart, $3  }
0xd7: {  	[dreg:$0x1] =	wrdreg $0xFFFFFFFF  }
0xd8: {  	_ =	task.clear_ibuf [dreg:s22], $0x2FFFF;
	_ =	strace $0x9FFFFFFF  }
0xd9: {  	(tm) =	ssettm $0x7FFFFFFF  }
tec
execute0_lowered:
.L_overlay_start_1:
0x0: {  	(tag) =	ssettag $0x1  }
0x1: {  	s1 =	rddreg [dreg:$0x0]  }
0x2: {  	s2 =	rddreg [dreg:$0x1]  }
0x3: {  	s0 =	rddreg [dreg:$0x2]  }
0x4: {  	s3 =	rddreg [dreg:$0x3];
	s4 =	simm.s32 $0x0;
	s5 =	srdreg.scid  }
0x5: {  	s15 =	stileid.u32;
	s28 =	simm.s32 $0x180;
	s29 =	simm.s32 $0x300  }
0x6: {  	s30 =	simm.s32 $0x1;
	s31 =	simm.s32 $0x6;
	[smem:$0x7FF] =	sst s4  }
0x7: {  	s6 =	sadd.s32 $0x11000, s0;
	s7 =	sadd.s32 $0x38200, s0;
	s9 =	smul.u32 $0x2700, s15  }
0x8: {  	s5 =	sand.u32 $0x1, s5;
	s8 =	sshll.u32 s15, $0x4;
	s19 =	smul.u32 $0x4E000, s15  }
0x9: {  	s21 =	sadd.s32 $0xD2100, s0;
	s23 =	sadd.s32 $0xF9300, s0;
	s24 =	sadd.s32 $0x120500, s0  }
0xa: {  	p1 =	seq.s32 s15, $0xF;
	s18 =	sor.u32 $0x30, s15;
	_ =	strace $0x8000004D  }
0xb: {  	s10 =	ssub.s32 $0x2, s5;
	s11 =	sadd.s32 s8, s0;
	[dreg:$0x7] =	wrdreg s21  }
0xc: {  	s8 =	sadd.s32 $0xE800, s0;
	p3 =	seq.s32 s5, $0x1;
	[dreg:$0x9] =	wrdreg s23  }
0xd: {  	s5 =	sadd.s32 $0x124800, s3;
	[dreg:$0xb] =	wrdreg s24;
	s24 =	simm.s32 $0x100  }
0xe: {  	s12 =	sshrl.u32 s10, $0x1;
	s13 =	sadd.s32 s9, s0;
	s9 =	sadd.s32 $0x2D5400, s11  }
0xf: {  	s14 =	sshrl.u32 s19, $0x2;
	s0 =	sadd.s32 $0x147700, s0;
	s5 =	sshrl.u32 @p1 s5, $0x3  }
0x10: {  	[dreg:$0x5] =	wrdreg s8;
	s12 =	ssub.s32 s10, s12;
	s10 =	sadd.s32 $0x2D0400, s11  }
0x11: {  	s20 =	sadd.s32 $0xAD800, s13;
	s22 =	sadd.s32 $0xD4A00, s13;
	[dreg:$0xe] =	wrdreg s0  }
0x12: {  	s21 =	sadd.s32 s14, s3;
	s25 =	sadd.s32 $0x122E00, s13;
	[dreg:$0x10] =	wrdreg s5  }
0x13: {  	s26 =	sadd.s32 $0xFBC00, s13;
	s0 =	sshll.u32 @!p1 s15, $0x6;
	[dreg:$0x6] =	wrdreg s20  }
0x14: {  	s5 =	simm.s32 $0x2;
	s11 =	simm.s32 $0x3;
	[dreg:$0x8] =	wrdreg s22  }
.Ltmp0:
0x15: {  	s13 =	simm.s32 $0x200;
	[dreg:$0xc] =	wrdreg s25;
	(pc) =	sbr.rel .LBB2_1-.Ltmp0, $4  }
0x16: {  	s14 =	simm.s32 $0x0;
	[dreg:$0xd] =	wrdreg s26;
	s22 =	smax.u32 s12, $0x1  }
0x17: {  	s23 =	sor.u32 @!p1 $0x1C07, s0;
	s12 =	simm.s32 @!p3 $0x0;
	[dreg:$0xa] =	wrdreg s21  }
0x18: {  	s25 =	simm.s32 $0x5;
	s12 =	simm.s32 @p3 $0x1;
	[dreg:$0xf] =	wrdreg s22  }
0x19: {  	s26 =	simm.s32 $0x80;
	s0 =	simm.s32 $0x4300;
	[smem:$0x7FD] =	sst s12  }
.LBB2_10:
0x1a: {  	_ =	swait.ge [sflag:s11], $0x4000  }
0x1b: {  	[sflag:s11] =	ssyncset.done $0x0  }
0x1c: {  	s12 =	simm.s32 $0x4;
	[sflag:s11] =	ssyncadd.s32 $0xFFFFC000  }
0x1d: {  	_ =	swait.ge [sflag:s12], $0x4000  }
0x1e: {  	[sflag:s12] =	ssyncset.done $0x0  }
0x1f: {  	[sflag:s12] =	ssyncadd.s32 $0xFFFFC000  }
0x20: {  	[bflag:$0x0] =	sbarrier.arrive $0xFFFF  }
0x21: {  	s15 =	rddreg [dreg:$0x9]  }
0x22: {  	s12 =	simm.s32 @p1 $0x1FC7;
	s17 =	rddreg [dreg:$0x10]  }
0x23: {  	[hbm:s15], [sflag:s12] =	dma.local @p1 [spmem:s17], $0x2800  }
0x24: {  	s12 =	simm.s32 @p1 $0x7  }
0x25: {  	_ =	swait.ge @p1 [sflag:s12], $0x2800  }
0x26: {  	[sflag:s12] =	ssyncset.done @p1 $0x0  }
0x27: {  	[sflag:s12] =	ssyncadd.s32 @p1 $0xFFFFD800;
	s12 =	rddreg [dreg:$0x8]  }
0x28: {  	[hbm:s12], [sflag:s23] =	dma.local @!p1 [spmem:s16], $0x2700  }
0x29: {  	s12 =	simm.s32 @!p1 $0x7  }
0x2a: {  	_ =	swait.ge @!p1 [sflag:s12], $0x2700  }
0x2b: {  	[sflag:s12] =	ssyncset.done @!p1 $0x0  }
0x2c: {  	[sflag:s12] =	ssyncadd.s32 @!p1 $0xFFFFD900  }
.LBB2_16:
0x2d: {  	s14 =	sadd.s32 $0x1, s14  }
0x2e: {  	p0 =	sne.s32 s14, s22  }
.Ltmp1:
0x2f: {  	_ = 	snop;
	(pc) =	sbr.rel @!p0 .LBB2_17-.Ltmp1, $2  }
0x30: {  	_ =	sdelay $0x1  }
0x31: {  	[bflag:$0x0] =	sbarrier.arrive $0xFFFF;
	_ =	sdelay $0x1  }
.LBB2_1:
.Ltmp2:
0x32: {  	(pc) =	sbr.rel @!p3 .LBB2_2-.Ltmp2, $2  }
0x33: {  	_ =	sdelay $0x2  }
0x34: {  	s16 =	sshrl.u32 @!p1 s21, $0x3  }
0x35: {  	s12 =	simm.s32 @p1 $0x1FC7;
	s15 =	rddreg [dreg:$0x10]  }
0x36: {  	[spmem:s15], [sflag:s12] =	dma.local @p1 [hbm:s8], $0x2800  }
0x37: {  	s12 =	simm.s32 @p1 $0x7  }
0x38: {  	_ =	swait.ge @p1 [sflag:s12], $0x2800  }
0x39: {  	[sflag:s12] =	ssyncset.done @p1 $0x0  }
0x3a: {  	[sflag:s12] =	ssyncadd.s32 @p1 $0xFFFFD800;
	s12 =	simm.s32 @!p1 $0x7  }
0x3b: {  	[spmem:s16], [sflag:s23] =	dma.local @!p1 [hbm:s8], $0x2700  }
0x3c: {  	_ =	swait.ge @!p1 [sflag:s12], $0x2700  }
0x3d: {  	[sflag:s12] =	ssyncset.done @!p1 $0x0  }
0x3e: {  	[sflag:s12] =	ssyncadd.s32 @!p1 $0xFFFFD900  }
0x3f: {  	s17 =	simm.s32 $0x0;
	[bflag:$0x0] =	sbarrier.arrive $0xFFFF  }
0x40: {  	[tilespmem:s17], [sflag:$0x5] =	stream.linear.gather [hbm4b:s9+s17], $0x80, $0x38;
	[tilespmem:$0x1BB80] =	vst v63  }
0x41: {  	_ = 	snop  }
0x42: {  	[tilespmem:s24], [sflag:$0x5] =	stream.linear.gather [hbm4b:s10+s17], $0x80, $0x38;
	[tilespmem:$0x1BB80] =	vst v63  }
0x43: {  	_ =	swait.ge [sflag:s25], $0x80  }
0x44: {  	[sflag:s25] =	ssyncset.done $0x0  }
0x45: {  	[sflag:s25] =	ssyncadd.s32 $0xFFFFFF80  }
0x46: {  	_ =	swait.ge [sflag:s25], $0x80  }
0x47: {  	s19 =	sadd.s32 $0x0, s9;
	s20 =	sadd.s32 $0x0, s10;
	[sflag:s25] =	ssyncset.done $0x0  }
0x48: {  	p0 =	por $0x1, $0x1;
	s12 =	sadd.s32 $0x100, s19;
	[sflag:s25] =	ssyncadd.s32 $0xFFFFFF80  }
0x49: {  	[tilespmem:s26], [sflag:$0x6] =	stream.linear.gather [hbm4b:s12+s4], $0x80, $0x38;
	[tilespmem:$0x1BB80] =	vst v63  }
0x4a: {  	s21 =	sadd.s32 $0x100, s20;
	s12 =	simm.s32 @!p0 $0x3  }
0x4b: {  	[tilespmem:s28], [sflag:$0x6] =	stream.linear.gather [hbm4b:s21+s4], $0x80, $0x38;
	[tilespmem:$0x1BB80] =	vst v63  }
0x4c: {  	_ =	swait.ge @!p0 [sflag:s12], $0x4000  }
0x4d: {  	[sflag:s12] =	ssyncset.done @!p0 $0x0  }
0x4e: {  	[sflag:s12] =	ssyncadd.s32 @!p0 $0xFFFFC000  }
0x4f: {  	[tilespmem:s29], [sflag:$0x1] =	stream.indirect.gather [hbm4b:s6+s26], $0x80, s4, s26, $0xb8;
	[tilespmem:$0x1BB80] =	vst v63  }
0x50: {  	_ =	swait.ge [sflag:s30], $0x4000  }
0x51: {  	[sflag:s30] =	ssyncset.done $0x0  }
0x52: {  	[sflag:s30] =	ssyncadd.s32 $0xFFFFC000  }
0x53: {  	[spmem:s3] =	stream.indirect.scatter.add.f32 [tilespmem:s29], [sflag:$0x3], $0x80, s24, s26, $0xb8;
	[tilespmem:$0x1BB80] =	vst v63  }
0x54: {  	s22 =	sadd.s32 $0xFFFFFFE0, s18;
	_ =	swait.ge [sflag:s31], $0x80  }
0x55: {  	p2 =	sgt.u32 s22, $0x4D1;
	[sflag:s31] =	ssyncset.done $0x0  }
0x56: {  	s8 =	simm.s32 @!p2 $0x0;
	[sflag:s31] =	ssyncadd.s32 $0xFFFFFF80  }
0x57: {  	s15 =	sadd.s32 @!p2 $0x0, s10;
	s8 =	simm.s32 @p2 $0x1;
	_ =	swait.ge [sflag:s31], $0x80  }
0x58: {  	s19 =	simm.s32 @!p0 $0x4;
	s12 =	sadd.s32 @!p2 $0x0, s9;
	[sflag:s31] =	ssyncset.done $0x0  }
0x59: {  	s17 =	simm.s32 @!p2 $0x0;
	s12 =	sadd.s32 @!p2 $0x200, s12;
	[sflag:s31] =	ssyncadd.s32 $0xFFFFFF80  }
0x5a: {  	[tilespmem:s17], [sflag:$0x5] =	stream.linear.gather @!p2 [hbm4b:s12+s17], $0x80, $0x38;
	[tilespmem:$0x1BB80] =	vst v63  }
0x5b: {  	[smem:$0x7FC] =	sst s8;
	s12 =	sadd.s32 @!p2 $0x200, s15;
	s15 =	simm.s32 @!p2 $0x200  }
0x5c: {  	[tilespmem:s15], [sflag:$0x5] =	stream.linear.gather @!p2 [hbm4b:s12+s17], $0x80, $0x38;
	[tilespmem:$0x1BB80] =	vst v63  }
0x5d: {  	_ =	swait.ge @!p0 [sflag:s19], $0x4000  }
0x5e: {  	[sflag:s19] =	ssyncset.done @!p0 $0x0  }
0x5f: {  	[sflag:s19] =	ssyncadd.s32 @!p0 $0xFFFFC000  }
0x60: {  	[tilespmem:s0], [sflag:$0x2] =	stream.indirect.gather [hbm4b:s6+s26], $0x80, s26, s26, $0xb8;
	[tilespmem:$0x1BB80] =	vst v63  }
0x61: {  	s12 =	sadd.s32 $0xFFFFFFF0, s18;
	_ =	swait.ge [sflag:s5], $0x4000  }
0x62: {  	p2 =	sgt.u32 s12, $0x4E1;
	[sflag:s5] =	ssyncset.done $0x0  }
0x63: {  	s15 =	simm.s32 @!p2 $0x5;
	[sflag:s5] =	ssyncadd.s32 $0xFFFFC000  }
0x64: {  	[spmem:s3] =	stream.indirect.scatter.add.f32 [tilespmem:s0], [sflag:$0x4], $0x80, s28, s26, $0xb8;
	[tilespmem:$0x1BB80] =	vst v63  }
0x65: {  	_ =	swait.ge @!p2 [sflag:s15], $0x80  }
0x66: {  	p0 =	sgt.u32 @!p2 s12, $0x4D1;
	[sflag:s15] =	ssyncset.done @!p2 $0x0  }
0x67: {  	p4 =	por p0, p2;
	[sflag:s15] =	ssyncadd.s32 @!p2 $0xFFFFFF80  }
0x68: {  	s12 =	sadd.s32 @!p4 $0x0, s9;
	_ =	swait.ge @!p2 [sflag:s15], $0x80  }
0x69: {  	s17 =	simm.s32 @!p4 $0x80;
	s19 =	simm.s32 @!p4 $0x0;
	[sflag:s15] =	ssyncset.done @!p2 $0x0  }
0x6a: {  	s12 =	sadd.s32 @!p4 $0x300, s12;
	[sflag:s15] =	ssyncadd.s32 @!p2 $0xFFFFFF80;
	s15 =	sadd.s32 @!p4 $0x0, s10  }
0x6b: {  	[tilespmem:s17], [sflag:$0x6] =	stream.linear.gather @!p4 [hbm4b:s12+s19], $0x80, $0x38;
	[tilespmem:$0x1BB80] =	vst v63  }
0x6c: {  	s12 =	simm.s32 @!p4 $0x280;
	s15 =	sadd.s32 @!p4 $0x300, s15;
	s17 =	simm.s32 @!p2 $0x3  }
0x6d: {  	[tilespmem:s12], [sflag:$0x6] =	stream.linear.gather @!p4 [hbm4b:s15+s19], $0x80, $0x38;
	[tilespmem:$0x1BB80] =	vst v63  }
0x6e: {  	_ =	swait.ge @!p2 [sflag:s17], $0x4000  }
0x6f: {  	s12 =	simm.s32 @!p2 $0x300;
	s15 =	simm.s32 @!p2 $0x80;
	[sflag:s17] =	ssyncset.done @!p2 $0x0  }
0x70: {  	s19 =	simm.s32 @!p2 $0x0;
	[sflag:s17] =	ssyncadd.s32 @!p2 $0xFFFFC000;
	s17 =	simm.s32 @!p2 $0x1  }
0x71: {  	[tilespmem:s12], [sflag:$0x1] =	stream.indirect.gather @!p2 [hbm4b:s6+s15], $0x80, s19, s15, $0xb8;
	[tilespmem:$0x1BB80] =	vst v63  }
0x72: {  	_ =	swait.ge @!p2 [sflag:s17], $0x4000  }
0x73: {  	p6 =	sgt.u32 s18, $0x4E1;
	[sflag:s17] =	ssyncset.done @!p2 $0x0  }
0x74: {  	s19 =	simm.s32 @!p2 $0x200;
	[sflag:s17] =	ssyncadd.s32 @!p2 $0xFFFFC000;
	s17 =	simm.s32 @!p6 $0x6  }
0x75: {  	[spmem:s3] =	stream.indirect.scatter.add.f32 @!p2 [tilespmem:s12], [sflag:$0x3], $0x80, s19, s15, $0xb8;
	[tilespmem:$0x1BB80] =	vst v63  }
0x76: {  	_ =	swait.ge @!p6 [sflag:s17], $0x80  }
0x77: {  	[sflag:s17] =	ssyncset.done @!p6 $0x0  }
0x78: {  	p0 =	sgt.u32 @!p6 s18, $0x4D1;
	[sflag:s17] =	ssyncadd.s32 @!p6 $0xFFFFFF80  }
0x79: {  	p0 =	por p0, p6;
	_ =	swait.ge @!p6 [sflag:s17], $0x80  }
0x7a: {  	s12 =	sadd.s32 @!p0 $0x0, s9;
	s15 =	sadd.s32 @!p0 $0x0, s10;
	[sflag:s17] =	ssyncset.done @!p6 $0x0  }
0x7b: {  	s19 =	simm.s32 @!p0 $0x0;
	s12 =	sadd.s32 @!p0 $0x400, s12;
	[sflag:s17] =	ssyncadd.s32 @!p6 $0xFFFFFF80  }
0x7c: {  	[tilespmem:s19], [sflag:$0x5] =	stream.linear.gather @!p0 [hbm4b:s12+s19], $0x80, $0x38;
	[tilespmem:$0x1BB80] =	vst v63  }
0x7d: {  	s17 =	simm.s32 @!p6 $0x4;
	s12 =	sadd.s32 @!p0 $0x400, s15;
	s15 =	simm.s32 @!p0 $0x100  }
0x7e: {  	[tilespmem:s15], [sflag:$0x5] =	stream.linear.gather @!p0 [hbm4b:s12+s19], $0x80, $0x38;
	[tilespmem:$0x1BB80] =	vst v63  }
0x7f: {  	_ =	swait.ge @!p6 [sflag:s17], $0x4000  }
0x80: {  	s20 =	simm.s32 @!p6 $0x4300;
	[sflag:s17] =	ssyncset.done @!p6 $0x0  }
0x81: {  	s15 =	simm.s32 @!p6 $0x80;
	s19 =	simm.s32 @!p6 $0x2;
	[sflag:s17] =	ssyncadd.s32 @!p6 $0xFFFFC000  }
0x82: {  	[tilespmem:s20], [sflag:$0x2] =	stream.indirect.gather @!p6 [hbm4b:s6+s15], $0x80, s15, s15, $0xb8;
	[tilespmem:$0x1BB80] =	vst v63  }
0x83: {  	s21 =	smov.u32 s18;
	_ =	swait.ge @!p6 [sflag:s19], $0x4000  }
0x84: {  	s12 =	simm.s32 @!p6 $0x280;
	s17 =	simm.s32 $0x400;
	[sflag:s19] =	ssyncset.done @!p6 $0x0  }
.LBB2_12:
0x85: {  	[sflag:s19] =	ssyncadd.s32 @!p6 $0xFFFFC000  }
0x86: {  	s21 =	sadd.s32 $0x40, s21;
	s19 =	smov.u32 s17;
	s17 =	sadd.s32 $0x400, s17  }
0x87: {  	[spmem:s3] =	stream.indirect.scatter.add.f32 @!p6 [tilespmem:s20], [sflag:$0x4], $0x80, s12, s15, $0xb8;
	[tilespmem:$0x1BB80] =	vst v63  }
0x88: {  	p5 =	sne.s32 s17, $0x5000;
	_ =	swait.ge [sflag:s25], $0x80  }
0x89: {  	[sflag:s25] =	ssyncset.done $0x0  }
0x8a: {  	[sflag:s25] =	ssyncadd.s32 $0xFFFFFF80  }
0x8b: {  	_ =	swait.ge [sflag:s25], $0x80  }
0x8c: {  	s12 =	sadd.s32 s19, s9;
	[sflag:s25] =	ssyncset.done $0x0  }
0x8d: {  	s15 =	sadd.s32 s19, s10;
	s12 =	sadd.s32 $0x100, s12;
	[sflag:s25] =	ssyncadd.s32 $0xFFFFFF80  }
0x8e: {  	[tilespmem:s26], [sflag:$0x6] =	stream.linear.gather [hbm4b:s12+s4], $0x80, $0x38;
	[tilespmem:$0x1BB80] =	vst v63  }
0x8f: {  	p0 =	seq.s32 s19, $0x0;
	s12 =	sadd.s32 $0x100, s15  }
0x90: {  	[tilespmem:s28], [sflag:$0x6] =	stream.linear.gather [hbm4b:s12+s4], $0x80, $0x38;
	[tilespmem:$0x1BB80] =	vst v63  }
0x91: {  	s12 =	simm.s32 @!p0 $0x3  }
0x92: {  	_ =	swait.ge @!p0 [sflag:s12], $0x4000  }
0x93: {  	[sflag:s12] =	ssyncset.done @!p0 $0x0  }
0x94: {  	[sflag:s12] =	ssyncadd.s32 @!p0 $0xFFFFC000  }
0x95: {  	[tilespmem:s29], [sflag:$0x1] =	stream.indirect.gather [hbm4b:s6+s26], $0x80, s4, s26, $0xb8;
	[tilespmem:$0x1BB80] =	vst v63  }
0x96: {  	_ =	swait.ge [sflag:s30], $0x4000  }
0x97: {  	[sflag:s30] =	ssyncset.done $0x0  }
0x98: {  	[sflag:s30] =	ssyncadd.s32 $0xFFFFC000  }
0x99: {  	[spmem:s3] =	stream.indirect.scatter.add.f32 [tilespmem:s29], [sflag:$0x3], $0x80, s24, s26, $0xb8;
	[tilespmem:$0x1BB80] =	vst v63  }
0x9a: {  	_ =	swait.ge [sflag:s31], $0x80  }
0x9b: {  	s12 =	sadd.s32 $0xFFFFFFE0, s21;
	[sflag:s31] =	ssyncset.done $0x0  }
0x9c: {  	p6 =	sgt.u32 s12, $0x4D1;
	[sflag:s31] =	ssyncadd.s32 $0xFFFFFF80  }
0x9d: {  	s12 =	sadd.s32 @!p6 s19, s9;
	s15 =	sadd.s32 @!p6 s19, s10;
	_ =	swait.ge [sflag:s31], $0x80  }
0x9e: {  	s20 =	simm.s32 @!p6 $0x0;
	s12 =	sadd.s32 @!p6 $0x200, s12;
	[sflag:s31] =	ssyncset.done $0x0  }
0x9f: {  	s8 =	simm.s32 @!p6 $0x200;
	s15 =	sadd.s32 @!p6 $0x200, s15;
	[sflag:s31] =	ssyncadd.s32 $0xFFFFFF80  }
0xa0: {  	[tilespmem:s20], [sflag:$0x5] =	stream.linear.gather @!p6 [hbm4b:s12+s20], $0x80, $0x38;
	[tilespmem:$0x1BB80] =	vst v63  }
0xa1: {  	s12 =	simm.s32 @!p0 $0x4  }
0xa2: {  	[tilespmem:s8], [sflag:$0x5] =	stream.linear.gather @!p6 [hbm4b:s15+s20], $0x80, $0x38;
	[tilespmem:$0x1BB80] =	vst v63  }
0xa3: {  	_ =	swait.ge @!p0 [sflag:s12], $0x4000  }
0xa4: {  	[sflag:s12] =	ssyncset.done @!p0 $0x0  }
0xa5: {  	[sflag:s12] =	ssyncadd.s32 @!p0 $0xFFFFC000  }
0xa6: {  	[tilespmem:s0], [sflag:$0x2] =	stream.indirect.gather [hbm4b:s6+s26], $0x80, s26, s26, $0xb8;
	[tilespmem:$0x1BB80] =	vst v63  }
0xa7: {  	s8 =	sadd.s32 $0xFFFFFFF0, s21;
	_ =	swait.ge [sflag:s5], $0x4000  }
0xa8: {  	p0 =	sgt.u32 s8, $0x4E1;
	[sflag:s5] =	ssyncset.done $0x0  }
0xa9: {  	s12 =	simm.s32 @!p0 $0x5;
	p6 =	sgt.u32 @!p0 s8, $0x4D1;
	[sflag:s5] =	ssyncadd.s32 $0xFFFFC000  }
0xaa: {  	[spmem:s3] =	stream.indirect.scatter.add.f32 [tilespmem:s0], [sflag:$0x4], $0x80, s28, s26, $0xb8;
	[tilespmem:$0x1BB80] =	vst v63  }
0xab: {  	_ =	swait.ge @!p0 [sflag:s12], $0x80  }
0xac: {  	[sflag:s12] =	ssyncset.done @!p0 $0x0  }
0xad: {  	p6 =	por p6, p0;
	[sflag:s12] =	ssyncadd.s32 @!p0 $0xFFFFFF80  }
0xae: {  	s8 =	sadd.s32 @!p6 s19, s9;
	s15 =	simm.s32 @!p6 $0x80;
	_ =	swait.ge @!p0 [sflag:s12], $0x80  }
0xaf: {  	s20 =	simm.s32 @!p6 $0x0;
	s8 =	sadd.s32 @!p6 $0x300, s8;
	[sflag:s12] =	ssyncset.done @!p0 $0x0  }
0xb0: {  	s22 =	simm.s32 @!p6 $0x280;
	[sflag:s12] =	ssyncadd.s32 @!p0 $0xFFFFFF80;
	s12 =	sadd.s32 @!p6 s19, s10  }
0xb1: {  	[tilespmem:s15], [sflag:$0x6] =	stream.linear.gather @!p6 [hbm4b:s8+s20], $0x80, $0x38;
	[tilespmem:$0x1BB80] =	vst v63  }
0xb2: {  	s8 =	sadd.s32 @!p6 $0x300, s12;
	s12 =	simm.s32 @!p0 $0x3  }
0xb3: {  	[tilespmem:s22], [sflag:$0x6] =	stream.linear.gather @!p6 [hbm4b:s8+s20], $0x80, $0x38;
	[tilespmem:$0x1BB80] =	vst v63  }
0xb4: {  	s8 =	simm.s32 @!p0 $0x300;
	_ =	swait.ge @!p0 [sflag:s12], $0x4000  }
0xb5: {  	s15 =	simm.s32 @!p0 $0x80;
	s20 =	simm.s32 @!p0 $0x0;
	[sflag:s12] =	ssyncset.done @!p0 $0x0  }
0xb6: {  	[sflag:s12] =	ssyncadd.s32 @!p0 $0xFFFFC000;
	s12 =	simm.s32 @!p0 $0x1  }
0xb7: {  	[tilespmem:s8], [sflag:$0x1] =	stream.indirect.gather @!p0 [hbm4b:s6+s15], $0x80, s20, s15, $0xb8;
	[tilespmem:$0x1BB80] =	vst v63  }
0xb8: {  	_ =	swait.ge @!p0 [sflag:s12], $0x4000  }
0xb9: {  	p6 =	sgt.u32 s21, $0x4E1;
	s20 =	simm.s32 @!p0 $0x200;
	[sflag:s12] =	ssyncset.done @!p0 $0x0  }
0xba: {  	p3 =	sgt.u32 @!p6 s21, $0x4D1;
	[sflag:s12] =	ssyncadd.s32 @!p0 $0xFFFFC000;
	s12 =	simm.s32 @!p6 $0x6  }
0xbb: {  	[spmem:s3] =	stream.indirect.scatter.add.f32 @!p0 [tilespmem:s8], [sflag:$0x3], $0x80, s20, s15, $0xb8;
	[tilespmem:$0x1BB80] =	vst v63  }
0xbc: {  	_ =	swait.ge @!p6 [sflag:s12], $0x80  }
0xbd: {  	[sflag:s12] =	ssyncset.done @!p6 $0x0  }
0xbe: {  	p0 =	por p3, p6;
	[sflag:s12] =	ssyncadd.s32 @!p6 $0xFFFFFF80  }
0xbf: {  	s8 =	sadd.s32 @!p0 s19, s9;
	s15 =	sadd.s32 @!p0 s19, s10;
	_ =	swait.ge @!p6 [sflag:s12], $0x80  }
0xc0: {  	s19 =	simm.s32 @!p0 $0x0;
	s8 =	sadd.s32 @!p0 $0x400, s8;
	[sflag:s12] =	ssyncset.done @!p6 $0x0  }
0xc1: {  	[sflag:s12] =	ssyncadd.s32 @!p6 $0xFFFFFF80;
	s12 =	sadd.s32 @!p0 $0x400, s15;
	s15 =	simm.s32 @!p0 $0x100  }
0xc2: {  	[tilespmem:s19], [sflag:$0x5] =	stream.linear.gather @!p0 [hbm4b:s8+s19], $0x80, $0x38;
	[tilespmem:$0x1BB80] =	vst v63  }
0xc3: {  	s8 =	simm.s32 @!p6 $0x4  }
0xc4: {  	[tilespmem:s15], [sflag:$0x5] =	stream.linear.gather @!p0 [hbm4b:s12+s19], $0x80, $0x38;
	[tilespmem:$0x1BB80] =	vst v63  }
0xc5: {  	s20 =	simm.s32 @!p6 $0x4300;
	_ =	swait.ge @!p6 [sflag:s8], $0x4000  }
.Ltmp3:
0xc6: {  	s15 =	simm.s32 @!p6 $0x80;
	[sflag:s8] =	ssyncset.done @!p6 $0x0;
	(pc) =	sbr.rel @p5 .LBB2_12-.Ltmp3, $4  }
0xc7: {  	s19 =	simm.s32 @!p6 $0x2;
	[sflag:s8] =	ssyncadd.s32 @!p6 $0xFFFFC000  }
0xc8: {  	[tilespmem:s20], [sflag:$0x2] =	stream.indirect.gather @!p6 [hbm4b:s6+s15], $0x80, s15, s15, $0xb8;
	[tilespmem:$0x1BB80] =	vst v63  }
0xc9: {  	_ =	swait.ge @!p6 [sflag:s19], $0x4000  }
0xca: {  	s12 =	simm.s32 @!p6 $0x280;
	[sflag:s19] =	ssyncset.done @!p6 $0x0  }
0xcb: {  	[sflag:s19] =	ssyncadd.s32 @!p6 $0xFFFFC000  }
0xcc: {  	[spmem:s3] =	stream.indirect.scatter.add.f32 @!p6 [tilespmem:s20], [sflag:$0x4], $0x80, s12, s15, $0xb8;
	[tilespmem:$0x1BB80] =	vst v63  }
0xcd: {  	_ =	swait.ge [sflag:s11], $0x4000  }
0xce: {  	[sflag:s11] =	ssyncset.done $0x0  }
0xcf: {  	s8 =	simm.s32 $0x4;
	[sflag:s11] =	ssyncadd.s32 $0xFFFFC000  }
0xd0: {  	_ =	swait.ge [sflag:s8], $0x4000  }
0xd1: {  	[sflag:s8] =	ssyncset.done $0x0  }
0xd2: {  	[sflag:s8] =	ssyncadd.s32 $0xFFFFC000  }
0xd3: {  	[bflag:$0x0] =	sbarrier.arrive $0xFFFF  }
0xd4: {  	s12 =	rddreg [dreg:$0xb]  }
0xd5: {  	s8 =	simm.s32 @p1 $0x1FC7;
	s17 =	rddreg [dreg:$0x10]  }
0xd6: {  	[hbm:s12], [sflag:s8] =	dma.local @p1 [spmem:s17], $0x2800  }
0xd7: {  	s12 =	simm.s32 @p1 $0x7  }
0xd8: {  	_ =	swait.ge @p1 [sflag:s12], $0x2800  }
0xd9: {  	[sflag:s12] =	ssyncset.done @p1 $0x0  }
0xda: {  	[sflag:s12] =	ssyncadd.s32 @p1 $0xFFFFD800  }
0xdb: {  	[bflag:$0x0] =	sbarrier.arrive @p1 $0xFFFF  }
0xdc: {  	s15 =	rddreg [dreg:$0x5]  }
0xdd: {  	[spmem:s17], [sflag:s8] =	dma.local @p1 [hbm:s15], $0x2800  }
0xde: {  	_ =	swait.ge @p1 [sflag:s12], $0x2800  }
0xdf: {  	[sflag:s12] =	ssyncset.done @p1 $0x0  }
0xe0: {  	s8 =	rddreg [dreg:$0xd];
	[sflag:s12] =	ssyncadd.s32 @p1 $0xFFFFD800  }
0xe1: {  	[hbm:s8], [sflag:s23] =	dma.local @!p1 [spmem:s16], $0x2700  }
0xe2: {  	s8 =	simm.s32 @!p1 $0x7  }
0xe3: {  	_ =	swait.ge @!p1 [sflag:s8], $0x2700  }
0xe4: {  	[sflag:s8] =	ssyncset.done @!p1 $0x0  }
0xe5: {  	[sflag:s8] =	ssyncadd.s32 @!p1 $0xFFFFD900  }
0xe6: {  	[bflag:$0x0] =	sbarrier.arrive @!p1 $0xFFFF  }
0xe7: {  	[spmem:s16], [sflag:s23] =	dma.local @!p1 [hbm:s15], $0x2700  }
0xe8: {  	_ =	swait.ge @!p1 [sflag:s8], $0x2700  }
0xe9: {  	[sflag:s8] =	ssyncset.done @!p1 $0x0  }
0xea: {  	[sflag:s8] =	ssyncadd.s32 @!p1 $0xFFFFD900  }
0xeb: {  	s17 =	simm.s32 $0x0;
	[bflag:$0x0] =	sbarrier.arrive $0xFFFF  }
0xec: {  	[tilespmem:s17], [sflag:$0x5] =	stream.linear.gather [hbm4b:s9+s17], $0x80, $0x38;
	[tilespmem:$0x1BB80] =	vst v63  }
0xed: {  	_ = 	snop  }
0xee: {  	[tilespmem:s24], [sflag:$0x5] =	stream.linear.gather [hbm4b:s10+s17], $0x80, $0x38;
	[tilespmem:$0x1BB80] =	vst v63  }
0xef: {  	_ =	swait.ge [sflag:s25], $0x80  }
0xf0: {  	[sflag:s25] =	ssyncset.done $0x0  }
0xf1: {  	[sflag:s25] =	ssyncadd.s32 $0xFFFFFF80  }
0xf2: {  	_ =	swait.ge [sflag:s25], $0x80  }
0xf3: {  	s19 =	sadd.s32 $0x0, s9;
	p0 =	por $0x1, $0x1;
	[sflag:s25] =	ssyncset.done $0x0  }
0xf4: {  	s20 =	sadd.s32 $0x0, s10;
	s8 =	sadd.s32 $0x100, s19;
	[sflag:s25] =	ssyncadd.s32 $0xFFFFFF80  }
0xf5: {  	[tilespmem:s26], [sflag:$0x6] =	stream.linear.gather [hbm4b:s8+s4], $0x80, $0x38;
	[tilespmem:$0x1BB80] =	vst v63  }
0xf6: {  	s21 =	sadd.s32 $0x100, s20;
	s8 =	simm.s32 @!p0 $0x3  }
0xf7: {  	[tilespmem:s28], [sflag:$0x6] =	stream.linear.gather [hbm4b:s21+s4], $0x80, $0x38;
	[tilespmem:$0x1BB80] =	vst v63  }
0xf8: {  	_ =	swait.ge @!p0 [sflag:s8], $0x4000  }
0xf9: {  	[sflag:s8] =	ssyncset.done @!p0 $0x0  }
0xfa: {  	[sflag:s8] =	ssyncadd.s32 @!p0 $0xFFFFC000  }
0xfb: {  	[tilespmem:s29], [sflag:$0x1] =	stream.indirect.gather [hbm4b:s7+s26], $0x80, s4, s26, $0xb8;
	[tilespmem:$0x1BB80] =	vst v63  }
0xfc: {  	_ =	swait.ge [sflag:s30], $0x4000  }
0xfd: {  	[sflag:s30] =	ssyncset.done $0x0  }
0xfe: {  	[sflag:s30] =	ssyncadd.s32 $0xFFFFC000  }
0xff: {  	[spmem:s3] =	stream.indirect.scatter.add.f32 [tilespmem:s29], [sflag:$0x3], $0x80, s24, s26, $0xb8;
	[tilespmem:$0x1BB80] =	vst v63  }
0x100: {  	_ =	swait.ge [sflag:s31], $0x80  }
0x101: {  	[sflag:s31] =	ssyncset.done $0x0  }
0x102: {  	[sflag:s31] =	ssyncadd.s32 $0xFFFFFF80  }
0x103: {  	_ =	swait.ge [sflag:s31], $0x80  }
0x104: {  	s22 =	sld [smem:$0x7FC];
	_ =	sdelay $0x2  }
0x105: {  	[sflag:s31] =	ssyncset.done $0x0;
	p3 =	seq.s32 s22, $0x1  }
0x106: {  	[sflag:s31] =	ssyncadd.s32 $0xFFFFFF80;
	s8 =	sadd.s32 @!p3 $0x0, s9  }
0x107: {  	s12 =	sadd.s32 @!p3 $0x0, s10;
	s15 =	simm.s32 @!p3 $0x0;
	s8 =	sadd.s32 @!p3 $0x200, s8  }
0x108: {  	[tilespmem:s15], [sflag:$0x5] =	stream.linear.gather @!p3 [hbm4b:s8+s15], $0x80, $0x38;
	[tilespmem:$0x1BB80] =	vst v63  }
0x109: {  	s17 =	simm.s32 @!p0 $0x4;
	s8 =	sadd.s32 @!p3 $0x200, s12;
	s12 =	simm.s32 @!p3 $0x200  }
0x10a: {  	[tilespmem:s12], [sflag:$0x5] =	stream.linear.gather @!p3 [hbm4b:s8+s15], $0x80, $0x38;
	[tilespmem:$0x1BB80] =	vst v63  }
0x10b: {  	_ =	swait.ge @!p0 [sflag:s17], $0x4000  }
0x10c: {  	[sflag:s17] =	ssyncset.done @!p0 $0x0  }
0x10d: {  	[sflag:s17] =	ssyncadd.s32 @!p0 $0xFFFFC000  }
0x10e: {  	[tilespmem:s0], [sflag:$0x2] =	stream.indirect.gather [hbm4b:s7+s26], $0x80, s26, s26, $0xb8;
	[tilespmem:$0x1BB80] =	vst v63  }
0x10f: {  	_ =	swait.ge [sflag:s5], $0x4000  }
0x110: {  	[sflag:s5] =	ssyncset.done $0x0  }
0x111: {  	s8 =	simm.s32 @!p2 $0x5;
	[sflag:s5] =	ssyncadd.s32 $0xFFFFC000  }
0x112: {  	[spmem:s3] =	stream.indirect.scatter.add.f32 [tilespmem:s0], [sflag:$0x4], $0x80, s28, s26, $0xb8;
	[tilespmem:$0x1BB80] =	vst v63  }
0x113: {  	_ =	swait.ge @!p2 [sflag:s8], $0x80  }
0x114: {  	[sflag:s8] =	ssyncset.done @!p2 $0x0  }
0x115: {  	[sflag:s8] =	ssyncadd.s32 @!p2 $0xFFFFFF80  }
0x116: {  	s12 =	sadd.s32 @!p4 $0x0, s9;
	_ =	swait.ge @!p2 [sflag:s8], $0x80  }
0x117: {  	s15 =	simm.s32 @!p4 $0x80;
	s12 =	sadd.s32 @!p4 $0x300, s12;
	[sflag:s8] =	ssyncset.done @!p2 $0x0  }
0x118: {  	s17 =	simm.s32 @!p4 $0x0;
	[sflag:s8] =	ssyncadd.s32 @!p2 $0xFFFFFF80;
	s8 =	sadd.s32 @!p4 $0x0, s10  }
0x119: {  	[tilespmem:s15], [sflag:$0x6] =	stream.linear.gather @!p4 [hbm4b:s12+s17], $0x80, $0x38;
	[tilespmem:$0x1BB80] =	vst v63  }
0x11a: {  	s12 =	simm.s32 @!p4 $0x280;
	s8 =	sadd.s32 @!p4 $0x300, s8;
	s15 =	simm.s32 @!p2 $0x3  }
0x11b: {  	[tilespmem:s12], [sflag:$0x6] =	stream.linear.gather @!p4 [hbm4b:s8+s17], $0x80, $0x38;
	[tilespmem:$0x1BB80] =	vst v63  }
0x11c: {  	_ =	swait.ge @!p2 [sflag:s15], $0x4000  }
0x11d: {  	s8 =	simm.s32 @!p2 $0x300;
	s12 =	simm.s32 @!p2 $0x80;
	[sflag:s15] =	ssyncset.done @!p2 $0x0  }
0x11e: {  	s17 =	simm.s32 @!p2 $0x0;
	[sflag:s15] =	ssyncadd.s32 @!p2 $0xFFFFC000;
	s15 =	simm.s32 @!p2 $0x1  }
0x11f: {  	[tilespmem:s8], [sflag:$0x1] =	stream.indirect.gather @!p2 [hbm4b:s7+s12], $0x80, s17, s12, $0xb8;
	[tilespmem:$0x1BB80] =	vst v63  }
0x120: {  	_ =	swait.ge @!p2 [sflag:s15], $0x4000  }
0x121: {  	p3 =	sgt.u32 s18, $0x4E1;
	[sflag:s15] =	ssyncset.done @!p2 $0x0  }
0x122: {  	s17 =	simm.s32 @!p2 $0x200;
	[sflag:s15] =	ssyncadd.s32 @!p2 $0xFFFFC000;
	s15 =	simm.s32 @!p3 $0x6  }
0x123: {  	[spmem:s3] =	stream.indirect.scatter.add.f32 @!p2 [tilespmem:s8], [sflag:$0x3], $0x80, s17, s12, $0xb8;
	[tilespmem:$0x1BB80] =	vst v63  }
0x124: {  	_ =	swait.ge @!p3 [sflag:s15], $0x80  }
0x125: {  	[sflag:s15] =	ssyncset.done @!p3 $0x0  }
0x126: {  	p0 =	sgt.u32 @!p3 s18, $0x4D1;
	[sflag:s15] =	ssyncadd.s32 @!p3 $0xFFFFFF80  }
0x127: {  	p0 =	por p0, p3;
	_ =	swait.ge @!p3 [sflag:s15], $0x80  }
0x128: {  	s8 =	sadd.s32 @!p0 $0x0, s9;
	s12 =	sadd.s32 @!p0 $0x0, s10;
	[sflag:s15] =	ssyncset.done @!p3 $0x0  }
0x129: {  	s17 =	simm.s32 @!p0 $0x0;
	s8 =	sadd.s32 @!p0 $0x400, s8;
	[sflag:s15] =	ssyncadd.s32 @!p3 $0xFFFFFF80  }
0x12a: {  	[tilespmem:s17], [sflag:$0x5] =	stream.linear.gather @!p0 [hbm4b:s8+s17], $0x80, $0x38;
	[tilespmem:$0x1BB80] =	vst v63  }
0x12b: {  	s19 =	simm.s32 @!p3 $0x4;
	s8 =	sadd.s32 @!p0 $0x400, s12;
	s12 =	simm.s32 @!p0 $0x100  }
0x12c: {  	[tilespmem:s12], [sflag:$0x5] =	stream.linear.gather @!p0 [hbm4b:s8+s17], $0x80, $0x38;
	[tilespmem:$0x1BB80] =	vst v63  }
0x12d: {  	_ =	swait.ge @!p3 [sflag:s19], $0x4000  }
0x12e: {  	s20 =	simm.s32 @!p3 $0x4300;
	[sflag:s19] =	ssyncset.done @!p3 $0x0  }
0x12f: {  	s15 =	simm.s32 @!p3 $0x80;
	[sflag:s19] =	ssyncadd.s32 @!p3 $0xFFFFC000;
	s19 =	simm.s32 @!p3 $0x2  }
0x130: {  	[tilespmem:s20], [sflag:$0x2] =	stream.indirect.gather @!p3 [hbm4b:s7+s15], $0x80, s15, s15, $0xb8;
	[tilespmem:$0x1BB80] =	vst v63  }
0x131: {  	s21 =	smov.u32 s18;
	_ =	swait.ge @!p3 [sflag:s19], $0x4000  }
0x132: {  	s17 =	simm.s32 $0x400;
	s12 =	simm.s32 @!p3 $0x280;
	[sflag:s19] =	ssyncset.done @!p3 $0x0  }
.LBB2_14:
0x133: {  	[sflag:s19] =	ssyncadd.s32 @!p3 $0xFFFFC000  }
0x134: {  	s21 =	sadd.s32 $0x40, s21;
	s19 =	smov.u32 s17;
	s17 =	sadd.s32 $0x400, s17  }
0x135: {  	[spmem:s3] =	stream.indirect.scatter.add.f32 @!p3 [tilespmem:s20], [sflag:$0x4], $0x80, s12, s15, $0xb8;
	[tilespmem:$0x1BB80] =	vst v63  }
0x136: {  	p2 =	sne.s32 s17, $0x5000;
	_ =	swait.ge [sflag:s25], $0x80  }
0x137: {  	[sflag:s25] =	ssyncset.done $0x0  }
0x138: {  	[sflag:s25] =	ssyncadd.s32 $0xFFFFFF80  }
0x139: {  	_ =	swait.ge [sflag:s25], $0x80  }
0x13a: {  	s8 =	sadd.s32 s19, s9;
	[sflag:s25] =	ssyncset.done $0x0  }
0x13b: {  	s12 =	sadd.s32 s19, s10;
	s8 =	sadd.s32 $0x100, s8;
	[sflag:s25] =	ssyncadd.s32 $0xFFFFFF80  }
0x13c: {  	[tilespmem:s26], [sflag:$0x6] =	stream.linear.gather [hbm4b:s8+s4], $0x80, $0x38;
	[tilespmem:$0x1BB80] =	vst v63  }
0x13d: {  	p0 =	seq.s32 s19, $0x0;
	s8 =	sadd.s32 $0x100, s12  }
0x13e: {  	[tilespmem:s28], [sflag:$0x6] =	stream.linear.gather [hbm4b:s8+s4], $0x80, $0x38;
	[tilespmem:$0x1BB80] =	vst v63  }
0x13f: {  	s8 =	simm.s32 @!p0 $0x3  }
0x140: {  	_ =	swait.ge @!p0 [sflag:s8], $0x4000  }
0x141: {  	[sflag:s8] =	ssyncset.done @!p0 $0x0  }
0x142: {  	[sflag:s8] =	ssyncadd.s32 @!p0 $0xFFFFC000  }
0x143: {  	[tilespmem:s29], [sflag:$0x1] =	stream.indirect.gather [hbm4b:s7+s26], $0x80, s4, s26, $0xb8;
	[tilespmem:$0x1BB80] =	vst v63  }
0x144: {  	_ =	swait.ge [sflag:s30], $0x4000  }
0x145: {  	[sflag:s30] =	ssyncset.done $0x0  }
0x146: {  	[sflag:s30] =	ssyncadd.s32 $0xFFFFC000  }
0x147: {  	[spmem:s3] =	stream.indirect.scatter.add.f32 [tilespmem:s29], [sflag:$0x3], $0x80, s24, s26, $0xb8;
	[tilespmem:$0x1BB80] =	vst v63  }
0x148: {  	_ =	swait.ge [sflag:s31], $0x80  }
0x149: {  	s8 =	sadd.s32 $0xFFFFFFE0, s21;
	[sflag:s31] =	ssyncset.done $0x0  }
0x14a: {  	p3 =	sgt.u32 s8, $0x4D1;
	[sflag:s31] =	ssyncadd.s32 $0xFFFFFF80  }
0x14b: {  	s8 =	sadd.s32 @!p3 s19, s9;
	s12 =	sadd.s32 @!p3 s19, s10;
	_ =	swait.ge [sflag:s31], $0x80  }
0x14c: {  	s15 =	simm.s32 @!p3 $0x0;
	s8 =	sadd.s32 @!p3 $0x200, s8;
	[sflag:s31] =	ssyncset.done $0x0  }
0x14d: {  	s20 =	simm.s32 @!p3 $0x200;
	s12 =	sadd.s32 @!p3 $0x200, s12;
	[sflag:s31] =	ssyncadd.s32 $0xFFFFFF80  }
0x14e: {  	[tilespmem:s15], [sflag:$0x5] =	stream.linear.gather @!p3 [hbm4b:s8+s15], $0x80, $0x38;
	[tilespmem:$0x1BB80] =	vst v63  }
0x14f: {  	s8 =	simm.s32 @!p0 $0x4  }
0x150: {  	[tilespmem:s20], [sflag:$0x5] =	stream.linear.gather @!p3 [hbm4b:s12+s15], $0x80, $0x38;
	[tilespmem:$0x1BB80] =	vst v63  }
0x151: {  	_ =	swait.ge @!p0 [sflag:s8], $0x4000  }
0x152: {  	[sflag:s8] =	ssyncset.done @!p0 $0x0  }
0x153: {  	[sflag:s8] =	ssyncadd.s32 @!p0 $0xFFFFC000  }
0x154: {  	[tilespmem:s0], [sflag:$0x2] =	stream.indirect.gather [hbm4b:s7+s26], $0x80, s26, s26, $0xb8;
	[tilespmem:$0x1BB80] =	vst v63  }
0x155: {  	s8 =	sadd.s32 $0xFFFFFFF0, s21;
	_ =	swait.ge [sflag:s5], $0x4000  }
0x156: {  	p0 =	sgt.u32 s8, $0x4E1;
	[sflag:s5] =	ssyncset.done $0x0  }
0x157: {  	s12 =	simm.s32 @!p0 $0x5;
	p3 =	sgt.u32 @!p0 s8, $0x4D1;
	[sflag:s5] =	ssyncadd.s32 $0xFFFFC000  }
0x158: {  	[spmem:s3] =	stream.indirect.scatter.add.f32 [tilespmem:s0], [sflag:$0x4], $0x80, s28, s26, $0xb8;
	[tilespmem:$0x1BB80] =	vst v63  }
0x159: {  	_ =	swait.ge @!p0 [sflag:s12], $0x80  }
0x15a: {  	[sflag:s12] =	ssyncset.done @!p0 $0x0  }
0x15b: {  	p3 =	por p3, p0;
	[sflag:s12] =	ssyncadd.s32 @!p0 $0xFFFFFF80  }
0x15c: {  	s8 =	sadd.s32 @!p3 s19, s9;
	s15 =	simm.s32 @!p3 $0x80;
	_ =	swait.ge @!p0 [sflag:s12], $0x80  }
0x15d: {  	s20 =	simm.s32 @!p3 $0x0;
	s8 =	sadd.s32 @!p3 $0x300, s8;
	[sflag:s12] =	ssyncset.done @!p0 $0x0  }
0x15e: {  	s22 =	simm.s32 @!p3 $0x280;
	[sflag:s12] =	ssyncadd.s32 @!p0 $0xFFFFFF80;
	s12 =	sadd.s32 @!p3 s19, s10  }
0x15f: {  	[tilespmem:s15], [sflag:$0x6] =	stream.linear.gather @!p3 [hbm4b:s8+s20], $0x80, $0x38;
	[tilespmem:$0x1BB80] =	vst v63  }
0x160: {  	s8 =	sadd.s32 @!p3 $0x300, s12;
	s12 =	simm.s32 @!p0 $0x3  }
0x161: {  	[tilespmem:s22], [sflag:$0x6] =	stream.linear.gather @!p3 [hbm4b:s8+s20], $0x80, $0x38;
	[tilespmem:$0x1BB80] =	vst v63  }
0x162: {  	s8 =	simm.s32 @!p0 $0x300;
	_ =	swait.ge @!p0 [sflag:s12], $0x4000  }
0x163: {  	s15 =	simm.s32 @!p0 $0x80;
	s20 =	simm.s32 @!p0 $0x0;
	[sflag:s12] =	ssyncset.done @!p0 $0x0  }
0x164: {  	[sflag:s12] =	ssyncadd.s32 @!p0 $0xFFFFC000;
	s12 =	simm.s32 @!p0 $0x1  }
0x165: {  	[tilespmem:s8], [sflag:$0x1] =	stream.indirect.gather @!p0 [hbm4b:s7+s15], $0x80, s20, s15, $0xb8;
	[tilespmem:$0x1BB80] =	vst v63  }
0x166: {  	_ =	swait.ge @!p0 [sflag:s12], $0x4000  }
0x167: {  	p3 =	sgt.u32 s21, $0x4E1;
	s20 =	simm.s32 @!p0 $0x200;
	[sflag:s12] =	ssyncset.done @!p0 $0x0  }
0x168: {  	p4 =	sgt.u32 @!p3 s21, $0x4D1;
	[sflag:s12] =	ssyncadd.s32 @!p0 $0xFFFFC000;
	s12 =	simm.s32 @!p3 $0x6  }
0x169: {  	[spmem:s3] =	stream.indirect.scatter.add.f32 @!p0 [tilespmem:s8], [sflag:$0x3], $0x80, s20, s15, $0xb8;
	[tilespmem:$0x1BB80] =	vst v63  }
0x16a: {  	_ =	swait.ge @!p3 [sflag:s12], $0x80  }
0x16b: {  	[sflag:s12] =	ssyncset.done @!p3 $0x0  }
0x16c: {  	p0 =	por p4, p3;
	[sflag:s12] =	ssyncadd.s32 @!p3 $0xFFFFFF80  }
0x16d: {  	s8 =	sadd.s32 @!p0 s19, s9;
	s15 =	sadd.s32 @!p0 s19, s10;
	_ =	swait.ge @!p3 [sflag:s12], $0x80  }
0x16e: {  	s19 =	simm.s32 @!p0 $0x0;
	s8 =	sadd.s32 @!p0 $0x400, s8;
	[sflag:s12] =	ssyncset.done @!p3 $0x0  }
0x16f: {  	[sflag:s12] =	ssyncadd.s32 @!p3 $0xFFFFFF80;
	s12 =	sadd.s32 @!p0 $0x400, s15;
	s15 =	simm.s32 @!p0 $0x100  }
0x170: {  	[tilespmem:s19], [sflag:$0x5] =	stream.linear.gather @!p0 [hbm4b:s8+s19], $0x80, $0x38;
	[tilespmem:$0x1BB80] =	vst v63  }
0x171: {  	s8 =	simm.s32 @!p3 $0x4  }
0x172: {  	[tilespmem:s15], [sflag:$0x5] =	stream.linear.gather @!p0 [hbm4b:s12+s19], $0x80, $0x38;
	[tilespmem:$0x1BB80] =	vst v63  }
0x173: {  	s20 =	simm.s32 @!p3 $0x4300;
	_ =	swait.ge @!p3 [sflag:s8], $0x4000  }
.Ltmp4:
0x174: {  	s15 =	simm.s32 @!p3 $0x80;
	[sflag:s8] =	ssyncset.done @!p3 $0x0;
	(pc) =	sbr.rel @p2 .LBB2_14-.Ltmp4, $4  }
0x175: {  	s19 =	simm.s32 @!p3 $0x2;
	[sflag:s8] =	ssyncadd.s32 @!p3 $0xFFFFC000  }
0x176: {  	[tilespmem:s20], [sflag:$0x2] =	stream.indirect.gather @!p3 [hbm4b:s7+s15], $0x80, s15, s15, $0xb8;
	[tilespmem:$0x1BB80] =	vst v63  }
0x177: {  	_ =	swait.ge @!p3 [sflag:s19], $0x4000  }
0x178: {  	s12 =	simm.s32 @!p3 $0x280;
	[sflag:s19] =	ssyncset.done @!p3 $0x0  }
0x179: {  	[sflag:s19] =	ssyncadd.s32 @!p3 $0xFFFFC000  }
0x17a: {  	[spmem:s3] =	stream.indirect.scatter.add.f32 @!p3 [tilespmem:s20], [sflag:$0x4], $0x80, s12, s15, $0xb8;
	[tilespmem:$0x1BB80] =	vst v63  }
0x17b: {  	_ =	swait.ge [sflag:s11], $0x4000  }
0x17c: {  	[sflag:s11] =	ssyncset.done $0x0  }
0x17d: {  	s8 =	simm.s32 $0x4;
	[sflag:s11] =	ssyncadd.s32 $0xFFFFC000  }
0x17e: {  	_ =	swait.ge [sflag:s8], $0x4000  }
0x17f: {  	[sflag:s8] =	ssyncset.done $0x0  }
0x180: {  	[sflag:s8] =	ssyncadd.s32 $0xFFFFC000  }
0x181: {  	[bflag:$0x0] =	sbarrier.arrive $0xFFFF  }
0x182: {  	s12 =	rddreg [dreg:$0xe]  }
0x183: {  	s8 =	simm.s32 @p1 $0x1FC7;
	s15 =	rddreg [dreg:$0x10]  }
0x184: {  	[hbm:s12], [sflag:s8] =	dma.local @p1 [spmem:s15], $0x2800  }
0x185: {  	s8 =	simm.s32 @p1 $0x7  }
0x186: {  	_ =	swait.ge @p1 [sflag:s8], $0x2800  }
0x187: {  	[sflag:s8] =	ssyncset.done @p1 $0x0  }
0x188: {  	[sflag:s8] =	ssyncadd.s32 @p1 $0xFFFFD800;
	s8 =	rddreg [dreg:$0xc]  }
0x189: {  	[hbm:s8], [sflag:s23] =	dma.local @!p1 [spmem:s16], $0x2700  }
0x18a: {  	s8 =	simm.s32 @!p1 $0x7  }
.Ltmp5:
0x18b: {  	_ =	swait.ge @!p1 [sflag:s8], $0x2700;
	(pc) =	sbr.rel .LBB2_16-.Ltmp5, $4  }
0x18c: {  	s22 =	sld [smem:$0x7FD]  }
0x18d: {  	[sflag:s8] =	ssyncset.done @!p1 $0x0;
	s21 =	rddreg [dreg:$0xa]  }
0x18e: {  	[sflag:s8] =	ssyncadd.s32 @!p1 $0xFFFFD900;
	s8 =	rddreg [dreg:$0x5]  }
0x18f: {  	p3 =	seq.s32 s22, $0x1;
	s22 =	rddreg [dreg:$0xf]  }
.LBB2_2:
0x190: {  	s12 =	simm.s32 @p1 $0x1FC7;
	s15 =	rddreg [dreg:$0x10]  }
0x191: {  	[spmem:s15], [sflag:s12] =	dma.local @p1 [hbm:s8], $0x2800  }
0x192: {  	s12 =	simm.s32 @p1 $0x7  }
0x193: {  	_ =	swait.ge @p1 [sflag:s12], $0x2800  }
0x194: {  	[sflag:s12] =	ssyncset.done @p1 $0x0  }
0x195: {  	[sflag:s12] =	ssyncadd.s32 @p1 $0xFFFFD800;
	s12 =	simm.s32 @!p1 $0x7  }
0x196: {  	[spmem:s16], [sflag:s23] =	dma.local @!p1 [hbm:s8], $0x2700  }
0x197: {  	_ =	swait.ge @!p1 [sflag:s12], $0x2700  }
0x198: {  	[sflag:s12] =	ssyncset.done @!p1 $0x0  }
.Ltmp6:
0x199: {  	[sflag:s12] =	ssyncadd.s32 @!p1 $0xFFFFD900;
	(pc) =	sbr.rel .LBB2_3-.Ltmp6, $4  }
0x19a: {  	s17 =	simm.s32 $0x0;
	[bflag:$0x0] =	sbarrier.arrive $0xFFFF  }
0x19b: {  	[tilespmem:s17], [sflag:$0x5] =	stream.linear.gather [hbm4b:s9+s17], $0x80, $0x38;
	[tilespmem:$0x1BB80] =	vst v63  }
0x19c: {  	s19 =	stileid.u32  }
0x19d: {  	[tilespmem:s24], [sflag:$0x5] =	stream.linear.gather [hbm4b:s10+s17], $0x80, $0x38;
	[tilespmem:$0x1BB80] =	vst v63  }
.LBB2_5:
0x19e: {  	s17 =	sadd.s32 $0x400, s17  }
0x19f: {  	p0 =	sne.s32 s17, $0x5000  }
.Ltmp7:
0x1a0: {  	_ = 	snop;
	(pc) =	sbr.rel @!p0 .LBB2_6-.Ltmp7, $2  }
0x1a1: {  	_ =	sdelay $0x2  }
0x1a2: {  	s19 =	sadd.s32 $0x40, s19  }
.LBB2_3:
0x1a3: {  	_ =	swait.ge [sflag:s25], $0x80  }
0x1a4: {  	[sflag:s25] =	ssyncset.done $0x0  }
0x1a5: {  	[sflag:s25] =	ssyncadd.s32 $0xFFFFFF80  }
0x1a6: {  	_ =	swait.ge [sflag:s25], $0x80  }
0x1a7: {  	s12 =	sadd.s32 s17, s9;
	[sflag:s25] =	ssyncset.done $0x0  }
0x1a8: {  	s15 =	sadd.s32 s17, s10;
	s12 =	sadd.s32 $0x100, s12;
	[sflag:s25] =	ssyncadd.s32 $0xFFFFFF80  }
0x1a9: {  	[tilespmem:s26], [sflag:$0x6] =	stream.linear.gather [hbm4b:s12+s4], $0x80, $0x38;
	[tilespmem:$0x1BB80] =	vst v63  }
0x1aa: {  	p0 =	seq.s32 s17, $0x0;
	s12 =	sadd.s32 $0x100, s15  }
0x1ab: {  	[tilespmem:s28], [sflag:$0x6] =	stream.linear.gather [hbm4b:s12+s4], $0x80, $0x38;
	[tilespmem:$0x1BB80] =	vst v63  }
0x1ac: {  	s12 =	simm.s32 @!p0 $0x3  }
0x1ad: {  	_ =	swait.ge @!p0 [sflag:s12], $0x4000  }
0x1ae: {  	[sflag:s12] =	ssyncset.done @!p0 $0x0  }
0x1af: {  	[sflag:s12] =	ssyncadd.s32 @!p0 $0xFFFFC000  }
0x1b0: {  	[tilespmem:s29], [sflag:$0x1] =	stream.indirect.gather [hbm4b:s1+s26], $0x80, s4, s26, $0xb8;
	[tilespmem:$0x1BB80] =	vst v63  }
0x1b1: {  	_ =	swait.ge [sflag:s30], $0x4000  }
0x1b2: {  	[sflag:s30] =	ssyncset.done $0x0  }
0x1b3: {  	[sflag:s30] =	ssyncadd.s32 $0xFFFFC000  }
0x1b4: {  	[spmem:s3] =	stream.indirect.scatter.add.f32 [tilespmem:s29], [sflag:$0x3], $0x80, s24, s26, $0xb8;
	[tilespmem:$0x1BB80] =	vst v63  }
0x1b5: {  	_ =	swait.ge [sflag:s31], $0x80  }
0x1b6: {  	[sflag:s31] =	ssyncset.done $0x0  }
0x1b7: {  	s20 =	sadd.s32 $0x20, s19;
	[sflag:s31] =	ssyncadd.s32 $0xFFFFFF80  }
0x1b8: {  	p2 =	sgt.u32 s20, $0x4E1;
	_ =	swait.ge [sflag:s31], $0x80  }
0x1b9: {  	s12 =	sadd.s32 @!p2 s17, s9;
	[sflag:s31] =	ssyncset.done $0x0  }
0x1ba: {  	s15 =	simm.s32 @!p2 $0x0;
	s12 =	sadd.s32 @!p2 $0x200, s12;
	[sflag:s31] =	ssyncadd.s32 $0xFFFFFF80  }
0x1bb: {  	[tilespmem:s15], [sflag:$0x5] =	stream.linear.gather @!p2 [hbm4b:s12+s15], $0x80, $0x38;
	[tilespmem:$0x1BB80] =	vst v63  }
0x1bc: {  	s12 =	sadd.s32 @!p2 s17, s10  }
0x1bd: {  	s20 =	simm.s32 @!p2 $0x200;
	s12 =	sadd.s32 @!p2 $0x200, s12  }
0x1be: {  	[tilespmem:s20], [sflag:$0x5] =	stream.linear.gather @!p2 [hbm4b:s12+s15], $0x80, $0x38;
	[tilespmem:$0x1BB80] =	vst v63  }
0x1bf: {  	s12 =	simm.s32 @!p0 $0x4  }
0x1c0: {  	_ =	swait.ge @!p0 [sflag:s12], $0x4000  }
0x1c1: {  	[sflag:s12] =	ssyncset.done @!p0 $0x0  }
0x1c2: {  	[sflag:s12] =	ssyncadd.s32 @!p0 $0xFFFFC000;
	p0 =	sgt.u32 s19, $0x4C1  }
0x1c3: {  	[tilespmem:s0], [sflag:$0x2] =	stream.indirect.gather [hbm4b:s1+s26], $0x80, s26, s26, $0xb8;
	[tilespmem:$0x1BB80] =	vst v63  }
.Ltmp8:
0x1c4: {  	_ = 	snop;
	(pc) =	sbr.rel @p0 .LBB2_5-.Ltmp8, $4  }
0x1c5: {  	_ =	swait.ge [sflag:s5], $0x4000  }
0x1c6: {  	[sflag:s5] =	ssyncset.done $0x0  }
0x1c7: {  	[sflag:s5] =	ssyncadd.s32 $0xFFFFC000  }
0x1c8: {  	[spmem:s3] =	stream.indirect.scatter.add.f32 [tilespmem:s0], [sflag:$0x4], $0x80, s28, s26, $0xb8;
	[tilespmem:$0x1BB80] =	vst v63  }
0x1c9: {  	_ =	swait.ge [sflag:s25], $0x80  }
0x1ca: {  	[sflag:s25] =	ssyncset.done $0x0  }
0x1cb: {  	s12 =	sadd.s32 $0x30, s19;
	[sflag:s25] =	ssyncadd.s32 $0xFFFFFF80  }
0x1cc: {  	p0 =	sgt.u32 s12, $0x4E1;
	_ =	swait.ge [sflag:s25], $0x80  }
0x1cd: {  	s12 =	sadd.s32 @!p0 s17, s9;
	s15 =	simm.s32 @!p0 $0x0;
	[sflag:s25] =	ssyncset.done $0x0  }
0x1ce: {  	s20 =	simm.s32 @!p0 $0x80;
	s12 =	sadd.s32 @!p0 $0x300, s12;
	[sflag:s25] =	ssyncadd.s32 $0xFFFFFF80  }
0x1cf: {  	[tilespmem:s20], [sflag:$0x6] =	stream.linear.gather @!p0 [hbm4b:s12+s15], $0x80, $0x38;
	[tilespmem:$0x1BB80] =	vst v63  }
0x1d0: {  	s12 =	sadd.s32 @!p0 s17, s10  }
0x1d1: {  	s20 =	simm.s32 @!p0 $0x280;
	s12 =	sadd.s32 @!p0 $0x300, s12  }
0x1d2: {  	[tilespmem:s20], [sflag:$0x6] =	stream.linear.gather @!p0 [hbm4b:s12+s15], $0x80, $0x38;
	[tilespmem:$0x1BB80] =	vst v63  }
0x1d3: {  	_ =	swait.ge [sflag:s11], $0x4000  }
0x1d4: {  	[sflag:s11] =	ssyncset.done $0x0  }
0x1d5: {  	[sflag:s11] =	ssyncadd.s32 $0xFFFFC000  }
0x1d6: {  	[tilespmem:s29], [sflag:$0x1] =	stream.indirect.gather [hbm4b:s1+s26], $0x80, s4, s26, $0xb8;
	[tilespmem:$0x1BB80] =	vst v63  }
0x1d7: {  	_ =	swait.ge [sflag:s30], $0x4000  }
0x1d8: {  	p0 =	sgt.u32 s19, $0x4B1;
	[sflag:s30] =	ssyncset.done $0x0  }
0x1d9: {  	s12 =	simm.s32 @!p0 $0x6;
	[sflag:s30] =	ssyncadd.s32 $0xFFFFC000  }
0x1da: {  	[spmem:s3] =	stream.indirect.scatter.add.f32 [tilespmem:s29], [sflag:$0x3], $0x80, s13, s26, $0xb8;
	[tilespmem:$0x1BB80] =	vst v63  }
0x1db: {  	_ =	swait.ge @!p0 [sflag:s12], $0x80  }
0x1dc: {  	[sflag:s12] =	ssyncset.done @!p0 $0x0  }
0x1dd: {  	p2 =	sgt.u32 @!p0 s19, $0x4A1;
	[sflag:s12] =	ssyncadd.s32 @!p0 $0xFFFFFF80  }
0x1de: {  	p2 =	por p2, p0;
	_ =	swait.ge @!p0 [sflag:s12], $0x80  }
0x1df: {  	s15 =	sadd.s32 @!p2 s17, s9;
	[sflag:s12] =	ssyncset.done @!p0 $0x0  }
0x1e0: {  	[sflag:s12] =	ssyncadd.s32 @!p0 $0xFFFFFF80;
	s12 =	sadd.s32 @!p2 $0x400, s15;
	s15 =	simm.s32 @!p2 $0x0  }
0x1e1: {  	[tilespmem:s15], [sflag:$0x5] =	stream.linear.gather @!p2 [hbm4b:s12+s15], $0x80, $0x38;
	[tilespmem:$0x1BB80] =	vst v63  }
0x1e2: {  	s12 =	sadd.s32 @!p2 s17, s10  }
0x1e3: {  	s20 =	simm.s32 @!p2 $0x100;
	s12 =	sadd.s32 @!p2 $0x400, s12  }
0x1e4: {  	[tilespmem:s20], [sflag:$0x5] =	stream.linear.gather @!p2 [hbm4b:s12+s15], $0x80, $0x38;
	[tilespmem:$0x1BB80] =	vst v63  }
0x1e5: {  	s12 =	simm.s32 @!p0 $0x4  }
0x1e6: {  	_ =	swait.ge @!p0 [sflag:s12], $0x4000  }
0x1e7: {  	[sflag:s12] =	ssyncset.done @!p0 $0x0  }
0x1e8: {  	s15 =	simm.s32 @!p0 $0x4300;
	[sflag:s12] =	ssyncadd.s32 @!p0 $0xFFFFC000;
	s12 =	simm.s32 @!p0 $0x80  }
0x1e9: {  	[tilespmem:s15], [sflag:$0x2] =	stream.indirect.gather @!p0 [hbm4b:s1+s12], $0x80, s12, s12, $0xb8;
	[tilespmem:$0x1BB80] =	vst v63  }
.Ltmp9:
0x1ea: {  	s20 =	simm.s32 @!p0 $0x2;
	(pc) =	sbr.rel .LBB2_5-.Ltmp9, $4  }
0x1eb: {  	_ =	swait.ge @!p0 [sflag:s20], $0x4000  }
0x1ec: {  	[sflag:s20] =	ssyncset.done @!p0 $0x0  }
0x1ed: {  	[sflag:s20] =	ssyncadd.s32 @!p0 $0xFFFFC000;
	s20 =	simm.s32 @!p0 $0x280  }
0x1ee: {  	[spmem:s3] =	stream.indirect.scatter.add.f32 @!p0 [tilespmem:s15], [sflag:$0x4], $0x80, s20, s12, $0xb8;
	[tilespmem:$0x1BB80] =	vst v63  }
.LBB2_6:
0x1ef: {  	_ =	swait.ge [sflag:s11], $0x4000  }
0x1f0: {  	[sflag:s11] =	ssyncset.done $0x0  }
0x1f1: {  	s12 =	simm.s32 $0x4;
	[sflag:s11] =	ssyncadd.s32 $0xFFFFC000  }
0x1f2: {  	_ =	swait.ge [sflag:s12], $0x4000  }
0x1f3: {  	[sflag:s12] =	ssyncset.done $0x0  }
0x1f4: {  	[sflag:s12] =	ssyncadd.s32 $0xFFFFC000  }
0x1f5: {  	[bflag:$0x0] =	sbarrier.arrive $0xFFFF  }
0x1f6: {  	s15 =	rddreg [dreg:$0x7]  }
0x1f7: {  	s12 =	simm.s32 @p1 $0x1FC7;
	s17 =	rddreg [dreg:$0x10]  }
0x1f8: {  	[hbm:s15], [sflag:s12] =	dma.local @p1 [spmem:s17], $0x2800  }
0x1f9: {  	s15 =	simm.s32 @p1 $0x7  }
0x1fa: {  	_ =	swait.ge @p1 [sflag:s15], $0x2800  }
0x1fb: {  	[sflag:s15] =	ssyncset.done @p1 $0x0  }
0x1fc: {  	[sflag:s15] =	ssyncadd.s32 @p1 $0xFFFFD800  }
0x1fd: {  	[bflag:$0x0] =	sbarrier.arrive @p1 $0xFFFF  }
0x1fe: {  	[spmem:s17], [sflag:s12] =	dma.local @p1 [hbm:s8], $0x2800  }
0x1ff: {  	_ =	swait.ge @p1 [sflag:s15], $0x2800  }
0x200: {  	[sflag:s15] =	ssyncset.done @p1 $0x0  }
0x201: {  	s12 =	rddreg [dreg:$0x6];
	[sflag:s15] =	ssyncadd.s32 @p1 $0xFFFFD800  }
0x202: {  	[hbm:s12], [sflag:s23] =	dma.local @!p1 [spmem:s16], $0x2700  }
0x203: {  	s12 =	simm.s32 @!p1 $0x7  }
0x204: {  	_ =	swait.ge @!p1 [sflag:s12], $0x2700  }
0x205: {  	[sflag:s12] =	ssyncset.done @!p1 $0x0  }
0x206: {  	[sflag:s12] =	ssyncadd.s32 @!p1 $0xFFFFD900  }
0x207: {  	[bflag:$0x0] =	sbarrier.arrive @!p1 $0xFFFF  }
0x208: {  	[spmem:s16], [sflag:s23] =	dma.local @!p1 [hbm:s8], $0x2700  }
0x209: {  	_ =	swait.ge @!p1 [sflag:s12], $0x2700  }
0x20a: {  	[sflag:s12] =	ssyncset.done @!p1 $0x0  }
.Ltmp10:
0x20b: {  	[sflag:s12] =	ssyncadd.s32 @!p1 $0xFFFFD900;
	(pc) =	sbr.rel .LBB2_7-.Ltmp10, $4  }
0x20c: {  	s17 =	simm.s32 $0x0;
	[bflag:$0x0] =	sbarrier.arrive $0xFFFF  }
0x20d: {  	[tilespmem:s17], [sflag:$0x5] =	stream.linear.gather [hbm4b:s9+s17], $0x80, $0x38;
	[tilespmem:$0x1BB80] =	vst v63  }
0x20e: {  	s19 =	stileid.u32  }
0x20f: {  	[tilespmem:s24], [sflag:$0x5] =	stream.linear.gather [hbm4b:s10+s17], $0x80, $0x38;
	[tilespmem:$0x1BB80] =	vst v63  }
.LBB2_9:
0x210: {  	s17 =	sadd.s32 $0x400, s17  }
0x211: {  	p0 =	sne.s32 s17, $0x5000  }
.Ltmp11:
0x212: {  	_ = 	snop;
	(pc) =	sbr.rel @!p0 .LBB2_10-.Ltmp11, $2  }
0x213: {  	_ =	sdelay $0x2  }
0x214: {  	s19 =	sadd.s32 $0x40, s19  }
.LBB2_7:
0x215: {  	_ =	swait.ge [sflag:s25], $0x80  }
0x216: {  	[sflag:s25] =	ssyncset.done $0x0  }
0x217: {  	[sflag:s25] =	ssyncadd.s32 $0xFFFFFF80  }
0x218: {  	_ =	swait.ge [sflag:s25], $0x80  }
0x219: {  	s12 =	sadd.s32 s17, s9;
	[sflag:s25] =	ssyncset.done $0x0  }
0x21a: {  	s15 =	sadd.s32 s17, s10;
	s12 =	sadd.s32 $0x100, s12;
	[sflag:s25] =	ssyncadd.s32 $0xFFFFFF80  }
0x21b: {  	[tilespmem:s26], [sflag:$0x6] =	stream.linear.gather [hbm4b:s12+s4], $0x80, $0x38;
	[tilespmem:$0x1BB80] =	vst v63  }
0x21c: {  	p0 =	seq.s32 s17, $0x0;
	s12 =	sadd.s32 $0x100, s15  }
0x21d: {  	[tilespmem:s28], [sflag:$0x6] =	stream.linear.gather [hbm4b:s12+s4], $0x80, $0x38;
	[tilespmem:$0x1BB80] =	vst v63  }
0x21e: {  	s12 =	simm.s32 @!p0 $0x3  }
0x21f: {  	_ =	swait.ge @!p0 [sflag:s12], $0x4000  }
0x220: {  	[sflag:s12] =	ssyncset.done @!p0 $0x0  }
0x221: {  	[sflag:s12] =	ssyncadd.s32 @!p0 $0xFFFFC000  }
0x222: {  	[tilespmem:s29], [sflag:$0x1] =	stream.indirect.gather [hbm4b:s2+s26], $0x80, s4, s26, $0xb8;
	[tilespmem:$0x1BB80] =	vst v63  }
0x223: {  	_ =	swait.ge [sflag:s30], $0x4000  }
0x224: {  	[sflag:s30] =	ssyncset.done $0x0  }
0x225: {  	[sflag:s30] =	ssyncadd.s32 $0xFFFFC000  }
0x226: {  	[spmem:s3] =	stream.indirect.scatter.add.f32 [tilespmem:s29], [sflag:$0x3], $0x80, s24, s26, $0xb8;
	[tilespmem:$0x1BB80] =	vst v63  }
0x227: {  	_ =	swait.ge [sflag:s31], $0x80  }
0x228: {  	[sflag:s31] =	ssyncset.done $0x0  }
0x229: {  	s20 =	sadd.s32 $0x20, s19;
	[sflag:s31] =	ssyncadd.s32 $0xFFFFFF80  }
0x22a: {  	p2 =	sgt.u32 s20, $0x4E1;
	_ =	swait.ge [sflag:s31], $0x80  }
0x22b: {  	s12 =	sadd.s32 @!p2 s17, s9;
	[sflag:s31] =	ssyncset.done $0x0  }
0x22c: {  	s15 =	simm.s32 @!p2 $0x0;
	s12 =	sadd.s32 @!p2 $0x200, s12;
	[sflag:s31] =	ssyncadd.s32 $0xFFFFFF80  }
0x22d: {  	[tilespmem:s15], [sflag:$0x5] =	stream.linear.gather @!p2 [hbm4b:s12+s15], $0x80, $0x38;
	[tilespmem:$0x1BB80] =	vst v63  }
0x22e: {  	s12 =	sadd.s32 @!p2 s17, s10  }
0x22f: {  	s20 =	simm.s32 @!p2 $0x200;
	s12 =	sadd.s32 @!p2 $0x200, s12  }
0x230: {  	[tilespmem:s20], [sflag:$0x5] =	stream.linear.gather @!p2 [hbm4b:s12+s15], $0x80, $0x38;
	[tilespmem:$0x1BB80] =	vst v63  }
0x231: {  	s12 =	simm.s32 @!p0 $0x4  }
0x232: {  	_ =	swait.ge @!p0 [sflag:s12], $0x4000  }
0x233: {  	[sflag:s12] =	ssyncset.done @!p0 $0x0  }
0x234: {  	[sflag:s12] =	ssyncadd.s32 @!p0 $0xFFFFC000;
	p0 =	sgt.u32 s19, $0x4C1  }
0x235: {  	[tilespmem:s0], [sflag:$0x2] =	stream.indirect.gather [hbm4b:s2+s26], $0x80, s26, s26, $0xb8;
	[tilespmem:$0x1BB80] =	vst v63  }
.Ltmp12:
0x236: {  	_ = 	snop;
	(pc) =	sbr.rel @p0 .LBB2_9-.Ltmp12, $4  }
0x237: {  	_ =	swait.ge [sflag:s5], $0x4000  }
0x238: {  	[sflag:s5] =	ssyncset.done $0x0  }
0x239: {  	[sflag:s5] =	ssyncadd.s32 $0xFFFFC000  }
0x23a: {  	[spmem:s3] =	stream.indirect.scatter.add.f32 [tilespmem:s0], [sflag:$0x4], $0x80, s28, s26, $0xb8;
	[tilespmem:$0x1BB80] =	vst v63  }
0x23b: {  	_ =	swait.ge [sflag:s25], $0x80  }
0x23c: {  	[sflag:s25] =	ssyncset.done $0x0  }
0x23d: {  	s12 =	sadd.s32 $0x30, s19;
	[sflag:s25] =	ssyncadd.s32 $0xFFFFFF80  }
0x23e: {  	p0 =	sgt.u32 s12, $0x4E1;
	_ =	swait.ge [sflag:s25], $0x80  }
0x23f: {  	s12 =	sadd.s32 @!p0 s17, s9;
	s15 =	simm.s32 @!p0 $0x0;
	[sflag:s25] =	ssyncset.done $0x0  }
0x240: {  	s20 =	simm.s32 @!p0 $0x80;
	s12 =	sadd.s32 @!p0 $0x300, s12;
	[sflag:s25] =	ssyncadd.s32 $0xFFFFFF80  }
0x241: {  	[tilespmem:s20], [sflag:$0x6] =	stream.linear.gather @!p0 [hbm4b:s12+s15], $0x80, $0x38;
	[tilespmem:$0x1BB80] =	vst v63  }
0x242: {  	s12 =	sadd.s32 @!p0 s17, s10  }
0x243: {  	s20 =	simm.s32 @!p0 $0x280;
	s12 =	sadd.s32 @!p0 $0x300, s12  }
0x244: {  	[tilespmem:s20], [sflag:$0x6] =	stream.linear.gather @!p0 [hbm4b:s12+s15], $0x80, $0x38;
	[tilespmem:$0x1BB80] =	vst v63  }
0x245: {  	_ =	swait.ge [sflag:s11], $0x4000  }
0x246: {  	[sflag:s11] =	ssyncset.done $0x0  }
0x247: {  	[sflag:s11] =	ssyncadd.s32 $0xFFFFC000  }
0x248: {  	[tilespmem:s29], [sflag:$0x1] =	stream.indirect.gather [hbm4b:s2+s26], $0x80, s4, s26, $0xb8;
	[tilespmem:$0x1BB80] =	vst v63  }
0x249: {  	_ =	swait.ge [sflag:s30], $0x4000  }
0x24a: {  	p0 =	sgt.u32 s19, $0x4B1;
	[sflag:s30] =	ssyncset.done $0x0  }
0x24b: {  	s12 =	simm.s32 @!p0 $0x6;
	[sflag:s30] =	ssyncadd.s32 $0xFFFFC000  }
0x24c: {  	[spmem:s3] =	stream.indirect.scatter.add.f32 [tilespmem:s29], [sflag:$0x3], $0x80, s13, s26, $0xb8;
	[tilespmem:$0x1BB80] =	vst v63  }
0x24d: {  	_ =	swait.ge @!p0 [sflag:s12], $0x80  }
0x24e: {  	[sflag:s12] =	ssyncset.done @!p0 $0x0  }
0x24f: {  	p2 =	sgt.u32 @!p0 s19, $0x4A1;
	[sflag:s12] =	ssyncadd.s32 @!p0 $0xFFFFFF80  }
0x250: {  	p2 =	por p2, p0;
	_ =	swait.ge @!p0 [sflag:s12], $0x80  }
0x251: {  	s15 =	sadd.s32 @!p2 s17, s9;
	[sflag:s12] =	ssyncset.done @!p0 $0x0  }
0x252: {  	[sflag:s12] =	ssyncadd.s32 @!p0 $0xFFFFFF80;
	s12 =	sadd.s32 @!p2 $0x400, s15;
	s15 =	simm.s32 @!p2 $0x0  }
0x253: {  	[tilespmem:s15], [sflag:$0x5] =	stream.linear.gather @!p2 [hbm4b:s12+s15], $0x80, $0x38;
	[tilespmem:$0x1BB80] =	vst v63  }
0x254: {  	s12 =	sadd.s32 @!p2 s17, s10  }
0x255: {  	s20 =	simm.s32 @!p2 $0x100;
	s12 =	sadd.s32 @!p2 $0x400, s12  }
0x256: {  	[tilespmem:s20], [sflag:$0x5] =	stream.linear.gather @!p2 [hbm4b:s12+s15], $0x80, $0x38;
	[tilespmem:$0x1BB80] =	vst v63  }
0x257: {  	s12 =	simm.s32 @!p0 $0x4  }
0x258: {  	_ =	swait.ge @!p0 [sflag:s12], $0x4000  }
0x259: {  	[sflag:s12] =	ssyncset.done @!p0 $0x0  }
0x25a: {  	s15 =	simm.s32 @!p0 $0x4300;
	[sflag:s12] =	ssyncadd.s32 @!p0 $0xFFFFC000;
	s12 =	simm.s32 @!p0 $0x80  }
0x25b: {  	[tilespmem:s15], [sflag:$0x2] =	stream.indirect.gather @!p0 [hbm4b:s2+s12], $0x80, s12, s12, $0xb8;
	[tilespmem:$0x1BB80] =	vst v63  }
.Ltmp13:
0x25c: {  	s20 =	simm.s32 @!p0 $0x2;
	(pc) =	sbr.rel .LBB2_9-.Ltmp13, $4  }
0x25d: {  	_ =	swait.ge @!p0 [sflag:s20], $0x4000  }
0x25e: {  	[sflag:s20] =	ssyncset.done @!p0 $0x0  }
0x25f: {  	[sflag:s20] =	ssyncadd.s32 @!p0 $0xFFFFC000;
	s20 =	simm.s32 @!p0 $0x280  }
0x260: {  	[spmem:s3] =	stream.indirect.scatter.add.f32 @!p0 [tilespmem:s15], [sflag:$0x4], $0x80, s20, s12, $0xb8;
	[tilespmem:$0x1BB80] =	vst v63  }
.LBB2_17:
0x261: {  	_ =	sfence.sel $0x180000  }
0x262: {  	[bflag:$0x0] =	sbarrier.arrive $0xFFFF  }
0x263: {  	_ =	strace $0x9000004D  }
0x264: {  	s0 =	stileid.u32;
	[bflag:$0x2] =	sbarrier.arrive $0xFFFF  }
0x265: {  	p0 =	sne.s32 s0, $0x0;
	s0 =	rddreg [dreg:$0x4]  }
0x266: {  	s0 =	sadd.s32 @!p0 $0x100000, s0  }
0x267: {  	[sflag:s0] =	ssyncadd.tile.s32 @!p0 $0x1;
	_ =	shalt  }
.Lfunc_end2:
_tile_overlayer_lowered:
.L_overlay_start_2:
0x268: {  	(tag) =	ssettag $0x2  }
0x269: {  	s0 =	rddreg [dreg:$0x0];
	s2 =	stileid.u32  }
0x26a: {  	s1 =	rddreg [dreg:$0x1];
	p0 =	sne.s32 s2, $0x0  }
0x26b: {  	s3 =	rddreg [dreg:$0x2];
	[bflag:$0x3] =	sbarrier.arrive $0xFFFF;
	s2 =	simm.s32 @!p0 $0x1C07  }
0x26c: {  	[timem:s3], [sflag:s2] =	dma.local @!p0 [hbm:s0], s1  }
0x26d: {  	s0 =	simm.s32 @!p0 $0x7  }
0x26e: {  	_ =	swait.ge @!p0 [sflag:s0], s1  }
0x26f: {  	s1 =	ssub.s32 @!p0 $0x0, s1;
	[sflag:s0] =	ssyncset.done @!p0 $0x0  }
0x270: {  	[sflag:s0] =	ssyncadd.s32 @!p0 s1  }
0x271: {  	[bflag:$0x3] =	sbarrier.arrive $0xFFFF  }
0x272: {  	_ =	shalt  }

// kernel: kernel.7.cloned.1.call-start
scs
__scs_entry_jumppad:
0x0: {  	(pc) =	sbr.rel $0x88, $3  }
0x1: {  	(tag) =	ssettag $0x0;
	lr =	simm.s32 $0x1  }
0x2: {  	[smem:$0x3F93] =	sst lr;
	_ =	strace $0xD0000000  }
0x3: {  	_ = 	snop  }
0x4: {  	_ = 	snop  }
0x5: {  	_ = 	snop  }
0x6: {  	_ = 	snop  }
0x7: {  	_ = 	snop  }
__scs_overlays_trampoline_lowered:
0x8: {  	[smem:$0x3FA2] =	sst s0  }
0x9: {  	[smem:$0x3FA3] =	sst s1  }
0xa: {  	[smem:$0x3FA4] =	sst s2  }
0xb: {  	[smem:$0x3FA5] =	sst s3  }
0xc: {  	[smem:$0x3FA6] =	sst s4  }
0xd: {  	[smem:$0x3FA7] =	sst s5  }
0xe: {  	[smem:$0x3FA8] =	sst s6  }
0xf: {  	[smem:$0x3FA9] =	sst s7  }
0x10: {  	[smem:$0x3FAA] =	sst s8  }
0x11: {  	[smem:$0x3FAB] =	sst s9;
	s0 =	simm.s32 @!p0 $0x0  }
0x12: {  	s1 =	sld [smem:$0x3F91];
	s0 =	simm.s32 @p0 $0x1  }
0x13: {  	[smem:$0x3FAC] =	sst s0;
	s0 =	simm.s32 @!p1 $0x0  }
0x14: {  	s2 =	sld [smem:$0x3F90];
	s0 =	simm.s32 @p1 $0x1  }
0x15: {  	[smem:$0x3FAD] =	sst s0;
	s0 =	simm.s32 @!p2 $0x0  }
0x16: {  	s3 =	sld [smem:$0x3FDB];
	s0 =	simm.s32 @p2 $0x1  }
0x17: {  	s4 =	simm.s32 $0x1BF5;
	[smem:$0x3FAF] =	sst s0  }
0x18: {  	s0 =	sld [smem:$0x3F92];
	_ =	swait.ge [sflag:s4], $0x0  }
0x19: {  	s7 =	sld [smem:$0x3F93]  }
0x1a: {  	s8 =	sadd.s32 $0xFFFFE003, lr  }
0x1b: {  	s9 =	sadd.s32 $0xFFFFFEF7, lr;
	s5 =	simm.s32 $0xFFFFFFFF;
	p2 =	slt.u32 s8, $0xFFFFF086  }
0x1c: {  	p1 =	slt.u32 s9, $0xF7A;
	s5 =	simm.s32 @!p2 $0x0  }
0x1d: {  	s5 =	simm.s32 @p1 $0x1;
	p0 =	seq.s32 s7, s2  }
0x1e: {  	s7 =	smul.u32 @!p0 $0xF7A, s2;
	p2 =	seq.s32 @!p0 s5, $0x0  }
0x1f: {  	s9 =	smul.u32 $0xF7A, s1;
	s8 =	simm.s32 @!p0 $0x1BF5;
	p2 =	por !p2, p0  }
0x20: {  	[sflag:s8] =	ssyncset.s32 @!p0 $0xFFFFF086;
	s6 =	sadd.s32 @!p0 s3, s7;
	s7 =	simm.s32 @!p0 $0x108  }
0x21: {  	s3 =	sadd.s32 s3, s9;
	s6 =	sadd.s32 @!p0 $0x88, s6;
	s7 =	simm.s32 @p2 $0x1082  }
0x22: {  	[simem:s7], [sflag:s8] =	dma.local @!p0 [hbm:s6], $0xF7A  }
0x23: {  	s9 =	sor.u32 $0xD0000000, s2;
	s6 =	simm.s32 $0x108;
	_ =	swait.ge @!p0 [sflag:s8], $0x0  }
0x24: {  	s3 =	sadd.s32 $0x88, s3;
	s6 =	simm.s32 @!p1 $0x1082;
	[sflag:s4] =	ssyncset.s32 $0xFFFFF086  }
0x25: {  	[simem:s6], [sflag:s4] =	dma.local [hbm:s3], $0xF7A  }
0x26: {  	[smem:$0x3F93] =	sst s1;
	(tag) =	ssettag s2;
	_ =	strace s9  }
0x27: {  	s1 =	sld [smem:$0x3FA3]  }
0x28: {  	s2 =	sld [smem:$0x3FA4]  }
0x29: {  	s4 =	sld [smem:$0x3FA6]  }
0x2a: {  	p0 =	seq.s32 s5, $0x0;
	s5 =	sld [smem:$0x3FA7]  }
0x2b: {  	s6 =	sld [smem:$0x3FA8]  }
0x2c: {  	s7 =	sld [smem:$0x3FA9]  }
0x2d: {  	s3 =	simm.s32 $0x108;
	s8 =	sld [smem:$0x3FAA]  }
0x2e: {  	s3 =	simm.s32 @!p0 $0x1082;
	s9 =	sld [smem:$0x3FAB]  }
0x2f: {  	lr =	sadd.s32 s0, s3;
	s0 =	sld [smem:$0x3FA2]  }
0x30: {  	s3 =	sld [smem:$0x3FA5]  }
0x31: {  	[smem:$0x3FAE] =	sst s10  }
0x32: {  	s10 =	sld [smem:$0x3FAC];
	_ =	sdelay $0x3  }
0x33: {  	p0 =	seq.s32 s10, $0x1;
	s10 =	sld [smem:$0x3FAE];
	_ =	sdelay $0x3  }
0x34: {  	[smem:$0x3FAE] =	sst s10  }
0x35: {  	s10 =	sld [smem:$0x3FAD];
	_ =	sdelay $0x3  }
0x36: {  	p1 =	seq.s32 s10, $0x1;
	s10 =	sld [smem:$0x3FAE];
	_ =	sdelay $0x3  }
0x37: {  	[smem:$0x3FAE] =	sst s10  }
0x38: {  	s10 =	sld [smem:$0x3FAF]  }
0x39: {  	_ = 	snop;
	(pc) =	sbr.ind lr, $3  }
0x3a: {  	_ = 	snop  }
0x3b: {  	_ = 	snop  }
0x3c: {  	p2 =	seq.s32 s10, $0x1;
	s10 =	sld [smem:$0x3FAE]  }
0x3d: {  	_ =	shalt  }
0x3e: {  	_ =	shalt  }
0x3f: {  	_ =	shalt  }
0x40: {  	_ =	shalt  }
0x41: {  	_ =	shalt  }
0x42: {  	_ =	shalt  }
0x43: {  	_ =	shalt  }
0x44: {  	_ =	shalt  }
0x45: {  	_ =	shalt  }
0x46: {  	_ =	shalt  }
0x47: {  	_ =	shalt  }
0x48: {  	_ =	shalt  }
0x49: {  	_ =	shalt  }
0x4a: {  	_ =	shalt  }
0x4b: {  	_ =	shalt  }
0x4c: {  	_ =	shalt  }
0x4d: {  	_ =	shalt  }
0x4e: {  	_ =	shalt  }
0x4f: {  	_ =	shalt  }
0x50: {  	_ =	shalt  }
0x51: {  	_ =	shalt  }
0x52: {  	_ =	shalt  }
0x53: {  	_ =	shalt  }
0x54: {  	_ =	shalt  }
0x55: {  	_ =	shalt  }
0x56: {  	_ =	shalt  }
0x57: {  	_ =	shalt  }
0x58: {  	_ =	shalt  }
0x59: {  	_ =	shalt  }
0x5a: {  	_ =	shalt  }
0x5b: {  	_ =	shalt  }
0x5c: {  	_ =	shalt  }
0x5d: {  	_ =	shalt  }
0x5e: {  	_ =	shalt  }
0x5f: {  	_ =	shalt  }
0x60: {  	_ =	shalt  }
0x61: {  	_ =	shalt  }
0x62: {  	_ =	shalt  }
0x63: {  	_ =	shalt  }
0x64: {  	_ =	shalt  }
0x65: {  	_ =	shalt  }
0x66: {  	_ =	shalt  }
0x67: {  	_ =	shalt  }
0x68: {  	_ =	shalt  }
0x69: {  	_ =	shalt  }
0x6a: {  	_ =	shalt  }
0x6b: {  	_ =	shalt  }
0x6c: {  	_ =	shalt  }
0x6d: {  	_ =	shalt  }
0x6e: {  	_ =	shalt  }
0x6f: {  	_ =	shalt  }
0x70: {  	_ =	shalt  }
0x71: {  	_ =	shalt  }
0x72: {  	_ =	shalt  }
0x73: {  	_ =	shalt  }
0x74: {  	_ =	shalt  }
0x75: {  	_ =	shalt  }
0x76: {  	_ =	shalt  }
0x77: {  	_ =	shalt  }
0x78: {  	_ =	shalt  }
0x79: {  	_ =	shalt  }
0x7a: {  	_ =	shalt  }
0x7b: {  	_ =	shalt  }
0x7c: {  	_ =	shalt  }
0x7d: {  	_ =	shalt  }
0x7e: {  	_ =	shalt  }
0x7f: {  	_ =	shalt  }
0x80: {  	_ =	shalt  }
0x81: {  	_ =	shalt  }
0x82: {  	_ =	shalt  }
0x83: {  	_ =	shalt  }
0x84: {  	_ =	shalt  }
0x85: {  	_ =	shalt  }
0x86: {  	_ =	shalt  }
0x87: {  	_ =	shalt  }
.Lfunc_end0:
.L_simem_size_0:
called_computation_lowered:
.L_overlay_start_0:
0x88: {  	s2 =	sld [smem:$0x3FD9]  }
0x89: {  	s3 =	sld [smem:$0x3FFE];
	_ =	sdelay $0x1  }
0x8a: {  	s1 =	srdreg.scid  }
0x8b: {  	s0 =	sand.u32 $0x1, s1  }
0x8c: {  	s14 =	sshll.u32 s0, $0xA;
	s2 =	sadd.s32 s3, s2  }
0x8d: {  	s2 =	sadd.s32 s2, s14  }
0x8e: {  	[smem:$0x3FBA] =	sst s2  }
0x8f: {  	_ = 	snop  }
0x90: {  	s2 =	sld [smem:$0x3FD0];
	_ =	sdelay $0x2  }
0x91: {  	s15 =	simm.s32 $0xB;
	s4 =	simm.s32 $0x10  }
0x92: {  	[smem:s4], [sflag:s15] =	dma.local [hbm:s2], $0x1  }
0x93: {  	_ =	swait.eq [sflag:s15], $0x1  }
0x94: {  	[sflag:s15] =	ssyncset.done $0x0  }
0x95: {  	s16 =	sld [smem:$0x10];
	[sflag:s15] =	ssyncadd.s32 $0xFFFFFFFF  }
0x96: {  	s17 =	sld [smem:$0x11];
	(tm) =	ssettm $0x1  }
0x97: {  	s18 =	sld [smem:$0x3FFB];
	_ =	sdelay $0x3  }
0x98: {  	_ =	strace s18  }
0x99: {  	s4 =	sld [smem:$0x3FFC];
	_ =	sdelay $0x3  }
0x9a: {  	_ =	strace s4  }
0x9b: {  	s4 =	sld [smem:$0x3FFD];
	_ =	sdelay $0x3  }
0x9c: {  	_ =	strace s4  }
0x9d: {  	_ =	strace $0x8FFFFFFF  }
0x9e: {  	s19 =	sld [smem:$0x3FDB];
	_ =	sdelay $0x1  }
0x9f: {  	s5 =	simm.s32 $_scs_section_size  }
0xa0: {  	s6 =	simm.s32 $_size__tile_overlayer_lowered;
	s7 =	simm.s32 $_tile_overlayer_lowered  }
0xa1: {  	s22 =	simm.s32 $0x1BFF;
	s21 =	sshll.u32 s7, $0x1;
	s4 =	sadd.s32 s5, s19  }
0xa2: {  	s8 =	simm.s32 $0x0;
	s20 =	sshll.u32 s6, $0x1;
	s6 =	sadd.s32 s21, s4  }
0xa3: {  	[timem:s8], [sflag:s22] =	dma.local [hbm:s6], s20  }
0xa4: {  	_ =	swait.ge [sflag:s22], s20  }
0xa5: {  	s5 =	ssub.s32 $0x0, s20;
	[sflag:s22] =	ssyncset.done $0x0  }
0xa6: {  	[sflag:s22] =	ssyncadd.s32 s5;
	_ =	sdelay $0x1  }
0xa7: {  	s23 =	simm.s32 $0x1B8B  }
0xa8: {  	_ =	swait.ge [sflag:s23], $0x1  }
0xa9: {  	[sflag:s23] =	ssyncset.done $0x0  }
0xaa: {  	s25 =	simm.s32 $0x1B8E;
	s24 =	sld [smem:$0x3FFE];
	[sflag:s23] =	ssyncadd.s32 $0xFFFFFFFF  }
0xab: {  	s26 =	simm.s32 $execute0_lowered;
	[smem:$0x3FD2] =	sst s25  }
0xac: {  	s6 =	sshll.u32 s26, $0x1;
	_ =	strace $0x80000046;
	[dreg:$0x1] =	wrdreg $0xFFFFFFFF  }
0xad: {  	s28 =	simm.s32 $_size_execute0_lowered;
	s4 =	sadd.s32 s4, s6;
	[dreg:$0x0] =	wrdreg $0x0  }
0xae: {  	s6 =	sshll.u32 s28, $0x1;
	[dreg:$0x2] =	wrdreg s4  }
0xaf: {  	[dreg:$0x3] =	wrdreg s6  }
0xb0: {  	[dreg:$0x4] =	wrdreg $0xC0  }
0xb1: {  	_ =	task [dreg:s8], $0x5FFFF  }
0xb2: {  	[dreg:$0x1] =	wrdreg $0xFFFFFFFF  }
0xb3: {  	[dreg:$0x0] =	wrdreg $0x60  }
0xb4: {  	[dreg:$0x2] =	wrdreg s16  }
0xb5: {  	[dreg:$0x3] =	wrdreg s17  }
0xb6: {  	[dreg:$0x4] =	wrdreg s24  }
0xb7: {  	[dreg:$0x5] =	wrdreg $0x83000  }
0xb8: {  	[dreg:$0x6] =	wrdreg $0xA  }
0xb9: {  	_ =	task.clear_ibuf [dreg:s8], $0x7FFFF;
	_ =	strace $0x90000046  }
0xba: {  	s29 =	simm.s32 $0xA;
	_ =	strace $0x80000048  }
0xbb: {  	_ =	swait.ge [sflag:s29], $0x1  }
0xbc: {  	[sflag:s29] =	ssyncadd.s32 $0xFFFFFFFF  }
0xbd: {  	_ =	strace $0x90000048  }
0xbe: {  	_ =	sfence  }
0xbf: {  	s30 =	sld [smem:$0x0];
	_ =	sdelay $0x2  }
0xc0: {  	s31 =	sshll.u32 s1, $0xD;
	s1 =	sshrl.u32 s1, $0x2  }
0xc1: {  	s3 =	sand.u32 $0x4000, s31;
	s1 =	sadd.s32 s1, s30  }
0xc2: {  	s0 =	sor.u32 s3, s0;
	s1 =	sshll.u32 s1, $0x11  }
0xc3: {  	s0 =	sor.u32 s1, s0  }
0xc4: {  	s0 =	sadd.s32 $0x8F2B, s0  }
0xc5: {  	[sflag:s0] =	ssyncadd.remote.s32 $0x1  }
0xc6: {  	_ =	sfence.sel $0xFFFF  }
0xc7: {  	[dreg:$0x0] =	wrdreg $0xFFFFFFFF;
	(pc) =	sbr.abs _section_cstart, $3  }
0xc8: {  	[dreg:$0x1] =	wrdreg $0xFFFFFFFF  }
0xc9: {  	_ =	task.clear_ibuf [dreg:s8], $0x2FFFF;
	_ =	strace $0x9FFFFFFF  }
0xca: {  	(tm) =	ssettm $0x7FFFFFFF  }
0xcb: {  	_ =	shalt  }
tec
execute0_lowered:
.L_overlay_start_1:
0x0: {  	(tag) =	ssettag $0x1  }
0x1: {  	s1 =	rddreg [dreg:$0x0]  }
0x2: {  	s2 =	rddreg [dreg:$0x1]  }
0x3: {  	s0 =	rddreg [dreg:$0x2]  }
0x4: {  	s3 =	rddreg [dreg:$0x3];
	s5 =	simm.s32 $0x0;
	s15 =	stileid.u32  }
0x5: {  	s4 =	srdreg.scid;
	s17 =	simm.s32 $0x100;
	s18 =	simm.s32 $0x5  }
0x6: {  	s19 =	simm.s32 $0x80;
	s20 =	simm.s32 $0x180;
	s21 =	simm.s32 $0x300  }
0x7: {  	s22 =	simm.s32 $0x1;
	s23 =	simm.s32 $0x6;
	s24 =	simm.s32 $0x4300  }
0x8: {  	s25 =	simm.s32 $0x2;
	s28 =	simm.s32 $0x200;
	s29 =	simm.s32 $0x4  }
0x9: {  	s30 =	simm.s32 $0x0;
	[smem:$0x7FF] =	sst s5;
	s7 =	smul.u32 $0x4E000, s15  }
0xa: {  	s6 =	sshll.u32 s15, $0x4;
	s4 =	sand.u32 $0x1, s4;
	s9 =	smul.u32 $0x2700, s15  }
0xb: {  	s14 =	sadd.s32 $0x124800, s3;
	s31 =	sadd.s32 $0x5CB00, s0;
	p0 =	seq.s32 s15, $0xF  }
0xc: {  	s12 =	sadd.s32 $0x35900, s0;
	_ =	strace $0x80000047;
	s8 =	sadd.s32 s6, s0  }
0xd: {  	s10 =	ssub.s32 $0x2, s4;
	s6 =	sadd.s32 $0xE800, s0;
	[dreg:$0x6] =	wrdreg s31  }
0xe: {  	s14 =	sshrl.u32 @p0 s14, $0x3;
	p1 =	sne.s32 s4, $0x0;
	s11 =	sshrl.u32 s10, $0x1  }
.Ltmp0:
0xf: {  	s7 =	sshrl.u32 s7, $0x2;
	s9 =	sadd.s32 s9, s0;
	(pc) =	sbr.rel .LBB2_1-.Ltmp0, $4  }
0x10: {  	s0 =	sshll.u32 @!p0 s15, $0x6;
	s13 =	ssub.s32 s10, s11;
	s16 =	sadd.s32 s7, s3  }
0x11: {  	s7 =	sadd.s32 $0x9800, s8;
	s8 =	sadd.s32 $0x4800, s8;
	s26 =	sadd.s32 $0x38200, s9  }
0x12: {  	s11 =	sadd.s32 $0x11000, s9;
	s15 =	sor.u32 @!p0 $0x1C07, s0;
	[dreg:$0x5] =	wrdreg s26  }
0x13: {  	s13 =	smax.u32 s13, $0x1;
	s16 =	sshrl.u32 @!p0 s16, $0x3;
	s26 =	simm.s32 $0x3  }
.LBB2_9:
0x14: {  	_ =	swait.ge [sflag:s26], $0x4000  }
0x15: {  	[sflag:s26] =	ssyncset.done $0x0  }
0x16: {  	[sflag:s26] =	ssyncadd.s32 $0xFFFFC000  }
0x17: {  	_ =	swait.ge [sflag:s29], $0x4000  }
0x18: {  	[sflag:s29] =	ssyncset.done $0x0  }
0x19: {  	[sflag:s29] =	ssyncadd.s32 $0xFFFFC000  }
0x1a: {  	[bflag:$0x0] =	sbarrier.arrive $0xFFFF  }
0x1b: {  	s0 =	simm.s32 @p0 $0x1FC7;
	s4 =	rddreg [dreg:$0x6]  }
0x1c: {  	[hbm:s4], [sflag:s0] =	dma.local @p0 [spmem:s14], $0x2800  }
0x1d: {  	s0 =	simm.s32 @p0 $0x7  }
0x1e: {  	_ =	swait.ge @p0 [sflag:s0], $0x2800  }
0x1f: {  	[sflag:s0] =	ssyncset.done @p0 $0x0  }
0x20: {  	[sflag:s0] =	ssyncadd.s32 @p0 $0xFFFFD800;
	s0 =	rddreg [dreg:$0x5]  }
0x21: {  	[hbm:s0], [sflag:s15] =	dma.local @!p0 [spmem:s16], $0x2700  }
0x22: {  	s0 =	simm.s32 @!p0 $0x7  }
0x23: {  	_ =	swait.ge @!p0 [sflag:s0], $0x2700  }
0x24: {  	[sflag:s0] =	ssyncset.done @!p0 $0x0  }
0x25: {  	[sflag:s0] =	ssyncadd.s32 @!p0 $0xFFFFD900  }
.LBB2_10:
0x26: {  	s30 =	sadd.s32 $0x1, s30  }
0x27: {  	p2 =	sne.s32 s30, s13  }
.Ltmp1:
0x28: {  	_ = 	snop;
	(pc) =	sbr.rel @!p2 .LBB2_11-.Ltmp1, $1  }
0x29: {  	_ =	sdelay $0x3  }
.LBB2_1:
0x2a: {  	s0 =	simm.s32 @p0 $0x1FC7  }
0x2b: {  	[spmem:s14], [sflag:s0] =	dma.local @p0 [hbm:s6], $0x2800  }
0x2c: {  	s0 =	simm.s32 @p0 $0x7  }
0x2d: {  	_ =	swait.ge @p0 [sflag:s0], $0x2800  }
0x2e: {  	[sflag:s0] =	ssyncset.done @p0 $0x0  }
0x2f: {  	[sflag:s0] =	ssyncadd.s32 @p0 $0xFFFFD800;
	s0 =	simm.s32 @!p0 $0x7  }
0x30: {  	[spmem:s16], [sflag:s15] =	dma.local @!p0 [hbm:s6], $0x2700  }
0x31: {  	_ =	swait.ge @!p0 [sflag:s0], $0x2700  }
0x32: {  	[sflag:s0] =	ssyncset.done @!p0 $0x0  }
.Ltmp2:
0x33: {  	[sflag:s0] =	ssyncadd.s32 @!p0 $0xFFFFD900;
	(pc) =	sbr.rel @p1 .LBB2_6-.Ltmp2, $4  }
.Ltmp3:
0x34: {  	s31 =	stileid.u32;
	[bflag:$0x0] =	sbarrier.arrive $0xFFFF;
	(pc) =	sbr.rel @!p1 .LBB2_2-.Ltmp3, $4  }
0x35: {  	[tilespmem:s5], [sflag:$0x5] =	stream.linear.gather [hbm4b:s7+s5], $0x80, $0x38;
	[tilespmem:$0x1BB80] =	vst v63  }
0x36: {  	s4 =	stileid.u32;
	s9 =	simm.s32 $0x0;
	s0 =	simm.s32 $0x0  }
0x37: {  	[tilespmem:s17], [sflag:$0x5] =	stream.linear.gather [hbm4b:s8+s5], $0x80, $0x38;
	[tilespmem:$0x1BB80] =	vst v63  }
0x38: {  	_ = 	snop  }
.LBB2_4:
0x39: {  	s0 =	sadd.s32 $0x400, s0  }
0x3a: {  	p2 =	sne.s32 s0, $0x5000  }
.Ltmp4:
0x3b: {  	_ = 	snop;
	(pc) =	sbr.rel @!p2 .LBB2_5-.Ltmp4, $2  }
0x3c: {  	_ =	sdelay $0x2  }
0x3d: {  	s31 =	sadd.s32 $0x40, s31  }
.LBB2_2:
0x3e: {  	_ =	swait.ge [sflag:s18], $0x80  }
0x3f: {  	[sflag:s18] =	ssyncset.done $0x0  }
0x40: {  	[sflag:s18] =	ssyncadd.s32 $0xFFFFFF80  }
0x41: {  	_ =	swait.ge [sflag:s18], $0x80  }
0x42: {  	s4 =	sadd.s32 s0, s7;
	[sflag:s18] =	ssyncset.done $0x0  }
0x43: {  	s9 =	sadd.s32 s0, s8;
	s4 =	sadd.s32 $0x100, s4;
	[sflag:s18] =	ssyncadd.s32 $0xFFFFFF80  }
0x44: {  	[tilespmem:s19], [sflag:$0x6] =	stream.linear.gather [hbm4b:s4+s5], $0x80, $0x38;
	[tilespmem:$0x1BB80] =	vst v63  }
0x45: {  	p2 =	seq.s32 s0, $0x0;
	s4 =	sadd.s32 $0x100, s9  }
0x46: {  	[tilespmem:s20], [sflag:$0x6] =	stream.linear.gather [hbm4b:s4+s5], $0x80, $0x38;
	[tilespmem:$0x1BB80] =	vst v63  }
0x47: {  	s4 =	simm.s32 @!p2 $0x3  }
0x48: {  	_ =	swait.ge @!p2 [sflag:s4], $0x4000  }
0x49: {  	[sflag:s4] =	ssyncset.done @!p2 $0x0  }
0x4a: {  	[sflag:s4] =	ssyncadd.s32 @!p2 $0xFFFFC000  }
0x4b: {  	[tilespmem:s21], [sflag:$0x1] =	stream.indirect.gather [hbm4b:s1+s19], $0x80, s5, s19, $0xb8;
	[tilespmem:$0x1BB80] =	vst v63  }
0x4c: {  	_ =	swait.ge [sflag:s22], $0x4000  }
0x4d: {  	[sflag:s22] =	ssyncset.done $0x0  }
0x4e: {  	[sflag:s22] =	ssyncadd.s32 $0xFFFFC000  }
0x4f: {  	[spmem:s3] =	stream.indirect.scatter.add.f32 [tilespmem:s21], [sflag:$0x3], $0x80, s17, s19, $0xb8;
	[tilespmem:$0x1BB80] =	vst v63  }
0x50: {  	_ =	swait.ge [sflag:s23], $0x80  }
0x51: {  	[sflag:s23] =	ssyncset.done $0x0  }
0x52: {  	s10 =	sadd.s32 $0x20, s31;
	[sflag:s23] =	ssyncadd.s32 $0xFFFFFF80  }
0x53: {  	p3 =	sgt.u32 s10, $0x4E1;
	_ =	swait.ge [sflag:s23], $0x80  }
0x54: {  	s4 =	sadd.s32 @!p3 s0, s7;
	[sflag:s23] =	ssyncset.done $0x0  }
0x55: {  	s9 =	simm.s32 @!p3 $0x0;
	s4 =	sadd.s32 @!p3 $0x200, s4;
	[sflag:s23] =	ssyncadd.s32 $0xFFFFFF80  }
0x56: {  	[tilespmem:s9], [sflag:$0x5] =	stream.linear.gather @!p3 [hbm4b:s4+s9], $0x80, $0x38;
	[tilespmem:$0x1BB80] =	vst v63  }
0x57: {  	s4 =	sadd.s32 @!p3 s0, s8  }
0x58: {  	s10 =	simm.s32 @!p3 $0x200;
	s4 =	sadd.s32 @!p3 $0x200, s4  }
0x59: {  	[tilespmem:s10], [sflag:$0x5] =	stream.linear.gather @!p3 [hbm4b:s4+s9], $0x80, $0x38;
	[tilespmem:$0x1BB80] =	vst v63  }
0x5a: {  	s4 =	simm.s32 @!p2 $0x4  }
0x5b: {  	_ =	swait.ge @!p2 [sflag:s4], $0x4000  }
0x5c: {  	[sflag:s4] =	ssyncset.done @!p2 $0x0  }
0x5d: {  	[sflag:s4] =	ssyncadd.s32 @!p2 $0xFFFFC000;
	p2 =	sgt.u32 s31, $0x4C1  }
0x5e: {  	[tilespmem:s24], [sflag:$0x2] =	stream.indirect.gather [hbm4b:s1+s19], $0x80, s19, s19, $0xb8;
	[tilespmem:$0x1BB80] =	vst v63  }
.Ltmp5:
0x5f: {  	_ = 	snop;
	(pc) =	sbr.rel @p2 .LBB2_4-.Ltmp5, $4  }
0x60: {  	_ =	swait.ge [sflag:s25], $0x4000  }
0x61: {  	[sflag:s25] =	ssyncset.done $0x0  }
0x62: {  	[sflag:s25] =	ssyncadd.s32 $0xFFFFC000  }
0x63: {  	[spmem:s3] =	stream.indirect.scatter.add.f32 [tilespmem:s24], [sflag:$0x4], $0x80, s20, s19, $0xb8;
	[tilespmem:$0x1BB80] =	vst v63  }
0x64: {  	_ =	swait.ge [sflag:s18], $0x80  }
0x65: {  	[sflag:s18] =	ssyncset.done $0x0  }
0x66: {  	s4 =	sadd.s32 $0x30, s31;
	[sflag:s18] =	ssyncadd.s32 $0xFFFFFF80  }
0x67: {  	p2 =	sgt.u32 s4, $0x4E1;
	_ =	swait.ge [sflag:s18], $0x80  }
0x68: {  	s4 =	sadd.s32 @!p2 s0, s7;
	s9 =	simm.s32 @!p2 $0x0;
	[sflag:s18] =	ssyncset.done $0x0  }
0x69: {  	s10 =	simm.s32 @!p2 $0x80;
	s4 =	sadd.s32 @!p2 $0x300, s4;
	[sflag:s18] =	ssyncadd.s32 $0xFFFFFF80  }
0x6a: {  	[tilespmem:s10], [sflag:$0x6] =	stream.linear.gather @!p2 [hbm4b:s4+s9], $0x80, $0x38;
	[tilespmem:$0x1BB80] =	vst v63  }
0x6b: {  	s4 =	sadd.s32 @!p2 s0, s8  }
0x6c: {  	s10 =	simm.s32 @!p2 $0x280;
	s4 =	sadd.s32 @!p2 $0x300, s4  }
0x6d: {  	[tilespmem:s10], [sflag:$0x6] =	stream.linear.gather @!p2 [hbm4b:s4+s9], $0x80, $0x38;
	[tilespmem:$0x1BB80] =	vst v63  }
0x6e: {  	_ =	swait.ge [sflag:s26], $0x4000  }
0x6f: {  	[sflag:s26] =	ssyncset.done $0x0  }
0x70: {  	[sflag:s26] =	ssyncadd.s32 $0xFFFFC000  }
0x71: {  	[tilespmem:s21], [sflag:$0x1] =	stream.indirect.gather [hbm4b:s1+s19], $0x80, s5, s19, $0xb8;
	[tilespmem:$0x1BB80] =	vst v63  }
0x72: {  	_ =	swait.ge [sflag:s22], $0x4000  }
0x73: {  	p2 =	sgt.u32 s31, $0x4B1;
	[sflag:s22] =	ssyncset.done $0x0  }
0x74: {  	s4 =	simm.s32 @!p2 $0x6;
	[sflag:s22] =	ssyncadd.s32 $0xFFFFC000  }
0x75: {  	[spmem:s3] =	stream.indirect.scatter.add.f32 [tilespmem:s21], [sflag:$0x3], $0x80, s28, s19, $0xb8;
	[tilespmem:$0x1BB80] =	vst v63  }
0x76: {  	_ =	swait.ge @!p2 [sflag:s4], $0x80  }
0x77: {  	[sflag:s4] =	ssyncset.done @!p2 $0x0  }
0x78: {  	p3 =	sgt.u32 @!p2 s31, $0x4A1;
	[sflag:s4] =	ssyncadd.s32 @!p2 $0xFFFFFF80  }
0x79: {  	p3 =	por p3, p2;
	_ =	swait.ge @!p2 [sflag:s4], $0x80  }
0x7a: {  	s9 =	sadd.s32 @!p3 s0, s7;
	[sflag:s4] =	ssyncset.done @!p2 $0x0  }
0x7b: {  	[sflag:s4] =	ssyncadd.s32 @!p2 $0xFFFFFF80;
	s4 =	sadd.s32 @!p3 $0x400, s9;
	s9 =	simm.s32 @!p3 $0x0  }
0x7c: {  	[tilespmem:s9], [sflag:$0x5] =	stream.linear.gather @!p3 [hbm4b:s4+s9], $0x80, $0x38;
	[tilespmem:$0x1BB80] =	vst v63  }
0x7d: {  	s4 =	sadd.s32 @!p3 s0, s8  }
0x7e: {  	s10 =	simm.s32 @!p3 $0x100;
	s4 =	sadd.s32 @!p3 $0x400, s4  }
0x7f: {  	[tilespmem:s10], [sflag:$0x5] =	stream.linear.gather @!p3 [hbm4b:s4+s9], $0x80, $0x38;
	[tilespmem:$0x1BB80] =	vst v63  }
0x80: {  	s4 =	simm.s32 @!p2 $0x4  }
0x81: {  	_ =	swait.ge @!p2 [sflag:s4], $0x4000  }
0x82: {  	[sflag:s4] =	ssyncset.done @!p2 $0x0  }
0x83: {  	s9 =	simm.s32 @!p2 $0x4300;
	[sflag:s4] =	ssyncadd.s32 @!p2 $0xFFFFC000;
	s4 =	simm.s32 @!p2 $0x80  }
0x84: {  	[tilespmem:s9], [sflag:$0x2] =	stream.indirect.gather @!p2 [hbm4b:s1+s4], $0x80, s4, s4, $0xb8;
	[tilespmem:$0x1BB80] =	vst v63  }
.Ltmp6:
0x85: {  	s10 =	simm.s32 @!p2 $0x2;
	(pc) =	sbr.rel .LBB2_4-.Ltmp6, $4  }
0x86: {  	_ =	swait.ge @!p2 [sflag:s10], $0x4000  }
0x87: {  	[sflag:s10] =	ssyncset.done @!p2 $0x0  }
0x88: {  	[sflag:s10] =	ssyncadd.s32 @!p2 $0xFFFFC000;
	s10 =	simm.s32 @!p2 $0x280  }
0x89: {  	[spmem:s3] =	stream.indirect.scatter.add.f32 @!p2 [tilespmem:s9], [sflag:$0x4], $0x80, s10, s4, $0xb8;
	[tilespmem:$0x1BB80] =	vst v63  }
.LBB2_8:
0x8a: {  	s9 =	sadd.s32 $0x400, s9  }
0x8b: {  	p2 =	sne.s32 s9, $0x5000  }
.Ltmp7:
0x8c: {  	_ = 	snop;
	(pc) =	sbr.rel @!p2 .LBB2_9-.Ltmp7, $2  }
0x8d: {  	_ =	sdelay $0x2  }
0x8e: {  	s4 =	sadd.s32 $0x40, s4  }
.LBB2_6:
0x8f: {  	_ =	swait.ge [sflag:s18], $0x80  }
0x90: {  	[sflag:s18] =	ssyncset.done $0x0  }
0x91: {  	[sflag:s18] =	ssyncadd.s32 $0xFFFFFF80  }
0x92: {  	_ =	swait.ge [sflag:s18], $0x80  }
0x93: {  	s0 =	sadd.s32 s9, s7;
	[sflag:s18] =	ssyncset.done $0x0  }
0x94: {  	s10 =	sadd.s32 s9, s8;
	s0 =	sadd.s32 $0x100, s0;
	[sflag:s18] =	ssyncadd.s32 $0xFFFFFF80  }
0x95: {  	[tilespmem:s19], [sflag:$0x6] =	stream.linear.gather [hbm4b:s0+s5], $0x80, $0x38;
	[tilespmem:$0x1BB80] =	vst v63  }
0x96: {  	p2 =	seq.s32 s9, $0x0;
	s0 =	sadd.s32 $0x100, s10  }
0x97: {  	[tilespmem:s20], [sflag:$0x6] =	stream.linear.gather [hbm4b:s0+s5], $0x80, $0x38;
	[tilespmem:$0x1BB80] =	vst v63  }
0x98: {  	s0 =	simm.s32 @!p2 $0x3  }
0x99: {  	_ =	swait.ge @!p2 [sflag:s0], $0x4000  }
0x9a: {  	[sflag:s0] =	ssyncset.done @!p2 $0x0  }
0x9b: {  	[sflag:s0] =	ssyncadd.s32 @!p2 $0xFFFFC000  }
0x9c: {  	[tilespmem:s21], [sflag:$0x1] =	stream.indirect.gather [hbm4b:s2+s19], $0x80, s5, s19, $0xb8;
	[tilespmem:$0x1BB80] =	vst v63  }
0x9d: {  	_ =	swait.ge [sflag:s22], $0x4000  }
0x9e: {  	[sflag:s22] =	ssyncset.done $0x0  }
0x9f: {  	[sflag:s22] =	ssyncadd.s32 $0xFFFFC000  }
0xa0: {  	[spmem:s3] =	stream.indirect.scatter.add.f32 [tilespmem:s21], [sflag:$0x3], $0x80, s17, s19, $0xb8;
	[tilespmem:$0x1BB80] =	vst v63  }
0xa1: {  	_ =	swait.ge [sflag:s23], $0x80  }
0xa2: {  	[sflag:s23] =	ssyncset.done $0x0  }
0xa3: {  	s31 =	sadd.s32 $0x20, s4;
	[sflag:s23] =	ssyncadd.s32 $0xFFFFFF80  }
0xa4: {  	p3 =	sgt.u32 s31, $0x4E1;
	_ =	swait.ge [sflag:s23], $0x80  }
0xa5: {  	s0 =	sadd.s32 @!p3 s9, s7;
	[sflag:s23] =	ssyncset.done $0x0  }
0xa6: {  	s10 =	simm.s32 @!p3 $0x0;
	s0 =	sadd.s32 @!p3 $0x200, s0;
	[sflag:s23] =	ssyncadd.s32 $0xFFFFFF80  }
0xa7: {  	[tilespmem:s10], [sflag:$0x5] =	stream.linear.gather @!p3 [hbm4b:s0+s10], $0x80, $0x38;
	[tilespmem:$0x1BB80] =	vst v63  }
0xa8: {  	s0 =	sadd.s32 @!p3 s9, s8  }
0xa9: {  	s31 =	simm.s32 @!p3 $0x200;
	s0 =	sadd.s32 @!p3 $0x200, s0  }
0xaa: {  	[tilespmem:s31], [sflag:$0x5] =	stream.linear.gather @!p3 [hbm4b:s0+s10], $0x80, $0x38;
	[tilespmem:$0x1BB80] =	vst v63  }
0xab: {  	s0 =	simm.s32 @!p2 $0x4  }
0xac: {  	_ =	swait.ge @!p2 [sflag:s0], $0x4000  }
0xad: {  	[sflag:s0] =	ssyncset.done @!p2 $0x0  }
0xae: {  	[sflag:s0] =	ssyncadd.s32 @!p2 $0xFFFFC000;
	p2 =	sgt.u32 s4, $0x4C1  }
0xaf: {  	[tilespmem:s24], [sflag:$0x2] =	stream.indirect.gather [hbm4b:s2+s19], $0x80, s19, s19, $0xb8;
	[tilespmem:$0x1BB80] =	vst v63  }
.Ltmp8:
0xb0: {  	_ = 	snop;
	(pc) =	sbr.rel @p2 .LBB2_8-.Ltmp8, $4  }
0xb1: {  	_ =	swait.ge [sflag:s25], $0x4000  }
0xb2: {  	[sflag:s25] =	ssyncset.done $0x0  }
0xb3: {  	[sflag:s25] =	ssyncadd.s32 $0xFFFFC000  }
0xb4: {  	[spmem:s3] =	stream.indirect.scatter.add.f32 [tilespmem:s24], [sflag:$0x4], $0x80, s20, s19, $0xb8;
	[tilespmem:$0x1BB80] =	vst v63  }
0xb5: {  	_ =	swait.ge [sflag:s18], $0x80  }
0xb6: {  	[sflag:s18] =	ssyncset.done $0x0  }
0xb7: {  	s0 =	sadd.s32 $0x30, s4;
	[sflag:s18] =	ssyncadd.s32 $0xFFFFFF80  }
0xb8: {  	p2 =	sgt.u32 s0, $0x4E1;
	_ =	swait.ge [sflag:s18], $0x80  }
0xb9: {  	s0 =	sadd.s32 @!p2 s9, s7;
	s10 =	simm.s32 @!p2 $0x0;
	[sflag:s18] =	ssyncset.done $0x0  }
0xba: {  	s31 =	simm.s32 @!p2 $0x80;
	s0 =	sadd.s32 @!p2 $0x300, s0;
	[sflag:s18] =	ssyncadd.s32 $0xFFFFFF80  }
0xbb: {  	[tilespmem:s31], [sflag:$0x6] =	stream.linear.gather @!p2 [hbm4b:s0+s10], $0x80, $0x38;
	[tilespmem:$0x1BB80] =	vst v63  }
0xbc: {  	s0 =	sadd.s32 @!p2 s9, s8  }
0xbd: {  	s31 =	simm.s32 @!p2 $0x280;
	s0 =	sadd.s32 @!p2 $0x300, s0  }
0xbe: {  	[tilespmem:s31], [sflag:$0x6] =	stream.linear.gather @!p2 [hbm4b:s0+s10], $0x80, $0x38;
	[tilespmem:$0x1BB80] =	vst v63  }
0xbf: {  	_ =	swait.ge [sflag:s26], $0x4000  }
0xc0: {  	[sflag:s26] =	ssyncset.done $0x0  }
0xc1: {  	[sflag:s26] =	ssyncadd.s32 $0xFFFFC000  }
0xc2: {  	[tilespmem:s21], [sflag:$0x1] =	stream.indirect.gather [hbm4b:s2+s19], $0x80, s5, s19, $0xb8;
	[tilespmem:$0x1BB80] =	vst v63  }
0xc3: {  	_ =	swait.ge [sflag:s22], $0x4000  }
0xc4: {  	p2 =	sgt.u32 s4, $0x4B1;
	[sflag:s22] =	ssyncset.done $0x0  }
0xc5: {  	s0 =	simm.s32 @!p2 $0x6;
	[sflag:s22] =	ssyncadd.s32 $0xFFFFC000  }
0xc6: {  	[spmem:s3] =	stream.indirect.scatter.add.f32 [tilespmem:s21], [sflag:$0x3], $0x80, s28, s19, $0xb8;
	[tilespmem:$0x1BB80] =	vst v63  }
0xc7: {  	_ =	swait.ge @!p2 [sflag:s0], $0x80  }
0xc8: {  	[sflag:s0] =	ssyncset.done @!p2 $0x0  }
0xc9: {  	p3 =	sgt.u32 @!p2 s4, $0x4A1;
	[sflag:s0] =	ssyncadd.s32 @!p2 $0xFFFFFF80  }
0xca: {  	p3 =	por p3, p2;
	_ =	swait.ge @!p2 [sflag:s0], $0x80  }
0xcb: {  	s10 =	sadd.s32 @!p3 s9, s7;
	[sflag:s0] =	ssyncset.done @!p2 $0x0  }
0xcc: {  	[sflag:s0] =	ssyncadd.s32 @!p2 $0xFFFFFF80;
	s0 =	sadd.s32 @!p3 $0x400, s10;
	s10 =	simm.s32 @!p3 $0x0  }
0xcd: {  	[tilespmem:s10], [sflag:$0x5] =	stream.linear.gather @!p3 [hbm4b:s0+s10], $0x80, $0x38;
	[tilespmem:$0x1BB80] =	vst v63  }
0xce: {  	s0 =	sadd.s32 @!p3 s9, s8  }
0xcf: {  	s31 =	simm.s32 @!p3 $0x100;
	s0 =	sadd.s32 @!p3 $0x400, s0  }
0xd0: {  	[tilespmem:s31], [sflag:$0x5] =	stream.linear.gather @!p3 [hbm4b:s0+s10], $0x80, $0x38;
	[tilespmem:$0x1BB80] =	vst v63  }
0xd1: {  	s0 =	simm.s32 @!p2 $0x4  }
0xd2: {  	_ =	swait.ge @!p2 [sflag:s0], $0x4000  }
0xd3: {  	[sflag:s0] =	ssyncset.done @!p2 $0x0  }
0xd4: {  	s10 =	simm.s32 @!p2 $0x4300;
	[sflag:s0] =	ssyncadd.s32 @!p2 $0xFFFFC000;
	s0 =	simm.s32 @!p2 $0x80  }
0xd5: {  	[tilespmem:s10], [sflag:$0x2] =	stream.indirect.gather @!p2 [hbm4b:s2+s0], $0x80, s0, s0, $0xb8;
	[tilespmem:$0x1BB80] =	vst v63  }
.Ltmp9:
0xd6: {  	s31 =	simm.s32 @!p2 $0x2;
	(pc) =	sbr.rel .LBB2_8-.Ltmp9, $4  }
0xd7: {  	_ =	swait.ge @!p2 [sflag:s31], $0x4000  }
0xd8: {  	[sflag:s31] =	ssyncset.done @!p2 $0x0  }
0xd9: {  	[sflag:s31] =	ssyncadd.s32 @!p2 $0xFFFFC000;
	s31 =	simm.s32 @!p2 $0x280  }
0xda: {  	[spmem:s3] =	stream.indirect.scatter.add.f32 @!p2 [tilespmem:s10], [sflag:$0x4], $0x80, s31, s0, $0xb8;
	[tilespmem:$0x1BB80] =	vst v63  }
.LBB2_5:
0xdb: {  	_ =	swait.ge [sflag:s26], $0x4000  }
0xdc: {  	[sflag:s26] =	ssyncset.done $0x0  }
0xdd: {  	[sflag:s26] =	ssyncadd.s32 $0xFFFFC000  }
0xde: {  	_ =	swait.ge [sflag:s29], $0x4000  }
0xdf: {  	[sflag:s29] =	ssyncset.done $0x0  }
0xe0: {  	[sflag:s29] =	ssyncadd.s32 $0xFFFFC000  }
0xe1: {  	s0 =	simm.s32 @p0 $0x1FC7;
	[bflag:$0x0] =	sbarrier.arrive $0xFFFF  }
0xe2: {  	[hbm:s12], [sflag:s0] =	dma.local @p0 [spmem:s14], $0x2800  }
0xe3: {  	s0 =	simm.s32 @p0 $0x7  }
0xe4: {  	_ =	swait.ge @p0 [sflag:s0], $0x2800  }
0xe5: {  	[sflag:s0] =	ssyncset.done @p0 $0x0  }
.Ltmp10:
0xe6: {  	[sflag:s0] =	ssyncadd.s32 @p0 $0xFFFFD800;
	s0 =	simm.s32 @!p0 $0x7;
	(pc) =	sbr.rel .LBB2_10-.Ltmp10, $4  }
0xe7: {  	[hbm:s11], [sflag:s15] =	dma.local @!p0 [spmem:s16], $0x2700  }
0xe8: {  	_ =	swait.ge @!p0 [sflag:s0], $0x2700  }
0xe9: {  	[sflag:s0] =	ssyncset.done @!p0 $0x0  }
0xea: {  	[sflag:s0] =	ssyncadd.s32 @!p0 $0xFFFFD900  }
.LBB2_11:
0xeb: {  	_ =	sfence.sel $0x180000  }
0xec: {  	[bflag:$0x0] =	sbarrier.arrive $0xFFFF  }
0xed: {  	_ =	strace $0x90000047  }
0xee: {  	s0 =	stileid.u32;
	[bflag:$0x2] =	sbarrier.arrive $0xFFFF  }
0xef: {  	p0 =	sne.s32 s0, $0x0;
	s0 =	rddreg [dreg:$0x4]  }
0xf0: {  	s0 =	sadd.s32 @!p0 $0x100000, s0  }
0xf1: {  	[sflag:s0] =	ssyncadd.tile.s32 @!p0 $0x1;
	_ =	shalt  }
.Lfunc_end2:
_tile_overlayer_lowered:
.L_overlay_start_2:
0xf2: {  	(tag) =	ssettag $0x2  }
0xf3: {  	s0 =	rddreg [dreg:$0x0];
	s2 =	stileid.u32  }
0xf4: {  	s1 =	rddreg [dreg:$0x1];
	p0 =	sne.s32 s2, $0x0  }
0xf5: {  	s3 =	rddreg [dreg:$0x2];
	[bflag:$0x3] =	sbarrier.arrive $0xFFFF;
	s2 =	simm.s32 @!p0 $0x1C07  }
0xf6: {  	[timem:s3], [sflag:s2] =	dma.local @!p0 [hbm:s0], s1  }
0xf7: {  	s0 =	simm.s32 @!p0 $0x7  }
0xf8: {  	_ =	swait.ge @!p0 [sflag:s0], s1  }
0xf9: {  	s1 =	ssub.s32 @!p0 $0x0, s1;
	[sflag:s0] =	ssyncset.done @!p0 $0x0  }
0xfa: {  	[sflag:s0] =	ssyncadd.s32 @!p0 s1  }
0xfb: {  	[bflag:$0x3] =	sbarrier.arrive $0xFFFF  }
0xfc: {  	_ =	shalt  }

</sc_bundles>
